<compile_context>
chip_gen: v7x
topology: tpu7x:2x2x1
jax: 0.10.2.dev20260603
libtpu: 0.0.44.dev20260713+nightly
codegen_flags: <defaults>
</compile_context>

<pallas_src>
import jax
import jax.numpy as jnp
from jax import lax
from jax.experimental import pallas as pl
from jax.experimental.pallas import tpu as pltpu
from jax.experimental.pallas import tpu_sc as plsc

N = 10000
N2 = 10240
E = 320000
D = 128
R = 8
BN = 512
BNC = 2000
CHUNK = 128
NW = 32
NCHUNKS = E // CHUNK
CPW = NCHUNKS // NW
EXTRA = NCHUNKS - CPW * NW
TROWS = N2 // 16
SS = 3
NSS = CPW // SS
DW = 16
DSS = 6
NDSS = CPW // DSS


def _prep_body(x_ref, rw_ref, lw_ref, xw_ref, lm_ref):
    xb = x_ref[...]
    lm_ref[...] = jnp.dot(xb, lw_ref[...], preferred_element_type=jnp.float32)
    for r in range(R):
        xw_ref[:, r, :] = jnp.dot(xb, rw_ref[r],
                                  preferred_element_type=jnp.float32)


def _combine_body(p_ref, dg_ref, lm_ref, o_ref):
    s = p_ref[0] + p_ref[1]
    d = dg_ref[0] + dg_ref[1]
    norm = 1.0 / jnp.maximum(d[:, 0:1], 1.0)
    o_ref[...] = s * norm + lm_ref[...]


def _dst_body(ei_ref, o_ref):
    o_ref[...] = ei_ref[1].reshape(NCHUNKS, CHUNK)


def _deg_body(dst_hbm, degout_hbm, dstb_v, ones_v, zbuf_v, deg_sh, ssem):
    cid = lax.axis_index("c")
    sid = lax.axis_index("s")
    wid = cid * 16 + sid

    def fill(j, carry):
        zbuf_v[j, pl.ds(0, DW)] = jnp.zeros((DW,), jnp.float32)
        ones_v[j, pl.ds(0, DW)] = jnp.ones((DW,), jnp.float32)
        return carry
    lax.fori_loop(0, 16, fill, 0)

    def fill2(j, carry):
        ones_v[16 + j, pl.ds(0, DW)] = jnp.ones((DW,), jnp.float32)
        return carry
    lax.fori_loop(0, CHUNK - 16, fill2, 0)

    row0 = sid * TROWS

    def zrow(j, carry):
        pltpu.sync_copy(zbuf_v, deg_sh.at[pl.ds(row0 + j * 16, 16)])
        return carry
    lax.fori_loop(0, TROWS // 16, zrow, 0)

    plsc.subcore_barrier()

    c0 = wid * CPW

    def superstep(u, carry):
        cb = pl.multiple_of(c0 + u * DSS, 2)
        pltpu.sync_copy(dst_hbm.at[pl.ds(cb, DSS)], dstb_v)
        for k in range(DSS):
            pltpu.async_copy(ones_v, deg_sh.at[dstb_v.at[k]], ssem, add=True)
        for k in range(DSS):
            pltpu.make_async_copy(ones_v, deg_sh.at[dstb_v.at[k]],
                                  ssem).wait()
        return carry
    lax.fori_loop(0, NDSS, superstep, 0)

    @pl.when(wid < EXTRA)
    def _extra():
        cx = pl.multiple_of(NW * CPW + wid, 1)
        pltpu.sync_copy(dst_hbm.at[pl.ds(cx, 1)], dstb_v.at[pl.ds(0, 1)])
        pltpu.sync_copy(ones_v, deg_sh.at[dstb_v.at[0]], add=True)

    plsc.subcore_barrier()

    pltpu.sync_copy(deg_sh.at[pl.ds(row0, TROWS)],
                    degout_hbm.at[cid, pl.ds(row0, TROWS)])


def _edge_body(ei_hbm, typ_hbm, xw_hbm, out_hbm,
               srcb_v, typb_v, dstb1_v, dstb_v, gidx_v, rows_v, zbuf_v,
               agg_sh, gsemA, ssemA, gsemB, ssemB, fsemA, fsemB):
    cid = lax.axis_index("c")
    sid = lax.axis_index("s")
    wid = cid * 16 + sid

    def zb(j, carry):
        for k in range(D // 16):
            zbuf_v[j, pl.ds(k * 16, 16)] = jnp.zeros((16,), jnp.float32)
        return carry
    lax.fori_loop(0, 16, zb, 0)

    row0 = sid * TROWS

    def zrow(j, carry):
        pltpu.sync_copy(zbuf_v, agg_sh.at[pl.ds(row0 + j * 16, 16)])
        return carry
    lax.fori_loop(0, TROWS // 16, zrow, 0)

    plsc.subcore_barrier()

    c0 = wid * CPW

    def gather(slot, gsem):
        return pltpu.async_copy(xw_hbm.at[gidx_v.at[slot]], rows_v.at[slot],
                                gsem)

    def scatter(slot, ssem):
        return pltpu.async_copy(rows_v.at[slot], agg_sh.at[dstb_v.at[slot]],
                                ssem, add=True)

    def scatter_wait(slot, ssem):
        pltpu.make_async_copy(rows_v.at[slot], agg_sh.at[dstb_v.at[slot]],
                              ssem).wait()

    def gather_wait(slot, gsem):
        pltpu.make_async_copy(xw_hbm.at[gidx_v.at[slot]], rows_v.at[slot],
                              gsem).wait()

    fsem = [fsemA, fsemB]
    gsem = [gsemA, gsemB]
    ssem = [ssemA, ssemB]

    def fetch_refs(u, sp):
        eb = pl.multiple_of((c0 + u) * CHUNK, CHUNK)
        return [
            (ei_hbm.at[0, pl.ds(eb, CHUNK)], srcb_v.at[sp]),
            (typ_hbm.at[pl.ds(eb, CHUNK)], typb_v.at[sp]),
            (ei_hbm.at[1, pl.ds(eb, CHUNK)], dstb1_v.at[sp]),
        ]

    def fetch_start(u, sp):
        for s, d in fetch_refs(u, sp):
            pltpu.async_copy(s, d, fsem[sp])

    def fetch_wait(u, sp):
        for s, d in fetch_refs(u, sp):
            pltpu.make_async_copy(s, d, fsem[sp]).wait()

    def compute_idx(sp):
        for i in range(CHUNK // 16):
            s16 = srcb_v[sp, pl.ds(i * 16, 16)]
            t16 = typb_v[sp, pl.ds(i * 16, 16)]
            gidx_v[sp, pl.ds(i * 16, 16)] = s16 * R + t16
            dstb_v[sp, pl.ds(i * 16, 16)] = dstb1_v[sp, pl.ds(i * 16, 16)]

    def step(c, p, first=False, fire_next=True, fire_fetch2=True):
        q = 1 - p
        if not first:
            scatter_wait(q, ssem[q])
        if fire_next:
            fetch_wait(c + 1, q)
            compute_idx(q)
            if fire_fetch2:
                fetch_start(c + 2, p)
            gather(q, gsem[q])
        gather_wait(p, gsem[p])
        scatter(p, ssem[p])

    fetch_start(0, 0)
    fetch_wait(0, 0)
    compute_idx(0)
    gather(0, gsem[0])
    fetch_start(1, 1)

    step(0, 0, first=True)

    def pair(i, carry):
        step(2 * i + 1, 1)
        step(2 * i + 2, 0)
        return carry
    lax.fori_loop(0, (CPW - 4) // 2, pair, 0)

    step(CPW - 3, 1)
    step(CPW - 2, 0, fire_fetch2=False)
    step(CPW - 1, 1, fire_next=False)
    scatter_wait(1, ssem[1])

    @pl.when(wid < EXTRA)
    def _extra():
        for s, d in fetch_refs(NW * CPW + wid - c0, 0):
            pltpu.sync_copy(s, d)
        compute_idx(0)
        gather(0, gsem[0])
        gather_wait(0, gsem[0])
        scatter(0, ssem[0])
        scatter_wait(0, ssem[0])

    plsc.subcore_barrier()

    pltpu.sync_copy(agg_sh.at[pl.ds(row0, TROWS)],
                    out_hbm.at[cid, pl.ds(row0, TROWS)])


def kernel(x, edge_index, edge_type, rel_weight, loop_weight):
    dst2 = pl.pallas_call(
        _dst_body,
        out_shape=jax.ShapeDtypeStruct((NCHUNKS, CHUNK), jnp.int32),
    )(edge_index)

    mesh = plsc.VectorSubcoreMesh(core_axis_name="c", subcore_axis_name="s",
                                  num_cores=2, num_subcores=16)

    deg = pl.kernel(
        _deg_body,
        out_type=jax.ShapeDtypeStruct((2, N2, DW), jnp.float32),
        mesh=mesh,
        compiler_params=pltpu.CompilerParams(use_tc_tiling_on_sc=False),
        scratch_types=[
            pltpu.VMEM((DSS, CHUNK), jnp.int32),
            pltpu.VMEM((CHUNK, DW), jnp.float32),
            pltpu.VMEM((16, DW), jnp.float32),
            pltpu.VMEM_SHARED((N2, DW), jnp.float32),
            pltpu.SemaphoreType.DMA,
        ],
    )
    degp = deg(dst2)

    xw, lm = pl.pallas_call(
        _prep_body,
        grid=(N2 // BN,),
        in_specs=[
            pl.BlockSpec((BN, D), lambda i: (i, 0)),
            pl.BlockSpec((R, D, D), lambda i: (0, 0, 0)),
            pl.BlockSpec((D, D), lambda i: (0, 0)),
        ],
        out_specs=[
            pl.BlockSpec((BN, R, D), lambda i: (i, 0, 0)),
            pl.BlockSpec((BN, D), lambda i: (i, 0)),
        ],
        out_shape=[
            jax.ShapeDtypeStruct((N2, R, D), jnp.float32),
            jax.ShapeDtypeStruct((N2, D), jnp.float32),
        ],
    )(x, rel_weight, loop_weight)

    xw_flat = xw.reshape(N2 * R, D)

    edge = pl.kernel(
        _edge_body,
        out_type=jax.ShapeDtypeStruct((2, N2, D), jnp.float32),
        mesh=mesh,
        scratch_types=[
            pltpu.VMEM((2, CHUNK), jnp.int32),
            pltpu.VMEM((2, CHUNK), jnp.int32),
            pltpu.VMEM((2, CHUNK), jnp.int32),
            pltpu.VMEM((2, CHUNK), jnp.int32),
            pltpu.VMEM((2, CHUNK), jnp.int32),
            pltpu.VMEM((2, CHUNK, D), jnp.float32),
            pltpu.VMEM((16, D), jnp.float32),
            pltpu.VMEM_SHARED((N2, D), jnp.float32),
            pltpu.SemaphoreType.DMA,
            pltpu.SemaphoreType.DMA,
            pltpu.SemaphoreType.DMA,
            pltpu.SemaphoreType.DMA,
            pltpu.SemaphoreType.DMA,
            pltpu.SemaphoreType.DMA,
        ],
    )
    parts = edge(edge_index, edge_type, xw_flat)

    out = pl.pallas_call(
        _combine_body,
        grid=(N // BNC,),
        in_specs=[
            pl.BlockSpec((2, BNC, D), lambda i: (0, i, 0)),
            pl.BlockSpec((2, BNC, DW), lambda i: (0, i, 0)),
            pl.BlockSpec((BNC, D), lambda i: (i, 0)),
        ],
        out_specs=pl.BlockSpec((BNC, D), lambda i: (i, 0)),
        out_shape=jax.ShapeDtypeStruct((N, D), jnp.float32),
    )(parts, degp, lm)
    return out

# --- scband reference (transcript-rebuilt; emitter-appended) ---
"""Pipeline reference for scband-rgcnlayer-18803366822337 (READ-ONLY COPY).

The authoritative reference and input builder live on the scoring server;
editing this copy changes nothing except your own understanding.
"""

import jax, jax.numpy as jnp
import numpy as np

N = 10000   # n_nodes
E = 320000  # n_edges
D = 128     # in_feat = out_feat
R = 8       # num relations


def setup_inputs(seed: int = 0) -> dict:
    key = jax.random.key(seed)
    k1, k2, k3, k4, k5 = jax.random.split(key, 5)
    x = jax.random.normal(k1, (N, D), dtype=jnp.float32)
    edge_index = jax.random.randint(k2, (2, E), 0, N, dtype=jnp.int32)
    edge_type = jax.random.randint(k3, (E,), 0, R, dtype=jnp.int32)
    # Learned parameters: per-relation weights (RGCN propagate) and self-loop weight
    rel_weight = jax.random.normal(k4, (R, D, D), dtype=jnp.float32) * 0.05
    loop_weight = jax.random.normal(k5, (D, D), dtype=jnp.float32) * 0.05
    return {
        "x": x,
        "edge_index": edge_index,
        "edge_type": edge_type,
        "rel_weight": rel_weight,
        "loop_weight": loop_weight,
    }


def reference(x, edge_index, edge_type, rel_weight, loop_weight):
    # self-loop message: h @ W_loop  (dropout=0.0 -> identity)
    loop_message = x @ loop_weight

    # propagate (canonical RGCN message passing):
    # transform node features once per relation, then gather per-edge by
    # (src, relation) and scatter-add messages to dst with in-degree norm.
    xw = jnp.einsum('nd,rdo->nro', x, rel_weight)  # [N, R, D]
    src = edge_index[0]
    dst = edge_index[1]
    msg = xw[src, edge_type]                       # gather [E, D]

    deg = jnp.zeros((x.shape[0],), dtype=x.dtype).at[dst].add(1.0)
    norm = 1.0 / jnp.clip(deg, 1.0)

    agg = jnp.zeros_like(loop_message).at[dst].add(msg)  # scatter-add [N, D]
    agg = agg * norm[:, None]

    # node_repr = propagated h + self-loop message; layer_norm=False, activation=None
    node_repr = agg + loop_message
    return node_repr

if __name__ == "__main__":
    import jax
    _d = setup_inputs()
    print(jax.jit(kernel)(*tuple(_d.values())))

</pallas_src>

<mosaic_0001>
#map = affine_map<(d0, d1) -> (0, 0)>
#map1 = affine_map<(d0, d1) -> (0, 0, 0)>
module attributes {stable_mosaic.version = 14 : i64} {
  func.func @_deg_body(%arg0: i32, %arg1: i32, %arg2: memref<2500x128xi32, #tpu.memory_space<hbm>>, %arg3: memref<2x10240x16xf32, #tpu.memory_space<hbm>>, %arg4: memref<6x128xi32, #tpu.memory_space<vmem>>, %arg5: memref<128x16xf32, #tpu.memory_space<vmem>>, %arg6: memref<16x16xf32, #tpu.memory_space<vmem>>, %arg7: memref<10240x16xf32, #tpu.memory_space<vmem_shared>>, %arg8: memref<!tpu.dma_semaphore, #tpu.memory_space<semaphore_mem>>) attributes {dimension_semantics = [#tpu.dimension_semantics<core_parallel>, #tpu.dimension_semantics<subcore_parallel>], iteration_bounds = array<i64: 2, 16>, scalar_prefetch = 0 : i64, scratch_operands = 5 : i64, tpu.core_type = #tpu.core_type<sc_vector_subcore>, window_params = [{transform_indices = #map}, {transform_indices = #map1}]} {
    %mul3A = arith.constant 16 : i32
    %mul3A_0 = arith.muli %arg0, %mul3A : i32
    %add3A = arith.addi %mul3A_0, %arg1 : i32
    %scan3A = arith.constant 0 : i32
    %scan3A_1 = arith.constant 0 : i32
    %scan3A_2 = arith.constant 16 : i32
    %scan3A_3 = arith.addi %scan3A_1, %scan3A_2 : i32
    %scan3A_4 = arith.constant 1 : i32
    scf.for %scan3A_31 = %scan3A_1 to %scan3A_3 step %scan3A_4  : i32 {
      %broadcast_in_dim3A = arith.constant 0.000000e+00 : f32
      %broadcast_in_dim3A_32 = vector.broadcast %broadcast_in_dim3A : f32 to vector<16xf32>
      %swap3A = arith.index_cast %scan3A_31 : i32 to index
      %swap3A_33 = arith.constant 0 : index
      %swap3A_34 = tpu.vector_load %arg6[%swap3A, %swap3A_33] {strides = array<i32>} : memref<16x16xf32, #tpu.memory_space<vmem>>, vector<1x16xf32>,
      %swap3A_35 = vector.shape_cast %swap3A_34 : vector<1x16xf32> to vector<16xf32>
      %swap3A_36 = vector.shape_cast %broadcast_in_dim3A_32 : vector<16xf32> to vector<1x16xf32>
      tpu.vector_store %arg6[%swap3A, %swap3A_33], %swap3A_36 {strides = array<i32>} : memref<16x16xf32, #tpu.memory_space<vmem>>, vector<1x16xf32>,
      %broadcast_in_dim3A_37 = arith.constant 1.000000e+00 : f32
      %broadcast_in_dim3A_38 = vector.broadcast %broadcast_in_dim3A_37 : f32 to vector<16xf32>
      %swap3A_39 = arith.index_cast %scan3A_31 : i32 to index
      %swap3A_40 = arith.constant 0 : index
      %swap3A_41 = tpu.vector_load %arg5[%swap3A_39, %swap3A_40] {strides = array<i32>} : memref<128x16xf32, #tpu.memory_space<vmem>>, vector<1x16xf32>,
      %swap3A_42 = vector.shape_cast %swap3A_41 : vector<1x16xf32> to vector<16xf32>
      %swap3A_43 = vector.shape_cast %broadcast_in_dim3A_38 : vector<16xf32> to vector<1x16xf32>
      tpu.vector_store %arg5[%swap3A_39, %swap3A_40], %swap3A_43 {strides = array<i32>} : memref<128x16xf32, #tpu.memory_space<vmem>>, vector<1x16xf32>,
    }
    %scan3A_5 = arith.constant 16 : i32
    %scan3A_6 = arith.constant 0 : i32
    %scan3A_7 = arith.constant 0 : i32
    %scan3A_8 = arith.constant 112 : i32
    %scan3A_9 = arith.addi %scan3A_7, %scan3A_8 : i32
    %scan3A_10 = arith.constant 1 : i32
    scf.for %scan3A_31 = %scan3A_7 to %scan3A_9 step %scan3A_10  : i32 {
      %broadcast_in_dim3A = arith.constant 1.000000e+00 : f32
      %broadcast_in_dim3A_32 = vector.broadcast %broadcast_in_dim3A : f32 to vector<16xf32>
      %add3A_33 = arith.constant 16 : i32
      %add3A_34 = arith.addi %add3A_33, %scan3A_31 : i32
      %swap3A = arith.index_cast %add3A_34 : i32 to index
      %swap3A_35 = arith.constant 0 : index
      %swap3A_36 = tpu.vector_load %arg5[%swap3A, %swap3A_35] {strides = array<i32>} : memref<128x16xf32, #tpu.memory_space<vmem>>, vector<1x16xf32>,
      %swap3A_37 = vector.shape_cast %swap3A_36 : vector<1x16xf32> to vector<16xf32>
      %swap3A_38 = vector.shape_cast %broadcast_in_dim3A_32 : vector<16xf32> to vector<1x16xf32>
      tpu.vector_store %arg5[%swap3A, %swap3A_35], %swap3A_38 {strides = array<i32>} : memref<128x16xf32, #tpu.memory_space<vmem>>, vector<1x16xf32>,
    }
    %scan3A_11 = arith.constant 112 : i32
    %mul3A_12 = arith.constant 640 : i32
    %mul3A_13 = arith.muli %arg1, %mul3A_12 : i32
    %scan3A_14 = arith.constant 0 : i32
    %scan3A_15 = arith.constant 0 : i32
    %scan3A_16 = arith.constant 40 : i32
    %scan3A_17 = arith.addi %scan3A_15, %scan3A_16 : i32
    %scan3A_18 = arith.constant 1 : i32
    scf.for %scan3A_31 = %scan3A_15 to %scan3A_17 step %scan3A_18  : i32 {
      %mul3A_32 = arith.constant 16 : i32
      %mul3A_33 = arith.muli %scan3A_31, %mul3A_32 : i32
      %add3A_34 = arith.addi %mul3A_13, %mul3A_33 : i32
      "tpu.region"() ({
        %run_scoped3A = tpu.sem_alloc : memref<!tpu.dma_semaphore, #tpu.memory_space<semaphore_mem>>
        %dma_start3A = arith.constant 0 : i32
        %dma_start3A_35 = tpu.memref_slice %arg7[%add3A_34, %dma_start3A] : memref<10240x16xf32, #tpu.memory_space<vmem_shared>> -> memref<16x16xf32, #tpu.memory_space<vmem_shared>>
        %dma_start3A_36 = arith.constant 0 : i32
        %dma_start3A_37 = tpu.memref_slice %arg7[%add3A_34, %dma_start3A_36] : memref<10240x16xf32, #tpu.memory_space<vmem_shared>> -> memref<16x16xf32, #tpu.memory_space<vmem_shared>>
        tpu.enqueue_dma source(%arg6 : memref<16x16xf32, #tpu.memory_space<vmem>>) target(%dma_start3A_37 : memref<16x16xf32, #tpu.memory_space<vmem_shared>>) target_semaphore(%run_scoped3A : memref<!tpu.dma_semaphore, #tpu.memory_space<semaphore_mem>>)
        %dma_wait3A = arith.constant 0 : i32
        %dma_wait3A_38 = tpu.memref_slice %arg7[%add3A_34, %dma_wait3A] : memref<10240x16xf32, #tpu.memory_space<vmem_shared>> -> memref<16x16xf32, #tpu.memory_space<vmem_shared>>
        %dma_wait3A_39 = arith.constant 0 : i32
        %dma_wait3A_40 = tpu.memref_slice %arg7[%add3A_34, %dma_wait3A_39] : memref<10240x16xf32, #tpu.memory_space<vmem_shared>> -> memref<16x16xf32, #tpu.memory_space<vmem_shared>>
        tpu.wait_dma2 semaphore(%run_scoped3A : memref<!tpu.dma_semaphore, #tpu.memory_space<semaphore_mem>>) src(%arg6 : memref<16x16xf32, #tpu.memory_space<vmem>>) dst(%dma_wait3A_40 : memref<16x16xf32, #tpu.memory_space<vmem_shared>>)
        tpu.yield
      }) : () -> ()
    }
    %scan3A_19 = arith.constant 40 : i32
    %barrier3A = arith.constant 0 : index
    tpu.barrier barrier_id(%barrier3A)
    %mul3A_20 = arith.constant 78 : i32
    %mul3A_21 = arith.muli %add3A, %mul3A_20 : i32
    %scan3A_22 = arith.constant 0 : i32
    %scan3A_23 = arith.constant 0 : i32
    %scan3A_24 = arith.constant 13 : i32
    %scan3A_25 = arith.addi %scan3A_23, %scan3A_24 : i32
    %scan3A_26 = arith.constant 1 : i32
    scf.for %scan3A_31 = %scan3A_23 to %scan3A_25 step %scan3A_26  : i32 {
      %mul3A_32 = arith.constant 6 : i32
      %mul3A_33 = arith.muli %scan3A_31, %mul3A_32 : i32
      %add3A_34 = arith.addi %mul3A_21, %mul3A_33 : i32
      %multiple_of3A = tpu.assume_multiple %add3A_34, 2 : i32
      "tpu.region"() ({
        %run_scoped3A = tpu.sem_alloc : memref<!tpu.dma_semaphore, #tpu.memory_space<semaphore_mem>>
        %dma_start3A_117 = arith.constant 0 : i32
        %dma_start3A_118 = tpu.memref_slice %arg2[%multiple_of3A, %dma_start3A_117] : memref<2500x128xi32, #tpu.memory_space<hbm>> -> memref<6x128xi32, #tpu.memory_space<hbm>>
        %dma_start3A_119 = arith.constant 0 : i32
        %dma_start3A_120 = tpu.memref_slice %arg2[%multiple_of3A, %dma_start3A_119] : memref<2500x128xi32, #tpu.memory_space<hbm>> -> memref<6x128xi32, #tpu.memory_space<hbm>>
        tpu.enqueue_dma source(%dma_start3A_120 : memref<6x128xi32, #tpu.memory_space<hbm>>) target(%arg4 : memref<6x128xi32, #tpu.memory_space<vmem>>) target_semaphore(%run_scoped3A : memref<!tpu.dma_semaphore, #tpu.memory_space<semaphore_mem>>)
        %dma_wait3A_121 = arith.constant 0 : i32
        %dma_wait3A_122 = tpu.memref_slice %arg2[%multiple_of3A, %dma_wait3A_121] : memref<2500x128xi32, #tpu.memory_space<hbm>> -> memref<6x128xi32, #tpu.memory_space<hbm>>
        %dma_wait3A_123 = arith.constant 0 : i32
        %dma_wait3A_124 = tpu.memref_slice %arg2[%multiple_of3A, %dma_wait3A_123] : memref<2500x128xi32, #tpu.memory_space<hbm>> -> memref<6x128xi32, #tpu.memory_space<hbm>>
        tpu.wait_dma2 semaphore(%run_scoped3A : memref<!tpu.dma_semaphore, #tpu.memory_space<semaphore_mem>>) src(%dma_wait3A_124 : memref<6x128xi32, #tpu.memory_space<hbm>>) dst(%arg4 : memref<6x128xi32, #tpu.memory_space<vmem>>)
        tpu.yield
      }) : () -> ()
      %dma_start3A = arith.constant 0 : i32
      %dma_start3A_35 = arith.constant 0 : i32
      %dma_start3A_36 = tpu.memref_slice %arg4[%dma_start3A, %dma_start3A_35] : memref<6x128xi32, #tpu.memory_space<vmem>> -> memref<1x128xi32, #tpu.memory_space<vmem>>
      %dma_start3A_37 = tpu.memref_squeeze %dma_start3A_36 : memref<1x128xi32, #tpu.memory_space<vmem>> -> memref<128xi32, #tpu.memory_space<vmem>>
      %dma_start3A_38 = arith.constant 0 : i32
      %dma_start3A_39 = arith.constant 0 : i32
      %dma_start3A_40 = tpu.memref_slice %arg7[%dma_start3A_38, %dma_start3A_39] : memref<10240x16xf32, #tpu.memory_space<vmem_shared>> -> memref<10240x16xf32, #tpu.memory_space<vmem_shared>>
      tpu.enqueue_indirect_dma source(%arg5 : memref<128x16xf32, #tpu.memory_space<vmem>>) target(%dma_start3A_40 : memref<10240x16xf32, #tpu.memory_space<vmem_shared>>) offsets(%dma_start3A_37 : memref<128xi32, #tpu.memory_space<vmem>>) semaphore(%arg8 : memref<!tpu.dma_semaphore, #tpu.memory_space<semaphore_mem>>) {add = true}
      %dma_start3A_41 = arith.constant 1 : i32
      %dma_start3A_42 = arith.constant 0 : i32
      %dma_start3A_43 = tpu.memref_slice %arg4[%dma_start3A_41, %dma_start3A_42] : memref<6x128xi32, #tpu.memory_space<vmem>> -> memref<1x128xi32, #tpu.memory_space<vmem>>
      %dma_start3A_44 = tpu.memref_squeeze %dma_start3A_43 : memref<1x128xi32, #tpu.memory_space<vmem>> -> memref<128xi32, #tpu.memory_space<vmem>>
      %dma_start3A_45 = arith.constant 0 : i32
      %dma_start3A_46 = arith.constant 0 : i32
      %dma_start3A_47 = tpu.memref_slice %arg7[%dma_start3A_45, %dma_start3A_46] : memref<10240x16xf32, #tpu.memory_space<vmem_shared>> -> memref<10240x16xf32, #tpu.memory_space<vmem_shared>>
      tpu.enqueue_indirect_dma source(%arg5 : memref<128x16xf32, #tpu.memory_space<vmem>>) target(%dma_start3A_47 : memref<10240x16xf32, #tpu.memory_space<vmem_shared>>) offsets(%dma_start3A_44 : memref<128xi32, #tpu.memory_space<vmem>>) semaphore(%arg8 : memref<!tpu.dma_semaphore, #tpu.memory_space<semaphore_mem>>) {add = true}
      %dma_start3A_48 = arith.constant 2 : i32
      %dma_start3A_49 = arith.constant 0 : i32
      %dma_start3A_50 = tpu.memref_slice %arg4[%dma_start3A_48, %dma_start3A_49] : memref<6x128xi32, #tpu.memory_space<vmem>> -> memref<1x128xi32, #tpu.memory_space<vmem>>
      %dma_start3A_51 = tpu.memref_squeeze %dma_start3A_50 : memref<1x128xi32, #tpu.memory_space<vmem>> -> memref<128xi32, #tpu.memory_space<vmem>>
      %dma_start3A_52 = arith.constant 0 : i32
      %dma_start3A_53 = arith.constant 0 : i32
      %dma_start3A_54 = tpu.memref_slice %arg7[%dma_start3A_52, %dma_start3A_53] : memref<10240x16xf32, #tpu.memory_space<vmem_shared>> -> memref<10240x16xf32, #tpu.memory_space<vmem_shared>>
      tpu.enqueue_indirect_dma source(%arg5 : memref<128x16xf32, #tpu.memory_space<vmem>>) target(%dma_start3A_54 : memref<10240x16xf32, #tpu.memory_space<vmem_shared>>) offsets(%dma_start3A_51 : memref<128xi32, #tpu.memory_space<vmem>>) semaphore(%arg8 : memref<!tpu.dma_semaphore, #tpu.memory_space<semaphore_mem>>) {add = true}
      %dma_start3A_55 = arith.constant 3 : i32
      %dma_start3A_56 = arith.constant 0 : i32
      %dma_start3A_57 = tpu.memref_slice %arg4[%dma_start3A_55, %dma_start3A_56] : memref<6x128xi32, #tpu.memory_space<vmem>> -> memref<1x128xi32, #tpu.memory_space<vmem>>
      %dma_start3A_58 = tpu.memref_squeeze %dma_start3A_57 : memref<1x128xi32, #tpu.memory_space<vmem>> -> memref<128xi32, #tpu.memory_space<vmem>>
      %dma_start3A_59 = arith.constant 0 : i32
      %dma_start3A_60 = arith.constant 0 : i32
      %dma_start3A_61 = tpu.memref_slice %arg7[%dma_start3A_59, %dma_start3A_60] : memref<10240x16xf32, #tpu.memory_space<vmem_shared>> -> memref<10240x16xf32, #tpu.memory_space<vmem_shared>>
      tpu.enqueue_indirect_dma source(%arg5 : memref<128x16xf32, #tpu.memory_space<vmem>>) target(%dma_start3A_61 : memref<10240x16xf32, #tpu.memory_space<vmem_shared>>) offsets(%dma_start3A_58 : memref<128xi32, #tpu.memory_space<vmem>>) semaphore(%arg8 : memref<!tpu.dma_semaphore, #tpu.memory_space<semaphore_mem>>) {add = true}
      %dma_start3A_62 = arith.constant 4 : i32
      %dma_start3A_63 = arith.constant 0 : i32
      %dma_start3A_64 = tpu.memref_slice %arg4[%dma_start3A_62, %dma_start3A_63] : memref<6x128xi32, #tpu.memory_space<vmem>> -> memref<1x128xi32, #tpu.memory_space<vmem>>
      %dma_start3A_65 = tpu.memref_squeeze %dma_start3A_64 : memref<1x128xi32, #tpu.memory_space<vmem>> -> memref<128xi32, #tpu.memory_space<vmem>>
      %dma_start3A_66 = arith.constant 0 : i32
      %dma_start3A_67 = arith.constant 0 : i32
      %dma_start3A_68 = tpu.memref_slice %arg7[%dma_start3A_66, %dma_start3A_67] : memref<10240x16xf32, #tpu.memory_space<vmem_shared>> -> memref<10240x16xf32, #tpu.memory_space<vmem_shared>>
      tpu.enqueue_indirect_dma source(%arg5 : memref<128x16xf32, #tpu.memory_space<vmem>>) target(%dma_start3A_68 : memref<10240x16xf32, #tpu.memory_space<vmem_shared>>) offsets(%dma_start3A_65 : memref<128xi32, #tpu.memory_space<vmem>>) semaphore(%arg8 : memref<!tpu.dma_semaphore, #tpu.memory_space<semaphore_mem>>) {add = true}
      %dma_start3A_69 = arith.constant 5 : i32
      %dma_start3A_70 = arith.constant 0 : i32
      %dma_start3A_71 = tpu.memref_slice %arg4[%dma_start3A_69, %dma_start3A_70] : memref<6x128xi32, #tpu.memory_space<vmem>> -> memref<1x128xi32, #tpu.memory_space<vmem>>
      %dma_start3A_72 = tpu.memref_squeeze %dma_start3A_71 : memref<1x128xi32, #tpu.memory_space<vmem>> -> memref<128xi32, #tpu.memory_space<vmem>>
      %dma_start3A_73 = arith.constant 0 : i32
      %dma_start3A_74 = arith.constant 0 : i32
      %dma_start3A_75 = tpu.memref_slice %arg7[%dma_start3A_73, %dma_start3A_74] : memref<10240x16xf32, #tpu.memory_space<vmem_shared>> -> memref<10240x16xf32, #tpu.memory_space<vmem_shared>>
      tpu.enqueue_indirect_dma source(%arg5 : memref<128x16xf32, #tpu.memory_space<vmem>>) target(%dma_start3A_75 : memref<10240x16xf32, #tpu.memory_space<vmem_shared>>) offsets(%dma_start3A_72 : memref<128xi32, #tpu.memory_space<vmem>>) semaphore(%arg8 : memref<!tpu.dma_semaphore, #tpu.memory_space<semaphore_mem>>) {add = true}
      %dma_wait3A = arith.constant 0 : i32
      %dma_wait3A_76 = arith.constant 0 : i32
      %dma_wait3A_77 = tpu.memref_slice %arg4[%dma_wait3A, %dma_wait3A_76] : memref<6x128xi32, #tpu.memory_space<vmem>> -> memref<1x128xi32, #tpu.memory_space<vmem>>
      %dma_wait3A_78 = tpu.memref_squeeze %dma_wait3A_77 : memref<1x128xi32, #tpu.memory_space<vmem>> -> memref<128xi32, #tpu.memory_space<vmem>>
      %dma_wait3A_79 = arith.constant 0 : i32
      %dma_wait3A_80 = arith.constant 0 : i32
      %dma_wait3A_81 = tpu.memref_slice %arg7[%dma_wait3A_79, %dma_wait3A_80] : memref<10240x16xf32, #tpu.memory_space<vmem_shared>> -> memref<10240x16xf32, #tpu.memory_space<vmem_shared>>
      tpu.wait_indirect_dma semaphore(%arg8 : memref<!tpu.dma_semaphore, #tpu.memory_space<semaphore_mem>>) src(%arg5 : memref<128x16xf32, #tpu.memory_space<vmem>>) dst(%dma_wait3A_81 : memref<10240x16xf32, #tpu.memory_space<vmem_shared>>)
      %dma_wait3A_82 = arith.constant 1 : i32
      %dma_wait3A_83 = arith.constant 0 : i32
      %dma_wait3A_84 = tpu.memref_slice %arg4[%dma_wait3A_82, %dma_wait3A_83] : memref<6x128xi32, #tpu.memory_space<vmem>> -> memref<1x128xi32, #tpu.memory_space<vmem>>
      %dma_wait3A_85 = tpu.memref_squeeze %dma_wait3A_84 : memref<1x128xi32, #tpu.memory_space<vmem>> -> memref<128xi32, #tpu.memory_space<vmem>>
      %dma_wait3A_86 = arith.constant 0 : i32
      %dma_wait3A_87 = arith.constant 0 : i32
      %dma_wait3A_88 = tpu.memref_slice %arg7[%dma_wait3A_86, %dma_wait3A_87] : memref<10240x16xf32, #tpu.memory_space<vmem_shared>> -> memref<10240x16xf32, #tpu.memory_space<vmem_shared>>
      tpu.wait_indirect_dma semaphore(%arg8 : memref<!tpu.dma_semaphore, #tpu.memory_space<semaphore_mem>>) src(%arg5 : memref<128x16xf32, #tpu.memory_space<vmem>>) dst(%dma_wait3A_88 : memref<10240x16xf32, #tpu.memory_space<vmem_shared>>)
      %dma_wait3A_89 = arith.constant 2 : i32
      %dma_wait3A_90 = arith.constant 0 : i32
      %dma_wait3A_91 = tpu.memref_slice %arg4[%dma_wait3A_89, %dma_wait3A_90] : memref<6x128xi32, #tpu.memory_space<vmem>> -> memref<1x128xi32, #tpu.memory_space<vmem>>
      %dma_wait3A_92 = tpu.memref_squeeze %dma_wait3A_91 : memref<1x128xi32, #tpu.memory_space<vmem>> -> memref<128xi32, #tpu.memory_space<vmem>>
      %dma_wait3A_93 = arith.constant 0 : i32
      %dma_wait3A_94 = arith.constant 0 : i32
      %dma_wait3A_95 = tpu.memref_slice %arg7[%dma_wait3A_93, %dma_wait3A_94] : memref<10240x16xf32, #tpu.memory_space<vmem_shared>> -> memref<10240x16xf32, #tpu.memory_space<vmem_shared>>
      tpu.wait_indirect_dma semaphore(%arg8 : memref<!tpu.dma_semaphore, #tpu.memory_space<semaphore_mem>>) src(%arg5 : memref<128x16xf32, #tpu.memory_space<vmem>>) dst(%dma_wait3A_95 : memref<10240x16xf32, #tpu.memory_space<vmem_shared>>)
      %dma_wait3A_96 = arith.constant 3 : i32
      %dma_wait3A_97 = arith.constant 0 : i32
      %dma_wait3A_98 = tpu.memref_slice %arg4[%dma_wait3A_96, %dma_wait3A_97] : memref<6x128xi32, #tpu.memory_space<vmem>> -> memref<1x128xi32, #tpu.memory_space<vmem>>
      %dma_wait3A_99 = tpu.memref_squeeze %dma_wait3A_98 : memref<1x128xi32, #tpu.memory_space<vmem>> -> memref<128xi32, #tpu.memory_space<vmem>>
      %dma_wait3A_100 = arith.constant 0 : i32
      %dma_wait3A_101 = arith.constant 0 : i32
      %dma_wait3A_102 = tpu.memref_slice %arg7[%dma_wait3A_100, %dma_wait3A_101] : memref<10240x16xf32, #tpu.memory_space<vmem_shared>> -> memref<10240x16xf32, #tpu.memory_space<vmem_shared>>
      tpu.wait_indirect_dma semaphore(%arg8 : memref<!tpu.dma_semaphore, #tpu.memory_space<semaphore_mem>>) src(%arg5 : memref<128x16xf32, #tpu.memory_space<vmem>>) dst(%dma_wait3A_102 : memref<10240x16xf32, #tpu.memory_space<vmem_shared>>)
      %dma_wait3A_103 = arith.constant 4 : i32
      %dma_wait3A_104 = arith.constant 0 : i32
      %dma_wait3A_105 = tpu.memref_slice %arg4[%dma_wait3A_103, %dma_wait3A_104] : memref<6x128xi32, #tpu.memory_space<vmem>> -> memref<1x128xi32, #tpu.memory_space<vmem>>
      %dma_wait3A_106 = tpu.memref_squeeze %dma_wait3A_105 : memref<1x128xi32, #tpu.memory_space<vmem>> -> memref<128xi32, #tpu.memory_space<vmem>>
      %dma_wait3A_107 = arith.constant 0 : i32
      %dma_wait3A_108 = arith.constant 0 : i32
      %dma_wait3A_109 = tpu.memref_slice %arg7[%dma_wait3A_107, %dma_wait3A_108] : memref<10240x16xf32, #tpu.memory_space<vmem_shared>> -> memref<10240x16xf32, #tpu.memory_space<vmem_shared>>
      tpu.wait_indirect_dma semaphore(%arg8 : memref<!tpu.dma_semaphore, #tpu.memory_space<semaphore_mem>>) src(%arg5 : memref<128x16xf32, #tpu.memory_space<vmem>>) dst(%dma_wait3A_109 : memref<10240x16xf32, #tpu.memory_space<vmem_shared>>)
      %dma_wait3A_110 = arith.constant 5 : i32
      %dma_wait3A_111 = arith.constant 0 : i32
      %dma_wait3A_112 = tpu.memref_slice %arg4[%dma_wait3A_110, %dma_wait3A_111] : memref<6x128xi32, #tpu.memory_space<vmem>> -> memref<1x128xi32, #tpu.memory_space<vmem>>
      %dma_wait3A_113 = tpu.memref_squeeze %dma_wait3A_112 : memref<1x128xi32, #tpu.memory_space<vmem>> -> memref<128xi32, #tpu.memory_space<vmem>>
      %dma_wait3A_114 = arith.constant 0 : i32
      %dma_wait3A_115 = arith.constant 0 : i32
      %dma_wait3A_116 = tpu.memref_slice %arg7[%dma_wait3A_114, %dma_wait3A_115] : memref<10240x16xf32, #tpu.memory_space<vmem_shared>> -> memref<10240x16xf32, #tpu.memory_space<vmem_shared>>
      tpu.wait_indirect_dma semaphore(%arg8 : memref<!tpu.dma_semaphore, #tpu.memory_space<semaphore_mem>>) src(%arg5 : memref<128x16xf32, #tpu.memory_space<vmem>>) dst(%dma_wait3A_116 : memref<10240x16xf32, #tpu.memory_space<vmem_shared>>)
    }
    %scan3A_27 = arith.constant 13 : i32
    %lt3A = arith.constant 4 : i32
    %lt3A_28 = arith.cmpi slt, %add3A, %lt3A : i32
    %convert_element_type3A = arith.extui %lt3A_28 : i1 to i32
    %cond3A = arith.constant 0 : i32
    %cond3A_29 = arith.cmpi ne, %convert_element_type3A, %cond3A : i32
    scf.if %cond3A_29 {
      %add3A_31 = arith.constant 2496 : i32
      %add3A_32 = arith.addi %add3A_31, %add3A : i32
      %multiple_of3A = tpu.assume_multiple %add3A_32, 1 : i32
      "tpu.region"() ({
        %run_scoped3A_33 = tpu.sem_alloc : memref<!tpu.dma_semaphore, #tpu.memory_space<semaphore_mem>>
        %dma_start3A = arith.constant 0 : i32
        %dma_start3A_34 = arith.constant 0 : i32
        %dma_start3A_35 = tpu.memref_slice %arg4[%dma_start3A, %dma_start3A_34] : memref<6x128xi32, #tpu.memory_space<vmem>> -> memref<1x128xi32, #tpu.memory_space<vmem>>
        %dma_start3A_36 = arith.constant 0 : i32
        %dma_start3A_37 = tpu.memref_slice %arg2[%multiple_of3A, %dma_start3A_36] : memref<2500x128xi32, #tpu.memory_space<hbm>> -> memref<1x128xi32, #tpu.memory_space<hbm>>
        %dma_start3A_38 = arith.constant 0 : i32
        %dma_start3A_39 = arith.constant 0 : i32
        %dma_start3A_40 = tpu.memref_slice %arg4[%dma_start3A_38, %dma_start3A_39] : memref<6x128xi32, #tpu.memory_space<vmem>> -> memref<1x128xi32, #tpu.memory_space<vmem>>
        %dma_start3A_41 = arith.constant 0 : i32
        %dma_start3A_42 = tpu.memref_slice %arg2[%multiple_of3A, %dma_start3A_41] : memref<2500x128xi32, #tpu.memory_space<hbm>> -> memref<1x128xi32, #tpu.memory_space<hbm>>
        tpu.enqueue_dma source(%dma_start3A_42 : memref<1x128xi32, #tpu.memory_space<hbm>>) target(%dma_start3A_40 : memref<1x128xi32, #tpu.memory_space<vmem>>) target_semaphore(%run_scoped3A_33 : memref<!tpu.dma_semaphore, #tpu.memory_space<semaphore_mem>>)
        %dma_wait3A = arith.constant 0 : i32
        %dma_wait3A_43 = arith.constant 0 : i32
        %dma_wait3A_44 = tpu.memref_slice %arg4[%dma_wait3A, %dma_wait3A_43] : memref<6x128xi32, #tpu.memory_space<vmem>> -> memref<1x128xi32, #tpu.memory_space<vmem>>
        %dma_wait3A_45 = arith.constant 0 : i32
        %dma_wait3A_46 = tpu.memref_slice %arg2[%multiple_of3A, %dma_wait3A_45] : memref<2500x128xi32, #tpu.memory_space<hbm>> -> memref<1x128xi32, #tpu.memory_space<hbm>>
        %dma_wait3A_47 = arith.constant 0 : i32
        %dma_wait3A_48 = arith.constant 0 : i32
        %dma_wait3A_49 = tpu.memref_slice %arg4[%dma_wait3A_47, %dma_wait3A_48] : memref<6x128xi32, #tpu.memory_space<vmem>> -> memref<1x128xi32, #tpu.memory_space<vmem>>
        %dma_wait3A_50 = arith.constant 0 : i32
        %dma_wait3A_51 = tpu.memref_slice %arg2[%multiple_of3A, %dma_wait3A_50] : memref<2500x128xi32, #tpu.memory_space<hbm>> -> memref<1x128xi32, #tpu.memory_space<hbm>>
        tpu.wait_dma2 semaphore(%run_scoped3A_33 : memref<!tpu.dma_semaphore, #tpu.memory_space<semaphore_mem>>) src(%dma_wait3A_51 : memref<1x128xi32, #tpu.memory_space<hbm>>) dst(%dma_wait3A_49 : memref<1x128xi32, #tpu.memory_space<vmem>>)
        tpu.yield
      }) : () -> ()
      %run_scoped3A = arith.constant 0 : i32
      "tpu.region"() ({
        %run_scoped3A_33 = tpu.sem_alloc : memref<!tpu.dma_semaphore, #tpu.memory_space<semaphore_mem>>
        %dma_start3A = arith.constant 0 : i32
        %dma_start3A_34 = tpu.memref_slice %arg4[%run_scoped3A, %dma_start3A] : memref<6x128xi32, #tpu.memory_space<vmem>> -> memref<1x128xi32, #tpu.memory_space<vmem>>
        %dma_start3A_35 = tpu.memref_squeeze %dma_start3A_34 : memref<1x128xi32, #tpu.memory_space<vmem>> -> memref<128xi32, #tpu.memory_space<vmem>>
        %dma_start3A_36 = arith.constant 0 : i32
        %dma_start3A_37 = arith.constant 0 : i32
        %dma_start3A_38 = tpu.memref_slice %arg7[%dma_start3A_36, %dma_start3A_37] : memref<10240x16xf32, #tpu.memory_space<vmem_shared>> -> memref<10240x16xf32, #tpu.memory_space<vmem_shared>>
        tpu.enqueue_indirect_dma source(%arg5 : memref<128x16xf32, #tpu.memory_space<vmem>>) target(%dma_start3A_38 : memref<10240x16xf32, #tpu.memory_space<vmem_shared>>) offsets(%dma_start3A_35 : memref<128xi32, #tpu.memory_space<vmem>>) semaphore(%run_scoped3A_33 : memref<!tpu.dma_semaphore, #tpu.memory_space<semaphore_mem>>) {add = true}
        %dma_wait3A = arith.constant 0 : i32
        %dma_wait3A_39 = tpu.memref_slice %arg4[%run_scoped3A, %dma_wait3A] : memref<6x128xi32, #tpu.memory_space<vmem>> -> memref<1x128xi32, #tpu.memory_space<vmem>>
        %dma_wait3A_40 = tpu.memref_squeeze %dma_wait3A_39 : memref<1x128xi32, #tpu.memory_space<vmem>> -> memref<128xi32, #tpu.memory_space<vmem>>
        %dma_wait3A_41 = arith.constant 0 : i32
        %dma_wait3A_42 = arith.constant 0 : i32
        %dma_wait3A_43 = tpu.memref_slice %arg7[%dma_wait3A_41, %dma_wait3A_42] : memref<10240x16xf32, #tpu.memory_space<vmem_shared>> -> memref<10240x16xf32, #tpu.memory_space<vmem_shared>>
        tpu.wait_indirect_dma semaphore(%run_scoped3A_33 : memref<!tpu.dma_semaphore, #tpu.memory_space<semaphore_mem>>) src(%arg5 : memref<128x16xf32, #tpu.memory_space<vmem>>) dst(%dma_wait3A_43 : memref<10240x16xf32, #tpu.memory_space<vmem_shared>>)
        tpu.yield
      }) : () -> ()
    } else {
    }
    %barrier3A_30 = arith.constant 0 : index
    tpu.barrier barrier_id(%barrier3A_30)
    "tpu.region"() ({
      %run_scoped3A = tpu.sem_alloc : memref<!tpu.dma_semaphore, #tpu.memory_space<semaphore_mem>>
      %dma_start3A = arith.constant 0 : i32
      %dma_start3A_31 = tpu.memref_slice %arg3[%arg0, %mul3A_13, %dma_start3A] : memref<2x10240x16xf32, #tpu.memory_space<hbm>> -> memref<1x640x16xf32, #tpu.memory_space<hbm>>
      %dma_start3A_32 = tpu.memref_squeeze %dma_start3A_31 : memref<1x640x16xf32, #tpu.memory_space<hbm>> -> memref<640x16xf32, #tpu.memory_space<hbm>>
      %dma_start3A_33 = arith.constant 0 : i32
      %dma_start3A_34 = tpu.memref_slice %arg7[%mul3A_13, %dma_start3A_33] : memref<10240x16xf32, #tpu.memory_space<vmem_shared>> -> memref<640x16xf32, #tpu.memory_space<vmem_shared>>
      tpu.enqueue_dma source(%dma_start3A_34 : memref<640x16xf32, #tpu.memory_space<vmem_shared>>) target(%dma_start3A_32 : memref<640x16xf32, #tpu.memory_space<hbm>>) target_semaphore(%run_scoped3A : memref<!tpu.dma_semaphore, #tpu.memory_space<semaphore_mem>>)
      %dma_wait3A = arith.constant 0 : i32
      %dma_wait3A_35 = tpu.memref_slice %arg3[%arg0, %mul3A_13, %dma_wait3A] : memref<2x10240x16xf32, #tpu.memory_space<hbm>> -> memref<1x640x16xf32, #tpu.memory_space<hbm>>
      %dma_wait3A_36 = tpu.memref_squeeze %dma_wait3A_35 : memref<1x640x16xf32, #tpu.memory_space<hbm>> -> memref<640x16xf32, #tpu.memory_space<hbm>>
      %dma_wait3A_37 = arith.constant 0 : i32
      %dma_wait3A_38 = tpu.memref_slice %arg7[%mul3A_13, %dma_wait3A_37] : memref<10240x16xf32, #tpu.memory_space<vmem_shared>> -> memref<640x16xf32, #tpu.memory_space<vmem_shared>>
      tpu.wait_dma2 semaphore(%run_scoped3A : memref<!tpu.dma_semaphore, #tpu.memory_space<semaphore_mem>>) src(%dma_wait3A_38 : memref<640x16xf32, #tpu.memory_space<vmem_shared>>) dst(%dma_wait3A_36 : memref<640x16xf32, #tpu.memory_space<hbm>>)
      tpu.yield
    }) : () -> ()
    return
  }
}

#map = affine_map<(d0, d1) -> (0, 0)>
#map1 = affine_map<(d0, d1) -> (0)>
#map2 = affine_map<(d0, d1) -> (0, 0, 0)>
module attributes {stable_mosaic.version = 14 : i64} {
  func.func @_edge_body(%arg0: i32, %arg1: i32, %arg2: memref<2x320000xi32, #tpu.memory_space<hbm>>, %arg3: memref<320000xi32, #tpu.memory_space<hbm>>, %arg4: memref<81920x128xf32, #tpu.memory_space<hbm>>, %arg5: memref<2x10240x128xf32, #tpu.memory_space<hbm>>, %arg6: memref<2x128xi32, #tpu.memory_space<vmem>>, %arg7: memref<2x128xi32, #tpu.memory_space<vmem>>, %arg8: memref<2x128xi32, #tpu.memory_space<vmem>>, %arg9: memref<2x128xi32, #tpu.memory_space<vmem>>, %arg10: memref<2x128xi32, #tpu.memory_space<vmem>>, %arg11: memref<2x128x128xf32, #tpu.memory_space<vmem>>, %arg12: memref<16x128xf32, #tpu.memory_space<vmem>>, %arg13: memref<10240x128xf32, #tpu.memory_space<vmem_shared>>, %arg14: memref<!tpu.dma_semaphore, #tpu.memory_space<semaphore_mem>>, %arg15: memref<!tpu.dma_semaphore, #tpu.memory_space<semaphore_mem>>, %arg16: memref<!tpu.dma_semaphore, #tpu.memory_space<semaphore_mem>>, %arg17: memref<!tpu.dma_semaphore, #tpu.memory_space<semaphore_mem>>, %arg18: memref<!tpu.dma_semaphore, #tpu.memory_space<semaphore_mem>>, %arg19: memref<!tpu.dma_semaphore, #tpu.memory_space<semaphore_mem>>) attributes {dimension_semantics = [#tpu.dimension_semantics<core_parallel>, #tpu.dimension_semantics<subcore_parallel>], iteration_bounds = array<i64: 2, 16>, scalar_prefetch = 0 : i64, scratch_operands = 14 : i64, tpu.core_type = #tpu.core_type<sc_vector_subcore>, window_params = [{transform_indices = #map}, {transform_indices = #map1}, {transform_indices = #map}, {transform_indices = #map2}]} {
    %mul3A = arith.constant 16 : i32
    %mul3A_0 = arith.muli %arg0, %mul3A : i32
    %add3A = arith.addi %mul3A_0, %arg1 : i32
    %scan3A = arith.constant 0 : i32
    %scan3A_1 = arith.constant 0 : i32
    %scan3A_2 = arith.constant 16 : i32
    %scan3A_3 = arith.addi %scan3A_1, %scan3A_2 : i32
    %scan3A_4 = arith.constant 1 : i32
    scf.for %scan3A_1508 = %scan3A_1 to %scan3A_3 step %scan3A_4  : i32 {
      %broadcast_in_dim3A = arith.constant 0.000000e+00 : f32
      %broadcast_in_dim3A_1509 = vector.broadcast %broadcast_in_dim3A : f32 to vector<16xf32>
      %swap3A_1510 = arith.index_cast %scan3A_1508 : i32 to index
      %swap3A_1511 = arith.constant 0 : index
      %swap3A_1512 = tpu.vector_load %arg12[%swap3A_1510, %swap3A_1511] {strides = array<i32>} : memref<16x128xf32, #tpu.memory_space<vmem>>, vector<1x16xf32>,
      %swap3A_1513 = vector.shape_cast %swap3A_1512 : vector<1x16xf32> to vector<16xf32>
      %swap3A_1514 = vector.shape_cast %broadcast_in_dim3A_1509 : vector<16xf32> to vector<1x16xf32>
      tpu.vector_store %arg12[%swap3A_1510, %swap3A_1511], %swap3A_1514 {strides = array<i32>} : memref<16x128xf32, #tpu.memory_space<vmem>>, vector<1x16xf32>,
      %broadcast_in_dim3A_1515 = arith.constant 0.000000e+00 : f32
      %broadcast_in_dim3A_1516 = vector.broadcast %broadcast_in_dim3A_1515 : f32 to vector<16xf32>
      %swap3A_1517 = arith.index_cast %scan3A_1508 : i32 to index
      %swap3A_1518 = arith.constant 16 : index
      %swap3A_1519 = tpu.vector_load %arg12[%swap3A_1517, %swap3A_1518] {strides = array<i32>} : memref<16x128xf32, #tpu.memory_space<vmem>>, vector<1x16xf32>,
      %swap3A_1520 = vector.shape_cast %swap3A_1519 : vector<1x16xf32> to vector<16xf32>
      %swap3A_1521 = vector.shape_cast %broadcast_in_dim3A_1516 : vector<16xf32> to vector<1x16xf32>
      tpu.vector_store %arg12[%swap3A_1517, %swap3A_1518], %swap3A_1521 {strides = array<i32>} : memref<16x128xf32, #tpu.memory_space<vmem>>, vector<1x16xf32>,
      %broadcast_in_dim3A_1522 = arith.constant 0.000000e+00 : f32
      %broadcast_in_dim3A_1523 = vector.broadcast %broadcast_in_dim3A_1522 : f32 to vector<16xf32>
      %swap3A_1524 = arith.index_cast %scan3A_1508 : i32 to index
      %swap3A_1525 = arith.constant 32 : index
      %swap3A_1526 = tpu.vector_load %arg12[%swap3A_1524, %swap3A_1525] {strides = array<i32>} : memref<16x128xf32, #tpu.memory_space<vmem>>, vector<1x16xf32>,
      %swap3A_1527 = vector.shape_cast %swap3A_1526 : vector<1x16xf32> to vector<16xf32>
      %swap3A_1528 = vector.shape_cast %broadcast_in_dim3A_1523 : vector<16xf32> to vector<1x16xf32>
      tpu.vector_store %arg12[%swap3A_1524, %swap3A_1525], %swap3A_1528 {strides = array<i32>} : memref<16x128xf32, #tpu.memory_space<vmem>>, vector<1x16xf32>,
      %broadcast_in_dim3A_1529 = arith.constant 0.000000e+00 : f32
      %broadcast_in_dim3A_1530 = vector.broadcast %broadcast_in_dim3A_1529 : f32 to vector<16xf32>
      %swap3A_1531 = arith.index_cast %scan3A_1508 : i32 to index
      %swap3A_1532 = arith.constant 48 : index
      %swap3A_1533 = tpu.vector_load %arg12[%swap3A_1531, %swap3A_1532] {strides = array<i32>} : memref<16x128xf32, #tpu.memory_space<vmem>>, vector<1x16xf32>,
      %swap3A_1534 = vector.shape_cast %swap3A_1533 : vector<1x16xf32> to vector<16xf32>
      %swap3A_1535 = vector.shape_cast %broadcast_in_dim3A_1530 : vector<16xf32> to vector<1x16xf32>
      tpu.vector_store %arg12[%swap3A_1531, %swap3A_1532], %swap3A_1535 {strides = array<i32>} : memref<16x128xf32, #tpu.memory_space<vmem>>, vector<1x16xf32>,
      %broadcast_in_dim3A_1536 = arith.constant 0.000000e+00 : f32
      %broadcast_in_dim3A_1537 = vector.broadcast %broadcast_in_dim3A_1536 : f32 to vector<16xf32>
      %swap3A_1538 = arith.index_cast %scan3A_1508 : i32 to index
      %swap3A_1539 = arith.constant 64 : index
      %swap3A_1540 = tpu.vector_load %arg12[%swap3A_1538, %swap3A_1539] {strides = array<i32>} : memref<16x128xf32, #tpu.memory_space<vmem>>, vector<1x16xf32>,
      %swap3A_1541 = vector.shape_cast %swap3A_1540 : vector<1x16xf32> to vector<16xf32>
      %swap3A_1542 = vector.shape_cast %broadcast_in_dim3A_1537 : vector<16xf32> to vector<1x16xf32>
      tpu.vector_store %arg12[%swap3A_1538, %swap3A_1539], %swap3A_1542 {strides = array<i32>} : memref<16x128xf32, #tpu.memory_space<vmem>>, vector<1x16xf32>,
      %broadcast_in_dim3A_1543 = arith.constant 0.000000e+00 : f32
      %broadcast_in_dim3A_1544 = vector.broadcast %broadcast_in_dim3A_1543 : f32 to vector<16xf32>
      %swap3A_1545 = arith.index_cast %scan3A_1508 : i32 to index
      %swap3A_1546 = arith.constant 80 : index
      %swap3A_1547 = tpu.vector_load %arg12[%swap3A_1545, %swap3A_1546] {strides = array<i32>} : memref<16x128xf32, #tpu.memory_space<vmem>>, vector<1x16xf32>,
      %swap3A_1548 = vector.shape_cast %swap3A_1547 : vector<1x16xf32> to vector<16xf32>
      %swap3A_1549 = vector.shape_cast %broadcast_in_dim3A_1544 : vector<16xf32> to vector<1x16xf32>
      tpu.vector_store %arg12[%swap3A_1545, %swap3A_1546], %swap3A_1549 {strides = array<i32>} : memref<16x128xf32, #tpu.memory_space<vmem>>, vector<1x16xf32>,
      %broadcast_in_dim3A_1550 = arith.constant 0.000000e+00 : f32
      %broadcast_in_dim3A_1551 = vector.broadcast %broadcast_in_dim3A_1550 : f32 to vector<16xf32>
      %swap3A_1552 = arith.index_cast %scan3A_1508 : i32 to index
      %swap3A_1553 = arith.constant 96 : index
      %swap3A_1554 = tpu.vector_load %arg12[%swap3A_1552, %swap3A_1553] {strides = array<i32>} : memref<16x128xf32, #tpu.memory_space<vmem>>, vector<1x16xf32>,
      %swap3A_1555 = vector.shape_cast %swap3A_1554 : vector<1x16xf32> to vector<16xf32>
      %swap3A_1556 = vector.shape_cast %broadcast_in_dim3A_1551 : vector<16xf32> to vector<1x16xf32>
      tpu.vector_store %arg12[%swap3A_1552, %swap3A_1553], %swap3A_1556 {strides = array<i32>} : memref<16x128xf32, #tpu.memory_space<vmem>>, vector<1x16xf32>,
      %broadcast_in_dim3A_1557 = arith.constant 0.000000e+00 : f32
      %broadcast_in_dim3A_1558 = vector.broadcast %broadcast_in_dim3A_1557 : f32 to vector<16xf32>
      %swap3A_1559 = arith.index_cast %scan3A_1508 : i32 to index
      %swap3A_1560 = arith.constant 112 : index
      %swap3A_1561 = tpu.vector_load %arg12[%swap3A_1559, %swap3A_1560] {strides = array<i32>} : memref<16x128xf32, #tpu.memory_space<vmem>>, vector<1x16xf32>,
      %swap3A_1562 = vector.shape_cast %swap3A_1561 : vector<1x16xf32> to vector<16xf32>
      %swap3A_1563 = vector.shape_cast %broadcast_in_dim3A_1558 : vector<16xf32> to vector<1x16xf32>
      tpu.vector_store %arg12[%swap3A_1559, %swap3A_1560], %swap3A_1563 {strides = array<i32>} : memref<16x128xf32, #tpu.memory_space<vmem>>, vector<1x16xf32>,
    }
    %scan3A_5 = arith.constant 16 : i32
    %mul3A_6 = arith.constant 640 : i32
    %mul3A_7 = arith.muli %arg1, %mul3A_6 : i32
    %scan3A_8 = arith.constant 0 : i32
    %scan3A_9 = arith.constant 0 : i32
    %scan3A_10 = arith.constant 40 : i32
    %scan3A_11 = arith.addi %scan3A_9, %scan3A_10 : i32
    %scan3A_12 = arith.constant 1 : i32
    scf.for %scan3A_1508 = %scan3A_9 to %scan3A_11 step %scan3A_12  : i32 {
      %mul3A_1509 = arith.constant 16 : i32
      %mul3A_1510 = arith.muli %scan3A_1508, %mul3A_1509 : i32
      %add3A_1511 = arith.addi %mul3A_7, %mul3A_1510 : i32
      "tpu.region"() ({
        %run_scoped3A = tpu.sem_alloc : memref<!tpu.dma_semaphore, #tpu.memory_space<semaphore_mem>>
        %dma_start3A_1512 = arith.constant 0 : i32
        %dma_start3A_1513 = tpu.memref_slice %arg13[%add3A_1511, %dma_start3A_1512] : memref<10240x128xf32, #tpu.memory_space<vmem_shared>> -> memref<16x128xf32, #tpu.memory_space<vmem_shared>>
        %dma_start3A_1514 = arith.constant 0 : i32
        %dma_start3A_1515 = tpu.memref_slice %arg13[%add3A_1511, %dma_start3A_1514] : memref<10240x128xf32, #tpu.memory_space<vmem_shared>> -> memref<16x128xf32, #tpu.memory_space<vmem_shared>>
        tpu.enqueue_dma source(%arg12 : memref<16x128xf32, #tpu.memory_space<vmem>>) target(%dma_start3A_1515 : memref<16x128xf32, #tpu.memory_space<vmem_shared>>) target_semaphore(%run_scoped3A : memref<!tpu.dma_semaphore, #tpu.memory_space<semaphore_mem>>)
        %dma_wait3A_1516 = arith.constant 0 : i32
        %dma_wait3A_1517 = tpu.memref_slice %arg13[%add3A_1511, %dma_wait3A_1516] : memref<10240x128xf32, #tpu.memory_space<vmem_shared>> -> memref<16x128xf32, #tpu.memory_space<vmem_shared>>
        %dma_wait3A_1518 = arith.constant 0 : i32
        %dma_wait3A_1519 = tpu.memref_slice %arg13[%add3A_1511, %dma_wait3A_1518] : memref<10240x128xf32, #tpu.memory_space<vmem_shared>> -> memref<16x128xf32, #tpu.memory_space<vmem_shared>>
        tpu.wait_dma2 semaphore(%run_scoped3A : memref<!tpu.dma_semaphore, #tpu.memory_space<semaphore_mem>>) src(%arg12 : memref<16x128xf32, #tpu.memory_space<vmem>>) dst(%dma_wait3A_1519 : memref<16x128xf32, #tpu.memory_space<vmem_shared>>)
        tpu.yield
      }) : () -> ()
    }
    %scan3A_13 = arith.constant 40 : i32
    %barrier3A = arith.constant 0 : index
    tpu.barrier barrier_id(%barrier3A)
    %mul3A_14 = arith.constant 78 : i32
    %mul3A_15 = arith.muli %add3A, %mul3A_14 : i32
    %add3A_16 = arith.constant 0 : i32
    %add3A_17 = arith.addi %mul3A_15, %add3A_16 : i32
    %mul3A_18 = arith.constant 128 : i32
    %mul3A_19 = arith.muli %add3A_17, %mul3A_18 : i32
    %multiple_of3A = tpu.assume_multiple %mul3A_19, 128 : i32
    %dma_start3A = arith.constant 0 : i32
    %dma_start3A_20 = arith.constant 0 : i32
    %dma_start3A_21 = arith.constant 0 : i32
    %dma_start3A_22 = tpu.memref_slice %arg6[%dma_start3A_20, %dma_start3A_21] : memref<2x128xi32, #tpu.memory_space<vmem>> -> memref<1x128xi32, #tpu.memory_space<vmem>>
    %dma_start3A_23 = tpu.memref_squeeze %dma_start3A_22 : memref<1x128xi32, #tpu.memory_space<vmem>> -> memref<128xi32, #tpu.memory_space<vmem>>
    %dma_start3A_24 = tpu.memref_slice %arg2[%dma_start3A, %multiple_of3A] : memref<2x320000xi32, #tpu.memory_space<hbm>> -> memref<1x128xi32, #tpu.memory_space<hbm>>
    %dma_start3A_25 = tpu.memref_squeeze %dma_start3A_24 : memref<1x128xi32, #tpu.memory_space<hbm>> -> memref<128xi32, #tpu.memory_space<hbm>>
    %dma_start3A_26 = arith.constant 0 : i32
    %dma_start3A_27 = tpu.memref_slice %arg6[%dma_start3A_20, %dma_start3A_26] : memref<2x128xi32, #tpu.memory_space<vmem>> -> memref<1x128xi32, #tpu.memory_space<vmem>>
    %dma_start3A_28 = tpu.memref_squeeze %dma_start3A_27 : memref<1x128xi32, #tpu.memory_space<vmem>> -> memref<128xi32, #tpu.memory_space<vmem>>
    %dma_start3A_29 = tpu.memref_slice %arg2[%dma_start3A, %multiple_of3A] : memref<2x320000xi32, #tpu.memory_space<hbm>> -> memref<1x128xi32, #tpu.memory_space<hbm>>
    %dma_start3A_30 = tpu.memref_squeeze %dma_start3A_29 : memref<1x128xi32, #tpu.memory_space<hbm>> -> memref<128xi32, #tpu.memory_space<hbm>>
    tpu.enqueue_dma source(%dma_start3A_30 : memref<128xi32, #tpu.memory_space<hbm>>) target(%dma_start3A_28 : memref<128xi32, #tpu.memory_space<vmem>>) target_semaphore(%arg18 : memref<!tpu.dma_semaphore, #tpu.memory_space<semaphore_mem>>)
    %dma_start3A_31 = arith.constant 0 : i32
    %dma_start3A_32 = arith.constant 0 : i32
    %dma_start3A_33 = tpu.memref_slice %arg7[%dma_start3A_31, %dma_start3A_32] : memref<2x128xi32, #tpu.memory_space<vmem>> -> memref<1x128xi32, #tpu.memory_space<vmem>>
    %dma_start3A_34 = tpu.memref_squeeze %dma_start3A_33 : memref<1x128xi32, #tpu.memory_space<vmem>> -> memref<128xi32, #tpu.memory_space<vmem>>
    %dma_start3A_35 = tpu.memref_slice %arg3[%multiple_of3A] : memref<320000xi32, #tpu.memory_space<hbm>> -> memref<128xi32, #tpu.memory_space<hbm>>
    %dma_start3A_36 = arith.constant 0 : i32
    %dma_start3A_37 = tpu.memref_slice %arg7[%dma_start3A_31, %dma_start3A_36] : memref<2x128xi32, #tpu.memory_space<vmem>> -> memref<1x128xi32, #tpu.memory_space<vmem>>
    %dma_start3A_38 = tpu.memref_squeeze %dma_start3A_37 : memref<1x128xi32, #tpu.memory_space<vmem>> -> memref<128xi32, #tpu.memory_space<vmem>>
    %dma_start3A_39 = tpu.memref_slice %arg3[%multiple_of3A] : memref<320000xi32, #tpu.memory_space<hbm>> -> memref<128xi32, #tpu.memory_space<hbm>>
    tpu.enqueue_dma source(%dma_start3A_39 : memref<128xi32, #tpu.memory_space<hbm>>) target(%dma_start3A_38 : memref<128xi32, #tpu.memory_space<vmem>>) target_semaphore(%arg18 : memref<!tpu.dma_semaphore, #tpu.memory_space<semaphore_mem>>)
    %dma_start3A_40 = arith.constant 1 : i32
    %dma_start3A_41 = arith.constant 0 : i32
    %dma_start3A_42 = arith.constant 0 : i32
    %dma_start3A_43 = tpu.memref_slice %arg8[%dma_start3A_41, %dma_start3A_42] : memref<2x128xi32, #tpu.memory_space<vmem>> -> memref<1x128xi32, #tpu.memory_space<vmem>>
    %dma_start3A_44 = tpu.memref_squeeze %dma_start3A_43 : memref<1x128xi32, #tpu.memory_space<vmem>> -> memref<128xi32, #tpu.memory_space<vmem>>
    %dma_start3A_45 = tpu.memref_slice %arg2[%dma_start3A_40, %multiple_of3A] : memref<2x320000xi32, #tpu.memory_space<hbm>> -> memref<1x128xi32, #tpu.memory_space<hbm>>
    %dma_start3A_46 = tpu.memref_squeeze %dma_start3A_45 : memref<1x128xi32, #tpu.memory_space<hbm>> -> memref<128xi32, #tpu.memory_space<hbm>>
    %dma_start3A_47 = arith.constant 0 : i32
    %dma_start3A_48 = tpu.memref_slice %arg8[%dma_start3A_41, %dma_start3A_47] : memref<2x128xi32, #tpu.memory_space<vmem>> -> memref<1x128xi32, #tpu.memory_space<vmem>>
    %dma_start3A_49 = tpu.memref_squeeze %dma_start3A_48 : memref<1x128xi32, #tpu.memory_space<vmem>> -> memref<128xi32, #tpu.memory_space<vmem>>
    %dma_start3A_50 = tpu.memref_slice %arg2[%dma_start3A_40, %multiple_of3A] : memref<2x320000xi32, #tpu.memory_space<hbm>> -> memref<1x128xi32, #tpu.memory_space<hbm>>
    %dma_start3A_51 = tpu.memref_squeeze %dma_start3A_50 : memref<1x128xi32, #tpu.memory_space<hbm>> -> memref<128xi32, #tpu.memory_space<hbm>>
    tpu.enqueue_dma source(%dma_start3A_51 : memref<128xi32, #tpu.memory_space<hbm>>) target(%dma_start3A_49 : memref<128xi32, #tpu.memory_space<vmem>>) target_semaphore(%arg18 : memref<!tpu.dma_semaphore, #tpu.memory_space<semaphore_mem>>)
    %add3A_52 = arith.constant 0 : i32
    %add3A_53 = arith.addi %mul3A_15, %add3A_52 : i32
    %mul3A_54 = arith.constant 128 : i32
    %mul3A_55 = arith.muli %add3A_53, %mul3A_54 : i32
    %multiple_of3A_56 = tpu.assume_multiple %mul3A_55, 128 : i32
    %dma_wait3A = arith.constant 0 : i32
    %dma_wait3A_57 = arith.constant 0 : i32
    %dma_wait3A_58 = arith.constant 0 : i32
    %dma_wait3A_59 = tpu.memref_slice %arg6[%dma_wait3A_57, %dma_wait3A_58] : memref<2x128xi32, #tpu.memory_space<vmem>> -> memref<1x128xi32, #tpu.memory_space<vmem>>
    %dma_wait3A_60 = tpu.memref_squeeze %dma_wait3A_59 : memref<1x128xi32, #tpu.memory_space<vmem>> -> memref<128xi32, #tpu.memory_space<vmem>>
    %dma_wait3A_61 = tpu.memref_slice %arg2[%dma_wait3A, %multiple_of3A_56] : memref<2x320000xi32, #tpu.memory_space<hbm>> -> memref<1x128xi32, #tpu.memory_space<hbm>>
    %dma_wait3A_62 = tpu.memref_squeeze %dma_wait3A_61 : memref<1x128xi32, #tpu.memory_space<hbm>> -> memref<128xi32, #tpu.memory_space<hbm>>
    %dma_wait3A_63 = arith.constant 0 : i32
    %dma_wait3A_64 = tpu.memref_slice %arg6[%dma_wait3A_57, %dma_wait3A_63] : memref<2x128xi32, #tpu.memory_space<vmem>> -> memref<1x128xi32, #tpu.memory_space<vmem>>
    %dma_wait3A_65 = tpu.memref_squeeze %dma_wait3A_64 : memref<1x128xi32, #tpu.memory_space<vmem>> -> memref<128xi32, #tpu.memory_space<vmem>>
    %dma_wait3A_66 = tpu.memref_slice %arg2[%dma_wait3A, %multiple_of3A_56] : memref<2x320000xi32, #tpu.memory_space<hbm>> -> memref<1x128xi32, #tpu.memory_space<hbm>>
    %dma_wait3A_67 = tpu.memref_squeeze %dma_wait3A_66 : memref<1x128xi32, #tpu.memory_space<hbm>> -> memref<128xi32, #tpu.memory_space<hbm>>
    tpu.wait_dma2 semaphore(%arg18 : memref<!tpu.dma_semaphore, #tpu.memory_space<semaphore_mem>>) src(%dma_wait3A_67 : memref<128xi32, #tpu.memory_space<hbm>>) dst(%dma_wait3A_65 : memref<128xi32, #tpu.memory_space<vmem>>)
    %dma_wait3A_68 = arith.constant 0 : i32
    %dma_wait3A_69 = arith.constant 0 : i32
    %dma_wait3A_70 = tpu.memref_slice %arg7[%dma_wait3A_68, %dma_wait3A_69] : memref<2x128xi32, #tpu.memory_space<vmem>> -> memref<1x128xi32, #tpu.memory_space<vmem>>
    %dma_wait3A_71 = tpu.memref_squeeze %dma_wait3A_70 : memref<1x128xi32, #tpu.memory_space<vmem>> -> memref<128xi32, #tpu.memory_space<vmem>>
    %dma_wait3A_72 = tpu.memref_slice %arg3[%multiple_of3A_56] : memref<320000xi32, #tpu.memory_space<hbm>> -> memref<128xi32, #tpu.memory_space<hbm>>
    %dma_wait3A_73 = arith.constant 0 : i32
    %dma_wait3A_74 = tpu.memref_slice %arg7[%dma_wait3A_68, %dma_wait3A_73] : memref<2x128xi32, #tpu.memory_space<vmem>> -> memref<1x128xi32, #tpu.memory_space<vmem>>
    %dma_wait3A_75 = tpu.memref_squeeze %dma_wait3A_74 : memref<1x128xi32, #tpu.memory_space<vmem>> -> memref<128xi32, #tpu.memory_space<vmem>>
    %dma_wait3A_76 = tpu.memref_slice %arg3[%multiple_of3A_56] : memref<320000xi32, #tpu.memory_space<hbm>> -> memref<128xi32, #tpu.memory_space<hbm>>
    tpu.wait_dma2 semaphore(%arg18 : memref<!tpu.dma_semaphore, #tpu.memory_space<semaphore_mem>>) src(%dma_wait3A_76 : memref<128xi32, #tpu.memory_space<hbm>>) dst(%dma_wait3A_75 : memref<128xi32, #tpu.memory_space<vmem>>)
    %dma_wait3A_77 = arith.constant 1 : i32
    %dma_wait3A_78 = arith.constant 0 : i32
    %dma_wait3A_79 = arith.constant 0 : i32
    %dma_wait3A_80 = tpu.memref_slice %arg8[%dma_wait3A_78, %dma_wait3A_79] : memref<2x128xi32, #tpu.memory_space<vmem>> -> memref<1x128xi32, #tpu.memory_space<vmem>>
    %dma_wait3A_81 = tpu.memref_squeeze %dma_wait3A_80 : memref<1x128xi32, #tpu.memory_space<vmem>> -> memref<128xi32, #tpu.memory_space<vmem>>
    %dma_wait3A_82 = tpu.memref_slice %arg2[%dma_wait3A_77, %multiple_of3A_56] : memref<2x320000xi32, #tpu.memory_space<hbm>> -> memref<1x128xi32, #tpu.memory_space<hbm>>
    %dma_wait3A_83 = tpu.memref_squeeze %dma_wait3A_82 : memref<1x128xi32, #tpu.memory_space<hbm>> -> memref<128xi32, #tpu.memory_space<hbm>>
    %dma_wait3A_84 = arith.constant 0 : i32
    %dma_wait3A_85 = tpu.memref_slice %arg8[%dma_wait3A_78, %dma_wait3A_84] : memref<2x128xi32, #tpu.memory_space<vmem>> -> memref<1x128xi32, #tpu.memory_space<vmem>>
    %dma_wait3A_86 = tpu.memref_squeeze %dma_wait3A_85 : memref<1x128xi32, #tpu.memory_space<vmem>> -> memref<128xi32, #tpu.memory_space<vmem>>
    %dma_wait3A_87 = tpu.memref_slice %arg2[%dma_wait3A_77, %multiple_of3A_56] : memref<2x320000xi32, #tpu.memory_space<hbm>> -> memref<1x128xi32, #tpu.memory_space<hbm>>
    %dma_wait3A_88 = tpu.memref_squeeze %dma_wait3A_87 : memref<1x128xi32, #tpu.memory_space<hbm>> -> memref<128xi32, #tpu.memory_space<hbm>>
    tpu.wait_dma2 semaphore(%arg18 : memref<!tpu.dma_semaphore, #tpu.memory_space<semaphore_mem>>) src(%dma_wait3A_88 : memref<128xi32, #tpu.memory_space<hbm>>) dst(%dma_wait3A_86 : memref<128xi32, #tpu.memory_space<vmem>>)
    %get3A = arith.constant 0 : i32
    %get3A_89 = arith.index_cast %get3A : i32 to index
    %get3A_90 = arith.constant 0 : index
    %get3A_91 = tpu.vector_load %arg6[%get3A_89, %get3A_90] {strides = array<i32>} : memref<2x128xi32, #tpu.memory_space<vmem>>, vector<1x16xi32>,
    %get3A_92 = vector.shape_cast %get3A_91 : vector<1x16xi32> to vector<16xi32>
    %get3A_93 = arith.constant 0 : i32
    %get3A_94 = arith.index_cast %get3A_93 : i32 to index
    %get3A_95 = arith.constant 0 : index
    %get3A_96 = tpu.vector_load %arg7[%get3A_94, %get3A_95] {strides = array<i32>} : memref<2x128xi32, #tpu.memory_space<vmem>>, vector<1x16xi32>,
    %get3A_97 = vector.shape_cast %get3A_96 : vector<1x16xi32> to vector<16xi32>
    %mul3A_98 = arith.constant 8 : i32
    %mul3A_99 = vector.broadcast %mul3A_98 : i32 to vector<16xi32>
    %mul3A_100 = arith.muli %get3A_92, %mul3A_99 : vector<16xi32>
    %add3A_101 = arith.addi %mul3A_100, %get3A_97 : vector<16xi32>
    %swap3A = arith.constant 0 : i32
    %swap3A_102 = arith.index_cast %swap3A : i32 to index
    %swap3A_103 = arith.constant 0 : index
    %swap3A_104 = tpu.vector_load %arg10[%swap3A_102, %swap3A_103] {strides = array<i32>} : memref<2x128xi32, #tpu.memory_space<vmem>>, vector<1x16xi32>,
    %swap3A_105 = vector.shape_cast %swap3A_104 : vector<1x16xi32> to vector<16xi32>
    %swap3A_106 = vector.shape_cast %add3A_101 : vector<16xi32> to vector<1x16xi32>
    tpu.vector_store %arg10[%swap3A_102, %swap3A_103], %swap3A_106 {strides = array<i32>} : memref<2x128xi32, #tpu.memory_space<vmem>>, vector<1x16xi32>,
    %get3A_107 = arith.constant 0 : i32
    %get3A_108 = arith.index_cast %get3A_107 : i32 to index
    %get3A_109 = arith.constant 0 : index
    %get3A_110 = tpu.vector_load %arg8[%get3A_108, %get3A_109] {strides = array<i32>} : memref<2x128xi32, #tpu.memory_space<vmem>>, vector<1x16xi32>,
    %get3A_111 = vector.shape_cast %get3A_110 : vector<1x16xi32> to vector<16xi32>
    %swap3A_112 = arith.constant 0 : i32
    %swap3A_113 = arith.index_cast %swap3A_112 : i32 to index
    %swap3A_114 = arith.constant 0 : index
    %swap3A_115 = tpu.vector_load %arg9[%swap3A_113, %swap3A_114] {strides = array<i32>} : memref<2x128xi32, #tpu.memory_space<vmem>>, vector<1x16xi32>,
    %swap3A_116 = vector.shape_cast %swap3A_115 : vector<1x16xi32> to vector<16xi32>
    %swap3A_117 = vector.shape_cast %get3A_111 : vector<16xi32> to vector<1x16xi32>
    tpu.vector_store %arg9[%swap3A_113, %swap3A_114], %swap3A_117 {strides = array<i32>} : memref<2x128xi32, #tpu.memory_space<vmem>>, vector<1x16xi32>,
    %get3A_118 = arith.constant 0 : i32
    %get3A_119 = arith.index_cast %get3A_118 : i32 to index
    %get3A_120 = arith.constant 16 : index
    %get3A_121 = tpu.vector_load %arg6[%get3A_119, %get3A_120] {strides = array<i32>} : memref<2x128xi32, #tpu.memory_space<vmem>>, vector<1x16xi32>,
    %get3A_122 = vector.shape_cast %get3A_121 : vector<1x16xi32> to vector<16xi32>
    %get3A_123 = arith.constant 0 : i32
    %get3A_124 = arith.index_cast %get3A_123 : i32 to index
    %get3A_125 = arith.constant 16 : index
    %get3A_126 = tpu.vector_load %arg7[%get3A_124, %get3A_125] {strides = array<i32>} : memref<2x128xi32, #tpu.memory_space<vmem>>, vector<1x16xi32>,
    %get3A_127 = vector.shape_cast %get3A_126 : vector<1x16xi32> to vector<16xi32>
    %mul3A_128 = arith.constant 8 : i32
    %mul3A_129 = vector.broadcast %mul3A_128 : i32 to vector<16xi32>
    %mul3A_130 = arith.muli %get3A_122, %mul3A_129 : vector<16xi32>
    %add3A_131 = arith.addi %mul3A_130, %get3A_127 : vector<16xi32>
    %swap3A_132 = arith.constant 0 : i32
    %swap3A_133 = arith.index_cast %swap3A_132 : i32 to index
    %swap3A_134 = arith.constant 16 : index
    %swap3A_135 = tpu.vector_load %arg10[%swap3A_133, %swap3A_134] {strides = array<i32>} : memref<2x128xi32, #tpu.memory_space<vmem>>, vector<1x16xi32>,
    %swap3A_136 = vector.shape_cast %swap3A_135 : vector<1x16xi32> to vector<16xi32>
    %swap3A_137 = vector.shape_cast %add3A_131 : vector<16xi32> to vector<1x16xi32>
    tpu.vector_store %arg10[%swap3A_133, %swap3A_134], %swap3A_137 {strides = array<i32>} : memref<2x128xi32, #tpu.memory_space<vmem>>, vector<1x16xi32>,
    %get3A_138 = arith.constant 0 : i32
    %get3A_139 = arith.index_cast %get3A_138 : i32 to index
    %get3A_140 = arith.constant 16 : index
    %get3A_141 = tpu.vector_load %arg8[%get3A_139, %get3A_140] {strides = array<i32>} : memref<2x128xi32, #tpu.memory_space<vmem>>, vector<1x16xi32>,
    %get3A_142 = vector.shape_cast %get3A_141 : vector<1x16xi32> to vector<16xi32>
    %swap3A_143 = arith.constant 0 : i32
    %swap3A_144 = arith.index_cast %swap3A_143 : i32 to index
    %swap3A_145 = arith.constant 16 : index
    %swap3A_146 = tpu.vector_load %arg9[%swap3A_144, %swap3A_145] {strides = array<i32>} : memref<2x128xi32, #tpu.memory_space<vmem>>, vector<1x16xi32>,
    %swap3A_147 = vector.shape_cast %swap3A_146 : vector<1x16xi32> to vector<16xi32>
    %swap3A_148 = vector.shape_cast %get3A_142 : vector<16xi32> to vector<1x16xi32>
    tpu.vector_store %arg9[%swap3A_144, %swap3A_145], %swap3A_148 {strides = array<i32>} : memref<2x128xi32, #tpu.memory_space<vmem>>, vector<1x16xi32>,
    %get3A_149 = arith.constant 0 : i32
    %get3A_150 = arith.index_cast %get3A_149 : i32 to index
    %get3A_151 = arith.constant 32 : index
    %get3A_152 = tpu.vector_load %arg6[%get3A_150, %get3A_151] {strides = array<i32>} : memref<2x128xi32, #tpu.memory_space<vmem>>, vector<1x16xi32>,
    %get3A_153 = vector.shape_cast %get3A_152 : vector<1x16xi32> to vector<16xi32>
    %get3A_154 = arith.constant 0 : i32
    %get3A_155 = arith.index_cast %get3A_154 : i32 to index
    %get3A_156 = arith.constant 32 : index
    %get3A_157 = tpu.vector_load %arg7[%get3A_155, %get3A_156] {strides = array<i32>} : memref<2x128xi32, #tpu.memory_space<vmem>>, vector<1x16xi32>,
    %get3A_158 = vector.shape_cast %get3A_157 : vector<1x16xi32> to vector<16xi32>
    %mul3A_159 = arith.constant 8 : i32
    %mul3A_160 = vector.broadcast %mul3A_159 : i32 to vector<16xi32>
    %mul3A_161 = arith.muli %get3A_153, %mul3A_160 : vector<16xi32>
    %add3A_162 = arith.addi %mul3A_161, %get3A_158 : vector<16xi32>
    %swap3A_163 = arith.constant 0 : i32
    %swap3A_164 = arith.index_cast %swap3A_163 : i32 to index
    %swap3A_165 = arith.constant 32 : index
    %swap3A_166 = tpu.vector_load %arg10[%swap3A_164, %swap3A_165] {strides = array<i32>} : memref<2x128xi32, #tpu.memory_space<vmem>>, vector<1x16xi32>,
    %swap3A_167 = vector.shape_cast %swap3A_166 : vector<1x16xi32> to vector<16xi32>
    %swap3A_168 = vector.shape_cast %add3A_162 : vector<16xi32> to vector<1x16xi32>
    tpu.vector_store %arg10[%swap3A_164, %swap3A_165], %swap3A_168 {strides = array<i32>} : memref<2x128xi32, #tpu.memory_space<vmem>>, vector<1x16xi32>,
    %get3A_169 = arith.constant 0 : i32
    %get3A_170 = arith.index_cast %get3A_169 : i32 to index
    %get3A_171 = arith.constant 32 : index
    %get3A_172 = tpu.vector_load %arg8[%get3A_170, %get3A_171] {strides = array<i32>} : memref<2x128xi32, #tpu.memory_space<vmem>>, vector<1x16xi32>,
    %get3A_173 = vector.shape_cast %get3A_172 : vector<1x16xi32> to vector<16xi32>
    %swap3A_174 = arith.constant 0 : i32
    %swap3A_175 = arith.index_cast %swap3A_174 : i32 to index
    %swap3A_176 = arith.constant 32 : index
    %swap3A_177 = tpu.vector_load %arg9[%swap3A_175, %swap3A_176] {strides = array<i32>} : memref<2x128xi32, #tpu.memory_space<vmem>>, vector<1x16xi32>,
    %swap3A_178 = vector.shape_cast %swap3A_177 : vector<1x16xi32> to vector<16xi32>
    %swap3A_179 = vector.shape_cast %get3A_173 : vector<16xi32> to vector<1x16xi32>
    tpu.vector_store %arg9[%swap3A_175, %swap3A_176], %swap3A_179 {strides = array<i32>} : memref<2x128xi32, #tpu.memory_space<vmem>>, vector<1x16xi32>,
    %get3A_180 = arith.constant 0 : i32
    %get3A_181 = arith.index_cast %get3A_180 : i32 to index
    %get3A_182 = arith.constant 48 : index
    %get3A_183 = tpu.vector_load %arg6[%get3A_181, %get3A_182] {strides = array<i32>} : memref<2x128xi32, #tpu.memory_space<vmem>>, vector<1x16xi32>,
    %get3A_184 = vector.shape_cast %get3A_183 : vector<1x16xi32> to vector<16xi32>
    %get3A_185 = arith.constant 0 : i32
    %get3A_186 = arith.index_cast %get3A_185 : i32 to index
    %get3A_187 = arith.constant 48 : index
    %get3A_188 = tpu.vector_load %arg7[%get3A_186, %get3A_187] {strides = array<i32>} : memref<2x128xi32, #tpu.memory_space<vmem>>, vector<1x16xi32>,
    %get3A_189 = vector.shape_cast %get3A_188 : vector<1x16xi32> to vector<16xi32>
    %mul3A_190 = arith.constant 8 : i32
    %mul3A_191 = vector.broadcast %mul3A_190 : i32 to vector<16xi32>
    %mul3A_192 = arith.muli %get3A_184, %mul3A_191 : vector<16xi32>
    %add3A_193 = arith.addi %mul3A_192, %get3A_189 : vector<16xi32>
    %swap3A_194 = arith.constant 0 : i32
    %swap3A_195 = arith.index_cast %swap3A_194 : i32 to index
    %swap3A_196 = arith.constant 48 : index
    %swap3A_197 = tpu.vector_load %arg10[%swap3A_195, %swap3A_196] {strides = array<i32>} : memref<2x128xi32, #tpu.memory_space<vmem>>, vector<1x16xi32>,
    %swap3A_198 = vector.shape_cast %swap3A_197 : vector<1x16xi32> to vector<16xi32>
    %swap3A_199 = vector.shape_cast %add3A_193 : vector<16xi32> to vector<1x16xi32>
    tpu.vector_store %arg10[%swap3A_195, %swap3A_196], %swap3A_199 {strides = array<i32>} : memref<2x128xi32, #tpu.memory_space<vmem>>, vector<1x16xi32>,
    %get3A_200 = arith.constant 0 : i32
    %get3A_201 = arith.index_cast %get3A_200 : i32 to index
    %get3A_202 = arith.constant 48 : index
    %get3A_203 = tpu.vector_load %arg8[%get3A_201, %get3A_202] {strides = array<i32>} : memref<2x128xi32, #tpu.memory_space<vmem>>, vector<1x16xi32>,
    %get3A_204 = vector.shape_cast %get3A_203 : vector<1x16xi32> to vector<16xi32>
    %swap3A_205 = arith.constant 0 : i32
    %swap3A_206 = arith.index_cast %swap3A_205 : i32 to index
    %swap3A_207 = arith.constant 48 : index
    %swap3A_208 = tpu.vector_load %arg9[%swap3A_206, %swap3A_207] {strides = array<i32>} : memref<2x128xi32, #tpu.memory_space<vmem>>, vector<1x16xi32>,
    %swap3A_209 = vector.shape_cast %swap3A_208 : vector<1x16xi32> to vector<16xi32>
    %swap3A_210 = vector.shape_cast %get3A_204 : vector<16xi32> to vector<1x16xi32>
    tpu.vector_store %arg9[%swap3A_206, %swap3A_207], %swap3A_210 {strides = array<i32>} : memref<2x128xi32, #tpu.memory_space<vmem>>, vector<1x16xi32>,
    %get3A_211 = arith.constant 0 : i32
    %get3A_212 = arith.index_cast %get3A_211 : i32 to index
    %get3A_213 = arith.constant 64 : index
    %get3A_214 = tpu.vector_load %arg6[%get3A_212, %get3A_213] {strides = array<i32>} : memref<2x128xi32, #tpu.memory_space<vmem>>, vector<1x16xi32>,
    %get3A_215 = vector.shape_cast %get3A_214 : vector<1x16xi32> to vector<16xi32>
    %get3A_216 = arith.constant 0 : i32
    %get3A_217 = arith.index_cast %get3A_216 : i32 to index
    %get3A_218 = arith.constant 64 : index
    %get3A_219 = tpu.vector_load %arg7[%get3A_217, %get3A_218] {strides = array<i32>} : memref<2x128xi32, #tpu.memory_space<vmem>>, vector<1x16xi32>,
    %get3A_220 = vector.shape_cast %get3A_219 : vector<1x16xi32> to vector<16xi32>
    %mul3A_221 = arith.constant 8 : i32
    %mul3A_222 = vector.broadcast %mul3A_221 : i32 to vector<16xi32>
    %mul3A_223 = arith.muli %get3A_215, %mul3A_222 : vector<16xi32>
    %add3A_224 = arith.addi %mul3A_223, %get3A_220 : vector<16xi32>
    %swap3A_225 = arith.constant 0 : i32
    %swap3A_226 = arith.index_cast %swap3A_225 : i32 to index
    %swap3A_227 = arith.constant 64 : index
    %swap3A_228 = tpu.vector_load %arg10[%swap3A_226, %swap3A_227] {strides = array<i32>} : memref<2x128xi32, #tpu.memory_space<vmem>>, vector<1x16xi32>,
    %swap3A_229 = vector.shape_cast %swap3A_228 : vector<1x16xi32> to vector<16xi32>
    %swap3A_230 = vector.shape_cast %add3A_224 : vector<16xi32> to vector<1x16xi32>
    tpu.vector_store %arg10[%swap3A_226, %swap3A_227], %swap3A_230 {strides = array<i32>} : memref<2x128xi32, #tpu.memory_space<vmem>>, vector<1x16xi32>,
    %get3A_231 = arith.constant 0 : i32
    %get3A_232 = arith.index_cast %get3A_231 : i32 to index
    %get3A_233 = arith.constant 64 : index
    %get3A_234 = tpu.vector_load %arg8[%get3A_232, %get3A_233] {strides = array<i32>} : memref<2x128xi32, #tpu.memory_space<vmem>>, vector<1x16xi32>,
    %get3A_235 = vector.shape_cast %get3A_234 : vector<1x16xi32> to vector<16xi32>
    %swap3A_236 = arith.constant 0 : i32
    %swap3A_237 = arith.index_cast %swap3A_236 : i32 to index
    %swap3A_238 = arith.constant 64 : index
    %swap3A_239 = tpu.vector_load %arg9[%swap3A_237, %swap3A_238] {strides = array<i32>} : memref<2x128xi32, #tpu.memory_space<vmem>>, vector<1x16xi32>,
    %swap3A_240 = vector.shape_cast %swap3A_239 : vector<1x16xi32> to vector<16xi32>
    %swap3A_241 = vector.shape_cast %get3A_235 : vector<16xi32> to vector<1x16xi32>
    tpu.vector_store %arg9[%swap3A_237, %swap3A_238], %swap3A_241 {strides = array<i32>} : memref<2x128xi32, #tpu.memory_space<vmem>>, vector<1x16xi32>,
    %get3A_242 = arith.constant 0 : i32
    %get3A_243 = arith.index_cast %get3A_242 : i32 to index
    %get3A_244 = arith.constant 80 : index
    %get3A_245 = tpu.vector_load %arg6[%get3A_243, %get3A_244] {strides = array<i32>} : memref<2x128xi32, #tpu.memory_space<vmem>>, vector<1x16xi32>,
    %get3A_246 = vector.shape_cast %get3A_245 : vector<1x16xi32> to vector<16xi32>
    %get3A_247 = arith.constant 0 : i32
    %get3A_248 = arith.index_cast %get3A_247 : i32 to index
    %get3A_249 = arith.constant 80 : index
    %get3A_250 = tpu.vector_load %arg7[%get3A_248, %get3A_249] {strides = array<i32>} : memref<2x128xi32, #tpu.memory_space<vmem>>, vector<1x16xi32>,
    %get3A_251 = vector.shape_cast %get3A_250 : vector<1x16xi32> to vector<16xi32>
    %mul3A_252 = arith.constant 8 : i32
    %mul3A_253 = vector.broadcast %mul3A_252 : i32 to vector<16xi32>
    %mul3A_254 = arith.muli %get3A_246, %mul3A_253 : vector<16xi32>
    %add3A_255 = arith.addi %mul3A_254, %get3A_251 : vector<16xi32>
    %swap3A_256 = arith.constant 0 : i32
    %swap3A_257 = arith.index_cast %swap3A_256 : i32 to index
    %swap3A_258 = arith.constant 80 : index
    %swap3A_259 = tpu.vector_load %arg10[%swap3A_257, %swap3A_258] {strides = array<i32>} : memref<2x128xi32, #tpu.memory_space<vmem>>, vector<1x16xi32>,
    %swap3A_260 = vector.shape_cast %swap3A_259 : vector<1x16xi32> to vector<16xi32>
    %swap3A_261 = vector.shape_cast %add3A_255 : vector<16xi32> to vector<1x16xi32>
    tpu.vector_store %arg10[%swap3A_257, %swap3A_258], %swap3A_261 {strides = array<i32>} : memref<2x128xi32, #tpu.memory_space<vmem>>, vector<1x16xi32>,
    %get3A_262 = arith.constant 0 : i32
    %get3A_263 = arith.index_cast %get3A_262 : i32 to index
    %get3A_264 = arith.constant 80 : index
    %get3A_265 = tpu.vector_load %arg8[%get3A_263, %get3A_264] {strides = array<i32>} : memref<2x128xi32, #tpu.memory_space<vmem>>, vector<1x16xi32>,
    %get3A_266 = vector.shape_cast %get3A_265 : vector<1x16xi32> to vector<16xi32>
    %swap3A_267 = arith.constant 0 : i32
    %swap3A_268 = arith.index_cast %swap3A_267 : i32 to index
    %swap3A_269 = arith.constant 80 : index
    %swap3A_270 = tpu.vector_load %arg9[%swap3A_268, %swap3A_269] {strides = array<i32>} : memref<2x128xi32, #tpu.memory_space<vmem>>, vector<1x16xi32>,
    %swap3A_271 = vector.shape_cast %swap3A_270 : vector<1x16xi32> to vector<16xi32>
    %swap3A_272 = vector.shape_cast %get3A_266 : vector<16xi32> to vector<1x16xi32>
    tpu.vector_store %arg9[%swap3A_268, %swap3A_269], %swap3A_272 {strides = array<i32>} : memref<2x128xi32, #tpu.memory_space<vmem>>, vector<1x16xi32>,
    %get3A_273 = arith.constant 0 : i32
    %get3A_274 = arith.index_cast %get3A_273 : i32 to index
    %get3A_275 = arith.constant 96 : index
    %get3A_276 = tpu.vector_load %arg6[%get3A_274, %get3A_275] {strides = array<i32>} : memref<2x128xi32, #tpu.memory_space<vmem>>, vector<1x16xi32>,
    %get3A_277 = vector.shape_cast %get3A_276 : vector<1x16xi32> to vector<16xi32>
    %get3A_278 = arith.constant 0 : i32
    %get3A_279 = arith.index_cast %get3A_278 : i32 to index
    %get3A_280 = arith.constant 96 : index
    %get3A_281 = tpu.vector_load %arg7[%get3A_279, %get3A_280] {strides = array<i32>} : memref<2x128xi32, #tpu.memory_space<vmem>>, vector<1x16xi32>,
    %get3A_282 = vector.shape_cast %get3A_281 : vector<1x16xi32> to vector<16xi32>
    %mul3A_283 = arith.constant 8 : i32
    %mul3A_284 = vector.broadcast %mul3A_283 : i32 to vector<16xi32>
    %mul3A_285 = arith.muli %get3A_277, %mul3A_284 : vector<16xi32>
    %add3A_286 = arith.addi %mul3A_285, %get3A_282 : vector<16xi32>
    %swap3A_287 = arith.constant 0 : i32
    %swap3A_288 = arith.index_cast %swap3A_287 : i32 to index
    %swap3A_289 = arith.constant 96 : index
    %swap3A_290 = tpu.vector_load %arg10[%swap3A_288, %swap3A_289] {strides = array<i32>} : memref<2x128xi32, #tpu.memory_space<vmem>>, vector<1x16xi32>,
    %swap3A_291 = vector.shape_cast %swap3A_290 : vector<1x16xi32> to vector<16xi32>
    %swap3A_292 = vector.shape_cast %add3A_286 : vector<16xi32> to vector<1x16xi32>
    tpu.vector_store %arg10[%swap3A_288, %swap3A_289], %swap3A_292 {strides = array<i32>} : memref<2x128xi32, #tpu.memory_space<vmem>>, vector<1x16xi32>,
    %get3A_293 = arith.constant 0 : i32
    %get3A_294 = arith.index_cast %get3A_293 : i32 to index
    %get3A_295 = arith.constant 96 : index
    %get3A_296 = tpu.vector_load %arg8[%get3A_294, %get3A_295] {strides = array<i32>} : memref<2x128xi32, #tpu.memory_space<vmem>>, vector<1x16xi32>,
    %get3A_297 = vector.shape_cast %get3A_296 : vector<1x16xi32> to vector<16xi32>
    %swap3A_298 = arith.constant 0 : i32
    %swap3A_299 = arith.index_cast %swap3A_298 : i32 to index
    %swap3A_300 = arith.constant 96 : index
    %swap3A_301 = tpu.vector_load %arg9[%swap3A_299, %swap3A_300] {strides = array<i32>} : memref<2x128xi32, #tpu.memory_space<vmem>>, vector<1x16xi32>,
    %swap3A_302 = vector.shape_cast %swap3A_301 : vector<1x16xi32> to vector<16xi32>
    %swap3A_303 = vector.shape_cast %get3A_297 : vector<16xi32> to vector<1x16xi32>
    tpu.vector_store %arg9[%swap3A_299, %swap3A_300], %swap3A_303 {strides = array<i32>} : memref<2x128xi32, #tpu.memory_space<vmem>>, vector<1x16xi32>,
    %get3A_304 = arith.constant 0 : i32
    %get3A_305 = arith.index_cast %get3A_304 : i32 to index
    %get3A_306 = arith.constant 112 : index
    %get3A_307 = tpu.vector_load %arg6[%get3A_305, %get3A_306] {strides = array<i32>} : memref<2x128xi32, #tpu.memory_space<vmem>>, vector<1x16xi32>,
    %get3A_308 = vector.shape_cast %get3A_307 : vector<1x16xi32> to vector<16xi32>
    %get3A_309 = arith.constant 0 : i32
    %get3A_310 = arith.index_cast %get3A_309 : i32 to index
    %get3A_311 = arith.constant 112 : index
    %get3A_312 = tpu.vector_load %arg7[%get3A_310, %get3A_311] {strides = array<i32>} : memref<2x128xi32, #tpu.memory_space<vmem>>, vector<1x16xi32>,
    %get3A_313 = vector.shape_cast %get3A_312 : vector<1x16xi32> to vector<16xi32>
    %mul3A_314 = arith.constant 8 : i32
    %mul3A_315 = vector.broadcast %mul3A_314 : i32 to vector<16xi32>
    %mul3A_316 = arith.muli %get3A_308, %mul3A_315 : vector<16xi32>
    %add3A_317 = arith.addi %mul3A_316, %get3A_313 : vector<16xi32>
    %swap3A_318 = arith.constant 0 : i32
    %swap3A_319 = arith.index_cast %swap3A_318 : i32 to index
    %swap3A_320 = arith.constant 112 : index
    %swap3A_321 = tpu.vector_load %arg10[%swap3A_319, %swap3A_320] {strides = array<i32>} : memref<2x128xi32, #tpu.memory_space<vmem>>, vector<1x16xi32>,
    %swap3A_322 = vector.shape_cast %swap3A_321 : vector<1x16xi32> to vector<16xi32>
    %swap3A_323 = vector.shape_cast %add3A_317 : vector<16xi32> to vector<1x16xi32>
    tpu.vector_store %arg10[%swap3A_319, %swap3A_320], %swap3A_323 {strides = array<i32>} : memref<2x128xi32, #tpu.memory_space<vmem>>, vector<1x16xi32>,
    %get3A_324 = arith.constant 0 : i32
    %get3A_325 = arith.index_cast %get3A_324 : i32 to index
    %get3A_326 = arith.constant 112 : index
    %get3A_327 = tpu.vector_load %arg8[%get3A_325, %get3A_326] {strides = array<i32>} : memref<2x128xi32, #tpu.memory_space<vmem>>, vector<1x16xi32>,
    %get3A_328 = vector.shape_cast %get3A_327 : vector<1x16xi32> to vector<16xi32>
    %swap3A_329 = arith.constant 0 : i32
    %swap3A_330 = arith.index_cast %swap3A_329 : i32 to index
    %swap3A_331 = arith.constant 112 : index
    %swap3A_332 = tpu.vector_load %arg9[%swap3A_330, %swap3A_331] {strides = array<i32>} : memref<2x128xi32, #tpu.memory_space<vmem>>, vector<1x16xi32>,
    %swap3A_333 = vector.shape_cast %swap3A_332 : vector<1x16xi32> to vector<16xi32>
    %swap3A_334 = vector.shape_cast %get3A_328 : vector<16xi32> to vector<1x16xi32>
    tpu.vector_store %arg9[%swap3A_330, %swap3A_331], %swap3A_334 {strides = array<i32>} : memref<2x128xi32, #tpu.memory_space<vmem>>, vector<1x16xi32>,
    %dma_start3A_335 = arith.constant 0 : i32
    %dma_start3A_336 = arith.constant 0 : i32
    %dma_start3A_337 = arith.constant 0 : i32
    %dma_start3A_338 = arith.constant 0 : i32
    %dma_start3A_339 = tpu.memref_slice %arg11[%dma_start3A_336, %dma_start3A_337, %dma_start3A_338] : memref<2x128x128xf32, #tpu.memory_space<vmem>> -> memref<1x128x128xf32, #tpu.memory_space<vmem>>
    %dma_start3A_340 = tpu.memref_squeeze %dma_start3A_339 : memref<1x128x128xf32, #tpu.memory_space<vmem>> -> memref<128x128xf32, #tpu.memory_space<vmem>>
    %dma_start3A_341 = arith.constant 0 : i32
    %dma_start3A_342 = tpu.memref_slice %arg10[%dma_start3A_335, %dma_start3A_341] : memref<2x128xi32, #tpu.memory_space<vmem>> -> memref<1x128xi32, #tpu.memory_space<vmem>>
    %dma_start3A_343 = tpu.memref_squeeze %dma_start3A_342 : memref<1x128xi32, #tpu.memory_space<vmem>> -> memref<128xi32, #tpu.memory_space<vmem>>
    %dma_start3A_344 = arith.constant 0 : i32
    %dma_start3A_345 = arith.constant 0 : i32
    %dma_start3A_346 = tpu.memref_slice %arg4[%dma_start3A_344, %dma_start3A_345] : memref<81920x128xf32, #tpu.memory_space<hbm>> -> memref<81920x128xf32, #tpu.memory_space<hbm>>
    tpu.enqueue_indirect_dma source(%dma_start3A_346 : memref<81920x128xf32, #tpu.memory_space<hbm>>) target(%dma_start3A_340 : memref<128x128xf32, #tpu.memory_space<vmem>>) offsets(%dma_start3A_343 : memref<128xi32, #tpu.memory_space<vmem>>) semaphore(%arg14 : memref<!tpu.dma_semaphore, #tpu.memory_space<semaphore_mem>>)
    %add3A_347 = arith.constant 1 : i32
    %add3A_348 = arith.addi %mul3A_15, %add3A_347 : i32
    %mul3A_349 = arith.constant 128 : i32
    %mul3A_350 = arith.muli %add3A_348, %mul3A_349 : i32
    %multiple_of3A_351 = tpu.assume_multiple %mul3A_350, 128 : i32
    %dma_start3A_352 = arith.constant 0 : i32
    %dma_start3A_353 = arith.constant 1 : i32
    %dma_start3A_354 = arith.constant 0 : i32
    %dma_start3A_355 = tpu.memref_slice %arg6[%dma_start3A_353, %dma_start3A_354] : memref<2x128xi32, #tpu.memory_space<vmem>> -> memref<1x128xi32, #tpu.memory_space<vmem>>
    %dma_start3A_356 = tpu.memref_squeeze %dma_start3A_355 : memref<1x128xi32, #tpu.memory_space<vmem>> -> memref<128xi32, #tpu.memory_space<vmem>>
    %dma_start3A_357 = tpu.memref_slice %arg2[%dma_start3A_352, %multiple_of3A_351] : memref<2x320000xi32, #tpu.memory_space<hbm>> -> memref<1x128xi32, #tpu.memory_space<hbm>>
    %dma_start3A_358 = tpu.memref_squeeze %dma_start3A_357 : memref<1x128xi32, #tpu.memory_space<hbm>> -> memref<128xi32, #tpu.memory_space<hbm>>
    %dma_start3A_359 = arith.constant 0 : i32
    %dma_start3A_360 = tpu.memref_slice %arg6[%dma_start3A_353, %dma_start3A_359] : memref<2x128xi32, #tpu.memory_space<vmem>> -> memref<1x128xi32, #tpu.memory_space<vmem>>
    %dma_start3A_361 = tpu.memref_squeeze %dma_start3A_360 : memref<1x128xi32, #tpu.memory_space<vmem>> -> memref<128xi32, #tpu.memory_space<vmem>>
    %dma_start3A_362 = tpu.memref_slice %arg2[%dma_start3A_352, %multiple_of3A_351] : memref<2x320000xi32, #tpu.memory_space<hbm>> -> memref<1x128xi32, #tpu.memory_space<hbm>>
    %dma_start3A_363 = tpu.memref_squeeze %dma_start3A_362 : memref<1x128xi32, #tpu.memory_space<hbm>> -> memref<128xi32, #tpu.memory_space<hbm>>
    tpu.enqueue_dma source(%dma_start3A_363 : memref<128xi32, #tpu.memory_space<hbm>>) target(%dma_start3A_361 : memref<128xi32, #tpu.memory_space<vmem>>) target_semaphore(%arg19 : memref<!tpu.dma_semaphore, #tpu.memory_space<semaphore_mem>>)
    %dma_start3A_364 = arith.constant 1 : i32
    %dma_start3A_365 = arith.constant 0 : i32
    %dma_start3A_366 = tpu.memref_slice %arg7[%dma_start3A_364, %dma_start3A_365] : memref<2x128xi32, #tpu.memory_space<vmem>> -> memref<1x128xi32, #tpu.memory_space<vmem>>
    %dma_start3A_367 = tpu.memref_squeeze %dma_start3A_366 : memref<1x128xi32, #tpu.memory_space<vmem>> -> memref<128xi32, #tpu.memory_space<vmem>>
    %dma_start3A_368 = tpu.memref_slice %arg3[%multiple_of3A_351] : memref<320000xi32, #tpu.memory_space<hbm>> -> memref<128xi32, #tpu.memory_space<hbm>>
    %dma_start3A_369 = arith.constant 0 : i32
    %dma_start3A_370 = tpu.memref_slice %arg7[%dma_start3A_364, %dma_start3A_369] : memref<2x128xi32, #tpu.memory_space<vmem>> -> memref<1x128xi32, #tpu.memory_space<vmem>>
    %dma_start3A_371 = tpu.memref_squeeze %dma_start3A_370 : memref<1x128xi32, #tpu.memory_space<vmem>> -> memref<128xi32, #tpu.memory_space<vmem>>
    %dma_start3A_372 = tpu.memref_slice %arg3[%multiple_of3A_351] : memref<320000xi32, #tpu.memory_space<hbm>> -> memref<128xi32, #tpu.memory_space<hbm>>
    tpu.enqueue_dma source(%dma_start3A_372 : memref<128xi32, #tpu.memory_space<hbm>>) target(%dma_start3A_371 : memref<128xi32, #tpu.memory_space<vmem>>) target_semaphore(%arg19 : memref<!tpu.dma_semaphore, #tpu.memory_space<semaphore_mem>>)
    %dma_start3A_373 = arith.constant 1 : i32
    %dma_start3A_374 = arith.constant 1 : i32
    %dma_start3A_375 = arith.constant 0 : i32
    %dma_start3A_376 = tpu.memref_slice %arg8[%dma_start3A_374, %dma_start3A_375] : memref<2x128xi32, #tpu.memory_space<vmem>> -> memref<1x128xi32, #tpu.memory_space<vmem>>
    %dma_start3A_377 = tpu.memref_squeeze %dma_start3A_376 : memref<1x128xi32, #tpu.memory_space<vmem>> -> memref<128xi32, #tpu.memory_space<vmem>>
    %dma_start3A_378 = tpu.memref_slice %arg2[%dma_start3A_373, %multiple_of3A_351] : memref<2x320000xi32, #tpu.memory_space<hbm>> -> memref<1x128xi32, #tpu.memory_space<hbm>>
    %dma_start3A_379 = tpu.memref_squeeze %dma_start3A_378 : memref<1x128xi32, #tpu.memory_space<hbm>> -> memref<128xi32, #tpu.memory_space<hbm>>
    %dma_start3A_380 = arith.constant 0 : i32
    %dma_start3A_381 = tpu.memref_slice %arg8[%dma_start3A_374, %dma_start3A_380] : memref<2x128xi32, #tpu.memory_space<vmem>> -> memref<1x128xi32, #tpu.memory_space<vmem>>
    %dma_start3A_382 = tpu.memref_squeeze %dma_start3A_381 : memref<1x128xi32, #tpu.memory_space<vmem>> -> memref<128xi32, #tpu.memory_space<vmem>>
    %dma_start3A_383 = tpu.memref_slice %arg2[%dma_start3A_373, %multiple_of3A_351] : memref<2x320000xi32, #tpu.memory_space<hbm>> -> memref<1x128xi32, #tpu.memory_space<hbm>>
    %dma_start3A_384 = tpu.memref_squeeze %dma_start3A_383 : memref<1x128xi32, #tpu.memory_space<hbm>> -> memref<128xi32, #tpu.memory_space<hbm>>
    tpu.enqueue_dma source(%dma_start3A_384 : memref<128xi32, #tpu.memory_space<hbm>>) target(%dma_start3A_382 : memref<128xi32, #tpu.memory_space<vmem>>) target_semaphore(%arg19 : memref<!tpu.dma_semaphore, #tpu.memory_space<semaphore_mem>>)
    %add3A_385 = arith.constant 1 : i32
    %add3A_386 = arith.addi %mul3A_15, %add3A_385 : i32
    %mul3A_387 = arith.constant 128 : i32
    %mul3A_388 = arith.muli %add3A_386, %mul3A_387 : i32
    %multiple_of3A_389 = tpu.assume_multiple %mul3A_388, 128 : i32
    %dma_wait3A_390 = arith.constant 0 : i32
    %dma_wait3A_391 = arith.constant 1 : i32
    %dma_wait3A_392 = arith.constant 0 : i32
    %dma_wait3A_393 = tpu.memref_slice %arg6[%dma_wait3A_391, %dma_wait3A_392] : memref<2x128xi32, #tpu.memory_space<vmem>> -> memref<1x128xi32, #tpu.memory_space<vmem>>
    %dma_wait3A_394 = tpu.memref_squeeze %dma_wait3A_393 : memref<1x128xi32, #tpu.memory_space<vmem>> -> memref<128xi32, #tpu.memory_space<vmem>>
    %dma_wait3A_395 = tpu.memref_slice %arg2[%dma_wait3A_390, %multiple_of3A_389] : memref<2x320000xi32, #tpu.memory_space<hbm>> -> memref<1x128xi32, #tpu.memory_space<hbm>>
    %dma_wait3A_396 = tpu.memref_squeeze %dma_wait3A_395 : memref<1x128xi32, #tpu.memory_space<hbm>> -> memref<128xi32, #tpu.memory_space<hbm>>
    %dma_wait3A_397 = arith.constant 0 : i32
    %dma_wait3A_398 = tpu.memref_slice %arg6[%dma_wait3A_391, %dma_wait3A_397] : memref<2x128xi32, #tpu.memory_space<vmem>> -> memref<1x128xi32, #tpu.memory_space<vmem>>
    %dma_wait3A_399 = tpu.memref_squeeze %dma_wait3A_398 : memref<1x128xi32, #tpu.memory_space<vmem>> -> memref<128xi32, #tpu.memory_space<vmem>>
    %dma_wait3A_400 = tpu.memref_slice %arg2[%dma_wait3A_390, %multiple_of3A_389] : memref<2x320000xi32, #tpu.memory_space<hbm>> -> memref<1x128xi32, #tpu.memory_space<hbm>>
    %dma_wait3A_401 = tpu.memref_squeeze %dma_wait3A_400 : memref<1x128xi32, #tpu.memory_space<hbm>> -> memref<128xi32, #tpu.memory_space<hbm>>
    tpu.wait_dma2 semaphore(%arg19 : memref<!tpu.dma_semaphore, #tpu.memory_space<semaphore_mem>>) src(%dma_wait3A_401 : memref<128xi32, #tpu.memory_space<hbm>>) dst(%dma_wait3A_399 : memref<128xi32, #tpu.memory_space<vmem>>)
    %dma_wait3A_402 = arith.constant 1 : i32
    %dma_wait3A_403 = arith.constant 0 : i32
    %dma_wait3A_404 = tpu.memref_slice %arg7[%dma_wait3A_402, %dma_wait3A_403] : memref<2x128xi32, #tpu.memory_space<vmem>> -> memref<1x128xi32, #tpu.memory_space<vmem>>
    %dma_wait3A_405 = tpu.memref_squeeze %dma_wait3A_404 : memref<1x128xi32, #tpu.memory_space<vmem>> -> memref<128xi32, #tpu.memory_space<vmem>>
    %dma_wait3A_406 = tpu.memref_slice %arg3[%multiple_of3A_389] : memref<320000xi32, #tpu.memory_space<hbm>> -> memref<128xi32, #tpu.memory_space<hbm>>
    %dma_wait3A_407 = arith.constant 0 : i32
    %dma_wait3A_408 = tpu.memref_slice %arg7[%dma_wait3A_402, %dma_wait3A_407] : memref<2x128xi32, #tpu.memory_space<vmem>> -> memref<1x128xi32, #tpu.memory_space<vmem>>
    %dma_wait3A_409 = tpu.memref_squeeze %dma_wait3A_408 : memref<1x128xi32, #tpu.memory_space<vmem>> -> memref<128xi32, #tpu.memory_space<vmem>>
    %dma_wait3A_410 = tpu.memref_slice %arg3[%multiple_of3A_389] : memref<320000xi32, #tpu.memory_space<hbm>> -> memref<128xi32, #tpu.memory_space<hbm>>
    tpu.wait_dma2 semaphore(%arg19 : memref<!tpu.dma_semaphore, #tpu.memory_space<semaphore_mem>>) src(%dma_wait3A_410 : memref<128xi32, #tpu.memory_space<hbm>>) dst(%dma_wait3A_409 : memref<128xi32, #tpu.memory_space<vmem>>)
    %dma_wait3A_411 = arith.constant 1 : i32
    %dma_wait3A_412 = arith.constant 1 : i32
    %dma_wait3A_413 = arith.constant 0 : i32
    %dma_wait3A_414 = tpu.memref_slice %arg8[%dma_wait3A_412, %dma_wait3A_413] : memref<2x128xi32, #tpu.memory_space<vmem>> -> memref<1x128xi32, #tpu.memory_space<vmem>>
    %dma_wait3A_415 = tpu.memref_squeeze %dma_wait3A_414 : memref<1x128xi32, #tpu.memory_space<vmem>> -> memref<128xi32, #tpu.memory_space<vmem>>
    %dma_wait3A_416 = tpu.memref_slice %arg2[%dma_wait3A_411, %multiple_of3A_389] : memref<2x320000xi32, #tpu.memory_space<hbm>> -> memref<1x128xi32, #tpu.memory_space<hbm>>
    %dma_wait3A_417 = tpu.memref_squeeze %dma_wait3A_416 : memref<1x128xi32, #tpu.memory_space<hbm>> -> memref<128xi32, #tpu.memory_space<hbm>>
    %dma_wait3A_418 = arith.constant 0 : i32
    %dma_wait3A_419 = tpu.memref_slice %arg8[%dma_wait3A_412, %dma_wait3A_418] : memref<2x128xi32, #tpu.memory_space<vmem>> -> memref<1x128xi32, #tpu.memory_space<vmem>>
    %dma_wait3A_420 = tpu.memref_squeeze %dma_wait3A_419 : memref<1x128xi32, #tpu.memory_space<vmem>> -> memref<128xi32, #tpu.memory_space<vmem>>
    %dma_wait3A_421 = tpu.memref_slice %arg2[%dma_wait3A_411, %multiple_of3A_389] : memref<2x320000xi32, #tpu.memory_space<hbm>> -> memref<1x128xi32, #tpu.memory_space<hbm>>
    %dma_wait3A_422 = tpu.memref_squeeze %dma_wait3A_421 : memref<1x128xi32, #tpu.memory_space<hbm>> -> memref<128xi32, #tpu.memory_space<hbm>>
    tpu.wait_dma2 semaphore(%arg19 : memref<!tpu.dma_semaphore, #tpu.memory_space<semaphore_mem>>) src(%dma_wait3A_422 : memref<128xi32, #tpu.memory_space<hbm>>) dst(%dma_wait3A_420 : memref<128xi32, #tpu.memory_space<vmem>>)
    %get3A_423 = arith.constant 1 : i32
    %get3A_424 = arith.index_cast %get3A_423 : i32 to index
    %get3A_425 = arith.constant 0 : index
    %get3A_426 = tpu.vector_load %arg6[%get3A_424, %get3A_425] {strides = array<i32>} : memref<2x128xi32, #tpu.memory_space<vmem>>, vector<1x16xi32>,
    %get3A_427 = vector.shape_cast %get3A_426 : vector<1x16xi32> to vector<16xi32>
    %get3A_428 = arith.constant 1 : i32
    %get3A_429 = arith.index_cast %get3A_428 : i32 to index
    %get3A_430 = arith.constant 0 : index
    %get3A_431 = tpu.vector_load %arg7[%get3A_429, %get3A_430] {strides = array<i32>} : memref<2x128xi32, #tpu.memory_space<vmem>>, vector<1x16xi32>,
    %get3A_432 = vector.shape_cast %get3A_431 : vector<1x16xi32> to vector<16xi32>
    %mul3A_433 = arith.constant 8 : i32
    %mul3A_434 = vector.broadcast %mul3A_433 : i32 to vector<16xi32>
    %mul3A_435 = arith.muli %get3A_427, %mul3A_434 : vector<16xi32>
    %add3A_436 = arith.addi %mul3A_435, %get3A_432 : vector<16xi32>
    %swap3A_437 = arith.constant 1 : i32
    %swap3A_438 = arith.index_cast %swap3A_437 : i32 to index
    %swap3A_439 = arith.constant 0 : index
    %swap3A_440 = tpu.vector_load %arg10[%swap3A_438, %swap3A_439] {strides = array<i32>} : memref<2x128xi32, #tpu.memory_space<vmem>>, vector<1x16xi32>,
    %swap3A_441 = vector.shape_cast %swap3A_440 : vector<1x16xi32> to vector<16xi32>
    %swap3A_442 = vector.shape_cast %add3A_436 : vector<16xi32> to vector<1x16xi32>
    tpu.vector_store %arg10[%swap3A_438, %swap3A_439], %swap3A_442 {strides = array<i32>} : memref<2x128xi32, #tpu.memory_space<vmem>>, vector<1x16xi32>,
    %get3A_443 = arith.constant 1 : i32
    %get3A_444 = arith.index_cast %get3A_443 : i32 to index
    %get3A_445 = arith.constant 0 : index
    %get3A_446 = tpu.vector_load %arg8[%get3A_444, %get3A_445] {strides = array<i32>} : memref<2x128xi32, #tpu.memory_space<vmem>>, vector<1x16xi32>,
    %get3A_447 = vector.shape_cast %get3A_446 : vector<1x16xi32> to vector<16xi32>
    %swap3A_448 = arith.constant 1 : i32
    %swap3A_449 = arith.index_cast %swap3A_448 : i32 to index
    %swap3A_450 = arith.constant 0 : index
    %swap3A_451 = tpu.vector_load %arg9[%swap3A_449, %swap3A_450] {strides = array<i32>} : memref<2x128xi32, #tpu.memory_space<vmem>>, vector<1x16xi32>,
    %swap3A_452 = vector.shape_cast %swap3A_451 : vector<1x16xi32> to vector<16xi32>
    %swap3A_453 = vector.shape_cast %get3A_447 : vector<16xi32> to vector<1x16xi32>
    tpu.vector_store %arg9[%swap3A_449, %swap3A_450], %swap3A_453 {strides = array<i32>} : memref<2x128xi32, #tpu.memory_space<vmem>>, vector<1x16xi32>,
    %get3A_454 = arith.constant 1 : i32
    %get3A_455 = arith.index_cast %get3A_454 : i32 to index
    %get3A_456 = arith.constant 16 : index
    %get3A_457 = tpu.vector_load %arg6[%get3A_455, %get3A_456] {strides = array<i32>} : memref<2x128xi32, #tpu.memory_space<vmem>>, vector<1x16xi32>,
    %get3A_458 = vector.shape_cast %get3A_457 : vector<1x16xi32> to vector<16xi32>
    %get3A_459 = arith.constant 1 : i32
    %get3A_460 = arith.index_cast %get3A_459 : i32 to index
    %get3A_461 = arith.constant 16 : index
    %get3A_462 = tpu.vector_load %arg7[%get3A_460, %get3A_461] {strides = array<i32>} : memref<2x128xi32, #tpu.memory_space<vmem>>, vector<1x16xi32>,
    %get3A_463 = vector.shape_cast %get3A_462 : vector<1x16xi32> to vector<16xi32>
    %mul3A_464 = arith.constant 8 : i32
    %mul3A_465 = vector.broadcast %mul3A_464 : i32 to vector<16xi32>
    %mul3A_466 = arith.muli %get3A_458, %mul3A_465 : vector<16xi32>
    %add3A_467 = arith.addi %mul3A_466, %get3A_463 : vector<16xi32>
    %swap3A_468 = arith.constant 1 : i32
    %swap3A_469 = arith.index_cast %swap3A_468 : i32 to index
    %swap3A_470 = arith.constant 16 : index
    %swap3A_471 = tpu.vector_load %arg10[%swap3A_469, %swap3A_470] {strides = array<i32>} : memref<2x128xi32, #tpu.memory_space<vmem>>, vector<1x16xi32>,
    %swap3A_472 = vector.shape_cast %swap3A_471 : vector<1x16xi32> to vector<16xi32>
    %swap3A_473 = vector.shape_cast %add3A_467 : vector<16xi32> to vector<1x16xi32>
    tpu.vector_store %arg10[%swap3A_469, %swap3A_470], %swap3A_473 {strides = array<i32>} : memref<2x128xi32, #tpu.memory_space<vmem>>, vector<1x16xi32>,
    %get3A_474 = arith.constant 1 : i32
    %get3A_475 = arith.index_cast %get3A_474 : i32 to index
    %get3A_476 = arith.constant 16 : index
    %get3A_477 = tpu.vector_load %arg8[%get3A_475, %get3A_476] {strides = array<i32>} : memref<2x128xi32, #tpu.memory_space<vmem>>, vector<1x16xi32>,
    %get3A_478 = vector.shape_cast %get3A_477 : vector<1x16xi32> to vector<16xi32>
    %swap3A_479 = arith.constant 1 : i32
    %swap3A_480 = arith.index_cast %swap3A_479 : i32 to index
    %swap3A_481 = arith.constant 16 : index
    %swap3A_482 = tpu.vector_load %arg9[%swap3A_480, %swap3A_481] {strides = array<i32>} : memref<2x128xi32, #tpu.memory_space<vmem>>, vector<1x16xi32>,
    %swap3A_483 = vector.shape_cast %swap3A_482 : vector<1x16xi32> to vector<16xi32>
    %swap3A_484 = vector.shape_cast %get3A_478 : vector<16xi32> to vector<1x16xi32>
    tpu.vector_store %arg9[%swap3A_480, %swap3A_481], %swap3A_484 {strides = array<i32>} : memref<2x128xi32, #tpu.memory_space<vmem>>, vector<1x16xi32>,
    %get3A_485 = arith.constant 1 : i32
    %get3A_486 = arith.index_cast %get3A_485 : i32 to index
    %get3A_487 = arith.constant 32 : index
    %get3A_488 = tpu.vector_load %arg6[%get3A_486, %get3A_487] {strides = array<i32>} : memref<2x128xi32, #tpu.memory_space<vmem>>, vector<1x16xi32>,
    %get3A_489 = vector.shape_cast %get3A_488 : vector<1x16xi32> to vector<16xi32>
    %get3A_490 = arith.constant 1 : i32
    %get3A_491 = arith.index_cast %get3A_490 : i32 to index
    %get3A_492 = arith.constant 32 : index
    %get3A_493 = tpu.vector_load %arg7[%get3A_491, %get3A_492] {strides = array<i32>} : memref<2x128xi32, #tpu.memory_space<vmem>>, vector<1x16xi32>,
    %get3A_494 = vector.shape_cast %get3A_493 : vector<1x16xi32> to vector<16xi32>
    %mul3A_495 = arith.constant 8 : i32
    %mul3A_496 = vector.broadcast %mul3A_495 : i32 to vector<16xi32>
    %mul3A_497 = arith.muli %get3A_489, %mul3A_496 : vector<16xi32>
    %add3A_498 = arith.addi %mul3A_497, %get3A_494 : vector<16xi32>
    %swap3A_499 = arith.constant 1 : i32
    %swap3A_500 = arith.index_cast %swap3A_499 : i32 to index
    %swap3A_501 = arith.constant 32 : index
    %swap3A_502 = tpu.vector_load %arg10[%swap3A_500, %swap3A_501] {strides = array<i32>} : memref<2x128xi32, #tpu.memory_space<vmem>>, vector<1x16xi32>,
    %swap3A_503 = vector.shape_cast %swap3A_502 : vector<1x16xi32> to vector<16xi32>
    %swap3A_504 = vector.shape_cast %add3A_498 : vector<16xi32> to vector<1x16xi32>
    tpu.vector_store %arg10[%swap3A_500, %swap3A_501], %swap3A_504 {strides = array<i32>} : memref<2x128xi32, #tpu.memory_space<vmem>>, vector<1x16xi32>,
    %get3A_505 = arith.constant 1 : i32
    %get3A_506 = arith.index_cast %get3A_505 : i32 to index
    %get3A_507 = arith.constant 32 : index
    %get3A_508 = tpu.vector_load %arg8[%get3A_506, %get3A_507] {strides = array<i32>} : memref<2x128xi32, #tpu.memory_space<vmem>>, vector<1x16xi32>,
    %get3A_509 = vector.shape_cast %get3A_508 : vector<1x16xi32> to vector<16xi32>
    %swap3A_510 = arith.constant 1 : i32
    %swap3A_511 = arith.index_cast %swap3A_510 : i32 to index
    %swap3A_512 = arith.constant 32 : index
    %swap3A_513 = tpu.vector_load %arg9[%swap3A_511, %swap3A_512] {strides = array<i32>} : memref<2x128xi32, #tpu.memory_space<vmem>>, vector<1x16xi32>,
    %swap3A_514 = vector.shape_cast %swap3A_513 : vector<1x16xi32> to vector<16xi32>
    %swap3A_515 = vector.shape_cast %get3A_509 : vector<16xi32> to vector<1x16xi32>
    tpu.vector_store %arg9[%swap3A_511, %swap3A_512], %swap3A_515 {strides = array<i32>} : memref<2x128xi32, #tpu.memory_space<vmem>>, vector<1x16xi32>,
    %get3A_516 = arith.constant 1 : i32
    %get3A_517 = arith.index_cast %get3A_516 : i32 to index
    %get3A_518 = arith.constant 48 : index
    %get3A_519 = tpu.vector_load %arg6[%get3A_517, %get3A_518] {strides = array<i32>} : memref<2x128xi32, #tpu.memory_space<vmem>>, vector<1x16xi32>,
    %get3A_520 = vector.shape_cast %get3A_519 : vector<1x16xi32> to vector<16xi32>
    %get3A_521 = arith.constant 1 : i32
    %get3A_522 = arith.index_cast %get3A_521 : i32 to index
    %get3A_523 = arith.constant 48 : index
    %get3A_524 = tpu.vector_load %arg7[%get3A_522, %get3A_523] {strides = array<i32>} : memref<2x128xi32, #tpu.memory_space<vmem>>, vector<1x16xi32>,
    %get3A_525 = vector.shape_cast %get3A_524 : vector<1x16xi32> to vector<16xi32>
    %mul3A_526 = arith.constant 8 : i32
    %mul3A_527 = vector.broadcast %mul3A_526 : i32 to vector<16xi32>
    %mul3A_528 = arith.muli %get3A_520, %mul3A_527 : vector<16xi32>
    %add3A_529 = arith.addi %mul3A_528, %get3A_525 : vector<16xi32>
    %swap3A_530 = arith.constant 1 : i32
    %swap3A_531 = arith.index_cast %swap3A_530 : i32 to index
    %swap3A_532 = arith.constant 48 : index
    %swap3A_533 = tpu.vector_load %arg10[%swap3A_531, %swap3A_532] {strides = array<i32>} : memref<2x128xi32, #tpu.memory_space<vmem>>, vector<1x16xi32>,
    %swap3A_534 = vector.shape_cast %swap3A_533 : vector<1x16xi32> to vector<16xi32>
    %swap3A_535 = vector.shape_cast %add3A_529 : vector<16xi32> to vector<1x16xi32>
    tpu.vector_store %arg10[%swap3A_531, %swap3A_532], %swap3A_535 {strides = array<i32>} : memref<2x128xi32, #tpu.memory_space<vmem>>, vector<1x16xi32>,
    %get3A_536 = arith.constant 1 : i32
    %get3A_537 = arith.index_cast %get3A_536 : i32 to index
    %get3A_538 = arith.constant 48 : index
    %get3A_539 = tpu.vector_load %arg8[%get3A_537, %get3A_538] {strides = array<i32>} : memref<2x128xi32, #tpu.memory_space<vmem>>, vector<1x16xi32>,
    %get3A_540 = vector.shape_cast %get3A_539 : vector<1x16xi32> to vector<16xi32>
    %swap3A_541 = arith.constant 1 : i32
    %swap3A_542 = arith.index_cast %swap3A_541 : i32 to index
    %swap3A_543 = arith.constant 48 : index
    %swap3A_544 = tpu.vector_load %arg9[%swap3A_542, %swap3A_543] {strides = array<i32>} : memref<2x128xi32, #tpu.memory_space<vmem>>, vector<1x16xi32>,
    %swap3A_545 = vector.shape_cast %swap3A_544 : vector<1x16xi32> to vector<16xi32>
    %swap3A_546 = vector.shape_cast %get3A_540 : vector<16xi32> to vector<1x16xi32>
    tpu.vector_store %arg9[%swap3A_542, %swap3A_543], %swap3A_546 {strides = array<i32>} : memref<2x128xi32, #tpu.memory_space<vmem>>, vector<1x16xi32>,
    %get3A_547 = arith.constant 1 : i32
    %get3A_548 = arith.index_cast %get3A_547 : i32 to index
    %get3A_549 = arith.constant 64 : index
    %get3A_550 = tpu.vector_load %arg6[%get3A_548, %get3A_549] {strides = array<i32>} : memref<2x128xi32, #tpu.memory_space<vmem>>, vector<1x16xi32>,
    %get3A_551 = vector.shape_cast %get3A_550 : vector<1x16xi32> to vector<16xi32>
    %get3A_552 = arith.constant 1 : i32
    %get3A_553 = arith.index_cast %get3A_552 : i32 to index
    %get3A_554 = arith.constant 64 : index
    %get3A_555 = tpu.vector_load %arg7[%get3A_553, %get3A_554] {strides = array<i32>} : memref<2x128xi32, #tpu.memory_space<vmem>>, vector<1x16xi32>,
    %get3A_556 = vector.shape_cast %get3A_555 : vector<1x16xi32> to vector<16xi32>
    %mul3A_557 = arith.constant 8 : i32
    %mul3A_558 = vector.broadcast %mul3A_557 : i32 to vector<16xi32>
    %mul3A_559 = arith.muli %get3A_551, %mul3A_558 : vector<16xi32>
    %add3A_560 = arith.addi %mul3A_559, %get3A_556 : vector<16xi32>
    %swap3A_561 = arith.constant 1 : i32
    %swap3A_562 = arith.index_cast %swap3A_561 : i32 to index
    %swap3A_563 = arith.constant 64 : index
    %swap3A_564 = tpu.vector_load %arg10[%swap3A_562, %swap3A_563] {strides = array<i32>} : memref<2x128xi32, #tpu.memory_space<vmem>>, vector<1x16xi32>,
    %swap3A_565 = vector.shape_cast %swap3A_564 : vector<1x16xi32> to vector<16xi32>
    %swap3A_566 = vector.shape_cast %add3A_560 : vector<16xi32> to vector<1x16xi32>
    tpu.vector_store %arg10[%swap3A_562, %swap3A_563], %swap3A_566 {strides = array<i32>} : memref<2x128xi32, #tpu.memory_space<vmem>>, vector<1x16xi32>,
    %get3A_567 = arith.constant 1 : i32
    %get3A_568 = arith.index_cast %get3A_567 : i32 to index
    %get3A_569 = arith.constant 64 : index
    %get3A_570 = tpu.vector_load %arg8[%get3A_568, %get3A_569] {strides = array<i32>} : memref<2x128xi32, #tpu.memory_space<vmem>>, vector<1x16xi32>,
    %get3A_571 = vector.shape_cast %get3A_570 : vector<1x16xi32> to vector<16xi32>
    %swap3A_572 = arith.constant 1 : i32
    %swap3A_573 = arith.index_cast %swap3A_572 : i32 to index
    %swap3A_574 = arith.constant 64 : index
    %swap3A_575 = tpu.vector_load %arg9[%swap3A_573, %swap3A_574] {strides = array<i32>} : memref<2x128xi32, #tpu.memory_space<vmem>>, vector<1x16xi32>,
    %swap3A_576 = vector.shape_cast %swap3A_575 : vector<1x16xi32> to vector<16xi32>
    %swap3A_577 = vector.shape_cast %get3A_571 : vector<16xi32> to vector<1x16xi32>
    tpu.vector_store %arg9[%swap3A_573, %swap3A_574], %swap3A_577 {strides = array<i32>} : memref<2x128xi32, #tpu.memory_space<vmem>>, vector<1x16xi32>,
    %get3A_578 = arith.constant 1 : i32
    %get3A_579 = arith.index_cast %get3A_578 : i32 to index
    %get3A_580 = arith.constant 80 : index
    %get3A_581 = tpu.vector_load %arg6[%get3A_579, %get3A_580] {strides = array<i32>} : memref<2x128xi32, #tpu.memory_space<vmem>>, vector<1x16xi32>,
    %get3A_582 = vector.shape_cast %get3A_581 : vector<1x16xi32> to vector<16xi32>
    %get3A_583 = arith.constant 1 : i32
    %get3A_584 = arith.index_cast %get3A_583 : i32 to index
    %get3A_585 = arith.constant 80 : index
    %get3A_586 = tpu.vector_load %arg7[%get3A_584, %get3A_585] {strides = array<i32>} : memref<2x128xi32, #tpu.memory_space<vmem>>, vector<1x16xi32>,
    %get3A_587 = vector.shape_cast %get3A_586 : vector<1x16xi32> to vector<16xi32>
    %mul3A_588 = arith.constant 8 : i32
    %mul3A_589 = vector.broadcast %mul3A_588 : i32 to vector<16xi32>
    %mul3A_590 = arith.muli %get3A_582, %mul3A_589 : vector<16xi32>
    %add3A_591 = arith.addi %mul3A_590, %get3A_587 : vector<16xi32>
    %swap3A_592 = arith.constant 1 : i32
    %swap3A_593 = arith.index_cast %swap3A_592 : i32 to index
    %swap3A_594 = arith.constant 80 : index
    %swap3A_595 = tpu.vector_load %arg10[%swap3A_593, %swap3A_594] {strides = array<i32>} : memref<2x128xi32, #tpu.memory_space<vmem>>, vector<1x16xi32>,
    %swap3A_596 = vector.shape_cast %swap3A_595 : vector<1x16xi32> to vector<16xi32>
    %swap3A_597 = vector.shape_cast %add3A_591 : vector<16xi32> to vector<1x16xi32>
    tpu.vector_store %arg10[%swap3A_593, %swap3A_594], %swap3A_597 {strides = array<i32>} : memref<2x128xi32, #tpu.memory_space<vmem>>, vector<1x16xi32>,
    %get3A_598 = arith.constant 1 : i32
    %get3A_599 = arith.index_cast %get3A_598 : i32 to index
    %get3A_600 = arith.constant 80 : index
    %get3A_601 = tpu.vector_load %arg8[%get3A_599, %get3A_600] {strides = array<i32>} : memref<2x128xi32, #tpu.memory_space<vmem>>, vector<1x16xi32>,
    %get3A_602 = vector.shape_cast %get3A_601 : vector<1x16xi32> to vector<16xi32>
    %swap3A_603 = arith.constant 1 : i32
    %swap3A_604 = arith.index_cast %swap3A_603 : i32 to index
    %swap3A_605 = arith.constant 80 : index
    %swap3A_606 = tpu.vector_load %arg9[%swap3A_604, %swap3A_605] {strides = array<i32>} : memref<2x128xi32, #tpu.memory_space<vmem>>, vector<1x16xi32>,
    %swap3A_607 = vector.shape_cast %swap3A_606 : vector<1x16xi32> to vector<16xi32>
    %swap3A_608 = vector.shape_cast %get3A_602 : vector<16xi32> to vector<1x16xi32>
    tpu.vector_store %arg9[%swap3A_604, %swap3A_605], %swap3A_608 {strides = array<i32>} : memref<2x128xi32, #tpu.memory_space<vmem>>, vector<1x16xi32>,
    %get3A_609 = arith.constant 1 : i32
    %get3A_610 = arith.index_cast %get3A_609 : i32 to index
    %get3A_611 = arith.constant 96 : index
    %get3A_612 = tpu.vector_load %arg6[%get3A_610, %get3A_611] {strides = array<i32>} : memref<2x128xi32, #tpu.memory_space<vmem>>, vector<1x16xi32>,
    %get3A_613 = vector.shape_cast %get3A_612 : vector<1x16xi32> to vector<16xi32>
    %get3A_614 = arith.constant 1 : i32
    %get3A_615 = arith.index_cast %get3A_614 : i32 to index
    %get3A_616 = arith.constant 96 : index
    %get3A_617 = tpu.vector_load %arg7[%get3A_615, %get3A_616] {strides = array<i32>} : memref<2x128xi32, #tpu.memory_space<vmem>>, vector<1x16xi32>,
    %get3A_618 = vector.shape_cast %get3A_617 : vector<1x16xi32> to vector<16xi32>
    %mul3A_619 = arith.constant 8 : i32
    %mul3A_620 = vector.broadcast %mul3A_619 : i32 to vector<16xi32>
    %mul3A_621 = arith.muli %get3A_613, %mul3A_620 : vector<16xi32>
    %add3A_622 = arith.addi %mul3A_621, %get3A_618 : vector<16xi32>
    %swap3A_623 = arith.constant 1 : i32
    %swap3A_624 = arith.index_cast %swap3A_623 : i32 to index
    %swap3A_625 = arith.constant 96 : index
    %swap3A_626 = tpu.vector_load %arg10[%swap3A_624, %swap3A_625] {strides = array<i32>} : memref<2x128xi32, #tpu.memory_space<vmem>>, vector<1x16xi32>,
    %swap3A_627 = vector.shape_cast %swap3A_626 : vector<1x16xi32> to vector<16xi32>
    %swap3A_628 = vector.shape_cast %add3A_622 : vector<16xi32> to vector<1x16xi32>
    tpu.vector_store %arg10[%swap3A_624, %swap3A_625], %swap3A_628 {strides = array<i32>} : memref<2x128xi32, #tpu.memory_space<vmem>>, vector<1x16xi32>,
    %get3A_629 = arith.constant 1 : i32
    %get3A_630 = arith.index_cast %get3A_629 : i32 to index
    %get3A_631 = arith.constant 96 : index
    %get3A_632 = tpu.vector_load %arg8[%get3A_630, %get3A_631] {strides = array<i32>} : memref<2x128xi32, #tpu.memory_space<vmem>>, vector<1x16xi32>,
    %get3A_633 = vector.shape_cast %get3A_632 : vector<1x16xi32> to vector<16xi32>
    %swap3A_634 = arith.constant 1 : i32
    %swap3A_635 = arith.index_cast %swap3A_634 : i32 to index
    %swap3A_636 = arith.constant 96 : index
    %swap3A_637 = tpu.vector_load %arg9[%swap3A_635, %swap3A_636] {strides = array<i32>} : memref<2x128xi32, #tpu.memory_space<vmem>>, vector<1x16xi32>,
    %swap3A_638 = vector.shape_cast %swap3A_637 : vector<1x16xi32> to vector<16xi32>
    %swap3A_639 = vector.shape_cast %get3A_633 : vector<16xi32> to vector<1x16xi32>
    tpu.vector_store %arg9[%swap3A_635, %swap3A_636], %swap3A_639 {strides = array<i32>} : memref<2x128xi32, #tpu.memory_space<vmem>>, vector<1x16xi32>,
    %get3A_640 = arith.constant 1 : i32
    %get3A_641 = arith.index_cast %get3A_640 : i32 to index
    %get3A_642 = arith.constant 112 : index
    %get3A_643 = tpu.vector_load %arg6[%get3A_641, %get3A_642] {strides = array<i32>} : memref<2x128xi32, #tpu.memory_space<vmem>>, vector<1x16xi32>,
    %get3A_644 = vector.shape_cast %get3A_643 : vector<1x16xi32> to vector<16xi32>
    %get3A_645 = arith.constant 1 : i32
    %get3A_646 = arith.index_cast %get3A_645 : i32 to index
    %get3A_647 = arith.constant 112 : index
    %get3A_648 = tpu.vector_load %arg7[%get3A_646, %get3A_647] {strides = array<i32>} : memref<2x128xi32, #tpu.memory_space<vmem>>, vector<1x16xi32>,
    %get3A_649 = vector.shape_cast %get3A_648 : vector<1x16xi32> to vector<16xi32>
    %mul3A_650 = arith.constant 8 : i32
    %mul3A_651 = vector.broadcast %mul3A_650 : i32 to vector<16xi32>
    %mul3A_652 = arith.muli %get3A_644, %mul3A_651 : vector<16xi32>
    %add3A_653 = arith.addi %mul3A_652, %get3A_649 : vector<16xi32>
    %swap3A_654 = arith.constant 1 : i32
    %swap3A_655 = arith.index_cast %swap3A_654 : i32 to index
    %swap3A_656 = arith.constant 112 : index
    %swap3A_657 = tpu.vector_load %arg10[%swap3A_655, %swap3A_656] {strides = array<i32>} : memref<2x128xi32, #tpu.memory_space<vmem>>, vector<1x16xi32>,
    %swap3A_658 = vector.shape_cast %swap3A_657 : vector<1x16xi32> to vector<16xi32>
    %swap3A_659 = vector.shape_cast %add3A_653 : vector<16xi32> to vector<1x16xi32>
    tpu.vector_store %arg10[%swap3A_655, %swap3A_656], %swap3A_659 {strides = array<i32>} : memref<2x128xi32, #tpu.memory_space<vmem>>, vector<1x16xi32>,
    %get3A_660 = arith.constant 1 : i32
    %get3A_661 = arith.index_cast %get3A_660 : i32 to index
    %get3A_662 = arith.constant 112 : index
    %get3A_663 = tpu.vector_load %arg8[%get3A_661, %get3A_662] {strides = array<i32>} : memref<2x128xi32, #tpu.memory_space<vmem>>, vector<1x16xi32>,
    %get3A_664 = vector.shape_cast %get3A_663 : vector<1x16xi32> to vector<16xi32>
    %swap3A_665 = arith.constant 1 : i32
    %swap3A_666 = arith.index_cast %swap3A_665 : i32 to index
    %swap3A_667 = arith.constant 112 : index
    %swap3A_668 = tpu.vector_load %arg9[%swap3A_666, %swap3A_667] {strides = array<i32>} : memref<2x128xi32, #tpu.memory_space<vmem>>, vector<1x16xi32>,
    %swap3A_669 = vector.shape_cast %swap3A_668 : vector<1x16xi32> to vector<16xi32>
    %swap3A_670 = vector.shape_cast %get3A_664 : vector<16xi32> to vector<1x16xi32>
    tpu.vector_store %arg9[%swap3A_666, %swap3A_667], %swap3A_670 {strides = array<i32>} : memref<2x128xi32, #tpu.memory_space<vmem>>, vector<1x16xi32>,
    %add3A_671 = arith.constant 2 : i32
    %add3A_672 = arith.addi %mul3A_15, %add3A_671 : i32
    %mul3A_673 = arith.constant 128 : i32
    %mul3A_674 = arith.muli %add3A_672, %mul3A_673 : i32
    %multiple_of3A_675 = tpu.assume_multiple %mul3A_674, 128 : i32
    %dma_start3A_676 = arith.constant 0 : i32
    %dma_start3A_677 = arith.constant 0 : i32
    %dma_start3A_678 = arith.constant 0 : i32
    %dma_start3A_679 = tpu.memref_slice %arg6[%dma_start3A_677, %dma_start3A_678] : memref<2x128xi32, #tpu.memory_space<vmem>> -> memref<1x128xi32, #tpu.memory_space<vmem>>
    %dma_start3A_680 = tpu.memref_squeeze %dma_start3A_679 : memref<1x128xi32, #tpu.memory_space<vmem>> -> memref<128xi32, #tpu.memory_space<vmem>>
    %dma_start3A_681 = tpu.memref_slice %arg2[%dma_start3A_676, %multiple_of3A_675] : memref<2x320000xi32, #tpu.memory_space<hbm>> -> memref<1x128xi32, #tpu.memory_space<hbm>>
    %dma_start3A_682 = tpu.memref_squeeze %dma_start3A_681 : memref<1x128xi32, #tpu.memory_space<hbm>> -> memref<128xi32, #tpu.memory_space<hbm>>
    %dma_start3A_683 = arith.constant 0 : i32
    %dma_start3A_684 = tpu.memref_slice %arg6[%dma_start3A_677, %dma_start3A_683] : memref<2x128xi32, #tpu.memory_space<vmem>> -> memref<1x128xi32, #tpu.memory_space<vmem>>
    %dma_start3A_685 = tpu.memref_squeeze %dma_start3A_684 : memref<1x128xi32, #tpu.memory_space<vmem>> -> memref<128xi32, #tpu.memory_space<vmem>>
    %dma_start3A_686 = tpu.memref_slice %arg2[%dma_start3A_676, %multiple_of3A_675] : memref<2x320000xi32, #tpu.memory_space<hbm>> -> memref<1x128xi32, #tpu.memory_space<hbm>>
    %dma_start3A_687 = tpu.memref_squeeze %dma_start3A_686 : memref<1x128xi32, #tpu.memory_space<hbm>> -> memref<128xi32, #tpu.memory_space<hbm>>
    tpu.enqueue_dma source(%dma_start3A_687 : memref<128xi32, #tpu.memory_space<hbm>>) target(%dma_start3A_685 : memref<128xi32, #tpu.memory_space<vmem>>) target_semaphore(%arg18 : memref<!tpu.dma_semaphore, #tpu.memory_space<semaphore_mem>>)
    %dma_start3A_688 = arith.constant 0 : i32
    %dma_start3A_689 = arith.constant 0 : i32
    %dma_start3A_690 = tpu.memref_slice %arg7[%dma_start3A_688, %dma_start3A_689] : memref<2x128xi32, #tpu.memory_space<vmem>> -> memref<1x128xi32, #tpu.memory_space<vmem>>
    %dma_start3A_691 = tpu.memref_squeeze %dma_start3A_690 : memref<1x128xi32, #tpu.memory_space<vmem>> -> memref<128xi32, #tpu.memory_space<vmem>>
    %dma_start3A_692 = tpu.memref_slice %arg3[%multiple_of3A_675] : memref<320000xi32, #tpu.memory_space<hbm>> -> memref<128xi32, #tpu.memory_space<hbm>>
    %dma_start3A_693 = arith.constant 0 : i32
    %dma_start3A_694 = tpu.memref_slice %arg7[%dma_start3A_688, %dma_start3A_693] : memref<2x128xi32, #tpu.memory_space<vmem>> -> memref<1x128xi32, #tpu.memory_space<vmem>>
    %dma_start3A_695 = tpu.memref_squeeze %dma_start3A_694 : memref<1x128xi32, #tpu.memory_space<vmem>> -> memref<128xi32, #tpu.memory_space<vmem>>
    %dma_start3A_696 = tpu.memref_slice %arg3[%multiple_of3A_675] : memref<320000xi32, #tpu.memory_space<hbm>> -> memref<128xi32, #tpu.memory_space<hbm>>
    tpu.enqueue_dma source(%dma_start3A_696 : memref<128xi32, #tpu.memory_space<hbm>>) target(%dma_start3A_695 : memref<128xi32, #tpu.memory_space<vmem>>) target_semaphore(%arg18 : memref<!tpu.dma_semaphore, #tpu.memory_space<semaphore_mem>>)
    %dma_start3A_697 = arith.constant 1 : i32
    %dma_start3A_698 = arith.constant 0 : i32
    %dma_start3A_699 = arith.constant 0 : i32
    %dma_start3A_700 = tpu.memref_slice %arg8[%dma_start3A_698, %dma_start3A_699] : memref<2x128xi32, #tpu.memory_space<vmem>> -> memref<1x128xi32, #tpu.memory_space<vmem>>
    %dma_start3A_701 = tpu.memref_squeeze %dma_start3A_700 : memref<1x128xi32, #tpu.memory_space<vmem>> -> memref<128xi32, #tpu.memory_space<vmem>>
    %dma_start3A_702 = tpu.memref_slice %arg2[%dma_start3A_697, %multiple_of3A_675] : memref<2x320000xi32, #tpu.memory_space<hbm>> -> memref<1x128xi32, #tpu.memory_space<hbm>>
    %dma_start3A_703 = tpu.memref_squeeze %dma_start3A_702 : memref<1x128xi32, #tpu.memory_space<hbm>> -> memref<128xi32, #tpu.memory_space<hbm>>
    %dma_start3A_704 = arith.constant 0 : i32
    %dma_start3A_705 = tpu.memref_slice %arg8[%dma_start3A_698, %dma_start3A_704] : memref<2x128xi32, #tpu.memory_space<vmem>> -> memref<1x128xi32, #tpu.memory_space<vmem>>
    %dma_start3A_706 = tpu.memref_squeeze %dma_start3A_705 : memref<1x128xi32, #tpu.memory_space<vmem>> -> memref<128xi32, #tpu.memory_space<vmem>>
    %dma_start3A_707 = tpu.memref_slice %arg2[%dma_start3A_697, %multiple_of3A_675] : memref<2x320000xi32, #tpu.memory_space<hbm>> -> memref<1x128xi32, #tpu.memory_space<hbm>>
    %dma_start3A_708 = tpu.memref_squeeze %dma_start3A_707 : memref<1x128xi32, #tpu.memory_space<hbm>> -> memref<128xi32, #tpu.memory_space<hbm>>
    tpu.enqueue_dma source(%dma_start3A_708 : memref<128xi32, #tpu.memory_space<hbm>>) target(%dma_start3A_706 : memref<128xi32, #tpu.memory_space<vmem>>) target_semaphore(%arg18 : memref<!tpu.dma_semaphore, #tpu.memory_space<semaphore_mem>>)
    %dma_start3A_709 = arith.constant 1 : i32
    %dma_start3A_710 = arith.constant 1 : i32
    %dma_start3A_711 = arith.constant 0 : i32
    %dma_start3A_712 = arith.constant 0 : i32
    %dma_start3A_713 = tpu.memref_slice %arg11[%dma_start3A_710, %dma_start3A_711, %dma_start3A_712] : memref<2x128x128xf32, #tpu.memory_space<vmem>> -> memref<1x128x128xf32, #tpu.memory_space<vmem>>
    %dma_start3A_714 = tpu.memref_squeeze %dma_start3A_713 : memref<1x128x128xf32, #tpu.memory_space<vmem>> -> memref<128x128xf32, #tpu.memory_space<vmem>>
    %dma_start3A_715 = arith.constant 0 : i32
    %dma_start3A_716 = tpu.memref_slice %arg10[%dma_start3A_709, %dma_start3A_715] : memref<2x128xi32, #tpu.memory_space<vmem>> -> memref<1x128xi32, #tpu.memory_space<vmem>>
    %dma_start3A_717 = tpu.memref_squeeze %dma_start3A_716 : memref<1x128xi32, #tpu.memory_space<vmem>> -> memref<128xi32, #tpu.memory_space<vmem>>
    %dma_start3A_718 = arith.constant 0 : i32
    %dma_start3A_719 = arith.constant 0 : i32
    %dma_start3A_720 = tpu.memref_slice %arg4[%dma_start3A_718, %dma_start3A_719] : memref<81920x128xf32, #tpu.memory_space<hbm>> -> memref<81920x128xf32, #tpu.memory_space<hbm>>
    tpu.enqueue_indirect_dma source(%dma_start3A_720 : memref<81920x128xf32, #tpu.memory_space<hbm>>) target(%dma_start3A_714 : memref<128x128xf32, #tpu.memory_space<vmem>>) offsets(%dma_start3A_717 : memref<128xi32, #tpu.memory_space<vmem>>) semaphore(%arg16 : memref<!tpu.dma_semaphore, #tpu.memory_space<semaphore_mem>>)
    %dma_wait3A_721 = arith.constant 0 : i32
    %dma_wait3A_722 = arith.constant 0 : i32
    %dma_wait3A_723 = arith.constant 0 : i32
    %dma_wait3A_724 = arith.constant 0 : i32
    %dma_wait3A_725 = tpu.memref_slice %arg11[%dma_wait3A_722, %dma_wait3A_723, %dma_wait3A_724] : memref<2x128x128xf32, #tpu.memory_space<vmem>> -> memref<1x128x128xf32, #tpu.memory_space<vmem>>
    %dma_wait3A_726 = tpu.memref_squeeze %dma_wait3A_725 : memref<1x128x128xf32, #tpu.memory_space<vmem>> -> memref<128x128xf32, #tpu.memory_space<vmem>>
    %dma_wait3A_727 = arith.constant 0 : i32
    %dma_wait3A_728 = tpu.memref_slice %arg10[%dma_wait3A_721, %dma_wait3A_727] : memref<2x128xi32, #tpu.memory_space<vmem>> -> memref<1x128xi32, #tpu.memory_space<vmem>>
    %dma_wait3A_729 = tpu.memref_squeeze %dma_wait3A_728 : memref<1x128xi32, #tpu.memory_space<vmem>> -> memref<128xi32, #tpu.memory_space<vmem>>
    %dma_wait3A_730 = arith.constant 0 : i32
    %dma_wait3A_731 = arith.constant 0 : i32
    %dma_wait3A_732 = tpu.memref_slice %arg4[%dma_wait3A_730, %dma_wait3A_731] : memref<81920x128xf32, #tpu.memory_space<hbm>> -> memref<81920x128xf32, #tpu.memory_space<hbm>>
    tpu.wait_indirect_dma semaphore(%arg14 : memref<!tpu.dma_semaphore, #tpu.memory_space<semaphore_mem>>) src(%dma_wait3A_732 : memref<81920x128xf32, #tpu.memory_space<hbm>>) dst(%dma_wait3A_726 : memref<128x128xf32, #tpu.memory_space<vmem>>)
    %dma_start3A_733 = arith.constant 0 : i32
    %dma_start3A_734 = arith.constant 0 : i32
    %dma_start3A_735 = arith.constant 0 : i32
    %dma_start3A_736 = arith.constant 0 : i32
    %dma_start3A_737 = tpu.memref_slice %arg11[%dma_start3A_733, %dma_start3A_735, %dma_start3A_736] : memref<2x128x128xf32, #tpu.memory_space<vmem>> -> memref<1x128x128xf32, #tpu.memory_space<vmem>>
    %dma_start3A_738 = tpu.memref_squeeze %dma_start3A_737 : memref<1x128x128xf32, #tpu.memory_space<vmem>> -> memref<128x128xf32, #tpu.memory_space<vmem>>
    %dma_start3A_739 = arith.constant 0 : i32
    %dma_start3A_740 = tpu.memref_slice %arg9[%dma_start3A_734, %dma_start3A_739] : memref<2x128xi32, #tpu.memory_space<vmem>> -> memref<1x128xi32, #tpu.memory_space<vmem>>
    %dma_start3A_741 = tpu.memref_squeeze %dma_start3A_740 : memref<1x128xi32, #tpu.memory_space<vmem>> -> memref<128xi32, #tpu.memory_space<vmem>>
    %dma_start3A_742 = arith.constant 0 : i32
    %dma_start3A_743 = arith.constant 0 : i32
    %dma_start3A_744 = tpu.memref_slice %arg13[%dma_start3A_742, %dma_start3A_743] : memref<10240x128xf32, #tpu.memory_space<vmem_shared>> -> memref<10240x128xf32, #tpu.memory_space<vmem_shared>>
    tpu.enqueue_indirect_dma source(%dma_start3A_738 : memref<128x128xf32, #tpu.memory_space<vmem>>) target(%dma_start3A_744 : memref<10240x128xf32, #tpu.memory_space<vmem_shared>>) offsets(%dma_start3A_741 : memref<128xi32, #tpu.memory_space<vmem>>) semaphore(%arg15 : memref<!tpu.dma_semaphore, #tpu.memory_space<semaphore_mem>>) {add = true}
    %scan3A_745 = arith.constant 0 : i32
    %scan3A_746 = arith.constant 0 : i32
    %scan3A_747 = arith.constant 37 : i32
    %scan3A_748 = arith.addi %scan3A_746, %scan3A_747 : i32
    %scan3A_749 = arith.constant 1 : i32
    scf.for %scan3A_1508 = %scan3A_746 to %scan3A_748 step %scan3A_749  : i32 {
      %mul3A_1509 = arith.constant 2 : i32
      %mul3A_1510 = arith.muli %mul3A_1509, %scan3A_1508 : i32
      %add3A_1511 = arith.constant 1 : i32
      %add3A_1512 = arith.addi %mul3A_1510, %add3A_1511 : i32
      %dma_wait3A_1513 = arith.constant 0 : i32
      %dma_wait3A_1514 = arith.constant 0 : i32
      %dma_wait3A_1515 = arith.constant 0 : i32
      %dma_wait3A_1516 = arith.constant 0 : i32
      %dma_wait3A_1517 = tpu.memref_slice %arg11[%dma_wait3A_1513, %dma_wait3A_1515, %dma_wait3A_1516] : memref<2x128x128xf32, #tpu.memory_space<vmem>> -> memref<1x128x128xf32, #tpu.memory_space<vmem>>
      %dma_wait3A_1518 = tpu.memref_squeeze %dma_wait3A_1517 : memref<1x128x128xf32, #tpu.memory_space<vmem>> -> memref<128x128xf32, #tpu.memory_space<vmem>>
      %dma_wait3A_1519 = arith.constant 0 : i32
      %dma_wait3A_1520 = tpu.memref_slice %arg9[%dma_wait3A_1514, %dma_wait3A_1519] : memref<2x128xi32, #tpu.memory_space<vmem>> -> memref<1x128xi32, #tpu.memory_space<vmem>>
      %dma_wait3A_1521 = tpu.memref_squeeze %dma_wait3A_1520 : memref<1x128xi32, #tpu.memory_space<vmem>> -> memref<128xi32, #tpu.memory_space<vmem>>
      %dma_wait3A_1522 = arith.constant 0 : i32
      %dma_wait3A_1523 = arith.constant 0 : i32
      %dma_wait3A_1524 = tpu.memref_slice %arg13[%dma_wait3A_1522, %dma_wait3A_1523] : memref<10240x128xf32, #tpu.memory_space<vmem_shared>> -> memref<10240x128xf32, #tpu.memory_space<vmem_shared>>
      tpu.wait_indirect_dma semaphore(%arg15 : memref<!tpu.dma_semaphore, #tpu.memory_space<semaphore_mem>>) src(%dma_wait3A_1518 : memref<128x128xf32, #tpu.memory_space<vmem>>) dst(%dma_wait3A_1524 : memref<10240x128xf32, #tpu.memory_space<vmem_shared>>)
      %add3A_1525 = arith.constant 1 : i32
      %add3A_1526 = arith.addi %add3A_1512, %add3A_1525 : i32
      %add3A_1527 = arith.addi %mul3A_15, %add3A_1526 : i32
      %mul3A_1528 = arith.constant 128 : i32
      %mul3A_1529 = arith.muli %add3A_1527, %mul3A_1528 : i32
      %multiple_of3A_1530 = tpu.assume_multiple %mul3A_1529, 128 : i32
      %dma_wait3A_1531 = arith.constant 0 : i32
      %dma_wait3A_1532 = arith.constant 0 : i32
      %dma_wait3A_1533 = arith.constant 0 : i32
      %dma_wait3A_1534 = tpu.memref_slice %arg6[%dma_wait3A_1532, %dma_wait3A_1533] : memref<2x128xi32, #tpu.memory_space<vmem>> -> memref<1x128xi32, #tpu.memory_space<vmem>>
      %dma_wait3A_1535 = tpu.memref_squeeze %dma_wait3A_1534 : memref<1x128xi32, #tpu.memory_space<vmem>> -> memref<128xi32, #tpu.memory_space<vmem>>
      %dma_wait3A_1536 = tpu.memref_slice %arg2[%dma_wait3A_1531, %multiple_of3A_1530] : memref<2x320000xi32, #tpu.memory_space<hbm>> -> memref<1x128xi32, #tpu.memory_space<hbm>>
      %dma_wait3A_1537 = tpu.memref_squeeze %dma_wait3A_1536 : memref<1x128xi32, #tpu.memory_space<hbm>> -> memref<128xi32, #tpu.memory_space<hbm>>
      %dma_wait3A_1538 = arith.constant 0 : i32
      %dma_wait3A_1539 = tpu.memref_slice %arg6[%dma_wait3A_1532, %dma_wait3A_1538] : memref<2x128xi32, #tpu.memory_space<vmem>> -> memref<1x128xi32, #tpu.memory_space<vmem>>
      %dma_wait3A_1540 = tpu.memref_squeeze %dma_wait3A_1539 : memref<1x128xi32, #tpu.memory_space<vmem>> -> memref<128xi32, #tpu.memory_space<vmem>>
      %dma_wait3A_1541 = tpu.memref_slice %arg2[%dma_wait3A_1531, %multiple_of3A_1530] : memref<2x320000xi32, #tpu.memory_space<hbm>> -> memref<1x128xi32, #tpu.memory_space<hbm>>
      %dma_wait3A_1542 = tpu.memref_squeeze %dma_wait3A_1541 : memref<1x128xi32, #tpu.memory_space<hbm>> -> memref<128xi32, #tpu.memory_space<hbm>>
      tpu.wait_dma2 semaphore(%arg18 : memref<!tpu.dma_semaphore, #tpu.memory_space<semaphore_mem>>) src(%dma_wait3A_1542 : memref<128xi32, #tpu.memory_space<hbm>>) dst(%dma_wait3A_1540 : memref<128xi32, #tpu.memory_space<vmem>>)
      %dma_wait3A_1543 = arith.constant 0 : i32
      %dma_wait3A_1544 = arith.constant 0 : i32
      %dma_wait3A_1545 = tpu.memref_slice %arg7[%dma_wait3A_1543, %dma_wait3A_1544] : memref<2x128xi32, #tpu.memory_space<vmem>> -> memref<1x128xi32, #tpu.memory_space<vmem>>
      %dma_wait3A_1546 = tpu.memref_squeeze %dma_wait3A_1545 : memref<1x128xi32, #tpu.memory_space<vmem>> -> memref<128xi32, #tpu.memory_space<vmem>>
      %dma_wait3A_1547 = tpu.memref_slice %arg3[%multiple_of3A_1530] : memref<320000xi32, #tpu.memory_space<hbm>> -> memref<128xi32, #tpu.memory_space<hbm>>
      %dma_wait3A_1548 = arith.constant 0 : i32
      %dma_wait3A_1549 = tpu.memref_slice %arg7[%dma_wait3A_1543, %dma_wait3A_1548] : memref<2x128xi32, #tpu.memory_space<vmem>> -> memref<1x128xi32, #tpu.memory_space<vmem>>
      %dma_wait3A_1550 = tpu.memref_squeeze %dma_wait3A_1549 : memref<1x128xi32, #tpu.memory_space<vmem>> -> memref<128xi32, #tpu.memory_space<vmem>>
      %dma_wait3A_1551 = tpu.memref_slice %arg3[%multiple_of3A_1530] : memref<320000xi32, #tpu.memory_space<hbm>> -> memref<128xi32, #tpu.memory_space<hbm>>
      tpu.wait_dma2 semaphore(%arg18 : memref<!tpu.dma_semaphore, #tpu.memory_space<semaphore_mem>>) src(%dma_wait3A_1551 : memref<128xi32, #tpu.memory_space<hbm>>) dst(%dma_wait3A_1550 : memref<128xi32, #tpu.memory_space<vmem>>)
      %dma_wait3A_1552 = arith.constant 1 : i32
      %dma_wait3A_1553 = arith.constant 0 : i32
      %dma_wait3A_1554 = arith.constant 0 : i32
      %dma_wait3A_1555 = tpu.memref_slice %arg8[%dma_wait3A_1553, %dma_wait3A_1554] : memref<2x128xi32, #tpu.memory_space<vmem>> -> memref<1x128xi32, #tpu.memory_space<vmem>>
      %dma_wait3A_1556 = tpu.memref_squeeze %dma_wait3A_1555 : memref<1x128xi32, #tpu.memory_space<vmem>> -> memref<128xi32, #tpu.memory_space<vmem>>
      %dma_wait3A_1557 = tpu.memref_slice %arg2[%dma_wait3A_1552, %multiple_of3A_1530] : memref<2x320000xi32, #tpu.memory_space<hbm>> -> memref<1x128xi32, #tpu.memory_space<hbm>>
      %dma_wait3A_1558 = tpu.memref_squeeze %dma_wait3A_1557 : memref<1x128xi32, #tpu.memory_space<hbm>> -> memref<128xi32, #tpu.memory_space<hbm>>
      %dma_wait3A_1559 = arith.constant 0 : i32
      %dma_wait3A_1560 = tpu.memref_slice %arg8[%dma_wait3A_1553, %dma_wait3A_1559] : memref<2x128xi32, #tpu.memory_space<vmem>> -> memref<1x128xi32, #tpu.memory_space<vmem>>
      %dma_wait3A_1561 = tpu.memref_squeeze %dma_wait3A_1560 : memref<1x128xi32, #tpu.memory_space<vmem>> -> memref<128xi32, #tpu.memory_space<vmem>>
      %dma_wait3A_1562 = tpu.memref_slice %arg2[%dma_wait3A_1552, %multiple_of3A_1530] : memref<2x320000xi32, #tpu.memory_space<hbm>> -> memref<1x128xi32, #tpu.memory_space<hbm>>
      %dma_wait3A_1563 = tpu.memref_squeeze %dma_wait3A_1562 : memref<1x128xi32, #tpu.memory_space<hbm>> -> memref<128xi32, #tpu.memory_space<hbm>>
      tpu.wait_dma2 semaphore(%arg18 : memref<!tpu.dma_semaphore, #tpu.memory_space<semaphore_mem>>) src(%dma_wait3A_1563 : memref<128xi32, #tpu.memory_space<hbm>>) dst(%dma_wait3A_1561 : memref<128xi32, #tpu.memory_space<vmem>>)
      %get3A_1564 = arith.constant 0 : i32
      %get3A_1565 = arith.index_cast %get3A_1564 : i32 to index
      %get3A_1566 = arith.constant 0 : index
      %get3A_1567 = tpu.vector_load %arg6[%get3A_1565, %get3A_1566] {strides = array<i32>} : memref<2x128xi32, #tpu.memory_space<vmem>>, vector<1x16xi32>,
      %get3A_1568 = vector.shape_cast %get3A_1567 : vector<1x16xi32> to vector<16xi32>
      %get3A_1569 = arith.constant 0 : i32
      %get3A_1570 = arith.index_cast %get3A_1569 : i32 to index
      %get3A_1571 = arith.constant 0 : index
      %get3A_1572 = tpu.vector_load %arg7[%get3A_1570, %get3A_1571] {strides = array<i32>} : memref<2x128xi32, #tpu.memory_space<vmem>>, vector<1x16xi32>,
      %get3A_1573 = vector.shape_cast %get3A_1572 : vector<1x16xi32> to vector<16xi32>
      %mul3A_1574 = arith.constant 8 : i32
      %mul3A_1575 = vector.broadcast %mul3A_1574 : i32 to vector<16xi32>
      %mul3A_1576 = arith.muli %get3A_1568, %mul3A_1575 : vector<16xi32>
      %add3A_1577 = arith.addi %mul3A_1576, %get3A_1573 : vector<16xi32>
      %swap3A_1578 = arith.constant 0 : i32
      %swap3A_1579 = arith.index_cast %swap3A_1578 : i32 to index
      %swap3A_1580 = arith.constant 0 : index
      %swap3A_1581 = tpu.vector_load %arg10[%swap3A_1579, %swap3A_1580] {strides = array<i32>} : memref<2x128xi32, #tpu.memory_space<vmem>>, vector<1x16xi32>,
      %swap3A_1582 = vector.shape_cast %swap3A_1581 : vector<1x16xi32> to vector<16xi32>
      %swap3A_1583 = vector.shape_cast %add3A_1577 : vector<16xi32> to vector<1x16xi32>
      tpu.vector_store %arg10[%swap3A_1579, %swap3A_1580], %swap3A_1583 {strides = array<i32>} : memref<2x128xi32, #tpu.memory_space<vmem>>, vector<1x16xi32>,
      %get3A_1584 = arith.constant 0 : i32
      %get3A_1585 = arith.index_cast %get3A_1584 : i32 to index
      %get3A_1586 = arith.constant 0 : index
      %get3A_1587 = tpu.vector_load %arg8[%get3A_1585, %get3A_1586] {strides = array<i32>} : memref<2x128xi32, #tpu.memory_space<vmem>>, vector<1x16xi32>,
      %get3A_1588 = vector.shape_cast %get3A_1587 : vector<1x16xi32> to vector<16xi32>
      %swap3A_1589 = arith.constant 0 : i32
      %swap3A_1590 = arith.index_cast %swap3A_1589 : i32 to index
      %swap3A_1591 = arith.constant 0 : index
      %swap3A_1592 = tpu.vector_load %arg9[%swap3A_1590, %swap3A_1591] {strides = array<i32>} : memref<2x128xi32, #tpu.memory_space<vmem>>, vector<1x16xi32>,
      %swap3A_1593 = vector.shape_cast %swap3A_1592 : vector<1x16xi32> to vector<16xi32>
      %swap3A_1594 = vector.shape_cast %get3A_1588 : vector<16xi32> to vector<1x16xi32>
      tpu.vector_store %arg9[%swap3A_1590, %swap3A_1591], %swap3A_1594 {strides = array<i32>} : memref<2x128xi32, #tpu.memory_space<vmem>>, vector<1x16xi32>,
      %get3A_1595 = arith.constant 0 : i32
      %get3A_1596 = arith.index_cast %get3A_1595 : i32 to index
      %get3A_1597 = arith.constant 16 : index
      %get3A_1598 = tpu.vector_load %arg6[%get3A_1596, %get3A_1597] {strides = array<i32>} : memref<2x128xi32, #tpu.memory_space<vmem>>, vector<1x16xi32>,
      %get3A_1599 = vector.shape_cast %get3A_1598 : vector<1x16xi32> to vector<16xi32>
      %get3A_1600 = arith.constant 0 : i32
      %get3A_1601 = arith.index_cast %get3A_1600 : i32 to index
      %get3A_1602 = arith.constant 16 : index
      %get3A_1603 = tpu.vector_load %arg7[%get3A_1601, %get3A_1602] {strides = array<i32>} : memref<2x128xi32, #tpu.memory_space<vmem>>, vector<1x16xi32>,
      %get3A_1604 = vector.shape_cast %get3A_1603 : vector<1x16xi32> to vector<16xi32>
      %mul3A_1605 = arith.constant 8 : i32
      %mul3A_1606 = vector.broadcast %mul3A_1605 : i32 to vector<16xi32>
      %mul3A_1607 = arith.muli %get3A_1599, %mul3A_1606 : vector<16xi32>
      %add3A_1608 = arith.addi %mul3A_1607, %get3A_1604 : vector<16xi32>
      %swap3A_1609 = arith.constant 0 : i32
      %swap3A_1610 = arith.index_cast %swap3A_1609 : i32 to index
      %swap3A_1611 = arith.constant 16 : index
      %swap3A_1612 = tpu.vector_load %arg10[%swap3A_1610, %swap3A_1611] {strides = array<i32>} : memref<2x128xi32, #tpu.memory_space<vmem>>, vector<1x16xi32>,
      %swap3A_1613 = vector.shape_cast %swap3A_1612 : vector<1x16xi32> to vector<16xi32>
      %swap3A_1614 = vector.shape_cast %add3A_1608 : vector<16xi32> to vector<1x16xi32>
      tpu.vector_store %arg10[%swap3A_1610, %swap3A_1611], %swap3A_1614 {strides = array<i32>} : memref<2x128xi32, #tpu.memory_space<vmem>>, vector<1x16xi32>,
      %get3A_1615 = arith.constant 0 : i32
      %get3A_1616 = arith.index_cast %get3A_1615 : i32 to index
      %get3A_1617 = arith.constant 16 : index
      %get3A_1618 = tpu.vector_load %arg8[%get3A_1616, %get3A_1617] {strides = array<i32>} : memref<2x128xi32, #tpu.memory_space<vmem>>, vector<1x16xi32>,
      %get3A_1619 = vector.shape_cast %get3A_1618 : vector<1x16xi32> to vector<16xi32>
      %swap3A_1620 = arith.constant 0 : i32
      %swap3A_1621 = arith.index_cast %swap3A_1620 : i32 to index
      %swap3A_1622 = arith.constant 16 : index
      %swap3A_1623 = tpu.vector_load %arg9[%swap3A_1621, %swap3A_1622] {strides = array<i32>} : memref<2x128xi32, #tpu.memory_space<vmem>>, vector<1x16xi32>,
      %swap3A_1624 = vector.shape_cast %swap3A_1623 : vector<1x16xi32> to vector<16xi32>
      %swap3A_1625 = vector.shape_cast %get3A_1619 : vector<16xi32> to vector<1x16xi32>
      tpu.vector_store %arg9[%swap3A_1621, %swap3A_1622], %swap3A_1625 {strides = array<i32>} : memref<2x128xi32, #tpu.memory_space<vmem>>, vector<1x16xi32>,
      %get3A_1626 = arith.constant 0 : i32
      %get3A_1627 = arith.index_cast %get3A_1626 : i32 to index
      %get3A_1628 = arith.constant 32 : index
      %get3A_1629 = tpu.vector_load %arg6[%get3A_1627, %get3A_1628] {strides = array<i32>} : memref<2x128xi32, #tpu.memory_space<vmem>>, vector<1x16xi32>,
      %get3A_1630 = vector.shape_cast %get3A_1629 : vector<1x16xi32> to vector<16xi32>
      %get3A_1631 = arith.constant 0 : i32
      %get3A_1632 = arith.index_cast %get3A_1631 : i32 to index
      %get3A_1633 = arith.constant 32 : index
      %get3A_1634 = tpu.vector_load %arg7[%get3A_1632, %get3A_1633] {strides = array<i32>} : memref<2x128xi32, #tpu.memory_space<vmem>>, vector<1x16xi32>,
      %get3A_1635 = vector.shape_cast %get3A_1634 : vector<1x16xi32> to vector<16xi32>
      %mul3A_1636 = arith.constant 8 : i32
      %mul3A_1637 = vector.broadcast %mul3A_1636 : i32 to vector<16xi32>
      %mul3A_1638 = arith.muli %get3A_1630, %mul3A_1637 : vector<16xi32>
      %add3A_1639 = arith.addi %mul3A_1638, %get3A_1635 : vector<16xi32>
      %swap3A_1640 = arith.constant 0 : i32
      %swap3A_1641 = arith.index_cast %swap3A_1640 : i32 to index
      %swap3A_1642 = arith.constant 32 : index
      %swap3A_1643 = tpu.vector_load %arg10[%swap3A_1641, %swap3A_1642] {strides = array<i32>} : memref<2x128xi32, #tpu.memory_space<vmem>>, vector<1x16xi32>,
      %swap3A_1644 = vector.shape_cast %swap3A_1643 : vector<1x16xi32> to vector<16xi32>
      %swap3A_1645 = vector.shape_cast %add3A_1639 : vector<16xi32> to vector<1x16xi32>
      tpu.vector_store %arg10[%swap3A_1641, %swap3A_1642], %swap3A_1645 {strides = array<i32>} : memref<2x128xi32, #tpu.memory_space<vmem>>, vector<1x16xi32>,
      %get3A_1646 = arith.constant 0 : i32
      %get3A_1647 = arith.index_cast %get3A_1646 : i32 to index
      %get3A_1648 = arith.constant 32 : index
      %get3A_1649 = tpu.vector_load %arg8[%get3A_1647, %get3A_1648] {strides = array<i32>} : memref<2x128xi32, #tpu.memory_space<vmem>>, vector<1x16xi32>,
      %get3A_1650 = vector.shape_cast %get3A_1649 : vector<1x16xi32> to vector<16xi32>
      %swap3A_1651 = arith.constant 0 : i32
      %swap3A_1652 = arith.index_cast %swap3A_1651 : i32 to index
      %swap3A_1653 = arith.constant 32 : index
      %swap3A_1654 = tpu.vector_load %arg9[%swap3A_1652, %swap3A_1653] {strides = array<i32>} : memref<2x128xi32, #tpu.memory_space<vmem>>, vector<1x16xi32>,
      %swap3A_1655 = vector.shape_cast %swap3A_1654 : vector<1x16xi32> to vector<16xi32>
      %swap3A_1656 = vector.shape_cast %get3A_1650 : vector<16xi32> to vector<1x16xi32>
      tpu.vector_store %arg9[%swap3A_1652, %swap3A_1653], %swap3A_1656 {strides = array<i32>} : memref<2x128xi32, #tpu.memory_space<vmem>>, vector<1x16xi32>,
      %get3A_1657 = arith.constant 0 : i32
      %get3A_1658 = arith.index_cast %get3A_1657 : i32 to index
      %get3A_1659 = arith.constant 48 : index
      %get3A_1660 = tpu.vector_load %arg6[%get3A_1658, %get3A_1659] {strides = array<i32>} : memref<2x128xi32, #tpu.memory_space<vmem>>, vector<1x16xi32>,
      %get3A_1661 = vector.shape_cast %get3A_1660 : vector<1x16xi32> to vector<16xi32>
      %get3A_1662 = arith.constant 0 : i32
      %get3A_1663 = arith.index_cast %get3A_1662 : i32 to index
      %get3A_1664 = arith.constant 48 : index
      %get3A_1665 = tpu.vector_load %arg7[%get3A_1663, %get3A_1664] {strides = array<i32>} : memref<2x128xi32, #tpu.memory_space<vmem>>, vector<1x16xi32>,
      %get3A_1666 = vector.shape_cast %get3A_1665 : vector<1x16xi32> to vector<16xi32>
      %mul3A_1667 = arith.constant 8 : i32
      %mul3A_1668 = vector.broadcast %mul3A_1667 : i32 to vector<16xi32>
      %mul3A_1669 = arith.muli %get3A_1661, %mul3A_1668 : vector<16xi32>
      %add3A_1670 = arith.addi %mul3A_1669, %get3A_1666 : vector<16xi32>
      %swap3A_1671 = arith.constant 0 : i32
      %swap3A_1672 = arith.index_cast %swap3A_1671 : i32 to index
      %swap3A_1673 = arith.constant 48 : index
      %swap3A_1674 = tpu.vector_load %arg10[%swap3A_1672, %swap3A_1673] {strides = array<i32>} : memref<2x128xi32, #tpu.memory_space<vmem>>, vector<1x16xi32>,
      %swap3A_1675 = vector.shape_cast %swap3A_1674 : vector<1x16xi32> to vector<16xi32>
      %swap3A_1676 = vector.shape_cast %add3A_1670 : vector<16xi32> to vector<1x16xi32>
      tpu.vector_store %arg10[%swap3A_1672, %swap3A_1673], %swap3A_1676 {strides = array<i32>} : memref<2x128xi32, #tpu.memory_space<vmem>>, vector<1x16xi32>,
      %get3A_1677 = arith.constant 0 : i32
      %get3A_1678 = arith.index_cast %get3A_1677 : i32 to index
      %get3A_1679 = arith.constant 48 : index
      %get3A_1680 = tpu.vector_load %arg8[%get3A_1678, %get3A_1679] {strides = array<i32>} : memref<2x128xi32, #tpu.memory_space<vmem>>, vector<1x16xi32>,
      %get3A_1681 = vector.shape_cast %get3A_1680 : vector<1x16xi32> to vector<16xi32>
      %swap3A_1682 = arith.constant 0 : i32
      %swap3A_1683 = arith.index_cast %swap3A_1682 : i32 to index
      %swap3A_1684 = arith.constant 48 : index
      %swap3A_1685 = tpu.vector_load %arg9[%swap3A_1683, %swap3A_1684] {strides = array<i32>} : memref<2x128xi32, #tpu.memory_space<vmem>>, vector<1x16xi32>,
      %swap3A_1686 = vector.shape_cast %swap3A_1685 : vector<1x16xi32> to vector<16xi32>
      %swap3A_1687 = vector.shape_cast %get3A_1681 : vector<16xi32> to vector<1x16xi32>
      tpu.vector_store %arg9[%swap3A_1683, %swap3A_1684], %swap3A_1687 {strides = array<i32>} : memref<2x128xi32, #tpu.memory_space<vmem>>, vector<1x16xi32>,
      %get3A_1688 = arith.constant 0 : i32
      %get3A_1689 = arith.index_cast %get3A_1688 : i32 to index
      %get3A_1690 = arith.constant 64 : index
      %get3A_1691 = tpu.vector_load %arg6[%get3A_1689, %get3A_1690] {strides = array<i32>} : memref<2x128xi32, #tpu.memory_space<vmem>>, vector<1x16xi32>,
      %get3A_1692 = vector.shape_cast %get3A_1691 : vector<1x16xi32> to vector<16xi32>
      %get3A_1693 = arith.constant 0 : i32
      %get3A_1694 = arith.index_cast %get3A_1693 : i32 to index
      %get3A_1695 = arith.constant 64 : index
      %get3A_1696 = tpu.vector_load %arg7[%get3A_1694, %get3A_1695] {strides = array<i32>} : memref<2x128xi32, #tpu.memory_space<vmem>>, vector<1x16xi32>,
      %get3A_1697 = vector.shape_cast %get3A_1696 : vector<1x16xi32> to vector<16xi32>
      %mul3A_1698 = arith.constant 8 : i32
      %mul3A_1699 = vector.broadcast %mul3A_1698 : i32 to vector<16xi32>
      %mul3A_1700 = arith.muli %get3A_1692, %mul3A_1699 : vector<16xi32>
      %add3A_1701 = arith.addi %mul3A_1700, %get3A_1697 : vector<16xi32>
      %swap3A_1702 = arith.constant 0 : i32
      %swap3A_1703 = arith.index_cast %swap3A_1702 : i32 to index
      %swap3A_1704 = arith.constant 64 : index
      %swap3A_1705 = tpu.vector_load %arg10[%swap3A_1703, %swap3A_1704] {strides = array<i32>} : memref<2x128xi32, #tpu.memory_space<vmem>>, vector<1x16xi32>,
      %swap3A_1706 = vector.shape_cast %swap3A_1705 : vector<1x16xi32> to vector<16xi32>
      %swap3A_1707 = vector.shape_cast %add3A_1701 : vector<16xi32> to vector<1x16xi32>
      tpu.vector_store %arg10[%swap3A_1703, %swap3A_1704], %swap3A_1707 {strides = array<i32>} : memref<2x128xi32, #tpu.memory_space<vmem>>, vector<1x16xi32>,
      %get3A_1708 = arith.constant 0 : i32
      %get3A_1709 = arith.index_cast %get3A_1708 : i32 to index
      %get3A_1710 = arith.constant 64 : index
      %get3A_1711 = tpu.vector_load %arg8[%get3A_1709, %get3A_1710] {strides = array<i32>} : memref<2x128xi32, #tpu.memory_space<vmem>>, vector<1x16xi32>,
      %get3A_1712 = vector.shape_cast %get3A_1711 : vector<1x16xi32> to vector<16xi32>
      %swap3A_1713 = arith.constant 0 : i32
      %swap3A_1714 = arith.index_cast %swap3A_1713 : i32 to index
      %swap3A_1715 = arith.constant 64 : index
      %swap3A_1716 = tpu.vector_load %arg9[%swap3A_1714, %swap3A_1715] {strides = array<i32>} : memref<2x128xi32, #tpu.memory_space<vmem>>, vector<1x16xi32>,
      %swap3A_1717 = vector.shape_cast %swap3A_1716 : vector<1x16xi32> to vector<16xi32>
      %swap3A_1718 = vector.shape_cast %get3A_1712 : vector<16xi32> to vector<1x16xi32>
      tpu.vector_store %arg9[%swap3A_1714, %swap3A_1715], %swap3A_1718 {strides = array<i32>} : memref<2x128xi32, #tpu.memory_space<vmem>>, vector<1x16xi32>,
      %get3A_1719 = arith.constant 0 : i32
      %get3A_1720 = arith.index_cast %get3A_1719 : i32 to index
      %get3A_1721 = arith.constant 80 : index
      %get3A_1722 = tpu.vector_load %arg6[%get3A_1720, %get3A_1721] {strides = array<i32>} : memref<2x128xi32, #tpu.memory_space<vmem>>, vector<1x16xi32>,
      %get3A_1723 = vector.shape_cast %get3A_1722 : vector<1x16xi32> to vector<16xi32>
      %get3A_1724 = arith.constant 0 : i32
      %get3A_1725 = arith.index_cast %get3A_1724 : i32 to index
      %get3A_1726 = arith.constant 80 : index
      %get3A_1727 = tpu.vector_load %arg7[%get3A_1725, %get3A_1726] {strides = array<i32>} : memref<2x128xi32, #tpu.memory_space<vmem>>, vector<1x16xi32>,
      %get3A_1728 = vector.shape_cast %get3A_1727 : vector<1x16xi32> to vector<16xi32>
      %mul3A_1729 = arith.constant 8 : i32
      %mul3A_1730 = vector.broadcast %mul3A_1729 : i32 to vector<16xi32>
      %mul3A_1731 = arith.muli %get3A_1723, %mul3A_1730 : vector<16xi32>
      %add3A_1732 = arith.addi %mul3A_1731, %get3A_1728 : vector<16xi32>
      %swap3A_1733 = arith.constant 0 : i32
      %swap3A_1734 = arith.index_cast %swap3A_1733 : i32 to index
      %swap3A_1735 = arith.constant 80 : index
      %swap3A_1736 = tpu.vector_load %arg10[%swap3A_1734, %swap3A_1735] {strides = array<i32>} : memref<2x128xi32, #tpu.memory_space<vmem>>, vector<1x16xi32>,
      %swap3A_1737 = vector.shape_cast %swap3A_1736 : vector<1x16xi32> to vector<16xi32>
      %swap3A_1738 = vector.shape_cast %add3A_1732 : vector<16xi32> to vector<1x16xi32>
      tpu.vector_store %arg10[%swap3A_1734, %swap3A_1735], %swap3A_1738 {strides = array<i32>} : memref<2x128xi32, #tpu.memory_space<vmem>>, vector<1x16xi32>,
      %get3A_1739 = arith.constant 0 : i32
      %get3A_1740 = arith.index_cast %get3A_1739 : i32 to index
      %get3A_1741 = arith.constant 80 : index
      %get3A_1742 = tpu.vector_load %arg8[%get3A_1740, %get3A_1741] {strides = array<i32>} : memref<2x128xi32, #tpu.memory_space<vmem>>, vector<1x16xi32>,
      %get3A_1743 = vector.shape_cast %get3A_1742 : vector<1x16xi32> to vector<16xi32>
      %swap3A_1744 = arith.constant 0 : i32
      %swap3A_1745 = arith.index_cast %swap3A_1744 : i32 to index
      %swap3A_1746 = arith.constant 80 : index
      %swap3A_1747 = tpu.vector_load %arg9[%swap3A_1745, %swap3A_1746] {strides = array<i32>} : memref<2x128xi32, #tpu.memory_space<vmem>>, vector<1x16xi32>,
      %swap3A_1748 = vector.shape_cast %swap3A_1747 : vector<1x16xi32> to vector<16xi32>
      %swap3A_1749 = vector.shape_cast %get3A_1743 : vector<16xi32> to vector<1x16xi32>
      tpu.vector_store %arg9[%swap3A_1745, %swap3A_1746], %swap3A_1749 {strides = array<i32>} : memref<2x128xi32, #tpu.memory_space<vmem>>, vector<1x16xi32>,
      %get3A_1750 = arith.constant 0 : i32
      %get3A_1751 = arith.index_cast %get3A_1750 : i32 to index
      %get3A_1752 = arith.constant 96 : index
      %get3A_1753 = tpu.vector_load %arg6[%get3A_1751, %get3A_1752] {strides = array<i32>} : memref<2x128xi32, #tpu.memory_space<vmem>>, vector<1x16xi32>,
      %get3A_1754 = vector.shape_cast %get3A_1753 : vector<1x16xi32> to vector<16xi32>
      %get3A_1755 = arith.constant 0 : i32
      %get3A_1756 = arith.index_cast %get3A_1755 : i32 to index
      %get3A_1757 = arith.constant 96 : index
      %get3A_1758 = tpu.vector_load %arg7[%get3A_1756, %get3A_1757] {strides = array<i32>} : memref<2x128xi32, #tpu.memory_space<vmem>>, vector<1x16xi32>,
      %get3A_1759 = vector.shape_cast %get3A_1758 : vector<1x16xi32> to vector<16xi32>
      %mul3A_1760 = arith.constant 8 : i32
      %mul3A_1761 = vector.broadcast %mul3A_1760 : i32 to vector<16xi32>
      %mul3A_1762 = arith.muli %get3A_1754, %mul3A_1761 : vector<16xi32>
      %add3A_1763 = arith.addi %mul3A_1762, %get3A_1759 : vector<16xi32>
      %swap3A_1764 = arith.constant 0 : i32
      %swap3A_1765 = arith.index_cast %swap3A_1764 : i32 to index
      %swap3A_1766 = arith.constant 96 : index
      %swap3A_1767 = tpu.vector_load %arg10[%swap3A_1765, %swap3A_1766] {strides = array<i32>} : memref<2x128xi32, #tpu.memory_space<vmem>>, vector<1x16xi32>,
      %swap3A_1768 = vector.shape_cast %swap3A_1767 : vector<1x16xi32> to vector<16xi32>
      %swap3A_1769 = vector.shape_cast %add3A_1763 : vector<16xi32> to vector<1x16xi32>
      tpu.vector_store %arg10[%swap3A_1765, %swap3A_1766], %swap3A_1769 {strides = array<i32>} : memref<2x128xi32, #tpu.memory_space<vmem>>, vector<1x16xi32>,
      %get3A_1770 = arith.constant 0 : i32
      %get3A_1771 = arith.index_cast %get3A_1770 : i32 to index
      %get3A_1772 = arith.constant 96 : index
      %get3A_1773 = tpu.vector_load %arg8[%get3A_1771, %get3A_1772] {strides = array<i32>} : memref<2x128xi32, #tpu.memory_space<vmem>>, vector<1x16xi32>,
      %get3A_1774 = vector.shape_cast %get3A_1773 : vector<1x16xi32> to vector<16xi32>
      %swap3A_1775 = arith.constant 0 : i32
      %swap3A_1776 = arith.index_cast %swap3A_1775 : i32 to index
      %swap3A_1777 = arith.constant 96 : index
      %swap3A_1778 = tpu.vector_load %arg9[%swap3A_1776, %swap3A_1777] {strides = array<i32>} : memref<2x128xi32, #tpu.memory_space<vmem>>, vector<1x16xi32>,
      %swap3A_1779 = vector.shape_cast %swap3A_1778 : vector<1x16xi32> to vector<16xi32>
      %swap3A_1780 = vector.shape_cast %get3A_1774 : vector<16xi32> to vector<1x16xi32>
      tpu.vector_store %arg9[%swap3A_1776, %swap3A_1777], %swap3A_1780 {strides = array<i32>} : memref<2x128xi32, #tpu.memory_space<vmem>>, vector<1x16xi32>,
      %get3A_1781 = arith.constant 0 : i32
      %get3A_1782 = arith.index_cast %get3A_1781 : i32 to index
      %get3A_1783 = arith.constant 112 : index
      %get3A_1784 = tpu.vector_load %arg6[%get3A_1782, %get3A_1783] {strides = array<i32>} : memref<2x128xi32, #tpu.memory_space<vmem>>, vector<1x16xi32>,
      %get3A_1785 = vector.shape_cast %get3A_1784 : vector<1x16xi32> to vector<16xi32>
      %get3A_1786 = arith.constant 0 : i32
      %get3A_1787 = arith.index_cast %get3A_1786 : i32 to index
      %get3A_1788 = arith.constant 112 : index
      %get3A_1789 = tpu.vector_load %arg7[%get3A_1787, %get3A_1788] {strides = array<i32>} : memref<2x128xi32, #tpu.memory_space<vmem>>, vector<1x16xi32>,
      %get3A_1790 = vector.shape_cast %get3A_1789 : vector<1x16xi32> to vector<16xi32>
      %mul3A_1791 = arith.constant 8 : i32
      %mul3A_1792 = vector.broadcast %mul3A_1791 : i32 to vector<16xi32>
      %mul3A_1793 = arith.muli %get3A_1785, %mul3A_1792 : vector<16xi32>
      %add3A_1794 = arith.addi %mul3A_1793, %get3A_1790 : vector<16xi32>
      %swap3A_1795 = arith.constant 0 : i32
      %swap3A_1796 = arith.index_cast %swap3A_1795 : i32 to index
      %swap3A_1797 = arith.constant 112 : index
      %swap3A_1798 = tpu.vector_load %arg10[%swap3A_1796, %swap3A_1797] {strides = array<i32>} : memref<2x128xi32, #tpu.memory_space<vmem>>, vector<1x16xi32>,
      %swap3A_1799 = vector.shape_cast %swap3A_1798 : vector<1x16xi32> to vector<16xi32>
      %swap3A_1800 = vector.shape_cast %add3A_1794 : vector<16xi32> to vector<1x16xi32>
      tpu.vector_store %arg10[%swap3A_1796, %swap3A_1797], %swap3A_1800 {strides = array<i32>} : memref<2x128xi32, #tpu.memory_space<vmem>>, vector<1x16xi32>,
      %get3A_1801 = arith.constant 0 : i32
      %get3A_1802 = arith.index_cast %get3A_1801 : i32 to index
      %get3A_1803 = arith.constant 112 : index
      %get3A_1804 = tpu.vector_load %arg8[%get3A_1802, %get3A_1803] {strides = array<i32>} : memref<2x128xi32, #tpu.memory_space<vmem>>, vector<1x16xi32>,
      %get3A_1805 = vector.shape_cast %get3A_1804 : vector<1x16xi32> to vector<16xi32>
      %swap3A_1806 = arith.constant 0 : i32
      %swap3A_1807 = arith.index_cast %swap3A_1806 : i32 to index
      %swap3A_1808 = arith.constant 112 : index
      %swap3A_1809 = tpu.vector_load %arg9[%swap3A_1807, %swap3A_1808] {strides = array<i32>} : memref<2x128xi32, #tpu.memory_space<vmem>>, vector<1x16xi32>,
      %swap3A_1810 = vector.shape_cast %swap3A_1809 : vector<1x16xi32> to vector<16xi32>
      %swap3A_1811 = vector.shape_cast %get3A_1805 : vector<16xi32> to vector<1x16xi32>
      tpu.vector_store %arg9[%swap3A_1807, %swap3A_1808], %swap3A_1811 {strides = array<i32>} : memref<2x128xi32, #tpu.memory_space<vmem>>, vector<1x16xi32>,
      %add3A_1812 = arith.constant 2 : i32
      %add3A_1813 = arith.addi %add3A_1512, %add3A_1812 : i32
      %add3A_1814 = arith.addi %mul3A_15, %add3A_1813 : i32
      %mul3A_1815 = arith.constant 128 : i32
      %mul3A_1816 = arith.muli %add3A_1814, %mul3A_1815 : i32
      %multiple_of3A_1817 = tpu.assume_multiple %mul3A_1816, 128 : i32
      %dma_start3A_1818 = arith.constant 0 : i32
      %dma_start3A_1819 = arith.constant 1 : i32
      %dma_start3A_1820 = arith.constant 0 : i32
      %dma_start3A_1821 = tpu.memref_slice %arg6[%dma_start3A_1819, %dma_start3A_1820] : memref<2x128xi32, #tpu.memory_space<vmem>> -> memref<1x128xi32, #tpu.memory_space<vmem>>
      %dma_start3A_1822 = tpu.memref_squeeze %dma_start3A_1821 : memref<1x128xi32, #tpu.memory_space<vmem>> -> memref<128xi32, #tpu.memory_space<vmem>>
      %dma_start3A_1823 = tpu.memref_slice %arg2[%dma_start3A_1818, %multiple_of3A_1817] : memref<2x320000xi32, #tpu.memory_space<hbm>> -> memref<1x128xi32, #tpu.memory_space<hbm>>
      %dma_start3A_1824 = tpu.memref_squeeze %dma_start3A_1823 : memref<1x128xi32, #tpu.memory_space<hbm>> -> memref<128xi32, #tpu.memory_space<hbm>>
      %dma_start3A_1825 = arith.constant 0 : i32
      %dma_start3A_1826 = tpu.memref_slice %arg6[%dma_start3A_1819, %dma_start3A_1825] : memref<2x128xi32, #tpu.memory_space<vmem>> -> memref<1x128xi32, #tpu.memory_space<vmem>>
      %dma_start3A_1827 = tpu.memref_squeeze %dma_start3A_1826 : memref<1x128xi32, #tpu.memory_space<vmem>> -> memref<128xi32, #tpu.memory_space<vmem>>
      %dma_start3A_1828 = tpu.memref_slice %arg2[%dma_start3A_1818, %multiple_of3A_1817] : memref<2x320000xi32, #tpu.memory_space<hbm>> -> memref<1x128xi32, #tpu.memory_space<hbm>>
      %dma_start3A_1829 = tpu.memref_squeeze %dma_start3A_1828 : memref<1x128xi32, #tpu.memory_space<hbm>> -> memref<128xi32, #tpu.memory_space<hbm>>
      tpu.enqueue_dma source(%dma_start3A_1829 : memref<128xi32, #tpu.memory_space<hbm>>) target(%dma_start3A_1827 : memref<128xi32, #tpu.memory_space<vmem>>) target_semaphore(%arg19 : memref<!tpu.dma_semaphore, #tpu.memory_space<semaphore_mem>>)
      %dma_start3A_1830 = arith.constant 1 : i32
      %dma_start3A_1831 = arith.constant 0 : i32
      %dma_start3A_1832 = tpu.memref_slice %arg7[%dma_start3A_1830, %dma_start3A_1831] : memref<2x128xi32, #tpu.memory_space<vmem>> -> memref<1x128xi32, #tpu.memory_space<vmem>>
      %dma_start3A_1833 = tpu.memref_squeeze %dma_start3A_1832 : memref<1x128xi32, #tpu.memory_space<vmem>> -> memref<128xi32, #tpu.memory_space<vmem>>
      %dma_start3A_1834 = tpu.memref_slice %arg3[%multiple_of3A_1817] : memref<320000xi32, #tpu.memory_space<hbm>> -> memref<128xi32, #tpu.memory_space<hbm>>
      %dma_start3A_1835 = arith.constant 0 : i32
      %dma_start3A_1836 = tpu.memref_slice %arg7[%dma_start3A_1830, %dma_start3A_1835] : memref<2x128xi32, #tpu.memory_space<vmem>> -> memref<1x128xi32, #tpu.memory_space<vmem>>
      %dma_start3A_1837 = tpu.memref_squeeze %dma_start3A_1836 : memref<1x128xi32, #tpu.memory_space<vmem>> -> memref<128xi32, #tpu.memory_space<vmem>>
      %dma_start3A_1838 = tpu.memref_slice %arg3[%multiple_of3A_1817] : memref<320000xi32, #tpu.memory_space<hbm>> -> memref<128xi32, #tpu.memory_space<hbm>>
      tpu.enqueue_dma source(%dma_start3A_1838 : memref<128xi32, #tpu.memory_space<hbm>>) target(%dma_start3A_1837 : memref<128xi32, #tpu.memory_space<vmem>>) target_semaphore(%arg19 : memref<!tpu.dma_semaphore, #tpu.memory_space<semaphore_mem>>)
      %dma_start3A_1839 = arith.constant 1 : i32
      %dma_start3A_1840 = arith.constant 1 : i32
      %dma_start3A_1841 = arith.constant 0 : i32
      %dma_start3A_1842 = tpu.memref_slice %arg8[%dma_start3A_1840, %dma_start3A_1841] : memref<2x128xi32, #tpu.memory_space<vmem>> -> memref<1x128xi32, #tpu.memory_space<vmem>>
      %dma_start3A_1843 = tpu.memref_squeeze %dma_start3A_1842 : memref<1x128xi32, #tpu.memory_space<vmem>> -> memref<128xi32, #tpu.memory_space<vmem>>
      %dma_start3A_1844 = tpu.memref_slice %arg2[%dma_start3A_1839, %multiple_of3A_1817] : memref<2x320000xi32, #tpu.memory_space<hbm>> -> memref<1x128xi32, #tpu.memory_space<hbm>>
      %dma_start3A_1845 = tpu.memref_squeeze %dma_start3A_1844 : memref<1x128xi32, #tpu.memory_space<hbm>> -> memref<128xi32, #tpu.memory_space<hbm>>
      %dma_start3A_1846 = arith.constant 0 : i32
      %dma_start3A_1847 = tpu.memref_slice %arg8[%dma_start3A_1840, %dma_start3A_1846] : memref<2x128xi32, #tpu.memory_space<vmem>> -> memref<1x128xi32, #tpu.memory_space<vmem>>
      %dma_start3A_1848 = tpu.memref_squeeze %dma_start3A_1847 : memref<1x128xi32, #tpu.memory_space<vmem>> -> memref<128xi32, #tpu.memory_space<vmem>>
      %dma_start3A_1849 = tpu.memref_slice %arg2[%dma_start3A_1839, %multiple_of3A_1817] : memref<2x320000xi32, #tpu.memory_space<hbm>> -> memref<1x128xi32, #tpu.memory_space<hbm>>
      %dma_start3A_1850 = tpu.memref_squeeze %dma_start3A_1849 : memref<1x128xi32, #tpu.memory_space<hbm>> -> memref<128xi32, #tpu.memory_space<hbm>>
      tpu.enqueue_dma source(%dma_start3A_1850 : memref<128xi32, #tpu.memory_space<hbm>>) target(%dma_start3A_1848 : memref<128xi32, #tpu.memory_space<vmem>>) target_semaphore(%arg19 : memref<!tpu.dma_semaphore, #tpu.memory_space<semaphore_mem>>)
      %dma_start3A_1851 = arith.constant 0 : i32
      %dma_start3A_1852 = arith.constant 0 : i32
      %dma_start3A_1853 = arith.constant 0 : i32
      %dma_start3A_1854 = arith.constant 0 : i32
      %dma_start3A_1855 = tpu.memref_slice %arg11[%dma_start3A_1852, %dma_start3A_1853, %dma_start3A_1854] : memref<2x128x128xf32, #tpu.memory_space<vmem>> -> memref<1x128x128xf32, #tpu.memory_space<vmem>>
      %dma_start3A_1856 = tpu.memref_squeeze %dma_start3A_1855 : memref<1x128x128xf32, #tpu.memory_space<vmem>> -> memref<128x128xf32, #tpu.memory_space<vmem>>
      %dma_start3A_1857 = arith.constant 0 : i32
      %dma_start3A_1858 = tpu.memref_slice %arg10[%dma_start3A_1851, %dma_start3A_1857] : memref<2x128xi32, #tpu.memory_space<vmem>> -> memref<1x128xi32, #tpu.memory_space<vmem>>
      %dma_start3A_1859 = tpu.memref_squeeze %dma_start3A_1858 : memref<1x128xi32, #tpu.memory_space<vmem>> -> memref<128xi32, #tpu.memory_space<vmem>>
      %dma_start3A_1860 = arith.constant 0 : i32
      %dma_start3A_1861 = arith.constant 0 : i32
      %dma_start3A_1862 = tpu.memref_slice %arg4[%dma_start3A_1860, %dma_start3A_1861] : memref<81920x128xf32, #tpu.memory_space<hbm>> -> memref<81920x128xf32, #tpu.memory_space<hbm>>
      tpu.enqueue_indirect_dma source(%dma_start3A_1862 : memref<81920x128xf32, #tpu.memory_space<hbm>>) target(%dma_start3A_1856 : memref<128x128xf32, #tpu.memory_space<vmem>>) offsets(%dma_start3A_1859 : memref<128xi32, #tpu.memory_space<vmem>>) semaphore(%arg14 : memref<!tpu.dma_semaphore, #tpu.memory_space<semaphore_mem>>)
      %dma_wait3A_1863 = arith.constant 1 : i32
      %dma_wait3A_1864 = arith.constant 1 : i32
      %dma_wait3A_1865 = arith.constant 0 : i32
      %dma_wait3A_1866 = arith.constant 0 : i32
      %dma_wait3A_1867 = tpu.memref_slice %arg11[%dma_wait3A_1864, %dma_wait3A_1865, %dma_wait3A_1866] : memref<2x128x128xf32, #tpu.memory_space<vmem>> -> memref<1x128x128xf32, #tpu.memory_space<vmem>>
      %dma_wait3A_1868 = tpu.memref_squeeze %dma_wait3A_1867 : memref<1x128x128xf32, #tpu.memory_space<vmem>> -> memref<128x128xf32, #tpu.memory_space<vmem>>
      %dma_wait3A_1869 = arith.constant 0 : i32
      %dma_wait3A_1870 = tpu.memref_slice %arg10[%dma_wait3A_1863, %dma_wait3A_1869] : memref<2x128xi32, #tpu.memory_space<vmem>> -> memref<1x128xi32, #tpu.memory_space<vmem>>
      %dma_wait3A_1871 = tpu.memref_squeeze %dma_wait3A_1870 : memref<1x128xi32, #tpu.memory_space<vmem>> -> memref<128xi32, #tpu.memory_space<vmem>>
      %dma_wait3A_1872 = arith.constant 0 : i32
      %dma_wait3A_1873 = arith.constant 0 : i32
      %dma_wait3A_1874 = tpu.memref_slice %arg4[%dma_wait3A_1872, %dma_wait3A_1873] : memref<81920x128xf32, #tpu.memory_space<hbm>> -> memref<81920x128xf32, #tpu.memory_space<hbm>>
      tpu.wait_indirect_dma semaphore(%arg16 : memref<!tpu.dma_semaphore, #tpu.memory_space<semaphore_mem>>) src(%dma_wait3A_1874 : memref<81920x128xf32, #tpu.memory_space<hbm>>) dst(%dma_wait3A_1868 : memref<128x128xf32, #tpu.memory_space<vmem>>)
      %dma_start3A_1875 = arith.constant 1 : i32
      %dma_start3A_1876 = arith.constant 1 : i32
      %dma_start3A_1877 = arith.constant 0 : i32
      %dma_start3A_1878 = arith.constant 0 : i32
      %dma_start3A_1879 = tpu.memref_slice %arg11[%dma_start3A_1875, %dma_start3A_1877, %dma_start3A_1878] : memref<2x128x128xf32, #tpu.memory_space<vmem>> -> memref<1x128x128xf32, #tpu.memory_space<vmem>>
      %dma_start3A_1880 = tpu.memref_squeeze %dma_start3A_1879 : memref<1x128x128xf32, #tpu.memory_space<vmem>> -> memref<128x128xf32, #tpu.memory_space<vmem>>
      %dma_start3A_1881 = arith.constant 0 : i32
      %dma_start3A_1882 = tpu.memref_slice %arg9[%dma_start3A_1876, %dma_start3A_1881] : memref<2x128xi32, #tpu.memory_space<vmem>> -> memref<1x128xi32, #tpu.memory_space<vmem>>
      %dma_start3A_1883 = tpu.memref_squeeze %dma_start3A_1882 : memref<1x128xi32, #tpu.memory_space<vmem>> -> memref<128xi32, #tpu.memory_space<vmem>>
      %dma_start3A_1884 = arith.constant 0 : i32
      %dma_start3A_1885 = arith.constant 0 : i32
      %dma_start3A_1886 = tpu.memref_slice %arg13[%dma_start3A_1884, %dma_start3A_1885] : memref<10240x128xf32, #tpu.memory_space<vmem_shared>> -> memref<10240x128xf32, #tpu.memory_space<vmem_shared>>
      tpu.enqueue_indirect_dma source(%dma_start3A_1880 : memref<128x128xf32, #tpu.memory_space<vmem>>) target(%dma_start3A_1886 : memref<10240x128xf32, #tpu.memory_space<vmem_shared>>) offsets(%dma_start3A_1883 : memref<128xi32, #tpu.memory_space<vmem>>) semaphore(%arg17 : memref<!tpu.dma_semaphore, #tpu.memory_space<semaphore_mem>>) {add = true}
      %mul3A_1887 = arith.constant 2 : i32
      %mul3A_1888 = arith.muli %mul3A_1887, %scan3A_1508 : i32
      %add3A_1889 = arith.constant 2 : i32
      %add3A_1890 = arith.addi %mul3A_1888, %add3A_1889 : i32
      %dma_wait3A_1891 = arith.constant 1 : i32
      %dma_wait3A_1892 = arith.constant 1 : i32
      %dma_wait3A_1893 = arith.constant 0 : i32
      %dma_wait3A_1894 = arith.constant 0 : i32
      %dma_wait3A_1895 = tpu.memref_slice %arg11[%dma_wait3A_1891, %dma_wait3A_1893, %dma_wait3A_1894] : memref<2x128x128xf32, #tpu.memory_space<vmem>> -> memref<1x128x128xf32, #tpu.memory_space<vmem>>
      %dma_wait3A_1896 = tpu.memref_squeeze %dma_wait3A_1895 : memref<1x128x128xf32, #tpu.memory_space<vmem>> -> memref<128x128xf32, #tpu.memory_space<vmem>>
      %dma_wait3A_1897 = arith.constant 0 : i32
      %dma_wait3A_1898 = tpu.memref_slice %arg9[%dma_wait3A_1892, %dma_wait3A_1897] : memref<2x128xi32, #tpu.memory_space<vmem>> -> memref<1x128xi32, #tpu.memory_space<vmem>>
      %dma_wait3A_1899 = tpu.memref_squeeze %dma_wait3A_1898 : memref<1x128xi32, #tpu.memory_space<vmem>> -> memref<128xi32, #tpu.memory_space<vmem>>
      %dma_wait3A_1900 = arith.constant 0 : i32
      %dma_wait3A_1901 = arith.constant 0 : i32
      %dma_wait3A_1902 = tpu.memref_slice %arg13[%dma_wait3A_1900, %dma_wait3A_1901] : memref<10240x128xf32, #tpu.memory_space<vmem_shared>> -> memref<10240x128xf32, #tpu.memory_space<vmem_shared>>
      tpu.wait_indirect_dma semaphore(%arg17 : memref<!tpu.dma_semaphore, #tpu.memory_space<semaphore_mem>>) src(%dma_wait3A_1896 : memref<128x128xf32, #tpu.memory_space<vmem>>) dst(%dma_wait3A_1902 : memref<10240x128xf32, #tpu.memory_space<vmem_shared>>)
      %add3A_1903 = arith.constant 1 : i32
      %add3A_1904 = arith.addi %add3A_1890, %add3A_1903 : i32
      %add3A_1905 = arith.addi %mul3A_15, %add3A_1904 : i32
      %mul3A_1906 = arith.constant 128 : i32
      %mul3A_1907 = arith.muli %add3A_1905, %mul3A_1906 : i32
      %multiple_of3A_1908 = tpu.assume_multiple %mul3A_1907, 128 : i32
      %dma_wait3A_1909 = arith.constant 0 : i32
      %dma_wait3A_1910 = arith.constant 1 : i32
      %dma_wait3A_1911 = arith.constant 0 : i32
      %dma_wait3A_1912 = tpu.memref_slice %arg6[%dma_wait3A_1910, %dma_wait3A_1911] : memref<2x128xi32, #tpu.memory_space<vmem>> -> memref<1x128xi32, #tpu.memory_space<vmem>>
      %dma_wait3A_1913 = tpu.memref_squeeze %dma_wait3A_1912 : memref<1x128xi32, #tpu.memory_space<vmem>> -> memref<128xi32, #tpu.memory_space<vmem>>
      %dma_wait3A_1914 = tpu.memref_slice %arg2[%dma_wait3A_1909, %multiple_of3A_1908] : memref<2x320000xi32, #tpu.memory_space<hbm>> -> memref<1x128xi32, #tpu.memory_space<hbm>>
      %dma_wait3A_1915 = tpu.memref_squeeze %dma_wait3A_1914 : memref<1x128xi32, #tpu.memory_space<hbm>> -> memref<128xi32, #tpu.memory_space<hbm>>
      %dma_wait3A_1916 = arith.constant 0 : i32
      %dma_wait3A_1917 = tpu.memref_slice %arg6[%dma_wait3A_1910, %dma_wait3A_1916] : memref<2x128xi32, #tpu.memory_space<vmem>> -> memref<1x128xi32, #tpu.memory_space<vmem>>
      %dma_wait3A_1918 = tpu.memref_squeeze %dma_wait3A_1917 : memref<1x128xi32, #tpu.memory_space<vmem>> -> memref<128xi32, #tpu.memory_space<vmem>>
      %dma_wait3A_1919 = tpu.memref_slice %arg2[%dma_wait3A_1909, %multiple_of3A_1908] : memref<2x320000xi32, #tpu.memory_space<hbm>> -> memref<1x128xi32, #tpu.memory_space<hbm>>
      %dma_wait3A_1920 = tpu.memref_squeeze %dma_wait3A_1919 : memref<1x128xi32, #tpu.memory_space<hbm>> -> memref<128xi32, #tpu.memory_space<hbm>>
      tpu.wait_dma2 semaphore(%arg19 : memref<!tpu.dma_semaphore, #tpu.memory_space<semaphore_mem>>) src(%dma_wait3A_1920 : memref<128xi32, #tpu.memory_space<hbm>>) dst(%dma_wait3A_1918 : memref<128xi32, #tpu.memory_space<vmem>>)
      %dma_wait3A_1921 = arith.constant 1 : i32
      %dma_wait3A_1922 = arith.constant 0 : i32
      %dma_wait3A_1923 = tpu.memref_slice %arg7[%dma_wait3A_1921, %dma_wait3A_1922] : memref<2x128xi32, #tpu.memory_space<vmem>> -> memref<1x128xi32, #tpu.memory_space<vmem>>
      %dma_wait3A_1924 = tpu.memref_squeeze %dma_wait3A_1923 : memref<1x128xi32, #tpu.memory_space<vmem>> -> memref<128xi32, #tpu.memory_space<vmem>>
      %dma_wait3A_1925 = tpu.memref_slice %arg3[%multiple_of3A_1908] : memref<320000xi32, #tpu.memory_space<hbm>> -> memref<128xi32, #tpu.memory_space<hbm>>
      %dma_wait3A_1926 = arith.constant 0 : i32
      %dma_wait3A_1927 = tpu.memref_slice %arg7[%dma_wait3A_1921, %dma_wait3A_1926] : memref<2x128xi32, #tpu.memory_space<vmem>> -> memref<1x128xi32, #tpu.memory_space<vmem>>
      %dma_wait3A_1928 = tpu.memref_squeeze %dma_wait3A_1927 : memref<1x128xi32, #tpu.memory_space<vmem>> -> memref<128xi32, #tpu.memory_space<vmem>>
      %dma_wait3A_1929 = tpu.memref_slice %arg3[%multiple_of3A_1908] : memref<320000xi32, #tpu.memory_space<hbm>> -> memref<128xi32, #tpu.memory_space<hbm>>
      tpu.wait_dma2 semaphore(%arg19 : memref<!tpu.dma_semaphore, #tpu.memory_space<semaphore_mem>>) src(%dma_wait3A_1929 : memref<128xi32, #tpu.memory_space<hbm>>) dst(%dma_wait3A_1928 : memref<128xi32, #tpu.memory_space<vmem>>)
      %dma_wait3A_1930 = arith.constant 1 : i32
      %dma_wait3A_1931 = arith.constant 1 : i32
      %dma_wait3A_1932 = arith.constant 0 : i32
      %dma_wait3A_1933 = tpu.memref_slice %arg8[%dma_wait3A_1931, %dma_wait3A_1932] : memref<2x128xi32, #tpu.memory_space<vmem>> -> memref<1x128xi32, #tpu.memory_space<vmem>>
      %dma_wait3A_1934 = tpu.memref_squeeze %dma_wait3A_1933 : memref<1x128xi32, #tpu.memory_space<vmem>> -> memref<128xi32, #tpu.memory_space<vmem>>
      %dma_wait3A_1935 = tpu.memref_slice %arg2[%dma_wait3A_1930, %multiple_of3A_1908] : memref<2x320000xi32, #tpu.memory_space<hbm>> -> memref<1x128xi32, #tpu.memory_space<hbm>>
      %dma_wait3A_1936 = tpu.memref_squeeze %dma_wait3A_1935 : memref<1x128xi32, #tpu.memory_space<hbm>> -> memref<128xi32, #tpu.memory_space<hbm>>
      %dma_wait3A_1937 = arith.constant 0 : i32
      %dma_wait3A_1938 = tpu.memref_slice %arg8[%dma_wait3A_1931, %dma_wait3A_1937] : memref<2x128xi32, #tpu.memory_space<vmem>> -> memref<1x128xi32, #tpu.memory_space<vmem>>
      %dma_wait3A_1939 = tpu.memref_squeeze %dma_wait3A_1938 : memref<1x128xi32, #tpu.memory_space<vmem>> -> memref<128xi32, #tpu.memory_space<vmem>>
      %dma_wait3A_1940 = tpu.memref_slice %arg2[%dma_wait3A_1930, %multiple_of3A_1908] : memref<2x320000xi32, #tpu.memory_space<hbm>> -> memref<1x128xi32, #tpu.memory_space<hbm>>
      %dma_wait3A_1941 = tpu.memref_squeeze %dma_wait3A_1940 : memref<1x128xi32, #tpu.memory_space<hbm>> -> memref<128xi32, #tpu.memory_space<hbm>>
      tpu.wait_dma2 semaphore(%arg19 : memref<!tpu.dma_semaphore, #tpu.memory_space<semaphore_mem>>) src(%dma_wait3A_1941 : memref<128xi32, #tpu.memory_space<hbm>>) dst(%dma_wait3A_1939 : memref<128xi32, #tpu.memory_space<vmem>>)
      %get3A_1942 = arith.constant 1 : i32
      %get3A_1943 = arith.index_cast %get3A_1942 : i32 to index
      %get3A_1944 = arith.constant 0 : index
      %get3A_1945 = tpu.vector_load %arg6[%get3A_1943, %get3A_1944] {strides = array<i32>} : memref<2x128xi32, #tpu.memory_space<vmem>>, vector<1x16xi32>,
      %get3A_1946 = vector.shape_cast %get3A_1945 : vector<1x16xi32> to vector<16xi32>
      %get3A_1947 = arith.constant 1 : i32
      %get3A_1948 = arith.index_cast %get3A_1947 : i32 to index
      %get3A_1949 = arith.constant 0 : index
      %get3A_1950 = tpu.vector_load %arg7[%get3A_1948, %get3A_1949] {strides = array<i32>} : memref<2x128xi32, #tpu.memory_space<vmem>>, vector<1x16xi32>,
      %get3A_1951 = vector.shape_cast %get3A_1950 : vector<1x16xi32> to vector<16xi32>
      %mul3A_1952 = arith.constant 8 : i32
      %mul3A_1953 = vector.broadcast %mul3A_1952 : i32 to vector<16xi32>
      %mul3A_1954 = arith.muli %get3A_1946, %mul3A_1953 : vector<16xi32>
      %add3A_1955 = arith.addi %mul3A_1954, %get3A_1951 : vector<16xi32>
      %swap3A_1956 = arith.constant 1 : i32
      %swap3A_1957 = arith.index_cast %swap3A_1956 : i32 to index
      %swap3A_1958 = arith.constant 0 : index
      %swap3A_1959 = tpu.vector_load %arg10[%swap3A_1957, %swap3A_1958] {strides = array<i32>} : memref<2x128xi32, #tpu.memory_space<vmem>>, vector<1x16xi32>,
      %swap3A_1960 = vector.shape_cast %swap3A_1959 : vector<1x16xi32> to vector<16xi32>
      %swap3A_1961 = vector.shape_cast %add3A_1955 : vector<16xi32> to vector<1x16xi32>
      tpu.vector_store %arg10[%swap3A_1957, %swap3A_1958], %swap3A_1961 {strides = array<i32>} : memref<2x128xi32, #tpu.memory_space<vmem>>, vector<1x16xi32>,
      %get3A_1962 = arith.constant 1 : i32
      %get3A_1963 = arith.index_cast %get3A_1962 : i32 to index
      %get3A_1964 = arith.constant 0 : index
      %get3A_1965 = tpu.vector_load %arg8[%get3A_1963, %get3A_1964] {strides = array<i32>} : memref<2x128xi32, #tpu.memory_space<vmem>>, vector<1x16xi32>,
      %get3A_1966 = vector.shape_cast %get3A_1965 : vector<1x16xi32> to vector<16xi32>
      %swap3A_1967 = arith.constant 1 : i32
      %swap3A_1968 = arith.index_cast %swap3A_1967 : i32 to index
      %swap3A_1969 = arith.constant 0 : index
      %swap3A_1970 = tpu.vector_load %arg9[%swap3A_1968, %swap3A_1969] {strides = array<i32>} : memref<2x128xi32, #tpu.memory_space<vmem>>, vector<1x16xi32>,
      %swap3A_1971 = vector.shape_cast %swap3A_1970 : vector<1x16xi32> to vector<16xi32>
      %swap3A_1972 = vector.shape_cast %get3A_1966 : vector<16xi32> to vector<1x16xi32>
      tpu.vector_store %arg9[%swap3A_1968, %swap3A_1969], %swap3A_1972 {strides = array<i32>} : memref<2x128xi32, #tpu.memory_space<vmem>>, vector<1x16xi32>,
      %get3A_1973 = arith.constant 1 : i32
      %get3A_1974 = arith.index_cast %get3A_1973 : i32 to index
      %get3A_1975 = arith.constant 16 : index
      %get3A_1976 = tpu.vector_load %arg6[%get3A_1974, %get3A_1975] {strides = array<i32>} : memref<2x128xi32, #tpu.memory_space<vmem>>, vector<1x16xi32>,
      %get3A_1977 = vector.shape_cast %get3A_1976 : vector<1x16xi32> to vector<16xi32>
      %get3A_1978 = arith.constant 1 : i32
      %get3A_1979 = arith.index_cast %get3A_1978 : i32 to index
      %get3A_1980 = arith.constant 16 : index
      %get3A_1981 = tpu.vector_load %arg7[%get3A_1979, %get3A_1980] {strides = array<i32>} : memref<2x128xi32, #tpu.memory_space<vmem>>, vector<1x16xi32>,
      %get3A_1982 = vector.shape_cast %get3A_1981 : vector<1x16xi32> to vector<16xi32>
      %mul3A_1983 = arith.constant 8 : i32
      %mul3A_1984 = vector.broadcast %mul3A_1983 : i32 to vector<16xi32>
      %mul3A_1985 = arith.muli %get3A_1977, %mul3A_1984 : vector<16xi32>
      %add3A_1986 = arith.addi %mul3A_1985, %get3A_1982 : vector<16xi32>
      %swap3A_1987 = arith.constant 1 : i32
      %swap3A_1988 = arith.index_cast %swap3A_1987 : i32 to index
      %swap3A_1989 = arith.constant 16 : index
      %swap3A_1990 = tpu.vector_load %arg10[%swap3A_1988, %swap3A_1989] {strides = array<i32>} : memref<2x128xi32, #tpu.memory_space<vmem>>, vector<1x16xi32>,
      %swap3A_1991 = vector.shape_cast %swap3A_1990 : vector<1x16xi32> to vector<16xi32>
      %swap3A_1992 = vector.shape_cast %add3A_1986 : vector<16xi32> to vector<1x16xi32>
      tpu.vector_store %arg10[%swap3A_1988, %swap3A_1989], %swap3A_1992 {strides = array<i32>} : memref<2x128xi32, #tpu.memory_space<vmem>>, vector<1x16xi32>,
      %get3A_1993 = arith.constant 1 : i32
      %get3A_1994 = arith.index_cast %get3A_1993 : i32 to index
      %get3A_1995 = arith.constant 16 : index
      %get3A_1996 = tpu.vector_load %arg8[%get3A_1994, %get3A_1995] {strides = array<i32>} : memref<2x128xi32, #tpu.memory_space<vmem>>, vector<1x16xi32>,
      %get3A_1997 = vector.shape_cast %get3A_1996 : vector<1x16xi32> to vector<16xi32>
      %swap3A_1998 = arith.constant 1 : i32
      %swap3A_1999 = arith.index_cast %swap3A_1998 : i32 to index
      %swap3A_2000 = arith.constant 16 : index
      %swap3A_2001 = tpu.vector_load %arg9[%swap3A_1999, %swap3A_2000] {strides = array<i32>} : memref<2x128xi32, #tpu.memory_space<vmem>>, vector<1x16xi32>,
      %swap3A_2002 = vector.shape_cast %swap3A_2001 : vector<1x16xi32> to vector<16xi32>
      %swap3A_2003 = vector.shape_cast %get3A_1997 : vector<16xi32> to vector<1x16xi32>
      tpu.vector_store %arg9[%swap3A_1999, %swap3A_2000], %swap3A_2003 {strides = array<i32>} : memref<2x128xi32, #tpu.memory_space<vmem>>, vector<1x16xi32>,
      %get3A_2004 = arith.constant 1 : i32
      %get3A_2005 = arith.index_cast %get3A_2004 : i32 to index
      %get3A_2006 = arith.constant 32 : index
      %get3A_2007 = tpu.vector_load %arg6[%get3A_2005, %get3A_2006] {strides = array<i32>} : memref<2x128xi32, #tpu.memory_space<vmem>>, vector<1x16xi32>,
      %get3A_2008 = vector.shape_cast %get3A_2007 : vector<1x16xi32> to vector<16xi32>
      %get3A_2009 = arith.constant 1 : i32
      %get3A_2010 = arith.index_cast %get3A_2009 : i32 to index
      %get3A_2011 = arith.constant 32 : index
      %get3A_2012 = tpu.vector_load %arg7[%get3A_2010, %get3A_2011] {strides = array<i32>} : memref<2x128xi32, #tpu.memory_space<vmem>>, vector<1x16xi32>,
      %get3A_2013 = vector.shape_cast %get3A_2012 : vector<1x16xi32> to vector<16xi32>
      %mul3A_2014 = arith.constant 8 : i32
      %mul3A_2015 = vector.broadcast %mul3A_2014 : i32 to vector<16xi32>
      %mul3A_2016 = arith.muli %get3A_2008, %mul3A_2015 : vector<16xi32>
      %add3A_2017 = arith.addi %mul3A_2016, %get3A_2013 : vector<16xi32>
      %swap3A_2018 = arith.constant 1 : i32
      %swap3A_2019 = arith.index_cast %swap3A_2018 : i32 to index
      %swap3A_2020 = arith.constant 32 : index
      %swap3A_2021 = tpu.vector_load %arg10[%swap3A_2019, %swap3A_2020] {strides = array<i32>} : memref<2x128xi32, #tpu.memory_space<vmem>>, vector<1x16xi32>,
      %swap3A_2022 = vector.shape_cast %swap3A_2021 : vector<1x16xi32> to vector<16xi32>
      %swap3A_2023 = vector.shape_cast %add3A_2017 : vector<16xi32> to vector<1x16xi32>
      tpu.vector_store %arg10[%swap3A_2019, %swap3A_2020], %swap3A_2023 {strides = array<i32>} : memref<2x128xi32, #tpu.memory_space<vmem>>, vector<1x16xi32>,
      %get3A_2024 = arith.constant 1 : i32
      %get3A_2025 = arith.index_cast %get3A_2024 : i32 to index
      %get3A_2026 = arith.constant 32 : index
      %get3A_2027 = tpu.vector_load %arg8[%get3A_2025, %get3A_2026] {strides = array<i32>} : memref<2x128xi32, #tpu.memory_space<vmem>>, vector<1x16xi32>,
      %get3A_2028 = vector.shape_cast %get3A_2027 : vector<1x16xi32> to vector<16xi32>
      %swap3A_2029 = arith.constant 1 : i32
      %swap3A_2030 = arith.index_cast %swap3A_2029 : i32 to index
      %swap3A_2031 = arith.constant 32 : index
      %swap3A_2032 = tpu.vector_load %arg9[%swap3A_2030, %swap3A_2031] {strides = array<i32>} : memref<2x128xi32, #tpu.memory_space<vmem>>, vector<1x16xi32>,
      %swap3A_2033 = vector.shape_cast %swap3A_2032 : vector<1x16xi32> to vector<16xi32>
      %swap3A_2034 = vector.shape_cast %get3A_2028 : vector<16xi32> to vector<1x16xi32>
      tpu.vector_store %arg9[%swap3A_2030, %swap3A_2031], %swap3A_2034 {strides = array<i32>} : memref<2x128xi32, #tpu.memory_space<vmem>>, vector<1x16xi32>,
      %get3A_2035 = arith.constant 1 : i32
      %get3A_2036 = arith.index_cast %get3A_2035 : i32 to index
      %get3A_2037 = arith.constant 48 : index
      %get3A_2038 = tpu.vector_load %arg6[%get3A_2036, %get3A_2037] {strides = array<i32>} : memref<2x128xi32, #tpu.memory_space<vmem>>, vector<1x16xi32>,
      %get3A_2039 = vector.shape_cast %get3A_2038 : vector<1x16xi32> to vector<16xi32>
      %get3A_2040 = arith.constant 1 : i32
      %get3A_2041 = arith.index_cast %get3A_2040 : i32 to index
      %get3A_2042 = arith.constant 48 : index
      %get3A_2043 = tpu.vector_load %arg7[%get3A_2041, %get3A_2042] {strides = array<i32>} : memref<2x128xi32, #tpu.memory_space<vmem>>, vector<1x16xi32>,
      %get3A_2044 = vector.shape_cast %get3A_2043 : vector<1x16xi32> to vector<16xi32>
      %mul3A_2045 = arith.constant 8 : i32
      %mul3A_2046 = vector.broadcast %mul3A_2045 : i32 to vector<16xi32>
      %mul3A_2047 = arith.muli %get3A_2039, %mul3A_2046 : vector<16xi32>
      %add3A_2048 = arith.addi %mul3A_2047, %get3A_2044 : vector<16xi32>
      %swap3A_2049 = arith.constant 1 : i32
      %swap3A_2050 = arith.index_cast %swap3A_2049 : i32 to index
      %swap3A_2051 = arith.constant 48 : index
      %swap3A_2052 = tpu.vector_load %arg10[%swap3A_2050, %swap3A_2051] {strides = array<i32>} : memref<2x128xi32, #tpu.memory_space<vmem>>, vector<1x16xi32>,
      %swap3A_2053 = vector.shape_cast %swap3A_2052 : vector<1x16xi32> to vector<16xi32>
      %swap3A_2054 = vector.shape_cast %add3A_2048 : vector<16xi32> to vector<1x16xi32>
      tpu.vector_store %arg10[%swap3A_2050, %swap3A_2051], %swap3A_2054 {strides = array<i32>} : memref<2x128xi32, #tpu.memory_space<vmem>>, vector<1x16xi32>,
      %get3A_2055 = arith.constant 1 : i32
      %get3A_2056 = arith.index_cast %get3A_2055 : i32 to index
      %get3A_2057 = arith.constant 48 : index
      %get3A_2058 = tpu.vector_load %arg8[%get3A_2056, %get3A_2057] {strides = array<i32>} : memref<2x128xi32, #tpu.memory_space<vmem>>, vector<1x16xi32>,
      %get3A_2059 = vector.shape_cast %get3A_2058 : vector<1x16xi32> to vector<16xi32>
      %swap3A_2060 = arith.constant 1 : i32
      %swap3A_2061 = arith.index_cast %swap3A_2060 : i32 to index
      %swap3A_2062 = arith.constant 48 : index
      %swap3A_2063 = tpu.vector_load %arg9[%swap3A_2061, %swap3A_2062] {strides = array<i32>} : memref<2x128xi32, #tpu.memory_space<vmem>>, vector<1x16xi32>,
      %swap3A_2064 = vector.shape_cast %swap3A_2063 : vector<1x16xi32> to vector<16xi32>
      %swap3A_2065 = vector.shape_cast %get3A_2059 : vector<16xi32> to vector<1x16xi32>
      tpu.vector_store %arg9[%swap3A_2061, %swap3A_2062], %swap3A_2065 {strides = array<i32>} : memref<2x128xi32, #tpu.memory_space<vmem>>, vector<1x16xi32>,
      %get3A_2066 = arith.constant 1 : i32
      %get3A_2067 = arith.index_cast %get3A_2066 : i32 to index
      %get3A_2068 = arith.constant 64 : index
      %get3A_2069 = tpu.vector_load %arg6[%get3A_2067, %get3A_2068] {strides = array<i32>} : memref<2x128xi32, #tpu.memory_space<vmem>>, vector<1x16xi32>,
      %get3A_2070 = vector.shape_cast %get3A_2069 : vector<1x16xi32> to vector<16xi32>
      %get3A_2071 = arith.constant 1 : i32
      %get3A_2072 = arith.index_cast %get3A_2071 : i32 to index
      %get3A_2073 = arith.constant 64 : index
      %get3A_2074 = tpu.vector_load %arg7[%get3A_2072, %get3A_2073] {strides = array<i32>} : memref<2x128xi32, #tpu.memory_space<vmem>>, vector<1x16xi32>,
      %get3A_2075 = vector.shape_cast %get3A_2074 : vector<1x16xi32> to vector<16xi32>
      %mul3A_2076 = arith.constant 8 : i32
      %mul3A_2077 = vector.broadcast %mul3A_2076 : i32 to vector<16xi32>
      %mul3A_2078 = arith.muli %get3A_2070, %mul3A_2077 : vector<16xi32>
      %add3A_2079 = arith.addi %mul3A_2078, %get3A_2075 : vector<16xi32>
      %swap3A_2080 = arith.constant 1 : i32
      %swap3A_2081 = arith.index_cast %swap3A_2080 : i32 to index
      %swap3A_2082 = arith.constant 64 : index
      %swap3A_2083 = tpu.vector_load %arg10[%swap3A_2081, %swap3A_2082] {strides = array<i32>} : memref<2x128xi32, #tpu.memory_space<vmem>>, vector<1x16xi32>,
      %swap3A_2084 = vector.shape_cast %swap3A_2083 : vector<1x16xi32> to vector<16xi32>
      %swap3A_2085 = vector.shape_cast %add3A_2079 : vector<16xi32> to vector<1x16xi32>
      tpu.vector_store %arg10[%swap3A_2081, %swap3A_2082], %swap3A_2085 {strides = array<i32>} : memref<2x128xi32, #tpu.memory_space<vmem>>, vector<1x16xi32>,
      %get3A_2086 = arith.constant 1 : i32
      %get3A_2087 = arith.index_cast %get3A_2086 : i32 to index
      %get3A_2088 = arith.constant 64 : index
      %get3A_2089 = tpu.vector_load %arg8[%get3A_2087, %get3A_2088] {strides = array<i32>} : memref<2x128xi32, #tpu.memory_space<vmem>>, vector<1x16xi32>,
      %get3A_2090 = vector.shape_cast %get3A_2089 : vector<1x16xi32> to vector<16xi32>
      %swap3A_2091 = arith.constant 1 : i32
      %swap3A_2092 = arith.index_cast %swap3A_2091 : i32 to index
      %swap3A_2093 = arith.constant 64 : index
      %swap3A_2094 = tpu.vector_load %arg9[%swap3A_2092, %swap3A_2093] {strides = array<i32>} : memref<2x128xi32, #tpu.memory_space<vmem>>, vector<1x16xi32>,
      %swap3A_2095 = vector.shape_cast %swap3A_2094 : vector<1x16xi32> to vector<16xi32>
      %swap3A_2096 = vector.shape_cast %get3A_2090 : vector<16xi32> to vector<1x16xi32>
      tpu.vector_store %arg9[%swap3A_2092, %swap3A_2093], %swap3A_2096 {strides = array<i32>} : memref<2x128xi32, #tpu.memory_space<vmem>>, vector<1x16xi32>,
      %get3A_2097 = arith.constant 1 : i32
      %get3A_2098 = arith.index_cast %get3A_2097 : i32 to index
      %get3A_2099 = arith.constant 80 : index
      %get3A_2100 = tpu.vector_load %arg6[%get3A_2098, %get3A_2099] {strides = array<i32>} : memref<2x128xi32, #tpu.memory_space<vmem>>, vector<1x16xi32>,
      %get3A_2101 = vector.shape_cast %get3A_2100 : vector<1x16xi32> to vector<16xi32>
      %get3A_2102 = arith.constant 1 : i32
      %get3A_2103 = arith.index_cast %get3A_2102 : i32 to index
      %get3A_2104 = arith.constant 80 : index
      %get3A_2105 = tpu.vector_load %arg7[%get3A_2103, %get3A_2104] {strides = array<i32>} : memref<2x128xi32, #tpu.memory_space<vmem>>, vector<1x16xi32>,
      %get3A_2106 = vector.shape_cast %get3A_2105 : vector<1x16xi32> to vector<16xi32>
      %mul3A_2107 = arith.constant 8 : i32
      %mul3A_2108 = vector.broadcast %mul3A_2107 : i32 to vector<16xi32>
      %mul3A_2109 = arith.muli %get3A_2101, %mul3A_2108 : vector<16xi32>
      %add3A_2110 = arith.addi %mul3A_2109, %get3A_2106 : vector<16xi32>
      %swap3A_2111 = arith.constant 1 : i32
      %swap3A_2112 = arith.index_cast %swap3A_2111 : i32 to index
      %swap3A_2113 = arith.constant 80 : index
      %swap3A_2114 = tpu.vector_load %arg10[%swap3A_2112, %swap3A_2113] {strides = array<i32>} : memref<2x128xi32, #tpu.memory_space<vmem>>, vector<1x16xi32>,
      %swap3A_2115 = vector.shape_cast %swap3A_2114 : vector<1x16xi32> to vector<16xi32>
      %swap3A_2116 = vector.shape_cast %add3A_2110 : vector<16xi32> to vector<1x16xi32>
      tpu.vector_store %arg10[%swap3A_2112, %swap3A_2113], %swap3A_2116 {strides = array<i32>} : memref<2x128xi32, #tpu.memory_space<vmem>>, vector<1x16xi32>,
      %get3A_2117 = arith.constant 1 : i32
      %get3A_2118 = arith.index_cast %get3A_2117 : i32 to index
      %get3A_2119 = arith.constant 80 : index
      %get3A_2120 = tpu.vector_load %arg8[%get3A_2118, %get3A_2119] {strides = array<i32>} : memref<2x128xi32, #tpu.memory_space<vmem>>, vector<1x16xi32>,
      %get3A_2121 = vector.shape_cast %get3A_2120 : vector<1x16xi32> to vector<16xi32>
      %swap3A_2122 = arith.constant 1 : i32
      %swap3A_2123 = arith.index_cast %swap3A_2122 : i32 to index
      %swap3A_2124 = arith.constant 80 : index
      %swap3A_2125 = tpu.vector_load %arg9[%swap3A_2123, %swap3A_2124] {strides = array<i32>} : memref<2x128xi32, #tpu.memory_space<vmem>>, vector<1x16xi32>,
      %swap3A_2126 = vector.shape_cast %swap3A_2125 : vector<1x16xi32> to vector<16xi32>
      %swap3A_2127 = vector.shape_cast %get3A_2121 : vector<16xi32> to vector<1x16xi32>
      tpu.vector_store %arg9[%swap3A_2123, %swap3A_2124], %swap3A_2127 {strides = array<i32>} : memref<2x128xi32, #tpu.memory_space<vmem>>, vector<1x16xi32>,
      %get3A_2128 = arith.constant 1 : i32
      %get3A_2129 = arith.index_cast %get3A_2128 : i32 to index
      %get3A_2130 = arith.constant 96 : index
      %get3A_2131 = tpu.vector_load %arg6[%get3A_2129, %get3A_2130] {strides = array<i32>} : memref<2x128xi32, #tpu.memory_space<vmem>>, vector<1x16xi32>,
      %get3A_2132 = vector.shape_cast %get3A_2131 : vector<1x16xi32> to vector<16xi32>
      %get3A_2133 = arith.constant 1 : i32
      %get3A_2134 = arith.index_cast %get3A_2133 : i32 to index
      %get3A_2135 = arith.constant 96 : index
      %get3A_2136 = tpu.vector_load %arg7[%get3A_2134, %get3A_2135] {strides = array<i32>} : memref<2x128xi32, #tpu.memory_space<vmem>>, vector<1x16xi32>,
      %get3A_2137 = vector.shape_cast %get3A_2136 : vector<1x16xi32> to vector<16xi32>
      %mul3A_2138 = arith.constant 8 : i32
      %mul3A_2139 = vector.broadcast %mul3A_2138 : i32 to vector<16xi32>
      %mul3A_2140 = arith.muli %get3A_2132, %mul3A_2139 : vector<16xi32>
      %add3A_2141 = arith.addi %mul3A_2140, %get3A_2137 : vector<16xi32>
      %swap3A_2142 = arith.constant 1 : i32
      %swap3A_2143 = arith.index_cast %swap3A_2142 : i32 to index
      %swap3A_2144 = arith.constant 96 : index
      %swap3A_2145 = tpu.vector_load %arg10[%swap3A_2143, %swap3A_2144] {strides = array<i32>} : memref<2x128xi32, #tpu.memory_space<vmem>>, vector<1x16xi32>,
      %swap3A_2146 = vector.shape_cast %swap3A_2145 : vector<1x16xi32> to vector<16xi32>
      %swap3A_2147 = vector.shape_cast %add3A_2141 : vector<16xi32> to vector<1x16xi32>
      tpu.vector_store %arg10[%swap3A_2143, %swap3A_2144], %swap3A_2147 {strides = array<i32>} : memref<2x128xi32, #tpu.memory_space<vmem>>, vector<1x16xi32>,
      %get3A_2148 = arith.constant 1 : i32
      %get3A_2149 = arith.index_cast %get3A_2148 : i32 to index
      %get3A_2150 = arith.constant 96 : index
      %get3A_2151 = tpu.vector_load %arg8[%get3A_2149, %get3A_2150] {strides = array<i32>} : memref<2x128xi32, #tpu.memory_space<vmem>>, vector<1x16xi32>,
      %get3A_2152 = vector.shape_cast %get3A_2151 : vector<1x16xi32> to vector<16xi32>
      %swap3A_2153 = arith.constant 1 : i32
      %swap3A_2154 = arith.index_cast %swap3A_2153 : i32 to index
      %swap3A_2155 = arith.constant 96 : index
      %swap3A_2156 = tpu.vector_load %arg9[%swap3A_2154, %swap3A_2155] {strides = array<i32>} : memref<2x128xi32, #tpu.memory_space<vmem>>, vector<1x16xi32>,
      %swap3A_2157 = vector.shape_cast %swap3A_2156 : vector<1x16xi32> to vector<16xi32>
      %swap3A_2158 = vector.shape_cast %get3A_2152 : vector<16xi32> to vector<1x16xi32>
      tpu.vector_store %arg9[%swap3A_2154, %swap3A_2155], %swap3A_2158 {strides = array<i32>} : memref<2x128xi32, #tpu.memory_space<vmem>>, vector<1x16xi32>,
      %get3A_2159 = arith.constant 1 : i32
      %get3A_2160 = arith.index_cast %get3A_2159 : i32 to index
      %get3A_2161 = arith.constant 112 : index
      %get3A_2162 = tpu.vector_load %arg6[%get3A_2160, %get3A_2161] {strides = array<i32>} : memref<2x128xi32, #tpu.memory_space<vmem>>, vector<1x16xi32>,
      %get3A_2163 = vector.shape_cast %get3A_2162 : vector<1x16xi32> to vector<16xi32>
      %get3A_2164 = arith.constant 1 : i32
      %get3A_2165 = arith.index_cast %get3A_2164 : i32 to index
      %get3A_2166 = arith.constant 112 : index
      %get3A_2167 = tpu.vector_load %arg7[%get3A_2165, %get3A_2166] {strides = array<i32>} : memref<2x128xi32, #tpu.memory_space<vmem>>, vector<1x16xi32>,
      %get3A_2168 = vector.shape_cast %get3A_2167 : vector<1x16xi32> to vector<16xi32>
      %mul3A_2169 = arith.constant 8 : i32
      %mul3A_2170 = vector.broadcast %mul3A_2169 : i32 to vector<16xi32>
      %mul3A_2171 = arith.muli %get3A_2163, %mul3A_2170 : vector<16xi32>
      %add3A_2172 = arith.addi %mul3A_2171, %get3A_2168 : vector<16xi32>
      %swap3A_2173 = arith.constant 1 : i32
      %swap3A_2174 = arith.index_cast %swap3A_2173 : i32 to index
      %swap3A_2175 = arith.constant 112 : index
      %swap3A_2176 = tpu.vector_load %arg10[%swap3A_2174, %swap3A_2175] {strides = array<i32>} : memref<2x128xi32, #tpu.memory_space<vmem>>, vector<1x16xi32>,
      %swap3A_2177 = vector.shape_cast %swap3A_2176 : vector<1x16xi32> to vector<16xi32>
      %swap3A_2178 = vector.shape_cast %add3A_2172 : vector<16xi32> to vector<1x16xi32>
      tpu.vector_store %arg10[%swap3A_2174, %swap3A_2175], %swap3A_2178 {strides = array<i32>} : memref<2x128xi32, #tpu.memory_space<vmem>>, vector<1x16xi32>,
      %get3A_2179 = arith.constant 1 : i32
      %get3A_2180 = arith.index_cast %get3A_2179 : i32 to index
      %get3A_2181 = arith.constant 112 : index
      %get3A_2182 = tpu.vector_load %arg8[%get3A_2180, %get3A_2181] {strides = array<i32>} : memref<2x128xi32, #tpu.memory_space<vmem>>, vector<1x16xi32>,
      %get3A_2183 = vector.shape_cast %get3A_2182 : vector<1x16xi32> to vector<16xi32>
      %swap3A_2184 = arith.constant 1 : i32
      %swap3A_2185 = arith.index_cast %swap3A_2184 : i32 to index
      %swap3A_2186 = arith.constant 112 : index
      %swap3A_2187 = tpu.vector_load %arg9[%swap3A_2185, %swap3A_2186] {strides = array<i32>} : memref<2x128xi32, #tpu.memory_space<vmem>>, vector<1x16xi32>,
      %swap3A_2188 = vector.shape_cast %swap3A_2187 : vector<1x16xi32> to vector<16xi32>
      %swap3A_2189 = vector.shape_cast %get3A_2183 : vector<16xi32> to vector<1x16xi32>
      tpu.vector_store %arg9[%swap3A_2185, %swap3A_2186], %swap3A_2189 {strides = array<i32>} : memref<2x128xi32, #tpu.memory_space<vmem>>, vector<1x16xi32>,
      %add3A_2190 = arith.constant 2 : i32
      %add3A_2191 = arith.addi %add3A_1890, %add3A_2190 : i32
      %add3A_2192 = arith.addi %mul3A_15, %add3A_2191 : i32
      %mul3A_2193 = arith.constant 128 : i32
      %mul3A_2194 = arith.muli %add3A_2192, %mul3A_2193 : i32
      %multiple_of3A_2195 = tpu.assume_multiple %mul3A_2194, 128 : i32
      %dma_start3A_2196 = arith.constant 0 : i32
      %dma_start3A_2197 = arith.constant 0 : i32
      %dma_start3A_2198 = arith.constant 0 : i32
      %dma_start3A_2199 = tpu.memref_slice %arg6[%dma_start3A_2197, %dma_start3A_2198] : memref<2x128xi32, #tpu.memory_space<vmem>> -> memref<1x128xi32, #tpu.memory_space<vmem>>
      %dma_start3A_2200 = tpu.memref_squeeze %dma_start3A_2199 : memref<1x128xi32, #tpu.memory_space<vmem>> -> memref<128xi32, #tpu.memory_space<vmem>>
      %dma_start3A_2201 = tpu.memref_slice %arg2[%dma_start3A_2196, %multiple_of3A_2195] : memref<2x320000xi32, #tpu.memory_space<hbm>> -> memref<1x128xi32, #tpu.memory_space<hbm>>
      %dma_start3A_2202 = tpu.memref_squeeze %dma_start3A_2201 : memref<1x128xi32, #tpu.memory_space<hbm>> -> memref<128xi32, #tpu.memory_space<hbm>>
      %dma_start3A_2203 = arith.constant 0 : i32
      %dma_start3A_2204 = tpu.memref_slice %arg6[%dma_start3A_2197, %dma_start3A_2203] : memref<2x128xi32, #tpu.memory_space<vmem>> -> memref<1x128xi32, #tpu.memory_space<vmem>>
      %dma_start3A_2205 = tpu.memref_squeeze %dma_start3A_2204 : memref<1x128xi32, #tpu.memory_space<vmem>> -> memref<128xi32, #tpu.memory_space<vmem>>
      %dma_start3A_2206 = tpu.memref_slice %arg2[%dma_start3A_2196, %multiple_of3A_2195] : memref<2x320000xi32, #tpu.memory_space<hbm>> -> memref<1x128xi32, #tpu.memory_space<hbm>>
      %dma_start3A_2207 = tpu.memref_squeeze %dma_start3A_2206 : memref<1x128xi32, #tpu.memory_space<hbm>> -> memref<128xi32, #tpu.memory_space<hbm>>
      tpu.enqueue_dma source(%dma_start3A_2207 : memref<128xi32, #tpu.memory_space<hbm>>) target(%dma_start3A_2205 : memref<128xi32, #tpu.memory_space<vmem>>) target_semaphore(%arg18 : memref<!tpu.dma_semaphore, #tpu.memory_space<semaphore_mem>>)
      %dma_start3A_2208 = arith.constant 0 : i32
      %dma_start3A_2209 = arith.constant 0 : i32
      %dma_start3A_2210 = tpu.memref_slice %arg7[%dma_start3A_2208, %dma_start3A_2209] : memref<2x128xi32, #tpu.memory_space<vmem>> -> memref<1x128xi32, #tpu.memory_space<vmem>>
      %dma_start3A_2211 = tpu.memref_squeeze %dma_start3A_2210 : memref<1x128xi32, #tpu.memory_space<vmem>> -> memref<128xi32, #tpu.memory_space<vmem>>
      %dma_start3A_2212 = tpu.memref_slice %arg3[%multiple_of3A_2195] : memref<320000xi32, #tpu.memory_space<hbm>> -> memref<128xi32, #tpu.memory_space<hbm>>
      %dma_start3A_2213 = arith.constant 0 : i32
      %dma_start3A_2214 = tpu.memref_slice %arg7[%dma_start3A_2208, %dma_start3A_2213] : memref<2x128xi32, #tpu.memory_space<vmem>> -> memref<1x128xi32, #tpu.memory_space<vmem>>
      %dma_start3A_2215 = tpu.memref_squeeze %dma_start3A_2214 : memref<1x128xi32, #tpu.memory_space<vmem>> -> memref<128xi32, #tpu.memory_space<vmem>>
      %dma_start3A_2216 = tpu.memref_slice %arg3[%multiple_of3A_2195] : memref<320000xi32, #tpu.memory_space<hbm>> -> memref<128xi32, #tpu.memory_space<hbm>>
      tpu.enqueue_dma source(%dma_start3A_2216 : memref<128xi32, #tpu.memory_space<hbm>>) target(%dma_start3A_2215 : memref<128xi32, #tpu.memory_space<vmem>>) target_semaphore(%arg18 : memref<!tpu.dma_semaphore, #tpu.memory_space<semaphore_mem>>)
      %dma_start3A_2217 = arith.constant 1 : i32
      %dma_start3A_2218 = arith.constant 0 : i32
      %dma_start3A_2219 = arith.constant 0 : i32
      %dma_start3A_2220 = tpu.memref_slice %arg8[%dma_start3A_2218, %dma_start3A_2219] : memref<2x128xi32, #tpu.memory_space<vmem>> -> memref<1x128xi32, #tpu.memory_space<vmem>>
      %dma_start3A_2221 = tpu.memref_squeeze %dma_start3A_2220 : memref<1x128xi32, #tpu.memory_space<vmem>> -> memref<128xi32, #tpu.memory_space<vmem>>
      %dma_start3A_2222 = tpu.memref_slice %arg2[%dma_start3A_2217, %multiple_of3A_2195] : memref<2x320000xi32, #tpu.memory_space<hbm>> -> memref<1x128xi32, #tpu.memory_space<hbm>>
      %dma_start3A_2223 = tpu.memref_squeeze %dma_start3A_2222 : memref<1x128xi32, #tpu.memory_space<hbm>> -> memref<128xi32, #tpu.memory_space<hbm>>
      %dma_start3A_2224 = arith.constant 0 : i32
      %dma_start3A_2225 = tpu.memref_slice %arg8[%dma_start3A_2218, %dma_start3A_2224] : memref<2x128xi32, #tpu.memory_space<vmem>> -> memref<1x128xi32, #tpu.memory_space<vmem>>
      %dma_start3A_2226 = tpu.memref_squeeze %dma_start3A_2225 : memref<1x128xi32, #tpu.memory_space<vmem>> -> memref<128xi32, #tpu.memory_space<vmem>>
      %dma_start3A_2227 = tpu.memref_slice %arg2[%dma_start3A_2217, %multiple_of3A_2195] : memref<2x320000xi32, #tpu.memory_space<hbm>> -> memref<1x128xi32, #tpu.memory_space<hbm>>
      %dma_start3A_2228 = tpu.memref_squeeze %dma_start3A_2227 : memref<1x128xi32, #tpu.memory_space<hbm>> -> memref<128xi32, #tpu.memory_space<hbm>>
      tpu.enqueue_dma source(%dma_start3A_2228 : memref<128xi32, #tpu.memory_space<hbm>>) target(%dma_start3A_2226 : memref<128xi32, #tpu.memory_space<vmem>>) target_semaphore(%arg18 : memref<!tpu.dma_semaphore, #tpu.memory_space<semaphore_mem>>)
      %dma_start3A_2229 = arith.constant 1 : i32
      %dma_start3A_2230 = arith.constant 1 : i32
      %dma_start3A_2231 = arith.constant 0 : i32
      %dma_start3A_2232 = arith.constant 0 : i32
      %dma_start3A_2233 = tpu.memref_slice %arg11[%dma_start3A_2230, %dma_start3A_2231, %dma_start3A_2232] : memref<2x128x128xf32, #tpu.memory_space<vmem>> -> memref<1x128x128xf32, #tpu.memory_space<vmem>>
      %dma_start3A_2234 = tpu.memref_squeeze %dma_start3A_2233 : memref<1x128x128xf32, #tpu.memory_space<vmem>> -> memref<128x128xf32, #tpu.memory_space<vmem>>
      %dma_start3A_2235 = arith.constant 0 : i32
      %dma_start3A_2236 = tpu.memref_slice %arg10[%dma_start3A_2229, %dma_start3A_2235] : memref<2x128xi32, #tpu.memory_space<vmem>> -> memref<1x128xi32, #tpu.memory_space<vmem>>
      %dma_start3A_2237 = tpu.memref_squeeze %dma_start3A_2236 : memref<1x128xi32, #tpu.memory_space<vmem>> -> memref<128xi32, #tpu.memory_space<vmem>>
      %dma_start3A_2238 = arith.constant 0 : i32
      %dma_start3A_2239 = arith.constant 0 : i32
      %dma_start3A_2240 = tpu.memref_slice %arg4[%dma_start3A_2238, %dma_start3A_2239] : memref<81920x128xf32, #tpu.memory_space<hbm>> -> memref<81920x128xf32, #tpu.memory_space<hbm>>
      tpu.enqueue_indirect_dma source(%dma_start3A_2240 : memref<81920x128xf32, #tpu.memory_space<hbm>>) target(%dma_start3A_2234 : memref<128x128xf32, #tpu.memory_space<vmem>>) offsets(%dma_start3A_2237 : memref<128xi32, #tpu.memory_space<vmem>>) semaphore(%arg16 : memref<!tpu.dma_semaphore, #tpu.memory_space<semaphore_mem>>)
      %dma_wait3A_2241 = arith.constant 0 : i32
      %dma_wait3A_2242 = arith.constant 0 : i32
      %dma_wait3A_2243 = arith.constant 0 : i32
      %dma_wait3A_2244 = arith.constant 0 : i32
      %dma_wait3A_2245 = tpu.memref_slice %arg11[%dma_wait3A_2242, %dma_wait3A_2243, %dma_wait3A_2244] : memref<2x128x128xf32, #tpu.memory_space<vmem>> -> memref<1x128x128xf32, #tpu.memory_space<vmem>>
      %dma_wait3A_2246 = tpu.memref_squeeze %dma_wait3A_2245 : memref<1x128x128xf32, #tpu.memory_space<vmem>> -> memref<128x128xf32, #tpu.memory_space<vmem>>
      %dma_wait3A_2247 = arith.constant 0 : i32
      %dma_wait3A_2248 = tpu.memref_slice %arg10[%dma_wait3A_2241, %dma_wait3A_2247] : memref<2x128xi32, #tpu.memory_space<vmem>> -> memref<1x128xi32, #tpu.memory_space<vmem>>
      %dma_wait3A_2249 = tpu.memref_squeeze %dma_wait3A_2248 : memref<1x128xi32, #tpu.memory_space<vmem>> -> memref<128xi32, #tpu.memory_space<vmem>>
      %dma_wait3A_2250 = arith.constant 0 : i32
      %dma_wait3A_2251 = arith.constant 0 : i32
      %dma_wait3A_2252 = tpu.memref_slice %arg4[%dma_wait3A_2250, %dma_wait3A_2251] : memref<81920x128xf32, #tpu.memory_space<hbm>> -> memref<81920x128xf32, #tpu.memory_space<hbm>>
      tpu.wait_indirect_dma semaphore(%arg14 : memref<!tpu.dma_semaphore, #tpu.memory_space<semaphore_mem>>) src(%dma_wait3A_2252 : memref<81920x128xf32, #tpu.memory_space<hbm>>) dst(%dma_wait3A_2246 : memref<128x128xf32, #tpu.memory_space<vmem>>)
      %dma_start3A_2253 = arith.constant 0 : i32
      %dma_start3A_2254 = arith.constant 0 : i32
      %dma_start3A_2255 = arith.constant 0 : i32
      %dma_start3A_2256 = arith.constant 0 : i32
      %dma_start3A_2257 = tpu.memref_slice %arg11[%dma_start3A_2253, %dma_start3A_2255, %dma_start3A_2256] : memref<2x128x128xf32, #tpu.memory_space<vmem>> -> memref<1x128x128xf32, #tpu.memory_space<vmem>>
      %dma_start3A_2258 = tpu.memref_squeeze %dma_start3A_2257 : memref<1x128x128xf32, #tpu.memory_space<vmem>> -> memref<128x128xf32, #tpu.memory_space<vmem>>
      %dma_start3A_2259 = arith.constant 0 : i32
      %dma_start3A_2260 = tpu.memref_slice %arg9[%dma_start3A_2254, %dma_start3A_2259] : memref<2x128xi32, #tpu.memory_space<vmem>> -> memref<1x128xi32, #tpu.memory_space<vmem>>
      %dma_start3A_2261 = tpu.memref_squeeze %dma_start3A_2260 : memref<1x128xi32, #tpu.memory_space<vmem>> -> memref<128xi32, #tpu.memory_space<vmem>>
      %dma_start3A_2262 = arith.constant 0 : i32
      %dma_start3A_2263 = arith.constant 0 : i32
      %dma_start3A_2264 = tpu.memref_slice %arg13[%dma_start3A_2262, %dma_start3A_2263] : memref<10240x128xf32, #tpu.memory_space<vmem_shared>> -> memref<10240x128xf32, #tpu.memory_space<vmem_shared>>
      tpu.enqueue_indirect_dma source(%dma_start3A_2258 : memref<128x128xf32, #tpu.memory_space<vmem>>) target(%dma_start3A_2264 : memref<10240x128xf32, #tpu.memory_space<vmem_shared>>) offsets(%dma_start3A_2261 : memref<128xi32, #tpu.memory_space<vmem>>) semaphore(%arg15 : memref<!tpu.dma_semaphore, #tpu.memory_space<semaphore_mem>>) {add = true}
    }
    %scan3A_750 = arith.constant 37 : i32
    %dma_wait3A_751 = arith.constant 0 : i32
    %dma_wait3A_752 = arith.constant 0 : i32
    %dma_wait3A_753 = arith.constant 0 : i32
    %dma_wait3A_754 = arith.constant 0 : i32
    %dma_wait3A_755 = tpu.memref_slice %arg11[%dma_wait3A_751, %dma_wait3A_753, %dma_wait3A_754] : memref<2x128x128xf32, #tpu.memory_space<vmem>> -> memref<1x128x128xf32, #tpu.memory_space<vmem>>
    %dma_wait3A_756 = tpu.memref_squeeze %dma_wait3A_755 : memref<1x128x128xf32, #tpu.memory_space<vmem>> -> memref<128x128xf32, #tpu.memory_space<vmem>>
    %dma_wait3A_757 = arith.constant 0 : i32
    %dma_wait3A_758 = tpu.memref_slice %arg9[%dma_wait3A_752, %dma_wait3A_757] : memref<2x128xi32, #tpu.memory_space<vmem>> -> memref<1x128xi32, #tpu.memory_space<vmem>>
    %dma_wait3A_759 = tpu.memref_squeeze %dma_wait3A_758 : memref<1x128xi32, #tpu.memory_space<vmem>> -> memref<128xi32, #tpu.memory_space<vmem>>
    %dma_wait3A_760 = arith.constant 0 : i32
    %dma_wait3A_761 = arith.constant 0 : i32
    %dma_wait3A_762 = tpu.memref_slice %arg13[%dma_wait3A_760, %dma_wait3A_761] : memref<10240x128xf32, #tpu.memory_space<vmem_shared>> -> memref<10240x128xf32, #tpu.memory_space<vmem_shared>>
    tpu.wait_indirect_dma semaphore(%arg15 : memref<!tpu.dma_semaphore, #tpu.memory_space<semaphore_mem>>) src(%dma_wait3A_756 : memref<128x128xf32, #tpu.memory_space<vmem>>) dst(%dma_wait3A_762 : memref<10240x128xf32, #tpu.memory_space<vmem_shared>>)
    %add3A_763 = arith.constant 76 : i32
    %add3A_764 = arith.addi %mul3A_15, %add3A_763 : i32
    %mul3A_765 = arith.constant 128 : i32
    %mul3A_766 = arith.muli %add3A_764, %mul3A_765 : i32
    %multiple_of3A_767 = tpu.assume_multiple %mul3A_766, 128 : i32
    %dma_wait3A_768 = arith.constant 0 : i32
    %dma_wait3A_769 = arith.constant 0 : i32
    %dma_wait3A_770 = arith.constant 0 : i32
    %dma_wait3A_771 = tpu.memref_slice %arg6[%dma_wait3A_769, %dma_wait3A_770] : memref<2x128xi32, #tpu.memory_space<vmem>> -> memref<1x128xi32, #tpu.memory_space<vmem>>
    %dma_wait3A_772 = tpu.memref_squeeze %dma_wait3A_771 : memref<1x128xi32, #tpu.memory_space<vmem>> -> memref<128xi32, #tpu.memory_space<vmem>>
    %dma_wait3A_773 = tpu.memref_slice %arg2[%dma_wait3A_768, %multiple_of3A_767] : memref<2x320000xi32, #tpu.memory_space<hbm>> -> memref<1x128xi32, #tpu.memory_space<hbm>>
    %dma_wait3A_774 = tpu.memref_squeeze %dma_wait3A_773 : memref<1x128xi32, #tpu.memory_space<hbm>> -> memref<128xi32, #tpu.memory_space<hbm>>
    %dma_wait3A_775 = arith.constant 0 : i32
    %dma_wait3A_776 = tpu.memref_slice %arg6[%dma_wait3A_769, %dma_wait3A_775] : memref<2x128xi32, #tpu.memory_space<vmem>> -> memref<1x128xi32, #tpu.memory_space<vmem>>
    %dma_wait3A_777 = tpu.memref_squeeze %dma_wait3A_776 : memref<1x128xi32, #tpu.memory_space<vmem>> -> memref<128xi32, #tpu.memory_space<vmem>>
    %dma_wait3A_778 = tpu.memref_slice %arg2[%dma_wait3A_768, %multiple_of3A_767] : memref<2x320000xi32, #tpu.memory_space<hbm>> -> memref<1x128xi32, #tpu.memory_space<hbm>>
    %dma_wait3A_779 = tpu.memref_squeeze %dma_wait3A_778 : memref<1x128xi32, #tpu.memory_space<hbm>> -> memref<128xi32, #tpu.memory_space<hbm>>
    tpu.wait_dma2 semaphore(%arg18 : memref<!tpu.dma_semaphore, #tpu.memory_space<semaphore_mem>>) src(%dma_wait3A_779 : memref<128xi32, #tpu.memory_space<hbm>>) dst(%dma_wait3A_777 : memref<128xi32, #tpu.memory_space<vmem>>)
    %dma_wait3A_780 = arith.constant 0 : i32
    %dma_wait3A_781 = arith.constant 0 : i32
    %dma_wait3A_782 = tpu.memref_slice %arg7[%dma_wait3A_780, %dma_wait3A_781] : memref<2x128xi32, #tpu.memory_space<vmem>> -> memref<1x128xi32, #tpu.memory_space<vmem>>
    %dma_wait3A_783 = tpu.memref_squeeze %dma_wait3A_782 : memref<1x128xi32, #tpu.memory_space<vmem>> -> memref<128xi32, #tpu.memory_space<vmem>>
    %dma_wait3A_784 = tpu.memref_slice %arg3[%multiple_of3A_767] : memref<320000xi32, #tpu.memory_space<hbm>> -> memref<128xi32, #tpu.memory_space<hbm>>
    %dma_wait3A_785 = arith.constant 0 : i32
    %dma_wait3A_786 = tpu.memref_slice %arg7[%dma_wait3A_780, %dma_wait3A_785] : memref<2x128xi32, #tpu.memory_space<vmem>> -> memref<1x128xi32, #tpu.memory_space<vmem>>
    %dma_wait3A_787 = tpu.memref_squeeze %dma_wait3A_786 : memref<1x128xi32, #tpu.memory_space<vmem>> -> memref<128xi32, #tpu.memory_space<vmem>>
    %dma_wait3A_788 = tpu.memref_slice %arg3[%multiple_of3A_767] : memref<320000xi32, #tpu.memory_space<hbm>> -> memref<128xi32, #tpu.memory_space<hbm>>
    tpu.wait_dma2 semaphore(%arg18 : memref<!tpu.dma_semaphore, #tpu.memory_space<semaphore_mem>>) src(%dma_wait3A_788 : memref<128xi32, #tpu.memory_space<hbm>>) dst(%dma_wait3A_787 : memref<128xi32, #tpu.memory_space<vmem>>)
    %dma_wait3A_789 = arith.constant 1 : i32
    %dma_wait3A_790 = arith.constant 0 : i32
    %dma_wait3A_791 = arith.constant 0 : i32
    %dma_wait3A_792 = tpu.memref_slice %arg8[%dma_wait3A_790, %dma_wait3A_791] : memref<2x128xi32, #tpu.memory_space<vmem>> -> memref<1x128xi32, #tpu.memory_space<vmem>>
    %dma_wait3A_793 = tpu.memref_squeeze %dma_wait3A_792 : memref<1x128xi32, #tpu.memory_space<vmem>> -> memref<128xi32, #tpu.memory_space<vmem>>
    %dma_wait3A_794 = tpu.memref_slice %arg2[%dma_wait3A_789, %multiple_of3A_767] : memref<2x320000xi32, #tpu.memory_space<hbm>> -> memref<1x128xi32, #tpu.memory_space<hbm>>
    %dma_wait3A_795 = tpu.memref_squeeze %dma_wait3A_794 : memref<1x128xi32, #tpu.memory_space<hbm>> -> memref<128xi32, #tpu.memory_space<hbm>>
    %dma_wait3A_796 = arith.constant 0 : i32
    %dma_wait3A_797 = tpu.memref_slice %arg8[%dma_wait3A_790, %dma_wait3A_796] : memref<2x128xi32, #tpu.memory_space<vmem>> -> memref<1x128xi32, #tpu.memory_space<vmem>>
    %dma_wait3A_798 = tpu.memref_squeeze %dma_wait3A_797 : memref<1x128xi32, #tpu.memory_space<vmem>> -> memref<128xi32, #tpu.memory_space<vmem>>
    %dma_wait3A_799 = tpu.memref_slice %arg2[%dma_wait3A_789, %multiple_of3A_767] : memref<2x320000xi32, #tpu.memory_space<hbm>> -> memref<1x128xi32, #tpu.memory_space<hbm>>
    %dma_wait3A_800 = tpu.memref_squeeze %dma_wait3A_799 : memref<1x128xi32, #tpu.memory_space<hbm>> -> memref<128xi32, #tpu.memory_space<hbm>>
    tpu.wait_dma2 semaphore(%arg18 : memref<!tpu.dma_semaphore, #tpu.memory_space<semaphore_mem>>) src(%dma_wait3A_800 : memref<128xi32, #tpu.memory_space<hbm>>) dst(%dma_wait3A_798 : memref<128xi32, #tpu.memory_space<vmem>>)
    %get3A_801 = arith.constant 0 : i32
    %get3A_802 = arith.index_cast %get3A_801 : i32 to index
    %get3A_803 = arith.constant 0 : index
    %get3A_804 = tpu.vector_load %arg6[%get3A_802, %get3A_803] {strides = array<i32>} : memref<2x128xi32, #tpu.memory_space<vmem>>, vector<1x16xi32>,
    %get3A_805 = vector.shape_cast %get3A_804 : vector<1x16xi32> to vector<16xi32>
    %get3A_806 = arith.constant 0 : i32
    %get3A_807 = arith.index_cast %get3A_806 : i32 to index
    %get3A_808 = arith.constant 0 : index
    %get3A_809 = tpu.vector_load %arg7[%get3A_807, %get3A_808] {strides = array<i32>} : memref<2x128xi32, #tpu.memory_space<vmem>>, vector<1x16xi32>,
    %get3A_810 = vector.shape_cast %get3A_809 : vector<1x16xi32> to vector<16xi32>
    %mul3A_811 = arith.constant 8 : i32
    %mul3A_812 = vector.broadcast %mul3A_811 : i32 to vector<16xi32>
    %mul3A_813 = arith.muli %get3A_805, %mul3A_812 : vector<16xi32>
    %add3A_814 = arith.addi %mul3A_813, %get3A_810 : vector<16xi32>
    %swap3A_815 = arith.constant 0 : i32
    %swap3A_816 = arith.index_cast %swap3A_815 : i32 to index
    %swap3A_817 = arith.constant 0 : index
    %swap3A_818 = tpu.vector_load %arg10[%swap3A_816, %swap3A_817] {strides = array<i32>} : memref<2x128xi32, #tpu.memory_space<vmem>>, vector<1x16xi32>,
    %swap3A_819 = vector.shape_cast %swap3A_818 : vector<1x16xi32> to vector<16xi32>
    %swap3A_820 = vector.shape_cast %add3A_814 : vector<16xi32> to vector<1x16xi32>
    tpu.vector_store %arg10[%swap3A_816, %swap3A_817], %swap3A_820 {strides = array<i32>} : memref<2x128xi32, #tpu.memory_space<vmem>>, vector<1x16xi32>,
    %get3A_821 = arith.constant 0 : i32
    %get3A_822 = arith.index_cast %get3A_821 : i32 to index
    %get3A_823 = arith.constant 0 : index
    %get3A_824 = tpu.vector_load %arg8[%get3A_822, %get3A_823] {strides = array<i32>} : memref<2x128xi32, #tpu.memory_space<vmem>>, vector<1x16xi32>,
    %get3A_825 = vector.shape_cast %get3A_824 : vector<1x16xi32> to vector<16xi32>
    %swap3A_826 = arith.constant 0 : i32
    %swap3A_827 = arith.index_cast %swap3A_826 : i32 to index
    %swap3A_828 = arith.constant 0 : index
    %swap3A_829 = tpu.vector_load %arg9[%swap3A_827, %swap3A_828] {strides = array<i32>} : memref<2x128xi32, #tpu.memory_space<vmem>>, vector<1x16xi32>,
    %swap3A_830 = vector.shape_cast %swap3A_829 : vector<1x16xi32> to vector<16xi32>
    %swap3A_831 = vector.shape_cast %get3A_825 : vector<16xi32> to vector<1x16xi32>
    tpu.vector_store %arg9[%swap3A_827, %swap3A_828], %swap3A_831 {strides = array<i32>} : memref<2x128xi32, #tpu.memory_space<vmem>>, vector<1x16xi32>,
    %get3A_832 = arith.constant 0 : i32
    %get3A_833 = arith.index_cast %get3A_832 : i32 to index
    %get3A_834 = arith.constant 16 : index
    %get3A_835 = tpu.vector_load %arg6[%get3A_833, %get3A_834] {strides = array<i32>} : memref<2x128xi32, #tpu.memory_space<vmem>>, vector<1x16xi32>,
    %get3A_836 = vector.shape_cast %get3A_835 : vector<1x16xi32> to vector<16xi32>
    %get3A_837 = arith.constant 0 : i32
    %get3A_838 = arith.index_cast %get3A_837 : i32 to index
    %get3A_839 = arith.constant 16 : index
    %get3A_840 = tpu.vector_load %arg7[%get3A_838, %get3A_839] {strides = array<i32>} : memref<2x128xi32, #tpu.memory_space<vmem>>, vector<1x16xi32>,
    %get3A_841 = vector.shape_cast %get3A_840 : vector<1x16xi32> to vector<16xi32>
    %mul3A_842 = arith.constant 8 : i32
    %mul3A_843 = vector.broadcast %mul3A_842 : i32 to vector<16xi32>
    %mul3A_844 = arith.muli %get3A_836, %mul3A_843 : vector<16xi32>
    %add3A_845 = arith.addi %mul3A_844, %get3A_841 : vector<16xi32>
    %swap3A_846 = arith.constant 0 : i32
    %swap3A_847 = arith.index_cast %swap3A_846 : i32 to index
    %swap3A_848 = arith.constant 16 : index
    %swap3A_849 = tpu.vector_load %arg10[%swap3A_847, %swap3A_848] {strides = array<i32>} : memref<2x128xi32, #tpu.memory_space<vmem>>, vector<1x16xi32>,
    %swap3A_850 = vector.shape_cast %swap3A_849 : vector<1x16xi32> to vector<16xi32>
    %swap3A_851 = vector.shape_cast %add3A_845 : vector<16xi32> to vector<1x16xi32>
    tpu.vector_store %arg10[%swap3A_847, %swap3A_848], %swap3A_851 {strides = array<i32>} : memref<2x128xi32, #tpu.memory_space<vmem>>, vector<1x16xi32>,
    %get3A_852 = arith.constant 0 : i32
    %get3A_853 = arith.index_cast %get3A_852 : i32 to index
    %get3A_854 = arith.constant 16 : index
    %get3A_855 = tpu.vector_load %arg8[%get3A_853, %get3A_854] {strides = array<i32>} : memref<2x128xi32, #tpu.memory_space<vmem>>, vector<1x16xi32>,
    %get3A_856 = vector.shape_cast %get3A_855 : vector<1x16xi32> to vector<16xi32>
    %swap3A_857 = arith.constant 0 : i32
    %swap3A_858 = arith.index_cast %swap3A_857 : i32 to index
    %swap3A_859 = arith.constant 16 : index
    %swap3A_860 = tpu.vector_load %arg9[%swap3A_858, %swap3A_859] {strides = array<i32>} : memref<2x128xi32, #tpu.memory_space<vmem>>, vector<1x16xi32>,
    %swap3A_861 = vector.shape_cast %swap3A_860 : vector<1x16xi32> to vector<16xi32>
    %swap3A_862 = vector.shape_cast %get3A_856 : vector<16xi32> to vector<1x16xi32>
    tpu.vector_store %arg9[%swap3A_858, %swap3A_859], %swap3A_862 {strides = array<i32>} : memref<2x128xi32, #tpu.memory_space<vmem>>, vector<1x16xi32>,
    %get3A_863 = arith.constant 0 : i32
    %get3A_864 = arith.index_cast %get3A_863 : i32 to index
    %get3A_865 = arith.constant 32 : index
    %get3A_866 = tpu.vector_load %arg6[%get3A_864, %get3A_865] {strides = array<i32>} : memref<2x128xi32, #tpu.memory_space<vmem>>, vector<1x16xi32>,
    %get3A_867 = vector.shape_cast %get3A_866 : vector<1x16xi32> to vector<16xi32>
    %get3A_868 = arith.constant 0 : i32
    %get3A_869 = arith.index_cast %get3A_868 : i32 to index
    %get3A_870 = arith.constant 32 : index
    %get3A_871 = tpu.vector_load %arg7[%get3A_869, %get3A_870] {strides = array<i32>} : memref<2x128xi32, #tpu.memory_space<vmem>>, vector<1x16xi32>,
    %get3A_872 = vector.shape_cast %get3A_871 : vector<1x16xi32> to vector<16xi32>
    %mul3A_873 = arith.constant 8 : i32
    %mul3A_874 = vector.broadcast %mul3A_873 : i32 to vector<16xi32>
    %mul3A_875 = arith.muli %get3A_867, %mul3A_874 : vector<16xi32>
    %add3A_876 = arith.addi %mul3A_875, %get3A_872 : vector<16xi32>
    %swap3A_877 = arith.constant 0 : i32
    %swap3A_878 = arith.index_cast %swap3A_877 : i32 to index
    %swap3A_879 = arith.constant 32 : index
    %swap3A_880 = tpu.vector_load %arg10[%swap3A_878, %swap3A_879] {strides = array<i32>} : memref<2x128xi32, #tpu.memory_space<vmem>>, vector<1x16xi32>,
    %swap3A_881 = vector.shape_cast %swap3A_880 : vector<1x16xi32> to vector<16xi32>
    %swap3A_882 = vector.shape_cast %add3A_876 : vector<16xi32> to vector<1x16xi32>
    tpu.vector_store %arg10[%swap3A_878, %swap3A_879], %swap3A_882 {strides = array<i32>} : memref<2x128xi32, #tpu.memory_space<vmem>>, vector<1x16xi32>,
    %get3A_883 = arith.constant 0 : i32
    %get3A_884 = arith.index_cast %get3A_883 : i32 to index
    %get3A_885 = arith.constant 32 : index
    %get3A_886 = tpu.vector_load %arg8[%get3A_884, %get3A_885] {strides = array<i32>} : memref<2x128xi32, #tpu.memory_space<vmem>>, vector<1x16xi32>,
    %get3A_887 = vector.shape_cast %get3A_886 : vector<1x16xi32> to vector<16xi32>
    %swap3A_888 = arith.constant 0 : i32
    %swap3A_889 = arith.index_cast %swap3A_888 : i32 to index
    %swap3A_890 = arith.constant 32 : index
    %swap3A_891 = tpu.vector_load %arg9[%swap3A_889, %swap3A_890] {strides = array<i32>} : memref<2x128xi32, #tpu.memory_space<vmem>>, vector<1x16xi32>,
    %swap3A_892 = vector.shape_cast %swap3A_891 : vector<1x16xi32> to vector<16xi32>
    %swap3A_893 = vector.shape_cast %get3A_887 : vector<16xi32> to vector<1x16xi32>
    tpu.vector_store %arg9[%swap3A_889, %swap3A_890], %swap3A_893 {strides = array<i32>} : memref<2x128xi32, #tpu.memory_space<vmem>>, vector<1x16xi32>,
    %get3A_894 = arith.constant 0 : i32
    %get3A_895 = arith.index_cast %get3A_894 : i32 to index
    %get3A_896 = arith.constant 48 : index
    %get3A_897 = tpu.vector_load %arg6[%get3A_895, %get3A_896] {strides = array<i32>} : memref<2x128xi32, #tpu.memory_space<vmem>>, vector<1x16xi32>,
    %get3A_898 = vector.shape_cast %get3A_897 : vector<1x16xi32> to vector<16xi32>
    %get3A_899 = arith.constant 0 : i32
    %get3A_900 = arith.index_cast %get3A_899 : i32 to index
    %get3A_901 = arith.constant 48 : index
    %get3A_902 = tpu.vector_load %arg7[%get3A_900, %get3A_901] {strides = array<i32>} : memref<2x128xi32, #tpu.memory_space<vmem>>, vector<1x16xi32>,
    %get3A_903 = vector.shape_cast %get3A_902 : vector<1x16xi32> to vector<16xi32>
    %mul3A_904 = arith.constant 8 : i32
    %mul3A_905 = vector.broadcast %mul3A_904 : i32 to vector<16xi32>
    %mul3A_906 = arith.muli %get3A_898, %mul3A_905 : vector<16xi32>
    %add3A_907 = arith.addi %mul3A_906, %get3A_903 : vector<16xi32>
    %swap3A_908 = arith.constant 0 : i32
    %swap3A_909 = arith.index_cast %swap3A_908 : i32 to index
    %swap3A_910 = arith.constant 48 : index
    %swap3A_911 = tpu.vector_load %arg10[%swap3A_909, %swap3A_910] {strides = array<i32>} : memref<2x128xi32, #tpu.memory_space<vmem>>, vector<1x16xi32>,
    %swap3A_912 = vector.shape_cast %swap3A_911 : vector<1x16xi32> to vector<16xi32>
    %swap3A_913 = vector.shape_cast %add3A_907 : vector<16xi32> to vector<1x16xi32>
    tpu.vector_store %arg10[%swap3A_909, %swap3A_910], %swap3A_913 {strides = array<i32>} : memref<2x128xi32, #tpu.memory_space<vmem>>, vector<1x16xi32>,
    %get3A_914 = arith.constant 0 : i32
    %get3A_915 = arith.index_cast %get3A_914 : i32 to index
    %get3A_916 = arith.constant 48 : index
    %get3A_917 = tpu.vector_load %arg8[%get3A_915, %get3A_916] {strides = array<i32>} : memref<2x128xi32, #tpu.memory_space<vmem>>, vector<1x16xi32>,
    %get3A_918 = vector.shape_cast %get3A_917 : vector<1x16xi32> to vector<16xi32>
    %swap3A_919 = arith.constant 0 : i32
    %swap3A_920 = arith.index_cast %swap3A_919 : i32 to index
    %swap3A_921 = arith.constant 48 : index
    %swap3A_922 = tpu.vector_load %arg9[%swap3A_920, %swap3A_921] {strides = array<i32>} : memref<2x128xi32, #tpu.memory_space<vmem>>, vector<1x16xi32>,
    %swap3A_923 = vector.shape_cast %swap3A_922 : vector<1x16xi32> to vector<16xi32>
    %swap3A_924 = vector.shape_cast %get3A_918 : vector<16xi32> to vector<1x16xi32>
    tpu.vector_store %arg9[%swap3A_920, %swap3A_921], %swap3A_924 {strides = array<i32>} : memref<2x128xi32, #tpu.memory_space<vmem>>, vector<1x16xi32>,
    %get3A_925 = arith.constant 0 : i32
    %get3A_926 = arith.index_cast %get3A_925 : i32 to index
    %get3A_927 = arith.constant 64 : index
    %get3A_928 = tpu.vector_load %arg6[%get3A_926, %get3A_927] {strides = array<i32>} : memref<2x128xi32, #tpu.memory_space<vmem>>, vector<1x16xi32>,
    %get3A_929 = vector.shape_cast %get3A_928 : vector<1x16xi32> to vector<16xi32>
    %get3A_930 = arith.constant 0 : i32
    %get3A_931 = arith.index_cast %get3A_930 : i32 to index
    %get3A_932 = arith.constant 64 : index
    %get3A_933 = tpu.vector_load %arg7[%get3A_931, %get3A_932] {strides = array<i32>} : memref<2x128xi32, #tpu.memory_space<vmem>>, vector<1x16xi32>,
    %get3A_934 = vector.shape_cast %get3A_933 : vector<1x16xi32> to vector<16xi32>
    %mul3A_935 = arith.constant 8 : i32
    %mul3A_936 = vector.broadcast %mul3A_935 : i32 to vector<16xi32>
    %mul3A_937 = arith.muli %get3A_929, %mul3A_936 : vector<16xi32>
    %add3A_938 = arith.addi %mul3A_937, %get3A_934 : vector<16xi32>
    %swap3A_939 = arith.constant 0 : i32
    %swap3A_940 = arith.index_cast %swap3A_939 : i32 to index
    %swap3A_941 = arith.constant 64 : index
    %swap3A_942 = tpu.vector_load %arg10[%swap3A_940, %swap3A_941] {strides = array<i32>} : memref<2x128xi32, #tpu.memory_space<vmem>>, vector<1x16xi32>,
    %swap3A_943 = vector.shape_cast %swap3A_942 : vector<1x16xi32> to vector<16xi32>
    %swap3A_944 = vector.shape_cast %add3A_938 : vector<16xi32> to vector<1x16xi32>
    tpu.vector_store %arg10[%swap3A_940, %swap3A_941], %swap3A_944 {strides = array<i32>} : memref<2x128xi32, #tpu.memory_space<vmem>>, vector<1x16xi32>,
    %get3A_945 = arith.constant 0 : i32
    %get3A_946 = arith.index_cast %get3A_945 : i32 to index
    %get3A_947 = arith.constant 64 : index
    %get3A_948 = tpu.vector_load %arg8[%get3A_946, %get3A_947] {strides = array<i32>} : memref<2x128xi32, #tpu.memory_space<vmem>>, vector<1x16xi32>,
    %get3A_949 = vector.shape_cast %get3A_948 : vector<1x16xi32> to vector<16xi32>
    %swap3A_950 = arith.constant 0 : i32
    %swap3A_951 = arith.index_cast %swap3A_950 : i32 to index
    %swap3A_952 = arith.constant 64 : index
    %swap3A_953 = tpu.vector_load %arg9[%swap3A_951, %swap3A_952] {strides = array<i32>} : memref<2x128xi32, #tpu.memory_space<vmem>>, vector<1x16xi32>,
    %swap3A_954 = vector.shape_cast %swap3A_953 : vector<1x16xi32> to vector<16xi32>
    %swap3A_955 = vector.shape_cast %get3A_949 : vector<16xi32> to vector<1x16xi32>
    tpu.vector_store %arg9[%swap3A_951, %swap3A_952], %swap3A_955 {strides = array<i32>} : memref<2x128xi32, #tpu.memory_space<vmem>>, vector<1x16xi32>,
    %get3A_956 = arith.constant 0 : i32
    %get3A_957 = arith.index_cast %get3A_956 : i32 to index
    %get3A_958 = arith.constant 80 : index
    %get3A_959 = tpu.vector_load %arg6[%get3A_957, %get3A_958] {strides = array<i32>} : memref<2x128xi32, #tpu.memory_space<vmem>>, vector<1x16xi32>,
    %get3A_960 = vector.shape_cast %get3A_959 : vector<1x16xi32> to vector<16xi32>
    %get3A_961 = arith.constant 0 : i32
    %get3A_962 = arith.index_cast %get3A_961 : i32 to index
    %get3A_963 = arith.constant 80 : index
    %get3A_964 = tpu.vector_load %arg7[%get3A_962, %get3A_963] {strides = array<i32>} : memref<2x128xi32, #tpu.memory_space<vmem>>, vector<1x16xi32>,
    %get3A_965 = vector.shape_cast %get3A_964 : vector<1x16xi32> to vector<16xi32>
    %mul3A_966 = arith.constant 8 : i32
    %mul3A_967 = vector.broadcast %mul3A_966 : i32 to vector<16xi32>
    %mul3A_968 = arith.muli %get3A_960, %mul3A_967 : vector<16xi32>
    %add3A_969 = arith.addi %mul3A_968, %get3A_965 : vector<16xi32>
    %swap3A_970 = arith.constant 0 : i32
    %swap3A_971 = arith.index_cast %swap3A_970 : i32 to index
    %swap3A_972 = arith.constant 80 : index
    %swap3A_973 = tpu.vector_load %arg10[%swap3A_971, %swap3A_972] {strides = array<i32>} : memref<2x128xi32, #tpu.memory_space<vmem>>, vector<1x16xi32>,
    %swap3A_974 = vector.shape_cast %swap3A_973 : vector<1x16xi32> to vector<16xi32>
    %swap3A_975 = vector.shape_cast %add3A_969 : vector<16xi32> to vector<1x16xi32>
    tpu.vector_store %arg10[%swap3A_971, %swap3A_972], %swap3A_975 {strides = array<i32>} : memref<2x128xi32, #tpu.memory_space<vmem>>, vector<1x16xi32>,
    %get3A_976 = arith.constant 0 : i32
    %get3A_977 = arith.index_cast %get3A_976 : i32 to index
    %get3A_978 = arith.constant 80 : index
    %get3A_979 = tpu.vector_load %arg8[%get3A_977, %get3A_978] {strides = array<i32>} : memref<2x128xi32, #tpu.memory_space<vmem>>, vector<1x16xi32>,
    %get3A_980 = vector.shape_cast %get3A_979 : vector<1x16xi32> to vector<16xi32>
    %swap3A_981 = arith.constant 0 : i32
    %swap3A_982 = arith.index_cast %swap3A_981 : i32 to index
    %swap3A_983 = arith.constant 80 : index
    %swap3A_984 = tpu.vector_load %arg9[%swap3A_982, %swap3A_983] {strides = array<i32>} : memref<2x128xi32, #tpu.memory_space<vmem>>, vector<1x16xi32>,
    %swap3A_985 = vector.shape_cast %swap3A_984 : vector<1x16xi32> to vector<16xi32>
    %swap3A_986 = vector.shape_cast %get3A_980 : vector<16xi32> to vector<1x16xi32>
    tpu.vector_store %arg9[%swap3A_982, %swap3A_983], %swap3A_986 {strides = array<i32>} : memref<2x128xi32, #tpu.memory_space<vmem>>, vector<1x16xi32>,
    %get3A_987 = arith.constant 0 : i32
    %get3A_988 = arith.index_cast %get3A_987 : i32 to index
    %get3A_989 = arith.constant 96 : index
    %get3A_990 = tpu.vector_load %arg6[%get3A_988, %get3A_989] {strides = array<i32>} : memref<2x128xi32, #tpu.memory_space<vmem>>, vector<1x16xi32>,
    %get3A_991 = vector.shape_cast %get3A_990 : vector<1x16xi32> to vector<16xi32>
    %get3A_992 = arith.constant 0 : i32
    %get3A_993 = arith.index_cast %get3A_992 : i32 to index
    %get3A_994 = arith.constant 96 : index
    %get3A_995 = tpu.vector_load %arg7[%get3A_993, %get3A_994] {strides = array<i32>} : memref<2x128xi32, #tpu.memory_space<vmem>>, vector<1x16xi32>,
    %get3A_996 = vector.shape_cast %get3A_995 : vector<1x16xi32> to vector<16xi32>
    %mul3A_997 = arith.constant 8 : i32
    %mul3A_998 = vector.broadcast %mul3A_997 : i32 to vector<16xi32>
    %mul3A_999 = arith.muli %get3A_991, %mul3A_998 : vector<16xi32>
    %add3A_1000 = arith.addi %mul3A_999, %get3A_996 : vector<16xi32>
    %swap3A_1001 = arith.constant 0 : i32
    %swap3A_1002 = arith.index_cast %swap3A_1001 : i32 to index
    %swap3A_1003 = arith.constant 96 : index
    %swap3A_1004 = tpu.vector_load %arg10[%swap3A_1002, %swap3A_1003] {strides = array<i32>} : memref<2x128xi32, #tpu.memory_space<vmem>>, vector<1x16xi32>,
    %swap3A_1005 = vector.shape_cast %swap3A_1004 : vector<1x16xi32> to vector<16xi32>
    %swap3A_1006 = vector.shape_cast %add3A_1000 : vector<16xi32> to vector<1x16xi32>
    tpu.vector_store %arg10[%swap3A_1002, %swap3A_1003], %swap3A_1006 {strides = array<i32>} : memref<2x128xi32, #tpu.memory_space<vmem>>, vector<1x16xi32>,
    %get3A_1007 = arith.constant 0 : i32
    %get3A_1008 = arith.index_cast %get3A_1007 : i32 to index
    %get3A_1009 = arith.constant 96 : index
    %get3A_1010 = tpu.vector_load %arg8[%get3A_1008, %get3A_1009] {strides = array<i32>} : memref<2x128xi32, #tpu.memory_space<vmem>>, vector<1x16xi32>,
    %get3A_1011 = vector.shape_cast %get3A_1010 : vector<1x16xi32> to vector<16xi32>
    %swap3A_1012 = arith.constant 0 : i32
    %swap3A_1013 = arith.index_cast %swap3A_1012 : i32 to index
    %swap3A_1014 = arith.constant 96 : index
    %swap3A_1015 = tpu.vector_load %arg9[%swap3A_1013, %swap3A_1014] {strides = array<i32>} : memref<2x128xi32, #tpu.memory_space<vmem>>, vector<1x16xi32>,
    %swap3A_1016 = vector.shape_cast %swap3A_1015 : vector<1x16xi32> to vector<16xi32>
    %swap3A_1017 = vector.shape_cast %get3A_1011 : vector<16xi32> to vector<1x16xi32>
    tpu.vector_store %arg9[%swap3A_1013, %swap3A_1014], %swap3A_1017 {strides = array<i32>} : memref<2x128xi32, #tpu.memory_space<vmem>>, vector<1x16xi32>,
    %get3A_1018 = arith.constant 0 : i32
    %get3A_1019 = arith.index_cast %get3A_1018 : i32 to index
    %get3A_1020 = arith.constant 112 : index
    %get3A_1021 = tpu.vector_load %arg6[%get3A_1019, %get3A_1020] {strides = array<i32>} : memref<2x128xi32, #tpu.memory_space<vmem>>, vector<1x16xi32>,
    %get3A_1022 = vector.shape_cast %get3A_1021 : vector<1x16xi32> to vector<16xi32>
    %get3A_1023 = arith.constant 0 : i32
    %get3A_1024 = arith.index_cast %get3A_1023 : i32 to index
    %get3A_1025 = arith.constant 112 : index
    %get3A_1026 = tpu.vector_load %arg7[%get3A_1024, %get3A_1025] {strides = array<i32>} : memref<2x128xi32, #tpu.memory_space<vmem>>, vector<1x16xi32>,
    %get3A_1027 = vector.shape_cast %get3A_1026 : vector<1x16xi32> to vector<16xi32>
    %mul3A_1028 = arith.constant 8 : i32
    %mul3A_1029 = vector.broadcast %mul3A_1028 : i32 to vector<16xi32>
    %mul3A_1030 = arith.muli %get3A_1022, %mul3A_1029 : vector<16xi32>
    %add3A_1031 = arith.addi %mul3A_1030, %get3A_1027 : vector<16xi32>
    %swap3A_1032 = arith.constant 0 : i32
    %swap3A_1033 = arith.index_cast %swap3A_1032 : i32 to index
    %swap3A_1034 = arith.constant 112 : index
    %swap3A_1035 = tpu.vector_load %arg10[%swap3A_1033, %swap3A_1034] {strides = array<i32>} : memref<2x128xi32, #tpu.memory_space<vmem>>, vector<1x16xi32>,
    %swap3A_1036 = vector.shape_cast %swap3A_1035 : vector<1x16xi32> to vector<16xi32>
    %swap3A_1037 = vector.shape_cast %add3A_1031 : vector<16xi32> to vector<1x16xi32>
    tpu.vector_store %arg10[%swap3A_1033, %swap3A_1034], %swap3A_1037 {strides = array<i32>} : memref<2x128xi32, #tpu.memory_space<vmem>>, vector<1x16xi32>,
    %get3A_1038 = arith.constant 0 : i32
    %get3A_1039 = arith.index_cast %get3A_1038 : i32 to index
    %get3A_1040 = arith.constant 112 : index
    %get3A_1041 = tpu.vector_load %arg8[%get3A_1039, %get3A_1040] {strides = array<i32>} : memref<2x128xi32, #tpu.memory_space<vmem>>, vector<1x16xi32>,
    %get3A_1042 = vector.shape_cast %get3A_1041 : vector<1x16xi32> to vector<16xi32>
    %swap3A_1043 = arith.constant 0 : i32
    %swap3A_1044 = arith.index_cast %swap3A_1043 : i32 to index
    %swap3A_1045 = arith.constant 112 : index
    %swap3A_1046 = tpu.vector_load %arg9[%swap3A_1044, %swap3A_1045] {strides = array<i32>} : memref<2x128xi32, #tpu.memory_space<vmem>>, vector<1x16xi32>,
    %swap3A_1047 = vector.shape_cast %swap3A_1046 : vector<1x16xi32> to vector<16xi32>
    %swap3A_1048 = vector.shape_cast %get3A_1042 : vector<16xi32> to vector<1x16xi32>
    tpu.vector_store %arg9[%swap3A_1044, %swap3A_1045], %swap3A_1048 {strides = array<i32>} : memref<2x128xi32, #tpu.memory_space<vmem>>, vector<1x16xi32>,
    %add3A_1049 = arith.constant 77 : i32
    %add3A_1050 = arith.addi %mul3A_15, %add3A_1049 : i32
    %mul3A_1051 = arith.constant 128 : i32
    %mul3A_1052 = arith.muli %add3A_1050, %mul3A_1051 : i32
    %multiple_of3A_1053 = tpu.assume_multiple %mul3A_1052, 128 : i32
    %dma_start3A_1054 = arith.constant 0 : i32
    %dma_start3A_1055 = arith.constant 1 : i32
    %dma_start3A_1056 = arith.constant 0 : i32
    %dma_start3A_1057 = tpu.memref_slice %arg6[%dma_start3A_1055, %dma_start3A_1056] : memref<2x128xi32, #tpu.memory_space<vmem>> -> memref<1x128xi32, #tpu.memory_space<vmem>>
    %dma_start3A_1058 = tpu.memref_squeeze %dma_start3A_1057 : memref<1x128xi32, #tpu.memory_space<vmem>> -> memref<128xi32, #tpu.memory_space<vmem>>
    %dma_start3A_1059 = tpu.memref_slice %arg2[%dma_start3A_1054, %multiple_of3A_1053] : memref<2x320000xi32, #tpu.memory_space<hbm>> -> memref<1x128xi32, #tpu.memory_space<hbm>>
    %dma_start3A_1060 = tpu.memref_squeeze %dma_start3A_1059 : memref<1x128xi32, #tpu.memory_space<hbm>> -> memref<128xi32, #tpu.memory_space<hbm>>
    %dma_start3A_1061 = arith.constant 0 : i32
    %dma_start3A_1062 = tpu.memref_slice %arg6[%dma_start3A_1055, %dma_start3A_1061] : memref<2x128xi32, #tpu.memory_space<vmem>> -> memref<1x128xi32, #tpu.memory_space<vmem>>
    %dma_start3A_1063 = tpu.memref_squeeze %dma_start3A_1062 : memref<1x128xi32, #tpu.memory_space<vmem>> -> memref<128xi32, #tpu.memory_space<vmem>>
    %dma_start3A_1064 = tpu.memref_slice %arg2[%dma_start3A_1054, %multiple_of3A_1053] : memref<2x320000xi32, #tpu.memory_space<hbm>> -> memref<1x128xi32, #tpu.memory_space<hbm>>
    %dma_start3A_1065 = tpu.memref_squeeze %dma_start3A_1064 : memref<1x128xi32, #tpu.memory_space<hbm>> -> memref<128xi32, #tpu.memory_space<hbm>>
    tpu.enqueue_dma source(%dma_start3A_1065 : memref<128xi32, #tpu.memory_space<hbm>>) target(%dma_start3A_1063 : memref<128xi32, #tpu.memory_space<vmem>>) target_semaphore(%arg19 : memref<!tpu.dma_semaphore, #tpu.memory_space<semaphore_mem>>)
    %dma_start3A_1066 = arith.constant 1 : i32
    %dma_start3A_1067 = arith.constant 0 : i32
    %dma_start3A_1068 = tpu.memref_slice %arg7[%dma_start3A_1066, %dma_start3A_1067] : memref<2x128xi32, #tpu.memory_space<vmem>> -> memref<1x128xi32, #tpu.memory_space<vmem>>
    %dma_start3A_1069 = tpu.memref_squeeze %dma_start3A_1068 : memref<1x128xi32, #tpu.memory_space<vmem>> -> memref<128xi32, #tpu.memory_space<vmem>>
    %dma_start3A_1070 = tpu.memref_slice %arg3[%multiple_of3A_1053] : memref<320000xi32, #tpu.memory_space<hbm>> -> memref<128xi32, #tpu.memory_space<hbm>>
    %dma_start3A_1071 = arith.constant 0 : i32
    %dma_start3A_1072 = tpu.memref_slice %arg7[%dma_start3A_1066, %dma_start3A_1071] : memref<2x128xi32, #tpu.memory_space<vmem>> -> memref<1x128xi32, #tpu.memory_space<vmem>>
    %dma_start3A_1073 = tpu.memref_squeeze %dma_start3A_1072 : memref<1x128xi32, #tpu.memory_space<vmem>> -> memref<128xi32, #tpu.memory_space<vmem>>
    %dma_start3A_1074 = tpu.memref_slice %arg3[%multiple_of3A_1053] : memref<320000xi32, #tpu.memory_space<hbm>> -> memref<128xi32, #tpu.memory_space<hbm>>
    tpu.enqueue_dma source(%dma_start3A_1074 : memref<128xi32, #tpu.memory_space<hbm>>) target(%dma_start3A_1073 : memref<128xi32, #tpu.memory_space<vmem>>) target_semaphore(%arg19 : memref<!tpu.dma_semaphore, #tpu.memory_space<semaphore_mem>>)
    %dma_start3A_1075 = arith.constant 1 : i32
    %dma_start3A_1076 = arith.constant 1 : i32
    %dma_start3A_1077 = arith.constant 0 : i32
    %dma_start3A_1078 = tpu.memref_slice %arg8[%dma_start3A_1076, %dma_start3A_1077] : memref<2x128xi32, #tpu.memory_space<vmem>> -> memref<1x128xi32, #tpu.memory_space<vmem>>
    %dma_start3A_1079 = tpu.memref_squeeze %dma_start3A_1078 : memref<1x128xi32, #tpu.memory_space<vmem>> -> memref<128xi32, #tpu.memory_space<vmem>>
    %dma_start3A_1080 = tpu.memref_slice %arg2[%dma_start3A_1075, %multiple_of3A_1053] : memref<2x320000xi32, #tpu.memory_space<hbm>> -> memref<1x128xi32, #tpu.memory_space<hbm>>
    %dma_start3A_1081 = tpu.memref_squeeze %dma_start3A_1080 : memref<1x128xi32, #tpu.memory_space<hbm>> -> memref<128xi32, #tpu.memory_space<hbm>>
    %dma_start3A_1082 = arith.constant 0 : i32
    %dma_start3A_1083 = tpu.memref_slice %arg8[%dma_start3A_1076, %dma_start3A_1082] : memref<2x128xi32, #tpu.memory_space<vmem>> -> memref<1x128xi32, #tpu.memory_space<vmem>>
    %dma_start3A_1084 = tpu.memref_squeeze %dma_start3A_1083 : memref<1x128xi32, #tpu.memory_space<vmem>> -> memref<128xi32, #tpu.memory_space<vmem>>
    %dma_start3A_1085 = tpu.memref_slice %arg2[%dma_start3A_1075, %multiple_of3A_1053] : memref<2x320000xi32, #tpu.memory_space<hbm>> -> memref<1x128xi32, #tpu.memory_space<hbm>>
    %dma_start3A_1086 = tpu.memref_squeeze %dma_start3A_1085 : memref<1x128xi32, #tpu.memory_space<hbm>> -> memref<128xi32, #tpu.memory_space<hbm>>
    tpu.enqueue_dma source(%dma_start3A_1086 : memref<128xi32, #tpu.memory_space<hbm>>) target(%dma_start3A_1084 : memref<128xi32, #tpu.memory_space<vmem>>) target_semaphore(%arg19 : memref<!tpu.dma_semaphore, #tpu.memory_space<semaphore_mem>>)
    %dma_start3A_1087 = arith.constant 0 : i32
    %dma_start3A_1088 = arith.constant 0 : i32
    %dma_start3A_1089 = arith.constant 0 : i32
    %dma_start3A_1090 = arith.constant 0 : i32
    %dma_start3A_1091 = tpu.memref_slice %arg11[%dma_start3A_1088, %dma_start3A_1089, %dma_start3A_1090] : memref<2x128x128xf32, #tpu.memory_space<vmem>> -> memref<1x128x128xf32, #tpu.memory_space<vmem>>
    %dma_start3A_1092 = tpu.memref_squeeze %dma_start3A_1091 : memref<1x128x128xf32, #tpu.memory_space<vmem>> -> memref<128x128xf32, #tpu.memory_space<vmem>>
    %dma_start3A_1093 = arith.constant 0 : i32
    %dma_start3A_1094 = tpu.memref_slice %arg10[%dma_start3A_1087, %dma_start3A_1093] : memref<2x128xi32, #tpu.memory_space<vmem>> -> memref<1x128xi32, #tpu.memory_space<vmem>>
    %dma_start3A_1095 = tpu.memref_squeeze %dma_start3A_1094 : memref<1x128xi32, #tpu.memory_space<vmem>> -> memref<128xi32, #tpu.memory_space<vmem>>
    %dma_start3A_1096 = arith.constant 0 : i32
    %dma_start3A_1097 = arith.constant 0 : i32
    %dma_start3A_1098 = tpu.memref_slice %arg4[%dma_start3A_1096, %dma_start3A_1097] : memref<81920x128xf32, #tpu.memory_space<hbm>> -> memref<81920x128xf32, #tpu.memory_space<hbm>>
    tpu.enqueue_indirect_dma source(%dma_start3A_1098 : memref<81920x128xf32, #tpu.memory_space<hbm>>) target(%dma_start3A_1092 : memref<128x128xf32, #tpu.memory_space<vmem>>) offsets(%dma_start3A_1095 : memref<128xi32, #tpu.memory_space<vmem>>) semaphore(%arg14 : memref<!tpu.dma_semaphore, #tpu.memory_space<semaphore_mem>>)
    %dma_wait3A_1099 = arith.constant 1 : i32
    %dma_wait3A_1100 = arith.constant 1 : i32
    %dma_wait3A_1101 = arith.constant 0 : i32
    %dma_wait3A_1102 = arith.constant 0 : i32
    %dma_wait3A_1103 = tpu.memref_slice %arg11[%dma_wait3A_1100, %dma_wait3A_1101, %dma_wait3A_1102] : memref<2x128x128xf32, #tpu.memory_space<vmem>> -> memref<1x128x128xf32, #tpu.memory_space<vmem>>
    %dma_wait3A_1104 = tpu.memref_squeeze %dma_wait3A_1103 : memref<1x128x128xf32, #tpu.memory_space<vmem>> -> memref<128x128xf32, #tpu.memory_space<vmem>>
    %dma_wait3A_1105 = arith.constant 0 : i32
    %dma_wait3A_1106 = tpu.memref_slice %arg10[%dma_wait3A_1099, %dma_wait3A_1105] : memref<2x128xi32, #tpu.memory_space<vmem>> -> memref<1x128xi32, #tpu.memory_space<vmem>>
    %dma_wait3A_1107 = tpu.memref_squeeze %dma_wait3A_1106 : memref<1x128xi32, #tpu.memory_space<vmem>> -> memref<128xi32, #tpu.memory_space<vmem>>
    %dma_wait3A_1108 = arith.constant 0 : i32
    %dma_wait3A_1109 = arith.constant 0 : i32
    %dma_wait3A_1110 = tpu.memref_slice %arg4[%dma_wait3A_1108, %dma_wait3A_1109] : memref<81920x128xf32, #tpu.memory_space<hbm>> -> memref<81920x128xf32, #tpu.memory_space<hbm>>
    tpu.wait_indirect_dma semaphore(%arg16 : memref<!tpu.dma_semaphore, #tpu.memory_space<semaphore_mem>>) src(%dma_wait3A_1110 : memref<81920x128xf32, #tpu.memory_space<hbm>>) dst(%dma_wait3A_1104 : memref<128x128xf32, #tpu.memory_space<vmem>>)
    %dma_start3A_1111 = arith.constant 1 : i32
    %dma_start3A_1112 = arith.constant 1 : i32
    %dma_start3A_1113 = arith.constant 0 : i32
    %dma_start3A_1114 = arith.constant 0 : i32
    %dma_start3A_1115 = tpu.memref_slice %arg11[%dma_start3A_1111, %dma_start3A_1113, %dma_start3A_1114] : memref<2x128x128xf32, #tpu.memory_space<vmem>> -> memref<1x128x128xf32, #tpu.memory_space<vmem>>
    %dma_start3A_1116 = tpu.memref_squeeze %dma_start3A_1115 : memref<1x128x128xf32, #tpu.memory_space<vmem>> -> memref<128x128xf32, #tpu.memory_space<vmem>>
    %dma_start3A_1117 = arith.constant 0 : i32
    %dma_start3A_1118 = tpu.memref_slice %arg9[%dma_start3A_1112, %dma_start3A_1117] : memref<2x128xi32, #tpu.memory_space<vmem>> -> memref<1x128xi32, #tpu.memory_space<vmem>>
    %dma_start3A_1119 = tpu.memref_squeeze %dma_start3A_1118 : memref<1x128xi32, #tpu.memory_space<vmem>> -> memref<128xi32, #tpu.memory_space<vmem>>
    %dma_start3A_1120 = arith.constant 0 : i32
    %dma_start3A_1121 = arith.constant 0 : i32
    %dma_start3A_1122 = tpu.memref_slice %arg13[%dma_start3A_1120, %dma_start3A_1121] : memref<10240x128xf32, #tpu.memory_space<vmem_shared>> -> memref<10240x128xf32, #tpu.memory_space<vmem_shared>>
    tpu.enqueue_indirect_dma source(%dma_start3A_1116 : memref<128x128xf32, #tpu.memory_space<vmem>>) target(%dma_start3A_1122 : memref<10240x128xf32, #tpu.memory_space<vmem_shared>>) offsets(%dma_start3A_1119 : memref<128xi32, #tpu.memory_space<vmem>>) semaphore(%arg17 : memref<!tpu.dma_semaphore, #tpu.memory_space<semaphore_mem>>) {add = true}
    %dma_wait3A_1123 = arith.constant 1 : i32
    %dma_wait3A_1124 = arith.constant 1 : i32
    %dma_wait3A_1125 = arith.constant 0 : i32
    %dma_wait3A_1126 = arith.constant 0 : i32
    %dma_wait3A_1127 = tpu.memref_slice %arg11[%dma_wait3A_1123, %dma_wait3A_1125, %dma_wait3A_1126] : memref<2x128x128xf32, #tpu.memory_space<vmem>> -> memref<1x128x128xf32, #tpu.memory_space<vmem>>
    %dma_wait3A_1128 = tpu.memref_squeeze %dma_wait3A_1127 : memref<1x128x128xf32, #tpu.memory_space<vmem>> -> memref<128x128xf32, #tpu.memory_space<vmem>>
    %dma_wait3A_1129 = arith.constant 0 : i32
    %dma_wait3A_1130 = tpu.memref_slice %arg9[%dma_wait3A_1124, %dma_wait3A_1129] : memref<2x128xi32, #tpu.memory_space<vmem>> -> memref<1x128xi32, #tpu.memory_space<vmem>>
    %dma_wait3A_1131 = tpu.memref_squeeze %dma_wait3A_1130 : memref<1x128xi32, #tpu.memory_space<vmem>> -> memref<128xi32, #tpu.memory_space<vmem>>
    %dma_wait3A_1132 = arith.constant 0 : i32
    %dma_wait3A_1133 = arith.constant 0 : i32
    %dma_wait3A_1134 = tpu.memref_slice %arg13[%dma_wait3A_1132, %dma_wait3A_1133] : memref<10240x128xf32, #tpu.memory_space<vmem_shared>> -> memref<10240x128xf32, #tpu.memory_space<vmem_shared>>
    tpu.wait_indirect_dma semaphore(%arg17 : memref<!tpu.dma_semaphore, #tpu.memory_space<semaphore_mem>>) src(%dma_wait3A_1128 : memref<128x128xf32, #tpu.memory_space<vmem>>) dst(%dma_wait3A_1134 : memref<10240x128xf32, #tpu.memory_space<vmem_shared>>)
    %add3A_1135 = arith.constant 77 : i32
    %add3A_1136 = arith.addi %mul3A_15, %add3A_1135 : i32
    %mul3A_1137 = arith.constant 128 : i32
    %mul3A_1138 = arith.muli %add3A_1136, %mul3A_1137 : i32
    %multiple_of3A_1139 = tpu.assume_multiple %mul3A_1138, 128 : i32
    %dma_wait3A_1140 = arith.constant 0 : i32
    %dma_wait3A_1141 = arith.constant 1 : i32
    %dma_wait3A_1142 = arith.constant 0 : i32
    %dma_wait3A_1143 = tpu.memref_slice %arg6[%dma_wait3A_1141, %dma_wait3A_1142] : memref<2x128xi32, #tpu.memory_space<vmem>> -> memref<1x128xi32, #tpu.memory_space<vmem>>
    %dma_wait3A_1144 = tpu.memref_squeeze %dma_wait3A_1143 : memref<1x128xi32, #tpu.memory_space<vmem>> -> memref<128xi32, #tpu.memory_space<vmem>>
    %dma_wait3A_1145 = tpu.memref_slice %arg2[%dma_wait3A_1140, %multiple_of3A_1139] : memref<2x320000xi32, #tpu.memory_space<hbm>> -> memref<1x128xi32, #tpu.memory_space<hbm>>
    %dma_wait3A_1146 = tpu.memref_squeeze %dma_wait3A_1145 : memref<1x128xi32, #tpu.memory_space<hbm>> -> memref<128xi32, #tpu.memory_space<hbm>>
    %dma_wait3A_1147 = arith.constant 0 : i32
    %dma_wait3A_1148 = tpu.memref_slice %arg6[%dma_wait3A_1141, %dma_wait3A_1147] : memref<2x128xi32, #tpu.memory_space<vmem>> -> memref<1x128xi32, #tpu.memory_space<vmem>>
    %dma_wait3A_1149 = tpu.memref_squeeze %dma_wait3A_1148 : memref<1x128xi32, #tpu.memory_space<vmem>> -> memref<128xi32, #tpu.memory_space<vmem>>
    %dma_wait3A_1150 = tpu.memref_slice %arg2[%dma_wait3A_1140, %multiple_of3A_1139] : memref<2x320000xi32, #tpu.memory_space<hbm>> -> memref<1x128xi32, #tpu.memory_space<hbm>>
    %dma_wait3A_1151 = tpu.memref_squeeze %dma_wait3A_1150 : memref<1x128xi32, #tpu.memory_space<hbm>> -> memref<128xi32, #tpu.memory_space<hbm>>
    tpu.wait_dma2 semaphore(%arg19 : memref<!tpu.dma_semaphore, #tpu.memory_space<semaphore_mem>>) src(%dma_wait3A_1151 : memref<128xi32, #tpu.memory_space<hbm>>) dst(%dma_wait3A_1149 : memref<128xi32, #tpu.memory_space<vmem>>)
    %dma_wait3A_1152 = arith.constant 1 : i32
    %dma_wait3A_1153 = arith.constant 0 : i32
    %dma_wait3A_1154 = tpu.memref_slice %arg7[%dma_wait3A_1152, %dma_wait3A_1153] : memref<2x128xi32, #tpu.memory_space<vmem>> -> memref<1x128xi32, #tpu.memory_space<vmem>>
    %dma_wait3A_1155 = tpu.memref_squeeze %dma_wait3A_1154 : memref<1x128xi32, #tpu.memory_space<vmem>> -> memref<128xi32, #tpu.memory_space<vmem>>
    %dma_wait3A_1156 = tpu.memref_slice %arg3[%multiple_of3A_1139] : memref<320000xi32, #tpu.memory_space<hbm>> -> memref<128xi32, #tpu.memory_space<hbm>>
    %dma_wait3A_1157 = arith.constant 0 : i32
    %dma_wait3A_1158 = tpu.memref_slice %arg7[%dma_wait3A_1152, %dma_wait3A_1157] : memref<2x128xi32, #tpu.memory_space<vmem>> -> memref<1x128xi32, #tpu.memory_space<vmem>>
    %dma_wait3A_1159 = tpu.memref_squeeze %dma_wait3A_1158 : memref<1x128xi32, #tpu.memory_space<vmem>> -> memref<128xi32, #tpu.memory_space<vmem>>
    %dma_wait3A_1160 = tpu.memref_slice %arg3[%multiple_of3A_1139] : memref<320000xi32, #tpu.memory_space<hbm>> -> memref<128xi32, #tpu.memory_space<hbm>>
    tpu.wait_dma2 semaphore(%arg19 : memref<!tpu.dma_semaphore, #tpu.memory_space<semaphore_mem>>) src(%dma_wait3A_1160 : memref<128xi32, #tpu.memory_space<hbm>>) dst(%dma_wait3A_1159 : memref<128xi32, #tpu.memory_space<vmem>>)
    %dma_wait3A_1161 = arith.constant 1 : i32
    %dma_wait3A_1162 = arith.constant 1 : i32
    %dma_wait3A_1163 = arith.constant 0 : i32
    %dma_wait3A_1164 = tpu.memref_slice %arg8[%dma_wait3A_1162, %dma_wait3A_1163] : memref<2x128xi32, #tpu.memory_space<vmem>> -> memref<1x128xi32, #tpu.memory_space<vmem>>
    %dma_wait3A_1165 = tpu.memref_squeeze %dma_wait3A_1164 : memref<1x128xi32, #tpu.memory_space<vmem>> -> memref<128xi32, #tpu.memory_space<vmem>>
    %dma_wait3A_1166 = tpu.memref_slice %arg2[%dma_wait3A_1161, %multiple_of3A_1139] : memref<2x320000xi32, #tpu.memory_space<hbm>> -> memref<1x128xi32, #tpu.memory_space<hbm>>
    %dma_wait3A_1167 = tpu.memref_squeeze %dma_wait3A_1166 : memref<1x128xi32, #tpu.memory_space<hbm>> -> memref<128xi32, #tpu.memory_space<hbm>>
    %dma_wait3A_1168 = arith.constant 0 : i32
    %dma_wait3A_1169 = tpu.memref_slice %arg8[%dma_wait3A_1162, %dma_wait3A_1168] : memref<2x128xi32, #tpu.memory_space<vmem>> -> memref<1x128xi32, #tpu.memory_space<vmem>>
    %dma_wait3A_1170 = tpu.memref_squeeze %dma_wait3A_1169 : memref<1x128xi32, #tpu.memory_space<vmem>> -> memref<128xi32, #tpu.memory_space<vmem>>
    %dma_wait3A_1171 = tpu.memref_slice %arg2[%dma_wait3A_1161, %multiple_of3A_1139] : memref<2x320000xi32, #tpu.memory_space<hbm>> -> memref<1x128xi32, #tpu.memory_space<hbm>>
    %dma_wait3A_1172 = tpu.memref_squeeze %dma_wait3A_1171 : memref<1x128xi32, #tpu.memory_space<hbm>> -> memref<128xi32, #tpu.memory_space<hbm>>
    tpu.wait_dma2 semaphore(%arg19 : memref<!tpu.dma_semaphore, #tpu.memory_space<semaphore_mem>>) src(%dma_wait3A_1172 : memref<128xi32, #tpu.memory_space<hbm>>) dst(%dma_wait3A_1170 : memref<128xi32, #tpu.memory_space<vmem>>)
    %get3A_1173 = arith.constant 1 : i32
    %get3A_1174 = arith.index_cast %get3A_1173 : i32 to index
    %get3A_1175 = arith.constant 0 : index
    %get3A_1176 = tpu.vector_load %arg6[%get3A_1174, %get3A_1175] {strides = array<i32>} : memref<2x128xi32, #tpu.memory_space<vmem>>, vector<1x16xi32>,
    %get3A_1177 = vector.shape_cast %get3A_1176 : vector<1x16xi32> to vector<16xi32>
    %get3A_1178 = arith.constant 1 : i32
    %get3A_1179 = arith.index_cast %get3A_1178 : i32 to index
    %get3A_1180 = arith.constant 0 : index
    %get3A_1181 = tpu.vector_load %arg7[%get3A_1179, %get3A_1180] {strides = array<i32>} : memref<2x128xi32, #tpu.memory_space<vmem>>, vector<1x16xi32>,
    %get3A_1182 = vector.shape_cast %get3A_1181 : vector<1x16xi32> to vector<16xi32>
    %mul3A_1183 = arith.constant 8 : i32
    %mul3A_1184 = vector.broadcast %mul3A_1183 : i32 to vector<16xi32>
    %mul3A_1185 = arith.muli %get3A_1177, %mul3A_1184 : vector<16xi32>
    %add3A_1186 = arith.addi %mul3A_1185, %get3A_1182 : vector<16xi32>
    %swap3A_1187 = arith.constant 1 : i32
    %swap3A_1188 = arith.index_cast %swap3A_1187 : i32 to index
    %swap3A_1189 = arith.constant 0 : index
    %swap3A_1190 = tpu.vector_load %arg10[%swap3A_1188, %swap3A_1189] {strides = array<i32>} : memref<2x128xi32, #tpu.memory_space<vmem>>, vector<1x16xi32>,
    %swap3A_1191 = vector.shape_cast %swap3A_1190 : vector<1x16xi32> to vector<16xi32>
    %swap3A_1192 = vector.shape_cast %add3A_1186 : vector<16xi32> to vector<1x16xi32>
    tpu.vector_store %arg10[%swap3A_1188, %swap3A_1189], %swap3A_1192 {strides = array<i32>} : memref<2x128xi32, #tpu.memory_space<vmem>>, vector<1x16xi32>,
    %get3A_1193 = arith.constant 1 : i32
    %get3A_1194 = arith.index_cast %get3A_1193 : i32 to index
    %get3A_1195 = arith.constant 0 : index
    %get3A_1196 = tpu.vector_load %arg8[%get3A_1194, %get3A_1195] {strides = array<i32>} : memref<2x128xi32, #tpu.memory_space<vmem>>, vector<1x16xi32>,
    %get3A_1197 = vector.shape_cast %get3A_1196 : vector<1x16xi32> to vector<16xi32>
    %swap3A_1198 = arith.constant 1 : i32
    %swap3A_1199 = arith.index_cast %swap3A_1198 : i32 to index
    %swap3A_1200 = arith.constant 0 : index
    %swap3A_1201 = tpu.vector_load %arg9[%swap3A_1199, %swap3A_1200] {strides = array<i32>} : memref<2x128xi32, #tpu.memory_space<vmem>>, vector<1x16xi32>,
    %swap3A_1202 = vector.shape_cast %swap3A_1201 : vector<1x16xi32> to vector<16xi32>
    %swap3A_1203 = vector.shape_cast %get3A_1197 : vector<16xi32> to vector<1x16xi32>
    tpu.vector_store %arg9[%swap3A_1199, %swap3A_1200], %swap3A_1203 {strides = array<i32>} : memref<2x128xi32, #tpu.memory_space<vmem>>, vector<1x16xi32>,
    %get3A_1204 = arith.constant 1 : i32
    %get3A_1205 = arith.index_cast %get3A_1204 : i32 to index
    %get3A_1206 = arith.constant 16 : index
    %get3A_1207 = tpu.vector_load %arg6[%get3A_1205, %get3A_1206] {strides = array<i32>} : memref<2x128xi32, #tpu.memory_space<vmem>>, vector<1x16xi32>,
    %get3A_1208 = vector.shape_cast %get3A_1207 : vector<1x16xi32> to vector<16xi32>
    %get3A_1209 = arith.constant 1 : i32
    %get3A_1210 = arith.index_cast %get3A_1209 : i32 to index
    %get3A_1211 = arith.constant 16 : index
    %get3A_1212 = tpu.vector_load %arg7[%get3A_1210, %get3A_1211] {strides = array<i32>} : memref<2x128xi32, #tpu.memory_space<vmem>>, vector<1x16xi32>,
    %get3A_1213 = vector.shape_cast %get3A_1212 : vector<1x16xi32> to vector<16xi32>
    %mul3A_1214 = arith.constant 8 : i32
    %mul3A_1215 = vector.broadcast %mul3A_1214 : i32 to vector<16xi32>
    %mul3A_1216 = arith.muli %get3A_1208, %mul3A_1215 : vector<16xi32>
    %add3A_1217 = arith.addi %mul3A_1216, %get3A_1213 : vector<16xi32>
    %swap3A_1218 = arith.constant 1 : i32
    %swap3A_1219 = arith.index_cast %swap3A_1218 : i32 to index
    %swap3A_1220 = arith.constant 16 : index
    %swap3A_1221 = tpu.vector_load %arg10[%swap3A_1219, %swap3A_1220] {strides = array<i32>} : memref<2x128xi32, #tpu.memory_space<vmem>>, vector<1x16xi32>,
    %swap3A_1222 = vector.shape_cast %swap3A_1221 : vector<1x16xi32> to vector<16xi32>
    %swap3A_1223 = vector.shape_cast %add3A_1217 : vector<16xi32> to vector<1x16xi32>
    tpu.vector_store %arg10[%swap3A_1219, %swap3A_1220], %swap3A_1223 {strides = array<i32>} : memref<2x128xi32, #tpu.memory_space<vmem>>, vector<1x16xi32>,
    %get3A_1224 = arith.constant 1 : i32
    %get3A_1225 = arith.index_cast %get3A_1224 : i32 to index
    %get3A_1226 = arith.constant 16 : index
    %get3A_1227 = tpu.vector_load %arg8[%get3A_1225, %get3A_1226] {strides = array<i32>} : memref<2x128xi32, #tpu.memory_space<vmem>>, vector<1x16xi32>,
    %get3A_1228 = vector.shape_cast %get3A_1227 : vector<1x16xi32> to vector<16xi32>
    %swap3A_1229 = arith.constant 1 : i32
    %swap3A_1230 = arith.index_cast %swap3A_1229 : i32 to index
    %swap3A_1231 = arith.constant 16 : index
    %swap3A_1232 = tpu.vector_load %arg9[%swap3A_1230, %swap3A_1231] {strides = array<i32>} : memref<2x128xi32, #tpu.memory_space<vmem>>, vector<1x16xi32>,
    %swap3A_1233 = vector.shape_cast %swap3A_1232 : vector<1x16xi32> to vector<16xi32>
    %swap3A_1234 = vector.shape_cast %get3A_1228 : vector<16xi32> to vector<1x16xi32>
    tpu.vector_store %arg9[%swap3A_1230, %swap3A_1231], %swap3A_1234 {strides = array<i32>} : memref<2x128xi32, #tpu.memory_space<vmem>>, vector<1x16xi32>,
    %get3A_1235 = arith.constant 1 : i32
    %get3A_1236 = arith.index_cast %get3A_1235 : i32 to index
    %get3A_1237 = arith.constant 32 : index
    %get3A_1238 = tpu.vector_load %arg6[%get3A_1236, %get3A_1237] {strides = array<i32>} : memref<2x128xi32, #tpu.memory_space<vmem>>, vector<1x16xi32>,
    %get3A_1239 = vector.shape_cast %get3A_1238 : vector<1x16xi32> to vector<16xi32>
    %get3A_1240 = arith.constant 1 : i32
    %get3A_1241 = arith.index_cast %get3A_1240 : i32 to index
    %get3A_1242 = arith.constant 32 : index
    %get3A_1243 = tpu.vector_load %arg7[%get3A_1241, %get3A_1242] {strides = array<i32>} : memref<2x128xi32, #tpu.memory_space<vmem>>, vector<1x16xi32>,
    %get3A_1244 = vector.shape_cast %get3A_1243 : vector<1x16xi32> to vector<16xi32>
    %mul3A_1245 = arith.constant 8 : i32
    %mul3A_1246 = vector.broadcast %mul3A_1245 : i32 to vector<16xi32>
    %mul3A_1247 = arith.muli %get3A_1239, %mul3A_1246 : vector<16xi32>
    %add3A_1248 = arith.addi %mul3A_1247, %get3A_1244 : vector<16xi32>
    %swap3A_1249 = arith.constant 1 : i32
    %swap3A_1250 = arith.index_cast %swap3A_1249 : i32 to index
    %swap3A_1251 = arith.constant 32 : index
    %swap3A_1252 = tpu.vector_load %arg10[%swap3A_1250, %swap3A_1251] {strides = array<i32>} : memref<2x128xi32, #tpu.memory_space<vmem>>, vector<1x16xi32>,
    %swap3A_1253 = vector.shape_cast %swap3A_1252 : vector<1x16xi32> to vector<16xi32>
    %swap3A_1254 = vector.shape_cast %add3A_1248 : vector<16xi32> to vector<1x16xi32>
    tpu.vector_store %arg10[%swap3A_1250, %swap3A_1251], %swap3A_1254 {strides = array<i32>} : memref<2x128xi32, #tpu.memory_space<vmem>>, vector<1x16xi32>,
    %get3A_1255 = arith.constant 1 : i32
    %get3A_1256 = arith.index_cast %get3A_1255 : i32 to index
    %get3A_1257 = arith.constant 32 : index
    %get3A_1258 = tpu.vector_load %arg8[%get3A_1256, %get3A_1257] {strides = array<i32>} : memref<2x128xi32, #tpu.memory_space<vmem>>, vector<1x16xi32>,
    %get3A_1259 = vector.shape_cast %get3A_1258 : vector<1x16xi32> to vector<16xi32>
    %swap3A_1260 = arith.constant 1 : i32
    %swap3A_1261 = arith.index_cast %swap3A_1260 : i32 to index
    %swap3A_1262 = arith.constant 32 : index
    %swap3A_1263 = tpu.vector_load %arg9[%swap3A_1261, %swap3A_1262] {strides = array<i32>} : memref<2x128xi32, #tpu.memory_space<vmem>>, vector<1x16xi32>,
    %swap3A_1264 = vector.shape_cast %swap3A_1263 : vector<1x16xi32> to vector<16xi32>
    %swap3A_1265 = vector.shape_cast %get3A_1259 : vector<16xi32> to vector<1x16xi32>
    tpu.vector_store %arg9[%swap3A_1261, %swap3A_1262], %swap3A_1265 {strides = array<i32>} : memref<2x128xi32, #tpu.memory_space<vmem>>, vector<1x16xi32>,
    %get3A_1266 = arith.constant 1 : i32
    %get3A_1267 = arith.index_cast %get3A_1266 : i32 to index
    %get3A_1268 = arith.constant 48 : index
    %get3A_1269 = tpu.vector_load %arg6[%get3A_1267, %get3A_1268] {strides = array<i32>} : memref<2x128xi32, #tpu.memory_space<vmem>>, vector<1x16xi32>,
    %get3A_1270 = vector.shape_cast %get3A_1269 : vector<1x16xi32> to vector<16xi32>
    %get3A_1271 = arith.constant 1 : i32
    %get3A_1272 = arith.index_cast %get3A_1271 : i32 to index
    %get3A_1273 = arith.constant 48 : index
    %get3A_1274 = tpu.vector_load %arg7[%get3A_1272, %get3A_1273] {strides = array<i32>} : memref<2x128xi32, #tpu.memory_space<vmem>>, vector<1x16xi32>,
    %get3A_1275 = vector.shape_cast %get3A_1274 : vector<1x16xi32> to vector<16xi32>
    %mul3A_1276 = arith.constant 8 : i32
    %mul3A_1277 = vector.broadcast %mul3A_1276 : i32 to vector<16xi32>
    %mul3A_1278 = arith.muli %get3A_1270, %mul3A_1277 : vector<16xi32>
    %add3A_1279 = arith.addi %mul3A_1278, %get3A_1275 : vector<16xi32>
    %swap3A_1280 = arith.constant 1 : i32
    %swap3A_1281 = arith.index_cast %swap3A_1280 : i32 to index
    %swap3A_1282 = arith.constant 48 : index
    %swap3A_1283 = tpu.vector_load %arg10[%swap3A_1281, %swap3A_1282] {strides = array<i32>} : memref<2x128xi32, #tpu.memory_space<vmem>>, vector<1x16xi32>,
    %swap3A_1284 = vector.shape_cast %swap3A_1283 : vector<1x16xi32> to vector<16xi32>
    %swap3A_1285 = vector.shape_cast %add3A_1279 : vector<16xi32> to vector<1x16xi32>
    tpu.vector_store %arg10[%swap3A_1281, %swap3A_1282], %swap3A_1285 {strides = array<i32>} : memref<2x128xi32, #tpu.memory_space<vmem>>, vector<1x16xi32>,
    %get3A_1286 = arith.constant 1 : i32
    %get3A_1287 = arith.index_cast %get3A_1286 : i32 to index
    %get3A_1288 = arith.constant 48 : index
    %get3A_1289 = tpu.vector_load %arg8[%get3A_1287, %get3A_1288] {strides = array<i32>} : memref<2x128xi32, #tpu.memory_space<vmem>>, vector<1x16xi32>,
    %get3A_1290 = vector.shape_cast %get3A_1289 : vector<1x16xi32> to vector<16xi32>
    %swap3A_1291 = arith.constant 1 : i32
    %swap3A_1292 = arith.index_cast %swap3A_1291 : i32 to index
    %swap3A_1293 = arith.constant 48 : index
    %swap3A_1294 = tpu.vector_load %arg9[%swap3A_1292, %swap3A_1293] {strides = array<i32>} : memref<2x128xi32, #tpu.memory_space<vmem>>, vector<1x16xi32>,
    %swap3A_1295 = vector.shape_cast %swap3A_1294 : vector<1x16xi32> to vector<16xi32>
    %swap3A_1296 = vector.shape_cast %get3A_1290 : vector<16xi32> to vector<1x16xi32>
    tpu.vector_store %arg9[%swap3A_1292, %swap3A_1293], %swap3A_1296 {strides = array<i32>} : memref<2x128xi32, #tpu.memory_space<vmem>>, vector<1x16xi32>,
    %get3A_1297 = arith.constant 1 : i32
    %get3A_1298 = arith.index_cast %get3A_1297 : i32 to index
    %get3A_1299 = arith.constant 64 : index
    %get3A_1300 = tpu.vector_load %arg6[%get3A_1298, %get3A_1299] {strides = array<i32>} : memref<2x128xi32, #tpu.memory_space<vmem>>, vector<1x16xi32>,
    %get3A_1301 = vector.shape_cast %get3A_1300 : vector<1x16xi32> to vector<16xi32>
    %get3A_1302 = arith.constant 1 : i32
    %get3A_1303 = arith.index_cast %get3A_1302 : i32 to index
    %get3A_1304 = arith.constant 64 : index
    %get3A_1305 = tpu.vector_load %arg7[%get3A_1303, %get3A_1304] {strides = array<i32>} : memref<2x128xi32, #tpu.memory_space<vmem>>, vector<1x16xi32>,
    %get3A_1306 = vector.shape_cast %get3A_1305 : vector<1x16xi32> to vector<16xi32>
    %mul3A_1307 = arith.constant 8 : i32
    %mul3A_1308 = vector.broadcast %mul3A_1307 : i32 to vector<16xi32>
    %mul3A_1309 = arith.muli %get3A_1301, %mul3A_1308 : vector<16xi32>
    %add3A_1310 = arith.addi %mul3A_1309, %get3A_1306 : vector<16xi32>
    %swap3A_1311 = arith.constant 1 : i32
    %swap3A_1312 = arith.index_cast %swap3A_1311 : i32 to index
    %swap3A_1313 = arith.constant 64 : index
    %swap3A_1314 = tpu.vector_load %arg10[%swap3A_1312, %swap3A_1313] {strides = array<i32>} : memref<2x128xi32, #tpu.memory_space<vmem>>, vector<1x16xi32>,
    %swap3A_1315 = vector.shape_cast %swap3A_1314 : vector<1x16xi32> to vector<16xi32>
    %swap3A_1316 = vector.shape_cast %add3A_1310 : vector<16xi32> to vector<1x16xi32>
    tpu.vector_store %arg10[%swap3A_1312, %swap3A_1313], %swap3A_1316 {strides = array<i32>} : memref<2x128xi32, #tpu.memory_space<vmem>>, vector<1x16xi32>,
    %get3A_1317 = arith.constant 1 : i32
    %get3A_1318 = arith.index_cast %get3A_1317 : i32 to index
    %get3A_1319 = arith.constant 64 : index
    %get3A_1320 = tpu.vector_load %arg8[%get3A_1318, %get3A_1319] {strides = array<i32>} : memref<2x128xi32, #tpu.memory_space<vmem>>, vector<1x16xi32>,
    %get3A_1321 = vector.shape_cast %get3A_1320 : vector<1x16xi32> to vector<16xi32>
    %swap3A_1322 = arith.constant 1 : i32
    %swap3A_1323 = arith.index_cast %swap3A_1322 : i32 to index
    %swap3A_1324 = arith.constant 64 : index
    %swap3A_1325 = tpu.vector_load %arg9[%swap3A_1323, %swap3A_1324] {strides = array<i32>} : memref<2x128xi32, #tpu.memory_space<vmem>>, vector<1x16xi32>,
    %swap3A_1326 = vector.shape_cast %swap3A_1325 : vector<1x16xi32> to vector<16xi32>
    %swap3A_1327 = vector.shape_cast %get3A_1321 : vector<16xi32> to vector<1x16xi32>
    tpu.vector_store %arg9[%swap3A_1323, %swap3A_1324], %swap3A_1327 {strides = array<i32>} : memref<2x128xi32, #tpu.memory_space<vmem>>, vector<1x16xi32>,
    %get3A_1328 = arith.constant 1 : i32
    %get3A_1329 = arith.index_cast %get3A_1328 : i32 to index
    %get3A_1330 = arith.constant 80 : index
    %get3A_1331 = tpu.vector_load %arg6[%get3A_1329, %get3A_1330] {strides = array<i32>} : memref<2x128xi32, #tpu.memory_space<vmem>>, vector<1x16xi32>,
    %get3A_1332 = vector.shape_cast %get3A_1331 : vector<1x16xi32> to vector<16xi32>
    %get3A_1333 = arith.constant 1 : i32
    %get3A_1334 = arith.index_cast %get3A_1333 : i32 to index
    %get3A_1335 = arith.constant 80 : index
    %get3A_1336 = tpu.vector_load %arg7[%get3A_1334, %get3A_1335] {strides = array<i32>} : memref<2x128xi32, #tpu.memory_space<vmem>>, vector<1x16xi32>,
    %get3A_1337 = vector.shape_cast %get3A_1336 : vector<1x16xi32> to vector<16xi32>
    %mul3A_1338 = arith.constant 8 : i32
    %mul3A_1339 = vector.broadcast %mul3A_1338 : i32 to vector<16xi32>
    %mul3A_1340 = arith.muli %get3A_1332, %mul3A_1339 : vector<16xi32>
    %add3A_1341 = arith.addi %mul3A_1340, %get3A_1337 : vector<16xi32>
    %swap3A_1342 = arith.constant 1 : i32
    %swap3A_1343 = arith.index_cast %swap3A_1342 : i32 to index
    %swap3A_1344 = arith.constant 80 : index
    %swap3A_1345 = tpu.vector_load %arg10[%swap3A_1343, %swap3A_1344] {strides = array<i32>} : memref<2x128xi32, #tpu.memory_space<vmem>>, vector<1x16xi32>,
    %swap3A_1346 = vector.shape_cast %swap3A_1345 : vector<1x16xi32> to vector<16xi32>
    %swap3A_1347 = vector.shape_cast %add3A_1341 : vector<16xi32> to vector<1x16xi32>
    tpu.vector_store %arg10[%swap3A_1343, %swap3A_1344], %swap3A_1347 {strides = array<i32>} : memref<2x128xi32, #tpu.memory_space<vmem>>, vector<1x16xi32>,
    %get3A_1348 = arith.constant 1 : i32
    %get3A_1349 = arith.index_cast %get3A_1348 : i32 to index
    %get3A_1350 = arith.constant 80 : index
    %get3A_1351 = tpu.vector_load %arg8[%get3A_1349, %get3A_1350] {strides = array<i32>} : memref<2x128xi32, #tpu.memory_space<vmem>>, vector<1x16xi32>,
    %get3A_1352 = vector.shape_cast %get3A_1351 : vector<1x16xi32> to vector<16xi32>
    %swap3A_1353 = arith.constant 1 : i32
    %swap3A_1354 = arith.index_cast %swap3A_1353 : i32 to index
    %swap3A_1355 = arith.constant 80 : index
    %swap3A_1356 = tpu.vector_load %arg9[%swap3A_1354, %swap3A_1355] {strides = array<i32>} : memref<2x128xi32, #tpu.memory_space<vmem>>, vector<1x16xi32>,
    %swap3A_1357 = vector.shape_cast %swap3A_1356 : vector<1x16xi32> to vector<16xi32>
    %swap3A_1358 = vector.shape_cast %get3A_1352 : vector<16xi32> to vector<1x16xi32>
    tpu.vector_store %arg9[%swap3A_1354, %swap3A_1355], %swap3A_1358 {strides = array<i32>} : memref<2x128xi32, #tpu.memory_space<vmem>>, vector<1x16xi32>,
    %get3A_1359 = arith.constant 1 : i32
    %get3A_1360 = arith.index_cast %get3A_1359 : i32 to index
    %get3A_1361 = arith.constant 96 : index
    %get3A_1362 = tpu.vector_load %arg6[%get3A_1360, %get3A_1361] {strides = array<i32>} : memref<2x128xi32, #tpu.memory_space<vmem>>, vector<1x16xi32>,
    %get3A_1363 = vector.shape_cast %get3A_1362 : vector<1x16xi32> to vector<16xi32>
    %get3A_1364 = arith.constant 1 : i32
    %get3A_1365 = arith.index_cast %get3A_1364 : i32 to index
    %get3A_1366 = arith.constant 96 : index
    %get3A_1367 = tpu.vector_load %arg7[%get3A_1365, %get3A_1366] {strides = array<i32>} : memref<2x128xi32, #tpu.memory_space<vmem>>, vector<1x16xi32>,
    %get3A_1368 = vector.shape_cast %get3A_1367 : vector<1x16xi32> to vector<16xi32>
    %mul3A_1369 = arith.constant 8 : i32
    %mul3A_1370 = vector.broadcast %mul3A_1369 : i32 to vector<16xi32>
    %mul3A_1371 = arith.muli %get3A_1363, %mul3A_1370 : vector<16xi32>
    %add3A_1372 = arith.addi %mul3A_1371, %get3A_1368 : vector<16xi32>
    %swap3A_1373 = arith.constant 1 : i32
    %swap3A_1374 = arith.index_cast %swap3A_1373 : i32 to index
    %swap3A_1375 = arith.constant 96 : index
    %swap3A_1376 = tpu.vector_load %arg10[%swap3A_1374, %swap3A_1375] {strides = array<i32>} : memref<2x128xi32, #tpu.memory_space<vmem>>, vector<1x16xi32>,
    %swap3A_1377 = vector.shape_cast %swap3A_1376 : vector<1x16xi32> to vector<16xi32>
    %swap3A_1378 = vector.shape_cast %add3A_1372 : vector<16xi32> to vector<1x16xi32>
    tpu.vector_store %arg10[%swap3A_1374, %swap3A_1375], %swap3A_1378 {strides = array<i32>} : memref<2x128xi32, #tpu.memory_space<vmem>>, vector<1x16xi32>,
    %get3A_1379 = arith.constant 1 : i32
    %get3A_1380 = arith.index_cast %get3A_1379 : i32 to index
    %get3A_1381 = arith.constant 96 : index
    %get3A_1382 = tpu.vector_load %arg8[%get3A_1380, %get3A_1381] {strides = array<i32>} : memref<2x128xi32, #tpu.memory_space<vmem>>, vector<1x16xi32>,
    %get3A_1383 = vector.shape_cast %get3A_1382 : vector<1x16xi32> to vector<16xi32>
    %swap3A_1384 = arith.constant 1 : i32
    %swap3A_1385 = arith.index_cast %swap3A_1384 : i32 to index
    %swap3A_1386 = arith.constant 96 : index
    %swap3A_1387 = tpu.vector_load %arg9[%swap3A_1385, %swap3A_1386] {strides = array<i32>} : memref<2x128xi32, #tpu.memory_space<vmem>>, vector<1x16xi32>,
    %swap3A_1388 = vector.shape_cast %swap3A_1387 : vector<1x16xi32> to vector<16xi32>
    %swap3A_1389 = vector.shape_cast %get3A_1383 : vector<16xi32> to vector<1x16xi32>
    tpu.vector_store %arg9[%swap3A_1385, %swap3A_1386], %swap3A_1389 {strides = array<i32>} : memref<2x128xi32, #tpu.memory_space<vmem>>, vector<1x16xi32>,
    %get3A_1390 = arith.constant 1 : i32
    %get3A_1391 = arith.index_cast %get3A_1390 : i32 to index
    %get3A_1392 = arith.constant 112 : index
    %get3A_1393 = tpu.vector_load %arg6[%get3A_1391, %get3A_1392] {strides = array<i32>} : memref<2x128xi32, #tpu.memory_space<vmem>>, vector<1x16xi32>,
    %get3A_1394 = vector.shape_cast %get3A_1393 : vector<1x16xi32> to vector<16xi32>
    %get3A_1395 = arith.constant 1 : i32
    %get3A_1396 = arith.index_cast %get3A_1395 : i32 to index
    %get3A_1397 = arith.constant 112 : index
    %get3A_1398 = tpu.vector_load %arg7[%get3A_1396, %get3A_1397] {strides = array<i32>} : memref<2x128xi32, #tpu.memory_space<vmem>>, vector<1x16xi32>,
    %get3A_1399 = vector.shape_cast %get3A_1398 : vector<1x16xi32> to vector<16xi32>
    %mul3A_1400 = arith.constant 8 : i32
    %mul3A_1401 = vector.broadcast %mul3A_1400 : i32 to vector<16xi32>
    %mul3A_1402 = arith.muli %get3A_1394, %mul3A_1401 : vector<16xi32>
    %add3A_1403 = arith.addi %mul3A_1402, %get3A_1399 : vector<16xi32>
    %swap3A_1404 = arith.constant 1 : i32
    %swap3A_1405 = arith.index_cast %swap3A_1404 : i32 to index
    %swap3A_1406 = arith.constant 112 : index
    %swap3A_1407 = tpu.vector_load %arg10[%swap3A_1405, %swap3A_1406] {strides = array<i32>} : memref<2x128xi32, #tpu.memory_space<vmem>>, vector<1x16xi32>,
    %swap3A_1408 = vector.shape_cast %swap3A_1407 : vector<1x16xi32> to vector<16xi32>
    %swap3A_1409 = vector.shape_cast %add3A_1403 : vector<16xi32> to vector<1x16xi32>
    tpu.vector_store %arg10[%swap3A_1405, %swap3A_1406], %swap3A_1409 {strides = array<i32>} : memref<2x128xi32, #tpu.memory_space<vmem>>, vector<1x16xi32>,
    %get3A_1410 = arith.constant 1 : i32
    %get3A_1411 = arith.index_cast %get3A_1410 : i32 to index
    %get3A_1412 = arith.constant 112 : index
    %get3A_1413 = tpu.vector_load %arg8[%get3A_1411, %get3A_1412] {strides = array<i32>} : memref<2x128xi32, #tpu.memory_space<vmem>>, vector<1x16xi32>,
    %get3A_1414 = vector.shape_cast %get3A_1413 : vector<1x16xi32> to vector<16xi32>
    %swap3A_1415 = arith.constant 1 : i32
    %swap3A_1416 = arith.index_cast %swap3A_1415 : i32 to index
    %swap3A_1417 = arith.constant 112 : index
    %swap3A_1418 = tpu.vector_load %arg9[%swap3A_1416, %swap3A_1417] {strides = array<i32>} : memref<2x128xi32, #tpu.memory_space<vmem>>, vector<1x16xi32>,
    %swap3A_1419 = vector.shape_cast %swap3A_1418 : vector<1x16xi32> to vector<16xi32>
    %swap3A_1420 = vector.shape_cast %get3A_1414 : vector<16xi32> to vector<1x16xi32>
    tpu.vector_store %arg9[%swap3A_1416, %swap3A_1417], %swap3A_1420 {strides = array<i32>} : memref<2x128xi32, #tpu.memory_space<vmem>>, vector<1x16xi32>,
    %dma_start3A_1421 = arith.constant 1 : i32
    %dma_start3A_1422 = arith.constant 1 : i32
    %dma_start3A_1423 = arith.constant 0 : i32
    %dma_start3A_1424 = arith.constant 0 : i32
    %dma_start3A_1425 = tpu.memref_slice %arg11[%dma_start3A_1422, %dma_start3A_1423, %dma_start3A_1424] : memref<2x128x128xf32, #tpu.memory_space<vmem>> -> memref<1x128x128xf32, #tpu.memory_space<vmem>>
    %dma_start3A_1426 = tpu.memref_squeeze %dma_start3A_1425 : memref<1x128x128xf32, #tpu.memory_space<vmem>> -> memref<128x128xf32, #tpu.memory_space<vmem>>
    %dma_start3A_1427 = arith.constant 0 : i32
    %dma_start3A_1428 = tpu.memref_slice %arg10[%dma_start3A_1421, %dma_start3A_1427] : memref<2x128xi32, #tpu.memory_space<vmem>> -> memref<1x128xi32, #tpu.memory_space<vmem>>
    %dma_start3A_1429 = tpu.memref_squeeze %dma_start3A_1428 : memref<1x128xi32, #tpu.memory_space<vmem>> -> memref<128xi32, #tpu.memory_space<vmem>>
    %dma_start3A_1430 = arith.constant 0 : i32
    %dma_start3A_1431 = arith.constant 0 : i32
    %dma_start3A_1432 = tpu.memref_slice %arg4[%dma_start3A_1430, %dma_start3A_1431] : memref<81920x128xf32, #tpu.memory_space<hbm>> -> memref<81920x128xf32, #tpu.memory_space<hbm>>
    tpu.enqueue_indirect_dma source(%dma_start3A_1432 : memref<81920x128xf32, #tpu.memory_space<hbm>>) target(%dma_start3A_1426 : memref<128x128xf32, #tpu.memory_space<vmem>>) offsets(%dma_start3A_1429 : memref<128xi32, #tpu.memory_space<vmem>>) semaphore(%arg16 : memref<!tpu.dma_semaphore, #tpu.memory_space<semaphore_mem>>)
    %dma_wait3A_1433 = arith.constant 0 : i32
    %dma_wait3A_1434 = arith.constant 0 : i32
    %dma_wait3A_1435 = arith.constant 0 : i32
    %dma_wait3A_1436 = arith.constant 0 : i32
    %dma_wait3A_1437 = tpu.memref_slice %arg11[%dma_wait3A_1434, %dma_wait3A_1435, %dma_wait3A_1436] : memref<2x128x128xf32, #tpu.memory_space<vmem>> -> memref<1x128x128xf32, #tpu.memory_space<vmem>>
    %dma_wait3A_1438 = tpu.memref_squeeze %dma_wait3A_1437 : memref<1x128x128xf32, #tpu.memory_space<vmem>> -> memref<128x128xf32, #tpu.memory_space<vmem>>
    %dma_wait3A_1439 = arith.constant 0 : i32
    %dma_wait3A_1440 = tpu.memref_slice %arg10[%dma_wait3A_1433, %dma_wait3A_1439] : memref<2x128xi32, #tpu.memory_space<vmem>> -> memref<1x128xi32, #tpu.memory_space<vmem>>
    %dma_wait3A_1441 = tpu.memref_squeeze %dma_wait3A_1440 : memref<1x128xi32, #tpu.memory_space<vmem>> -> memref<128xi32, #tpu.memory_space<vmem>>
    %dma_wait3A_1442 = arith.constant 0 : i32
    %dma_wait3A_1443 = arith.constant 0 : i32
    %dma_wait3A_1444 = tpu.memref_slice %arg4[%dma_wait3A_1442, %dma_wait3A_1443] : memref<81920x128xf32, #tpu.memory_space<hbm>> -> memref<81920x128xf32, #tpu.memory_space<hbm>>
    tpu.wait_indirect_dma semaphore(%arg14 : memref<!tpu.dma_semaphore, #tpu.memory_space<semaphore_mem>>) src(%dma_wait3A_1444 : memref<81920x128xf32, #tpu.memory_space<hbm>>) dst(%dma_wait3A_1438 : memref<128x128xf32, #tpu.memory_space<vmem>>)
    %dma_start3A_1445 = arith.constant 0 : i32
    %dma_start3A_1446 = arith.constant 0 : i32
    %dma_start3A_1447 = arith.constant 0 : i32
    %dma_start3A_1448 = arith.constant 0 : i32
    %dma_start3A_1449 = tpu.memref_slice %arg11[%dma_start3A_1445, %dma_start3A_1447, %dma_start3A_1448] : memref<2x128x128xf32, #tpu.memory_space<vmem>> -> memref<1x128x128xf32, #tpu.memory_space<vmem>>
    %dma_start3A_1450 = tpu.memref_squeeze %dma_start3A_1449 : memref<1x128x128xf32, #tpu.memory_space<vmem>> -> memref<128x128xf32, #tpu.memory_space<vmem>>
    %dma_start3A_1451 = arith.constant 0 : i32
    %dma_start3A_1452 = tpu.memref_slice %arg9[%dma_start3A_1446, %dma_start3A_1451] : memref<2x128xi32, #tpu.memory_space<vmem>> -> memref<1x128xi32, #tpu.memory_space<vmem>>
    %dma_start3A_1453 = tpu.memref_squeeze %dma_start3A_1452 : memref<1x128xi32, #tpu.memory_space<vmem>> -> memref<128xi32, #tpu.memory_space<vmem>>
    %dma_start3A_1454 = arith.constant 0 : i32
    %dma_start3A_1455 = arith.constant 0 : i32
    %dma_start3A_1456 = tpu.memref_slice %arg13[%dma_start3A_1454, %dma_start3A_1455] : memref<10240x128xf32, #tpu.memory_space<vmem_shared>> -> memref<10240x128xf32, #tpu.memory_space<vmem_shared>>
    tpu.enqueue_indirect_dma source(%dma_start3A_1450 : memref<128x128xf32, #tpu.memory_space<vmem>>) target(%dma_start3A_1456 : memref<10240x128xf32, #tpu.memory_space<vmem_shared>>) offsets(%dma_start3A_1453 : memref<128xi32, #tpu.memory_space<vmem>>) semaphore(%arg15 : memref<!tpu.dma_semaphore, #tpu.memory_space<semaphore_mem>>) {add = true}
    %dma_wait3A_1457 = arith.constant 0 : i32
    %dma_wait3A_1458 = arith.constant 0 : i32
    %dma_wait3A_1459 = arith.constant 0 : i32
    %dma_wait3A_1460 = arith.constant 0 : i32
    %dma_wait3A_1461 = tpu.memref_slice %arg11[%dma_wait3A_1457, %dma_wait3A_1459, %dma_wait3A_1460] : memref<2x128x128xf32, #tpu.memory_space<vmem>> -> memref<1x128x128xf32, #tpu.memory_space<vmem>>
    %dma_wait3A_1462 = tpu.memref_squeeze %dma_wait3A_1461 : memref<1x128x128xf32, #tpu.memory_space<vmem>> -> memref<128x128xf32, #tpu.memory_space<vmem>>
    %dma_wait3A_1463 = arith.constant 0 : i32
    %dma_wait3A_1464 = tpu.memref_slice %arg9[%dma_wait3A_1458, %dma_wait3A_1463] : memref<2x128xi32, #tpu.memory_space<vmem>> -> memref<1x128xi32, #tpu.memory_space<vmem>>
    %dma_wait3A_1465 = tpu.memref_squeeze %dma_wait3A_1464 : memref<1x128xi32, #tpu.memory_space<vmem>> -> memref<128xi32, #tpu.memory_space<vmem>>
    %dma_wait3A_1466 = arith.constant 0 : i32
    %dma_wait3A_1467 = arith.constant 0 : i32
    %dma_wait3A_1468 = tpu.memref_slice %arg13[%dma_wait3A_1466, %dma_wait3A_1467] : memref<10240x128xf32, #tpu.memory_space<vmem_shared>> -> memref<10240x128xf32, #tpu.memory_space<vmem_shared>>
    tpu.wait_indirect_dma semaphore(%arg15 : memref<!tpu.dma_semaphore, #tpu.memory_space<semaphore_mem>>) src(%dma_wait3A_1462 : memref<128x128xf32, #tpu.memory_space<vmem>>) dst(%dma_wait3A_1468 : memref<10240x128xf32, #tpu.memory_space<vmem_shared>>)
    %dma_wait3A_1469 = arith.constant 1 : i32
    %dma_wait3A_1470 = arith.constant 1 : i32
    %dma_wait3A_1471 = arith.constant 0 : i32
    %dma_wait3A_1472 = arith.constant 0 : i32
    %dma_wait3A_1473 = tpu.memref_slice %arg11[%dma_wait3A_1470, %dma_wait3A_1471, %dma_wait3A_1472] : memref<2x128x128xf32, #tpu.memory_space<vmem>> -> memref<1x128x128xf32, #tpu.memory_space<vmem>>
    %dma_wait3A_1474 = tpu.memref_squeeze %dma_wait3A_1473 : memref<1x128x128xf32, #tpu.memory_space<vmem>> -> memref<128x128xf32, #tpu.memory_space<vmem>>
    %dma_wait3A_1475 = arith.constant 0 : i32
    %dma_wait3A_1476 = tpu.memref_slice %arg10[%dma_wait3A_1469, %dma_wait3A_1475] : memref<2x128xi32, #tpu.memory_space<vmem>> -> memref<1x128xi32, #tpu.memory_space<vmem>>
    %dma_wait3A_1477 = tpu.memref_squeeze %dma_wait3A_1476 : memref<1x128xi32, #tpu.memory_space<vmem>> -> memref<128xi32, #tpu.memory_space<vmem>>
    %dma_wait3A_1478 = arith.constant 0 : i32
    %dma_wait3A_1479 = arith.constant 0 : i32
    %dma_wait3A_1480 = tpu.memref_slice %arg4[%dma_wait3A_1478, %dma_wait3A_1479] : memref<81920x128xf32, #tpu.memory_space<hbm>> -> memref<81920x128xf32, #tpu.memory_space<hbm>>
    tpu.wait_indirect_dma semaphore(%arg16 : memref<!tpu.dma_semaphore, #tpu.memory_space<semaphore_mem>>) src(%dma_wait3A_1480 : memref<81920x128xf32, #tpu.memory_space<hbm>>) dst(%dma_wait3A_1474 : memref<128x128xf32, #tpu.memory_space<vmem>>)
    %dma_start3A_1481 = arith.constant 1 : i32
    %dma_start3A_1482 = arith.constant 1 : i32
    %dma_start3A_1483 = arith.constant 0 : i32
    %dma_start3A_1484 = arith.constant 0 : i32
    %dma_start3A_1485 = tpu.memref_slice %arg11[%dma_start3A_1481, %dma_start3A_1483, %dma_start3A_1484] : memref<2x128x128xf32, #tpu.memory_space<vmem>> -> memref<1x128x128xf32, #tpu.memory_space<vmem>>
    %dma_start3A_1486 = tpu.memref_squeeze %dma_start3A_1485 : memref<1x128x128xf32, #tpu.memory_space<vmem>> -> memref<128x128xf32, #tpu.memory_space<vmem>>
    %dma_start3A_1487 = arith.constant 0 : i32
    %dma_start3A_1488 = tpu.memref_slice %arg9[%dma_start3A_1482, %dma_start3A_1487] : memref<2x128xi32, #tpu.memory_space<vmem>> -> memref<1x128xi32, #tpu.memory_space<vmem>>
    %dma_start3A_1489 = tpu.memref_squeeze %dma_start3A_1488 : memref<1x128xi32, #tpu.memory_space<vmem>> -> memref<128xi32, #tpu.memory_space<vmem>>
    %dma_start3A_1490 = arith.constant 0 : i32
    %dma_start3A_1491 = arith.constant 0 : i32
    %dma_start3A_1492 = tpu.memref_slice %arg13[%dma_start3A_1490, %dma_start3A_1491] : memref<10240x128xf32, #tpu.memory_space<vmem_shared>> -> memref<10240x128xf32, #tpu.memory_space<vmem_shared>>
    tpu.enqueue_indirect_dma source(%dma_start3A_1486 : memref<128x128xf32, #tpu.memory_space<vmem>>) target(%dma_start3A_1492 : memref<10240x128xf32, #tpu.memory_space<vmem_shared>>) offsets(%dma_start3A_1489 : memref<128xi32, #tpu.memory_space<vmem>>) semaphore(%arg17 : memref<!tpu.dma_semaphore, #tpu.memory_space<semaphore_mem>>) {add = true}
    %dma_wait3A_1493 = arith.constant 1 : i32
    %dma_wait3A_1494 = arith.constant 1 : i32
    %dma_wait3A_1495 = arith.constant 0 : i32
    %dma_wait3A_1496 = arith.constant 0 : i32
    %dma_wait3A_1497 = tpu.memref_slice %arg11[%dma_wait3A_1493, %dma_wait3A_1495, %dma_wait3A_1496] : memref<2x128x128xf32, #tpu.memory_space<vmem>> -> memref<1x128x128xf32, #tpu.memory_space<vmem>>
    %dma_wait3A_1498 = tpu.memref_squeeze %dma_wait3A_1497 : memref<1x128x128xf32, #tpu.memory_space<vmem>> -> memref<128x128xf32, #tpu.memory_space<vmem>>
    %dma_wait3A_1499 = arith.constant 0 : i32
    %dma_wait3A_1500 = tpu.memref_slice %arg9[%dma_wait3A_1494, %dma_wait3A_1499] : memref<2x128xi32, #tpu.memory_space<vmem>> -> memref<1x128xi32, #tpu.memory_space<vmem>>
    %dma_wait3A_1501 = tpu.memref_squeeze %dma_wait3A_1500 : memref<1x128xi32, #tpu.memory_space<vmem>> -> memref<128xi32, #tpu.memory_space<vmem>>
    %dma_wait3A_1502 = arith.constant 0 : i32
    %dma_wait3A_1503 = arith.constant 0 : i32
    %dma_wait3A_1504 = tpu.memref_slice %arg13[%dma_wait3A_1502, %dma_wait3A_1503] : memref<10240x128xf32, #tpu.memory_space<vmem_shared>> -> memref<10240x128xf32, #tpu.memory_space<vmem_shared>>
    tpu.wait_indirect_dma semaphore(%arg17 : memref<!tpu.dma_semaphore, #tpu.memory_space<semaphore_mem>>) src(%dma_wait3A_1498 : memref<128x128xf32, #tpu.memory_space<vmem>>) dst(%dma_wait3A_1504 : memref<10240x128xf32, #tpu.memory_space<vmem_shared>>)
    %lt3A = arith.constant 4 : i32
    %lt3A_1505 = arith.cmpi slt, %add3A, %lt3A : i32
    %convert_element_type3A = arith.extui %lt3A_1505 : i1 to i32
    %cond3A = arith.constant 0 : i32
    %cond3A_1506 = arith.cmpi ne, %convert_element_type3A, %cond3A : i32
    scf.if %cond3A_1506 {
      %add3A_1508 = arith.constant 2496 : i32
      %add3A_1509 = arith.addi %add3A_1508, %add3A : i32
      %sub3A = arith.subi %add3A_1509, %mul3A_15 : i32
      %add3A_1510 = arith.addi %mul3A_15, %sub3A : i32
      %mul3A_1511 = arith.constant 128 : i32
      %mul3A_1512 = arith.muli %add3A_1510, %mul3A_1511 : i32
      %multiple_of3A_1513 = tpu.assume_multiple %mul3A_1512, 128 : i32
      %run_scoped3A = arith.constant 0 : i32
      %run_scoped3A_1514 = arith.constant 0 : i32
      "tpu.region"() ({
        %run_scoped3A_1814 = tpu.sem_alloc : memref<!tpu.dma_semaphore, #tpu.memory_space<semaphore_mem>>
        %dma_start3A_1815 = arith.constant 0 : i32
        %dma_start3A_1816 = tpu.memref_slice %arg6[%run_scoped3A_1514, %dma_start3A_1815] : memref<2x128xi32, #tpu.memory_space<vmem>> -> memref<1x128xi32, #tpu.memory_space<vmem>>
        %dma_start3A_1817 = tpu.memref_squeeze %dma_start3A_1816 : memref<1x128xi32, #tpu.memory_space<vmem>> -> memref<128xi32, #tpu.memory_space<vmem>>
        %dma_start3A_1818 = tpu.memref_slice %arg2[%run_scoped3A, %multiple_of3A_1513] : memref<2x320000xi32, #tpu.memory_space<hbm>> -> memref<1x128xi32, #tpu.memory_space<hbm>>
        %dma_start3A_1819 = tpu.memref_squeeze %dma_start3A_1818 : memref<1x128xi32, #tpu.memory_space<hbm>> -> memref<128xi32, #tpu.memory_space<hbm>>
        %dma_start3A_1820 = arith.constant 0 : i32
        %dma_start3A_1821 = tpu.memref_slice %arg6[%run_scoped3A_1514, %dma_start3A_1820] : memref<2x128xi32, #tpu.memory_space<vmem>> -> memref<1x128xi32, #tpu.memory_space<vmem>>
        %dma_start3A_1822 = tpu.memref_squeeze %dma_start3A_1821 : memref<1x128xi32, #tpu.memory_space<vmem>> -> memref<128xi32, #tpu.memory_space<vmem>>
        %dma_start3A_1823 = tpu.memref_slice %arg2[%run_scoped3A, %multiple_of3A_1513] : memref<2x320000xi32, #tpu.memory_space<hbm>> -> memref<1x128xi32, #tpu.memory_space<hbm>>
        %dma_start3A_1824 = tpu.memref_squeeze %dma_start3A_1823 : memref<1x128xi32, #tpu.memory_space<hbm>> -> memref<128xi32, #tpu.memory_space<hbm>>
        tpu.enqueue_dma source(%dma_start3A_1824 : memref<128xi32, #tpu.memory_space<hbm>>) target(%dma_start3A_1822 : memref<128xi32, #tpu.memory_space<vmem>>) target_semaphore(%run_scoped3A_1814 : memref<!tpu.dma_semaphore, #tpu.memory_space<semaphore_mem>>)
        %dma_wait3A_1825 = arith.constant 0 : i32
        %dma_wait3A_1826 = tpu.memref_slice %arg6[%run_scoped3A_1514, %dma_wait3A_1825] : memref<2x128xi32, #tpu.memory_space<vmem>> -> memref<1x128xi32, #tpu.memory_space<vmem>>
        %dma_wait3A_1827 = tpu.memref_squeeze %dma_wait3A_1826 : memref<1x128xi32, #tpu.memory_space<vmem>> -> memref<128xi32, #tpu.memory_space<vmem>>
        %dma_wait3A_1828 = tpu.memref_slice %arg2[%run_scoped3A, %multiple_of3A_1513] : memref<2x320000xi32, #tpu.memory_space<hbm>> -> memref<1x128xi32, #tpu.memory_space<hbm>>
        %dma_wait3A_1829 = tpu.memref_squeeze %dma_wait3A_1828 : memref<1x128xi32, #tpu.memory_space<hbm>> -> memref<128xi32, #tpu.memory_space<hbm>>
        %dma_wait3A_1830 = arith.constant 0 : i32
        %dma_wait3A_1831 = tpu.memref_slice %arg6[%run_scoped3A_1514, %dma_wait3A_1830] : memref<2x128xi32, #tpu.memory_space<vmem>> -> memref<1x128xi32, #tpu.memory_space<vmem>>
        %dma_wait3A_1832 = tpu.memref_squeeze %dma_wait3A_1831 : memref<1x128xi32, #tpu.memory_space<vmem>> -> memref<128xi32, #tpu.memory_space<vmem>>
        %dma_wait3A_1833 = tpu.memref_slice %arg2[%run_scoped3A, %multiple_of3A_1513] : memref<2x320000xi32, #tpu.memory_space<hbm>> -> memref<1x128xi32, #tpu.memory_space<hbm>>
        %dma_wait3A_1834 = tpu.memref_squeeze %dma_wait3A_1833 : memref<1x128xi32, #tpu.memory_space<hbm>> -> memref<128xi32, #tpu.memory_space<hbm>>
        tpu.wait_dma2 semaphore(%run_scoped3A_1814 : memref<!tpu.dma_semaphore, #tpu.memory_space<semaphore_mem>>) src(%dma_wait3A_1834 : memref<128xi32, #tpu.memory_space<hbm>>) dst(%dma_wait3A_1832 : memref<128xi32, #tpu.memory_space<vmem>>)
        tpu.yield
      }) : () -> ()
      %run_scoped3A_1515 = arith.constant 0 : i32
      "tpu.region"() ({
        %run_scoped3A_1814 = tpu.sem_alloc : memref<!tpu.dma_semaphore, #tpu.memory_space<semaphore_mem>>
        %dma_start3A_1815 = arith.constant 0 : i32
        %dma_start3A_1816 = tpu.memref_slice %arg7[%run_scoped3A_1515, %dma_start3A_1815] : memref<2x128xi32, #tpu.memory_space<vmem>> -> memref<1x128xi32, #tpu.memory_space<vmem>>
        %dma_start3A_1817 = tpu.memref_squeeze %dma_start3A_1816 : memref<1x128xi32, #tpu.memory_space<vmem>> -> memref<128xi32, #tpu.memory_space<vmem>>
        %dma_start3A_1818 = tpu.memref_slice %arg3[%multiple_of3A_1513] : memref<320000xi32, #tpu.memory_space<hbm>> -> memref<128xi32, #tpu.memory_space<hbm>>
        %dma_start3A_1819 = arith.constant 0 : i32
        %dma_start3A_1820 = tpu.memref_slice %arg7[%run_scoped3A_1515, %dma_start3A_1819] : memref<2x128xi32, #tpu.memory_space<vmem>> -> memref<1x128xi32, #tpu.memory_space<vmem>>
        %dma_start3A_1821 = tpu.memref_squeeze %dma_start3A_1820 : memref<1x128xi32, #tpu.memory_space<vmem>> -> memref<128xi32, #tpu.memory_space<vmem>>
        %dma_start3A_1822 = tpu.memref_slice %arg3[%multiple_of3A_1513] : memref<320000xi32, #tpu.memory_space<hbm>> -> memref<128xi32, #tpu.memory_space<hbm>>
        tpu.enqueue_dma source(%dma_start3A_1822 : memref<128xi32, #tpu.memory_space<hbm>>) target(%dma_start3A_1821 : memref<128xi32, #tpu.memory_space<vmem>>) target_semaphore(%run_scoped3A_1814 : memref<!tpu.dma_semaphore, #tpu.memory_space<semaphore_mem>>)
        %dma_wait3A_1823 = arith.constant 0 : i32
        %dma_wait3A_1824 = tpu.memref_slice %arg7[%run_scoped3A_1515, %dma_wait3A_1823] : memref<2x128xi32, #tpu.memory_space<vmem>> -> memref<1x128xi32, #tpu.memory_space<vmem>>
        %dma_wait3A_1825 = tpu.memref_squeeze %dma_wait3A_1824 : memref<1x128xi32, #tpu.memory_space<vmem>> -> memref<128xi32, #tpu.memory_space<vmem>>
        %dma_wait3A_1826 = tpu.memref_slice %arg3[%multiple_of3A_1513] : memref<320000xi32, #tpu.memory_space<hbm>> -> memref<128xi32, #tpu.memory_space<hbm>>
        %dma_wait3A_1827 = arith.constant 0 : i32
        %dma_wait3A_1828 = tpu.memref_slice %arg7[%run_scoped3A_1515, %dma_wait3A_1827] : memref<2x128xi32, #tpu.memory_space<vmem>> -> memref<1x128xi32, #tpu.memory_space<vmem>>
        %dma_wait3A_1829 = tpu.memref_squeeze %dma_wait3A_1828 : memref<1x128xi32, #tpu.memory_space<vmem>> -> memref<128xi32, #tpu.memory_space<vmem>>
        %dma_wait3A_1830 = tpu.memref_slice %arg3[%multiple_of3A_1513] : memref<320000xi32, #tpu.memory_space<hbm>> -> memref<128xi32, #tpu.memory_space<hbm>>
        tpu.wait_dma2 semaphore(%run_scoped3A_1814 : memref<!tpu.dma_semaphore, #tpu.memory_space<semaphore_mem>>) src(%dma_wait3A_1830 : memref<128xi32, #tpu.memory_space<hbm>>) dst(%dma_wait3A_1829 : memref<128xi32, #tpu.memory_space<vmem>>)
        tpu.yield
      }) : () -> ()
      %run_scoped3A_1516 = arith.constant 1 : i32
      %run_scoped3A_1517 = arith.constant 0 : i32
      "tpu.region"() ({
        %run_scoped3A_1814 = tpu.sem_alloc : memref<!tpu.dma_semaphore, #tpu.memory_space<semaphore_mem>>
        %dma_start3A_1815 = arith.constant 0 : i32
        %dma_start3A_1816 = tpu.memref_slice %arg8[%run_scoped3A_1517, %dma_start3A_1815] : memref<2x128xi32, #tpu.memory_space<vmem>> -> memref<1x128xi32, #tpu.memory_space<vmem>>
        %dma_start3A_1817 = tpu.memref_squeeze %dma_start3A_1816 : memref<1x128xi32, #tpu.memory_space<vmem>> -> memref<128xi32, #tpu.memory_space<vmem>>
        %dma_start3A_1818 = tpu.memref_slice %arg2[%run_scoped3A_1516, %multiple_of3A_1513] : memref<2x320000xi32, #tpu.memory_space<hbm>> -> memref<1x128xi32, #tpu.memory_space<hbm>>
        %dma_start3A_1819 = tpu.memref_squeeze %dma_start3A_1818 : memref<1x128xi32, #tpu.memory_space<hbm>> -> memref<128xi32, #tpu.memory_space<hbm>>
        %dma_start3A_1820 = arith.constant 0 : i32
        %dma_start3A_1821 = tpu.memref_slice %arg8[%run_scoped3A_1517, %dma_start3A_1820] : memref<2x128xi32, #tpu.memory_space<vmem>> -> memref<1x128xi32, #tpu.memory_space<vmem>>
        %dma_start3A_1822 = tpu.memref_squeeze %dma_start3A_1821 : memref<1x128xi32, #tpu.memory_space<vmem>> -> memref<128xi32, #tpu.memory_space<vmem>>
        %dma_start3A_1823 = tpu.memref_slice %arg2[%run_scoped3A_1516, %multiple_of3A_1513] : memref<2x320000xi32, #tpu.memory_space<hbm>> -> memref<1x128xi32, #tpu.memory_space<hbm>>
        %dma_start3A_1824 = tpu.memref_squeeze %dma_start3A_1823 : memref<1x128xi32, #tpu.memory_space<hbm>> -> memref<128xi32, #tpu.memory_space<hbm>>
        tpu.enqueue_dma source(%dma_start3A_1824 : memref<128xi32, #tpu.memory_space<hbm>>) target(%dma_start3A_1822 : memref<128xi32, #tpu.memory_space<vmem>>) target_semaphore(%run_scoped3A_1814 : memref<!tpu.dma_semaphore, #tpu.memory_space<semaphore_mem>>)
        %dma_wait3A_1825 = arith.constant 0 : i32
        %dma_wait3A_1826 = tpu.memref_slice %arg8[%run_scoped3A_1517, %dma_wait3A_1825] : memref<2x128xi32, #tpu.memory_space<vmem>> -> memref<1x128xi32, #tpu.memory_space<vmem>>
        %dma_wait3A_1827 = tpu.memref_squeeze %dma_wait3A_1826 : memref<1x128xi32, #tpu.memory_space<vmem>> -> memref<128xi32, #tpu.memory_space<vmem>>
        %dma_wait3A_1828 = tpu.memref_slice %arg2[%run_scoped3A_1516, %multiple_of3A_1513] : memref<2x320000xi32, #tpu.memory_space<hbm>> -> memref<1x128xi32, #tpu.memory_space<hbm>>
        %dma_wait3A_1829 = tpu.memref_squeeze %dma_wait3A_1828 : memref<1x128xi32, #tpu.memory_space<hbm>> -> memref<128xi32, #tpu.memory_space<hbm>>
        %dma_wait3A_1830 = arith.constant 0 : i32
        %dma_wait3A_1831 = tpu.memref_slice %arg8[%run_scoped3A_1517, %dma_wait3A_1830] : memref<2x128xi32, #tpu.memory_space<vmem>> -> memref<1x128xi32, #tpu.memory_space<vmem>>
        %dma_wait3A_1832 = tpu.memref_squeeze %dma_wait3A_1831 : memref<1x128xi32, #tpu.memory_space<vmem>> -> memref<128xi32, #tpu.memory_space<vmem>>
        %dma_wait3A_1833 = tpu.memref_slice %arg2[%run_scoped3A_1516, %multiple_of3A_1513] : memref<2x320000xi32, #tpu.memory_space<hbm>> -> memref<1x128xi32, #tpu.memory_space<hbm>>
        %dma_wait3A_1834 = tpu.memref_squeeze %dma_wait3A_1833 : memref<1x128xi32, #tpu.memory_space<hbm>> -> memref<128xi32, #tpu.memory_space<hbm>>
        tpu.wait_dma2 semaphore(%run_scoped3A_1814 : memref<!tpu.dma_semaphore, #tpu.memory_space<semaphore_mem>>) src(%dma_wait3A_1834 : memref<128xi32, #tpu.memory_space<hbm>>) dst(%dma_wait3A_1832 : memref<128xi32, #tpu.memory_space<vmem>>)
        tpu.yield
      }) : () -> ()
      %get3A_1518 = arith.constant 0 : i32
      %get3A_1519 = arith.index_cast %get3A_1518 : i32 to index
      %get3A_1520 = arith.constant 0 : index
      %get3A_1521 = tpu.vector_load %arg6[%get3A_1519, %get3A_1520] {strides = array<i32>} : memref<2x128xi32, #tpu.memory_space<vmem>>, vector<1x16xi32>,
      %get3A_1522 = vector.shape_cast %get3A_1521 : vector<1x16xi32> to vector<16xi32>
      %get3A_1523 = arith.constant 0 : i32
      %get3A_1524 = arith.index_cast %get3A_1523 : i32 to index
      %get3A_1525 = arith.constant 0 : index
      %get3A_1526 = tpu.vector_load %arg7[%get3A_1524, %get3A_1525] {strides = array<i32>} : memref<2x128xi32, #tpu.memory_space<vmem>>, vector<1x16xi32>,
      %get3A_1527 = vector.shape_cast %get3A_1526 : vector<1x16xi32> to vector<16xi32>
      %mul3A_1528 = arith.constant 8 : i32
      %mul3A_1529 = vector.broadcast %mul3A_1528 : i32 to vector<16xi32>
      %mul3A_1530 = arith.muli %get3A_1522, %mul3A_1529 : vector<16xi32>
      %add3A_1531 = arith.addi %mul3A_1530, %get3A_1527 : vector<16xi32>
      %swap3A_1532 = arith.constant 0 : i32
      %swap3A_1533 = arith.index_cast %swap3A_1532 : i32 to index
      %swap3A_1534 = arith.constant 0 : index
      %swap3A_1535 = tpu.vector_load %arg10[%swap3A_1533, %swap3A_1534] {strides = array<i32>} : memref<2x128xi32, #tpu.memory_space<vmem>>, vector<1x16xi32>,
      %swap3A_1536 = vector.shape_cast %swap3A_1535 : vector<1x16xi32> to vector<16xi32>
      %swap3A_1537 = vector.shape_cast %add3A_1531 : vector<16xi32> to vector<1x16xi32>
      tpu.vector_store %arg10[%swap3A_1533, %swap3A_1534], %swap3A_1537 {strides = array<i32>} : memref<2x128xi32, #tpu.memory_space<vmem>>, vector<1x16xi32>,
      %get3A_1538 = arith.constant 0 : i32
      %get3A_1539 = arith.index_cast %get3A_1538 : i32 to index
      %get3A_1540 = arith.constant 0 : index
      %get3A_1541 = tpu.vector_load %arg8[%get3A_1539, %get3A_1540] {strides = array<i32>} : memref<2x128xi32, #tpu.memory_space<vmem>>, vector<1x16xi32>,
      %get3A_1542 = vector.shape_cast %get3A_1541 : vector<1x16xi32> to vector<16xi32>
      %swap3A_1543 = arith.constant 0 : i32
      %swap3A_1544 = arith.index_cast %swap3A_1543 : i32 to index
      %swap3A_1545 = arith.constant 0 : index
      %swap3A_1546 = tpu.vector_load %arg9[%swap3A_1544, %swap3A_1545] {strides = array<i32>} : memref<2x128xi32, #tpu.memory_space<vmem>>, vector<1x16xi32>,
      %swap3A_1547 = vector.shape_cast %swap3A_1546 : vector<1x16xi32> to vector<16xi32>
      %swap3A_1548 = vector.shape_cast %get3A_1542 : vector<16xi32> to vector<1x16xi32>
      tpu.vector_store %arg9[%swap3A_1544, %swap3A_1545], %swap3A_1548 {strides = array<i32>} : memref<2x128xi32, #tpu.memory_space<vmem>>, vector<1x16xi32>,
      %get3A_1549 = arith.constant 0 : i32
      %get3A_1550 = arith.index_cast %get3A_1549 : i32 to index
      %get3A_1551 = arith.constant 16 : index
      %get3A_1552 = tpu.vector_load %arg6[%get3A_1550, %get3A_1551] {strides = array<i32>} : memref<2x128xi32, #tpu.memory_space<vmem>>, vector<1x16xi32>,
      %get3A_1553 = vector.shape_cast %get3A_1552 : vector<1x16xi32> to vector<16xi32>
      %get3A_1554 = arith.constant 0 : i32
      %get3A_1555 = arith.index_cast %get3A_1554 : i32 to index
      %get3A_1556 = arith.constant 16 : index
      %get3A_1557 = tpu.vector_load %arg7[%get3A_1555, %get3A_1556] {strides = array<i32>} : memref<2x128xi32, #tpu.memory_space<vmem>>, vector<1x16xi32>,
      %get3A_1558 = vector.shape_cast %get3A_1557 : vector<1x16xi32> to vector<16xi32>
      %mul3A_1559 = arith.constant 8 : i32
      %mul3A_1560 = vector.broadcast %mul3A_1559 : i32 to vector<16xi32>
      %mul3A_1561 = arith.muli %get3A_1553, %mul3A_1560 : vector<16xi32>
      %add3A_1562 = arith.addi %mul3A_1561, %get3A_1558 : vector<16xi32>
      %swap3A_1563 = arith.constant 0 : i32
      %swap3A_1564 = arith.index_cast %swap3A_1563 : i32 to index
      %swap3A_1565 = arith.constant 16 : index
      %swap3A_1566 = tpu.vector_load %arg10[%swap3A_1564, %swap3A_1565] {strides = array<i32>} : memref<2x128xi32, #tpu.memory_space<vmem>>, vector<1x16xi32>,
      %swap3A_1567 = vector.shape_cast %swap3A_1566 : vector<1x16xi32> to vector<16xi32>
      %swap3A_1568 = vector.shape_cast %add3A_1562 : vector<16xi32> to vector<1x16xi32>
      tpu.vector_store %arg10[%swap3A_1564, %swap3A_1565], %swap3A_1568 {strides = array<i32>} : memref<2x128xi32, #tpu.memory_space<vmem>>, vector<1x16xi32>,
      %get3A_1569 = arith.constant 0 : i32
      %get3A_1570 = arith.index_cast %get3A_1569 : i32 to index
      %get3A_1571 = arith.constant 16 : index
      %get3A_1572 = tpu.vector_load %arg8[%get3A_1570, %get3A_1571] {strides = array<i32>} : memref<2x128xi32, #tpu.memory_space<vmem>>, vector<1x16xi32>,
      %get3A_1573 = vector.shape_cast %get3A_1572 : vector<1x16xi32> to vector<16xi32>
      %swap3A_1574 = arith.constant 0 : i32
      %swap3A_1575 = arith.index_cast %swap3A_1574 : i32 to index
      %swap3A_1576 = arith.constant 16 : index
      %swap3A_1577 = tpu.vector_load %arg9[%swap3A_1575, %swap3A_1576] {strides = array<i32>} : memref<2x128xi32, #tpu.memory_space<vmem>>, vector<1x16xi32>,
      %swap3A_1578 = vector.shape_cast %swap3A_1577 : vector<1x16xi32> to vector<16xi32>
      %swap3A_1579 = vector.shape_cast %get3A_1573 : vector<16xi32> to vector<1x16xi32>
      tpu.vector_store %arg9[%swap3A_1575, %swap3A_1576], %swap3A_1579 {strides = array<i32>} : memref<2x128xi32, #tpu.memory_space<vmem>>, vector<1x16xi32>,
      %get3A_1580 = arith.constant 0 : i32
      %get3A_1581 = arith.index_cast %get3A_1580 : i32 to index
      %get3A_1582 = arith.constant 32 : index
      %get3A_1583 = tpu.vector_load %arg6[%get3A_1581, %get3A_1582] {strides = array<i32>} : memref<2x128xi32, #tpu.memory_space<vmem>>, vector<1x16xi32>,
      %get3A_1584 = vector.shape_cast %get3A_1583 : vector<1x16xi32> to vector<16xi32>
      %get3A_1585 = arith.constant 0 : i32
      %get3A_1586 = arith.index_cast %get3A_1585 : i32 to index
      %get3A_1587 = arith.constant 32 : index
      %get3A_1588 = tpu.vector_load %arg7[%get3A_1586, %get3A_1587] {strides = array<i32>} : memref<2x128xi32, #tpu.memory_space<vmem>>, vector<1x16xi32>,
      %get3A_1589 = vector.shape_cast %get3A_1588 : vector<1x16xi32> to vector<16xi32>
      %mul3A_1590 = arith.constant 8 : i32
      %mul3A_1591 = vector.broadcast %mul3A_1590 : i32 to vector<16xi32>
      %mul3A_1592 = arith.muli %get3A_1584, %mul3A_1591 : vector<16xi32>
      %add3A_1593 = arith.addi %mul3A_1592, %get3A_1589 : vector<16xi32>
      %swap3A_1594 = arith.constant 0 : i32
      %swap3A_1595 = arith.index_cast %swap3A_1594 : i32 to index
      %swap3A_1596 = arith.constant 32 : index
      %swap3A_1597 = tpu.vector_load %arg10[%swap3A_1595, %swap3A_1596] {strides = array<i32>} : memref<2x128xi32, #tpu.memory_space<vmem>>, vector<1x16xi32>,
      %swap3A_1598 = vector.shape_cast %swap3A_1597 : vector<1x16xi32> to vector<16xi32>
      %swap3A_1599 = vector.shape_cast %add3A_1593 : vector<16xi32> to vector<1x16xi32>
      tpu.vector_store %arg10[%swap3A_1595, %swap3A_1596], %swap3A_1599 {strides = array<i32>} : memref<2x128xi32, #tpu.memory_space<vmem>>, vector<1x16xi32>,
      %get3A_1600 = arith.constant 0 : i32
      %get3A_1601 = arith.index_cast %get3A_1600 : i32 to index
      %get3A_1602 = arith.constant 32 : index
      %get3A_1603 = tpu.vector_load %arg8[%get3A_1601, %get3A_1602] {strides = array<i32>} : memref<2x128xi32, #tpu.memory_space<vmem>>, vector<1x16xi32>,
      %get3A_1604 = vector.shape_cast %get3A_1603 : vector<1x16xi32> to vector<16xi32>
      %swap3A_1605 = arith.constant 0 : i32
      %swap3A_1606 = arith.index_cast %swap3A_1605 : i32 to index
      %swap3A_1607 = arith.constant 32 : index
      %swap3A_1608 = tpu.vector_load %arg9[%swap3A_1606, %swap3A_1607] {strides = array<i32>} : memref<2x128xi32, #tpu.memory_space<vmem>>, vector<1x16xi32>,
      %swap3A_1609 = vector.shape_cast %swap3A_1608 : vector<1x16xi32> to vector<16xi32>
      %swap3A_1610 = vector.shape_cast %get3A_1604 : vector<16xi32> to vector<1x16xi32>
      tpu.vector_store %arg9[%swap3A_1606, %swap3A_1607], %swap3A_1610 {strides = array<i32>} : memref<2x128xi32, #tpu.memory_space<vmem>>, vector<1x16xi32>,
      %get3A_1611 = arith.constant 0 : i32
      %get3A_1612 = arith.index_cast %get3A_1611 : i32 to index
      %get3A_1613 = arith.constant 48 : index
      %get3A_1614 = tpu.vector_load %arg6[%get3A_1612, %get3A_1613] {strides = array<i32>} : memref<2x128xi32, #tpu.memory_space<vmem>>, vector<1x16xi32>,
      %get3A_1615 = vector.shape_cast %get3A_1614 : vector<1x16xi32> to vector<16xi32>
      %get3A_1616 = arith.constant 0 : i32
      %get3A_1617 = arith.index_cast %get3A_1616 : i32 to index
      %get3A_1618 = arith.constant 48 : index
      %get3A_1619 = tpu.vector_load %arg7[%get3A_1617, %get3A_1618] {strides = array<i32>} : memref<2x128xi32, #tpu.memory_space<vmem>>, vector<1x16xi32>,
      %get3A_1620 = vector.shape_cast %get3A_1619 : vector<1x16xi32> to vector<16xi32>
      %mul3A_1621 = arith.constant 8 : i32
      %mul3A_1622 = vector.broadcast %mul3A_1621 : i32 to vector<16xi32>
      %mul3A_1623 = arith.muli %get3A_1615, %mul3A_1622 : vector<16xi32>
      %add3A_1624 = arith.addi %mul3A_1623, %get3A_1620 : vector<16xi32>
      %swap3A_1625 = arith.constant 0 : i32
      %swap3A_1626 = arith.index_cast %swap3A_1625 : i32 to index
      %swap3A_1627 = arith.constant 48 : index
      %swap3A_1628 = tpu.vector_load %arg10[%swap3A_1626, %swap3A_1627] {strides = array<i32>} : memref<2x128xi32, #tpu.memory_space<vmem>>, vector<1x16xi32>,
      %swap3A_1629 = vector.shape_cast %swap3A_1628 : vector<1x16xi32> to vector<16xi32>
      %swap3A_1630 = vector.shape_cast %add3A_1624 : vector<16xi32> to vector<1x16xi32>
      tpu.vector_store %arg10[%swap3A_1626, %swap3A_1627], %swap3A_1630 {strides = array<i32>} : memref<2x128xi32, #tpu.memory_space<vmem>>, vector<1x16xi32>,
      %get3A_1631 = arith.constant 0 : i32
      %get3A_1632 = arith.index_cast %get3A_1631 : i32 to index
      %get3A_1633 = arith.constant 48 : index
      %get3A_1634 = tpu.vector_load %arg8[%get3A_1632, %get3A_1633] {strides = array<i32>} : memref<2x128xi32, #tpu.memory_space<vmem>>, vector<1x16xi32>,
      %get3A_1635 = vector.shape_cast %get3A_1634 : vector<1x16xi32> to vector<16xi32>
      %swap3A_1636 = arith.constant 0 : i32
      %swap3A_1637 = arith.index_cast %swap3A_1636 : i32 to index
      %swap3A_1638 = arith.constant 48 : index
      %swap3A_1639 = tpu.vector_load %arg9[%swap3A_1637, %swap3A_1638] {strides = array<i32>} : memref<2x128xi32, #tpu.memory_space<vmem>>, vector<1x16xi32>,
      %swap3A_1640 = vector.shape_cast %swap3A_1639 : vector<1x16xi32> to vector<16xi32>
      %swap3A_1641 = vector.shape_cast %get3A_1635 : vector<16xi32> to vector<1x16xi32>
      tpu.vector_store %arg9[%swap3A_1637, %swap3A_1638], %swap3A_1641 {strides = array<i32>} : memref<2x128xi32, #tpu.memory_space<vmem>>, vector<1x16xi32>,
      %get3A_1642 = arith.constant 0 : i32
      %get3A_1643 = arith.index_cast %get3A_1642 : i32 to index
      %get3A_1644 = arith.constant 64 : index
      %get3A_1645 = tpu.vector_load %arg6[%get3A_1643, %get3A_1644] {strides = array<i32>} : memref<2x128xi32, #tpu.memory_space<vmem>>, vector<1x16xi32>,
      %get3A_1646 = vector.shape_cast %get3A_1645 : vector<1x16xi32> to vector<16xi32>
      %get3A_1647 = arith.constant 0 : i32
      %get3A_1648 = arith.index_cast %get3A_1647 : i32 to index
      %get3A_1649 = arith.constant 64 : index
      %get3A_1650 = tpu.vector_load %arg7[%get3A_1648, %get3A_1649] {strides = array<i32>} : memref<2x128xi32, #tpu.memory_space<vmem>>, vector<1x16xi32>,
      %get3A_1651 = vector.shape_cast %get3A_1650 : vector<1x16xi32> to vector<16xi32>
      %mul3A_1652 = arith.constant 8 : i32
      %mul3A_1653 = vector.broadcast %mul3A_1652 : i32 to vector<16xi32>
      %mul3A_1654 = arith.muli %get3A_1646, %mul3A_1653 : vector<16xi32>
      %add3A_1655 = arith.addi %mul3A_1654, %get3A_1651 : vector<16xi32>
      %swap3A_1656 = arith.constant 0 : i32
      %swap3A_1657 = arith.index_cast %swap3A_1656 : i32 to index
      %swap3A_1658 = arith.constant 64 : index
      %swap3A_1659 = tpu.vector_load %arg10[%swap3A_1657, %swap3A_1658] {strides = array<i32>} : memref<2x128xi32, #tpu.memory_space<vmem>>, vector<1x16xi32>,
      %swap3A_1660 = vector.shape_cast %swap3A_1659 : vector<1x16xi32> to vector<16xi32>
      %swap3A_1661 = vector.shape_cast %add3A_1655 : vector<16xi32> to vector<1x16xi32>
      tpu.vector_store %arg10[%swap3A_1657, %swap3A_1658], %swap3A_1661 {strides = array<i32>} : memref<2x128xi32, #tpu.memory_space<vmem>>, vector<1x16xi32>,
      %get3A_1662 = arith.constant 0 : i32
      %get3A_1663 = arith.index_cast %get3A_1662 : i32 to index
      %get3A_1664 = arith.constant 64 : index
      %get3A_1665 = tpu.vector_load %arg8[%get3A_1663, %get3A_1664] {strides = array<i32>} : memref<2x128xi32, #tpu.memory_space<vmem>>, vector<1x16xi32>,
      %get3A_1666 = vector.shape_cast %get3A_1665 : vector<1x16xi32> to vector<16xi32>
      %swap3A_1667 = arith.constant 0 : i32
      %swap3A_1668 = arith.index_cast %swap3A_1667 : i32 to index
      %swap3A_1669 = arith.constant 64 : index
      %swap3A_1670 = tpu.vector_load %arg9[%swap3A_1668, %swap3A_1669] {strides = array<i32>} : memref<2x128xi32, #tpu.memory_space<vmem>>, vector<1x16xi32>,
      %swap3A_1671 = vector.shape_cast %swap3A_1670 : vector<1x16xi32> to vector<16xi32>
      %swap3A_1672 = vector.shape_cast %get3A_1666 : vector<16xi32> to vector<1x16xi32>
      tpu.vector_store %arg9[%swap3A_1668, %swap3A_1669], %swap3A_1672 {strides = array<i32>} : memref<2x128xi32, #tpu.memory_space<vmem>>, vector<1x16xi32>,
      %get3A_1673 = arith.constant 0 : i32
      %get3A_1674 = arith.index_cast %get3A_1673 : i32 to index
      %get3A_1675 = arith.constant 80 : index
      %get3A_1676 = tpu.vector_load %arg6[%get3A_1674, %get3A_1675] {strides = array<i32>} : memref<2x128xi32, #tpu.memory_space<vmem>>, vector<1x16xi32>,
      %get3A_1677 = vector.shape_cast %get3A_1676 : vector<1x16xi32> to vector<16xi32>
      %get3A_1678 = arith.constant 0 : i32
      %get3A_1679 = arith.index_cast %get3A_1678 : i32 to index
      %get3A_1680 = arith.constant 80 : index
      %get3A_1681 = tpu.vector_load %arg7[%get3A_1679, %get3A_1680] {strides = array<i32>} : memref<2x128xi32, #tpu.memory_space<vmem>>, vector<1x16xi32>,
      %get3A_1682 = vector.shape_cast %get3A_1681 : vector<1x16xi32> to vector<16xi32>
      %mul3A_1683 = arith.constant 8 : i32
      %mul3A_1684 = vector.broadcast %mul3A_1683 : i32 to vector<16xi32>
      %mul3A_1685 = arith.muli %get3A_1677, %mul3A_1684 : vector<16xi32>
      %add3A_1686 = arith.addi %mul3A_1685, %get3A_1682 : vector<16xi32>
      %swap3A_1687 = arith.constant 0 : i32
      %swap3A_1688 = arith.index_cast %swap3A_1687 : i32 to index
      %swap3A_1689 = arith.constant 80 : index
      %swap3A_1690 = tpu.vector_load %arg10[%swap3A_1688, %swap3A_1689] {strides = array<i32>} : memref<2x128xi32, #tpu.memory_space<vmem>>, vector<1x16xi32>,
      %swap3A_1691 = vector.shape_cast %swap3A_1690 : vector<1x16xi32> to vector<16xi32>
      %swap3A_1692 = vector.shape_cast %add3A_1686 : vector<16xi32> to vector<1x16xi32>
      tpu.vector_store %arg10[%swap3A_1688, %swap3A_1689], %swap3A_1692 {strides = array<i32>} : memref<2x128xi32, #tpu.memory_space<vmem>>, vector<1x16xi32>,
      %get3A_1693 = arith.constant 0 : i32
      %get3A_1694 = arith.index_cast %get3A_1693 : i32 to index
      %get3A_1695 = arith.constant 80 : index
      %get3A_1696 = tpu.vector_load %arg8[%get3A_1694, %get3A_1695] {strides = array<i32>} : memref<2x128xi32, #tpu.memory_space<vmem>>, vector<1x16xi32>,
      %get3A_1697 = vector.shape_cast %get3A_1696 : vector<1x16xi32> to vector<16xi32>
      %swap3A_1698 = arith.constant 0 : i32
      %swap3A_1699 = arith.index_cast %swap3A_1698 : i32 to index
      %swap3A_1700 = arith.constant 80 : index
      %swap3A_1701 = tpu.vector_load %arg9[%swap3A_1699, %swap3A_1700] {strides = array<i32>} : memref<2x128xi32, #tpu.memory_space<vmem>>, vector<1x16xi32>,
      %swap3A_1702 = vector.shape_cast %swap3A_1701 : vector<1x16xi32> to vector<16xi32>
      %swap3A_1703 = vector.shape_cast %get3A_1697 : vector<16xi32> to vector<1x16xi32>
      tpu.vector_store %arg9[%swap3A_1699, %swap3A_1700], %swap3A_1703 {strides = array<i32>} : memref<2x128xi32, #tpu.memory_space<vmem>>, vector<1x16xi32>,
      %get3A_1704 = arith.constant 0 : i32
      %get3A_1705 = arith.index_cast %get3A_1704 : i32 to index
      %get3A_1706 = arith.constant 96 : index
      %get3A_1707 = tpu.vector_load %arg6[%get3A_1705, %get3A_1706] {strides = array<i32>} : memref<2x128xi32, #tpu.memory_space<vmem>>, vector<1x16xi32>,
      %get3A_1708 = vector.shape_cast %get3A_1707 : vector<1x16xi32> to vector<16xi32>
      %get3A_1709 = arith.constant 0 : i32
      %get3A_1710 = arith.index_cast %get3A_1709 : i32 to index
      %get3A_1711 = arith.constant 96 : index
      %get3A_1712 = tpu.vector_load %arg7[%get3A_1710, %get3A_1711] {strides = array<i32>} : memref<2x128xi32, #tpu.memory_space<vmem>>, vector<1x16xi32>,
      %get3A_1713 = vector.shape_cast %get3A_1712 : vector<1x16xi32> to vector<16xi32>
      %mul3A_1714 = arith.constant 8 : i32
      %mul3A_1715 = vector.broadcast %mul3A_1714 : i32 to vector<16xi32>
      %mul3A_1716 = arith.muli %get3A_1708, %mul3A_1715 : vector<16xi32>
      %add3A_1717 = arith.addi %mul3A_1716, %get3A_1713 : vector<16xi32>
      %swap3A_1718 = arith.constant 0 : i32
      %swap3A_1719 = arith.index_cast %swap3A_1718 : i32 to index
      %swap3A_1720 = arith.constant 96 : index
      %swap3A_1721 = tpu.vector_load %arg10[%swap3A_1719, %swap3A_1720] {strides = array<i32>} : memref<2x128xi32, #tpu.memory_space<vmem>>, vector<1x16xi32>,
      %swap3A_1722 = vector.shape_cast %swap3A_1721 : vector<1x16xi32> to vector<16xi32>
      %swap3A_1723 = vector.shape_cast %add3A_1717 : vector<16xi32> to vector<1x16xi32>
      tpu.vector_store %arg10[%swap3A_1719, %swap3A_1720], %swap3A_1723 {strides = array<i32>} : memref<2x128xi32, #tpu.memory_space<vmem>>, vector<1x16xi32>,
      %get3A_1724 = arith.constant 0 : i32
      %get3A_1725 = arith.index_cast %get3A_1724 : i32 to index
      %get3A_1726 = arith.constant 96 : index
      %get3A_1727 = tpu.vector_load %arg8[%get3A_1725, %get3A_1726] {strides = array<i32>} : memref<2x128xi32, #tpu.memory_space<vmem>>, vector<1x16xi32>,
      %get3A_1728 = vector.shape_cast %get3A_1727 : vector<1x16xi32> to vector<16xi32>
      %swap3A_1729 = arith.constant 0 : i32
      %swap3A_1730 = arith.index_cast %swap3A_1729 : i32 to index
      %swap3A_1731 = arith.constant 96 : index
      %swap3A_1732 = tpu.vector_load %arg9[%swap3A_1730, %swap3A_1731] {strides = array<i32>} : memref<2x128xi32, #tpu.memory_space<vmem>>, vector<1x16xi32>,
      %swap3A_1733 = vector.shape_cast %swap3A_1732 : vector<1x16xi32> to vector<16xi32>
      %swap3A_1734 = vector.shape_cast %get3A_1728 : vector<16xi32> to vector<1x16xi32>
      tpu.vector_store %arg9[%swap3A_1730, %swap3A_1731], %swap3A_1734 {strides = array<i32>} : memref<2x128xi32, #tpu.memory_space<vmem>>, vector<1x16xi32>,
      %get3A_1735 = arith.constant 0 : i32
      %get3A_1736 = arith.index_cast %get3A_1735 : i32 to index
      %get3A_1737 = arith.constant 112 : index
      %get3A_1738 = tpu.vector_load %arg6[%get3A_1736, %get3A_1737] {strides = array<i32>} : memref<2x128xi32, #tpu.memory_space<vmem>>, vector<1x16xi32>,
      %get3A_1739 = vector.shape_cast %get3A_1738 : vector<1x16xi32> to vector<16xi32>
      %get3A_1740 = arith.constant 0 : i32
      %get3A_1741 = arith.index_cast %get3A_1740 : i32 to index
      %get3A_1742 = arith.constant 112 : index
      %get3A_1743 = tpu.vector_load %arg7[%get3A_1741, %get3A_1742] {strides = array<i32>} : memref<2x128xi32, #tpu.memory_space<vmem>>, vector<1x16xi32>,
      %get3A_1744 = vector.shape_cast %get3A_1743 : vector<1x16xi32> to vector<16xi32>
      %mul3A_1745 = arith.constant 8 : i32
      %mul3A_1746 = vector.broadcast %mul3A_1745 : i32 to vector<16xi32>
      %mul3A_1747 = arith.muli %get3A_1739, %mul3A_1746 : vector<16xi32>
      %add3A_1748 = arith.addi %mul3A_1747, %get3A_1744 : vector<16xi32>
      %swap3A_1749 = arith.constant 0 : i32
      %swap3A_1750 = arith.index_cast %swap3A_1749 : i32 to index
      %swap3A_1751 = arith.constant 112 : index
      %swap3A_1752 = tpu.vector_load %arg10[%swap3A_1750, %swap3A_1751] {strides = array<i32>} : memref<2x128xi32, #tpu.memory_space<vmem>>, vector<1x16xi32>,
      %swap3A_1753 = vector.shape_cast %swap3A_1752 : vector<1x16xi32> to vector<16xi32>
      %swap3A_1754 = vector.shape_cast %add3A_1748 : vector<16xi32> to vector<1x16xi32>
      tpu.vector_store %arg10[%swap3A_1750, %swap3A_1751], %swap3A_1754 {strides = array<i32>} : memref<2x128xi32, #tpu.memory_space<vmem>>, vector<1x16xi32>,
      %get3A_1755 = arith.constant 0 : i32
      %get3A_1756 = arith.index_cast %get3A_1755 : i32 to index
      %get3A_1757 = arith.constant 112 : index
      %get3A_1758 = tpu.vector_load %arg8[%get3A_1756, %get3A_1757] {strides = array<i32>} : memref<2x128xi32, #tpu.memory_space<vmem>>, vector<1x16xi32>,
      %get3A_1759 = vector.shape_cast %get3A_1758 : vector<1x16xi32> to vector<16xi32>
      %swap3A_1760 = arith.constant 0 : i32
      %swap3A_1761 = arith.index_cast %swap3A_1760 : i32 to index
      %swap3A_1762 = arith.constant 112 : index
      %swap3A_1763 = tpu.vector_load %arg9[%swap3A_1761, %swap3A_1762] {strides = array<i32>} : memref<2x128xi32, #tpu.memory_space<vmem>>, vector<1x16xi32>,
      %swap3A_1764 = vector.shape_cast %swap3A_1763 : vector<1x16xi32> to vector<16xi32>
      %swap3A_1765 = vector.shape_cast %get3A_1759 : vector<16xi32> to vector<1x16xi32>
      tpu.vector_store %arg9[%swap3A_1761, %swap3A_1762], %swap3A_1765 {strides = array<i32>} : memref<2x128xi32, #tpu.memory_space<vmem>>, vector<1x16xi32>,
      %dma_start3A_1766 = arith.constant 0 : i32
      %dma_start3A_1767 = arith.constant 0 : i32
      %dma_start3A_1768 = arith.constant 0 : i32
      %dma_start3A_1769 = arith.constant 0 : i32
      %dma_start3A_1770 = tpu.memref_slice %arg11[%dma_start3A_1767, %dma_start3A_1768, %dma_start3A_1769] : memref<2x128x128xf32, #tpu.memory_space<vmem>> -> memref<1x128x128xf32, #tpu.memory_space<vmem>>
      %dma_start3A_1771 = tpu.memref_squeeze %dma_start3A_1770 : memref<1x128x128xf32, #tpu.memory_space<vmem>> -> memref<128x128xf32, #tpu.memory_space<vmem>>
      %dma_start3A_1772 = arith.constant 0 : i32
      %dma_start3A_1773 = tpu.memref_slice %arg10[%dma_start3A_1766, %dma_start3A_1772] : memref<2x128xi32, #tpu.memory_space<vmem>> -> memref<1x128xi32, #tpu.memory_space<vmem>>
      %dma_start3A_1774 = tpu.memref_squeeze %dma_start3A_1773 : memref<1x128xi32, #tpu.memory_space<vmem>> -> memref<128xi32, #tpu.memory_space<vmem>>
      %dma_start3A_1775 = arith.constant 0 : i32
      %dma_start3A_1776 = arith.constant 0 : i32
      %dma_start3A_1777 = tpu.memref_slice %arg4[%dma_start3A_1775, %dma_start3A_1776] : memref<81920x128xf32, #tpu.memory_space<hbm>> -> memref<81920x128xf32, #tpu.memory_space<hbm>>
      tpu.enqueue_indirect_dma source(%dma_start3A_1777 : memref<81920x128xf32, #tpu.memory_space<hbm>>) target(%dma_start3A_1771 : memref<128x128xf32, #tpu.memory_space<vmem>>) offsets(%dma_start3A_1774 : memref<128xi32, #tpu.memory_space<vmem>>) semaphore(%arg14 : memref<!tpu.dma_semaphore, #tpu.memory_space<semaphore_mem>>)
      %dma_wait3A_1778 = arith.constant 0 : i32
      %dma_wait3A_1779 = arith.constant 0 : i32
      %dma_wait3A_1780 = arith.constant 0 : i32
      %dma_wait3A_1781 = arith.constant 0 : i32
      %dma_wait3A_1782 = tpu.memref_slice %arg11[%dma_wait3A_1779, %dma_wait3A_1780, %dma_wait3A_1781] : memref<2x128x128xf32, #tpu.memory_space<vmem>> -> memref<1x128x128xf32, #tpu.memory_space<vmem>>
      %dma_wait3A_1783 = tpu.memref_squeeze %dma_wait3A_1782 : memref<1x128x128xf32, #tpu.memory_space<vmem>> -> memref<128x128xf32, #tpu.memory_space<vmem>>
      %dma_wait3A_1784 = arith.constant 0 : i32
      %dma_wait3A_1785 = tpu.memref_slice %arg10[%dma_wait3A_1778, %dma_wait3A_1784] : memref<2x128xi32, #tpu.memory_space<vmem>> -> memref<1x128xi32, #tpu.memory_space<vmem>>
      %dma_wait3A_1786 = tpu.memref_squeeze %dma_wait3A_1785 : memref<1x128xi32, #tpu.memory_space<vmem>> -> memref<128xi32, #tpu.memory_space<vmem>>
      %dma_wait3A_1787 = arith.constant 0 : i32
      %dma_wait3A_1788 = arith.constant 0 : i32
      %dma_wait3A_1789 = tpu.memref_slice %arg4[%dma_wait3A_1787, %dma_wait3A_1788] : memref<81920x128xf32, #tpu.memory_space<hbm>> -> memref<81920x128xf32, #tpu.memory_space<hbm>>
      tpu.wait_indirect_dma semaphore(%arg14 : memref<!tpu.dma_semaphore, #tpu.memory_space<semaphore_mem>>) src(%dma_wait3A_1789 : memref<81920x128xf32, #tpu.memory_space<hbm>>) dst(%dma_wait3A_1783 : memref<128x128xf32, #tpu.memory_space<vmem>>)
      %dma_start3A_1790 = arith.constant 0 : i32
      %dma_start3A_1791 = arith.constant 0 : i32
      %dma_start3A_1792 = arith.constant 0 : i32
      %dma_start3A_1793 = arith.constant 0 : i32
      %dma_start3A_1794 = tpu.memref_slice %arg11[%dma_start3A_1790, %dma_start3A_1792, %dma_start3A_1793] : memref<2x128x128xf32, #tpu.memory_space<vmem>> -> memref<1x128x128xf32, #tpu.memory_space<vmem>>
      %dma_start3A_1795 = tpu.memref_squeeze %dma_start3A_1794 : memref<1x128x128xf32, #tpu.memory_space<vmem>> -> memref<128x128xf32, #tpu.memory_space<vmem>>
      %dma_start3A_1796 = arith.constant 0 : i32
      %dma_start3A_1797 = tpu.memref_slice %arg9[%dma_start3A_1791, %dma_start3A_1796] : memref<2x128xi32, #tpu.memory_space<vmem>> -> memref<1x128xi32, #tpu.memory_space<vmem>>
      %dma_start3A_1798 = tpu.memref_squeeze %dma_start3A_1797 : memref<1x128xi32, #tpu.memory_space<vmem>> -> memref<128xi32, #tpu.memory_space<vmem>>
      %dma_start3A_1799 = arith.constant 0 : i32
      %dma_start3A_1800 = arith.constant 0 : i32
      %dma_start3A_1801 = tpu.memref_slice %arg13[%dma_start3A_1799, %dma_start3A_1800] : memref<10240x128xf32, #tpu.memory_space<vmem_shared>> -> memref<10240x128xf32, #tpu.memory_space<vmem_shared>>
      tpu.enqueue_indirect_dma source(%dma_start3A_1795 : memref<128x128xf32, #tpu.memory_space<vmem>>) target(%dma_start3A_1801 : memref<10240x128xf32, #tpu.memory_space<vmem_shared>>) offsets(%dma_start3A_1798 : memref<128xi32, #tpu.memory_space<vmem>>) semaphore(%arg15 : memref<!tpu.dma_semaphore, #tpu.memory_space<semaphore_mem>>) {add = true}
      %dma_wait3A_1802 = arith.constant 0 : i32
      %dma_wait3A_1803 = arith.constant 0 : i32
      %dma_wait3A_1804 = arith.constant 0 : i32
      %dma_wait3A_1805 = arith.constant 0 : i32
      %dma_wait3A_1806 = tpu.memref_slice %arg11[%dma_wait3A_1802, %dma_wait3A_1804, %dma_wait3A_1805] : memref<2x128x128xf32, #tpu.memory_space<vmem>> -> memref<1x128x128xf32, #tpu.memory_space<vmem>>
      %dma_wait3A_1807 = tpu.memref_squeeze %dma_wait3A_1806 : memref<1x128x128xf32, #tpu.memory_space<vmem>> -> memref<128x128xf32, #tpu.memory_space<vmem>>
      %dma_wait3A_1808 = arith.constant 0 : i32
      %dma_wait3A_1809 = tpu.memref_slice %arg9[%dma_wait3A_1803, %dma_wait3A_1808] : memref<2x128xi32, #tpu.memory_space<vmem>> -> memref<1x128xi32, #tpu.memory_space<vmem>>
      %dma_wait3A_1810 = tpu.memref_squeeze %dma_wait3A_1809 : memref<1x128xi32, #tpu.memory_space<vmem>> -> memref<128xi32, #tpu.memory_space<vmem>>
      %dma_wait3A_1811 = arith.constant 0 : i32
      %dma_wait3A_1812 = arith.constant 0 : i32
      %dma_wait3A_1813 = tpu.memref_slice %arg13[%dma_wait3A_1811, %dma_wait3A_1812] : memref<10240x128xf32, #tpu.memory_space<vmem_shared>> -> memref<10240x128xf32, #tpu.memory_space<vmem_shared>>
      tpu.wait_indirect_dma semaphore(%arg15 : memref<!tpu.dma_semaphore, #tpu.memory_space<semaphore_mem>>) src(%dma_wait3A_1807 : memref<128x128xf32, #tpu.memory_space<vmem>>) dst(%dma_wait3A_1813 : memref<10240x128xf32, #tpu.memory_space<vmem_shared>>)
    } else {
    }
    %barrier3A_1507 = arith.constant 0 : index
    tpu.barrier barrier_id(%barrier3A_1507)
    "tpu.region"() ({
      %run_scoped3A = tpu.sem_alloc : memref<!tpu.dma_semaphore, #tpu.memory_space<semaphore_mem>>
      %dma_start3A_1508 = arith.constant 0 : i32
      %dma_start3A_1509 = tpu.memref_slice %arg5[%arg0, %mul3A_7, %dma_start3A_1508] : memref<2x10240x128xf32, #tpu.memory_space<hbm>> -> memref<1x640x128xf32, #tpu.memory_space<hbm>>
      %dma_start3A_1510 = tpu.memref_squeeze %dma_start3A_1509 : memref<1x640x128xf32, #tpu.memory_space<hbm>> -> memref<640x128xf32, #tpu.memory_space<hbm>>
      %dma_start3A_1511 = arith.constant 0 : i32
      %dma_start3A_1512 = tpu.memref_slice %arg13[%mul3A_7, %dma_start3A_1511] : memref<10240x128xf32, #tpu.memory_space<vmem_shared>> -> memref<640x128xf32, #tpu.memory_space<vmem_shared>>
      tpu.enqueue_dma source(%dma_start3A_1512 : memref<640x128xf32, #tpu.memory_space<vmem_shared>>) target(%dma_start3A_1510 : memref<640x128xf32, #tpu.memory_space<hbm>>) target_semaphore(%run_scoped3A : memref<!tpu.dma_semaphore, #tpu.memory_space<semaphore_mem>>)
      %dma_wait3A_1513 = arith.constant 0 : i32
      %dma_wait3A_1514 = tpu.memref_slice %arg5[%arg0, %mul3A_7, %dma_wait3A_1513] : memref<2x10240x128xf32, #tpu.memory_space<hbm>> -> memref<1x640x128xf32, #tpu.memory_space<hbm>>
      %dma_wait3A_1515 = tpu.memref_squeeze %dma_wait3A_1514 : memref<1x640x128xf32, #tpu.memory_space<hbm>> -> memref<640x128xf32, #tpu.memory_space<hbm>>
      %dma_wait3A_1516 = arith.constant 0 : i32
      %dma_wait3A_1517 = tpu.memref_slice %arg13[%mul3A_7, %dma_wait3A_1516] : memref<10240x128xf32, #tpu.memory_space<vmem_shared>> -> memref<640x128xf32, #tpu.memory_space<vmem_shared>>
      tpu.wait_dma2 semaphore(%run_scoped3A : memref<!tpu.dma_semaphore, #tpu.memory_space<semaphore_mem>>) src(%dma_wait3A_1517 : memref<640x128xf32, #tpu.memory_space<vmem_shared>>) dst(%dma_wait3A_1515 : memref<640x128xf32, #tpu.memory_space<hbm>>)
      tpu.yield
    }) : () -> ()
    return
  }
}

module attributes {stable_mosaic.version = 14 : i64} {
  func.func @_combine_body(%arg0: i32, %arg1: memref<2x2000x128xf32, #tpu.memory_space<vmem>>, %arg2: memref<2x2000x16xf32, #tpu.memory_space<vmem>>, %arg3: memref<2000x128xf32, #tpu.memory_space<vmem>>, %arg4: memref<2000x128xf32, #tpu.memory_space<vmem>>) attributes {dimension_semantics = [#tpu.dimension_semantics<arbitrary>], iteration_bounds = array<i64: 5>, scalar_prefetch = 0 : i64, scratch_operands = 0 : i64, tpu.core_type = #tpu.core_type<tc>, window_params = [{transform_indices = @transform_0, window_bounds = array<i64: 2, 2000, 128>}, {transform_indices = @transform_1, window_bounds = array<i64: 2, 2000, 16>}, {transform_indices = @transform_2, window_bounds = array<i64: 2000, 128>}, {transform_indices = @transform_3, window_bounds = array<i64: 2000, 128>}]} {
    %get3A = arith.constant 0 : index
    %get3A_0 = arith.constant 0 : index
    %get3A_1 = arith.constant 0 : index
    %get3A_2 = vector.load %arg1[%get3A, %get3A_0, %get3A_1] : memref<2x2000x128xf32, #tpu.memory_space<vmem>>, vector<1x2000x128xf32>
    %get3A_3 = vector.shape_cast %get3A_2 : vector<1x2000x128xf32> to vector<2000x128xf32>
    %get3A_4 = arith.constant 1 : index
    %get3A_5 = arith.constant 0 : index
    %get3A_6 = arith.constant 0 : index
    %get3A_7 = vector.load %arg1[%get3A_4, %get3A_5, %get3A_6] : memref<2x2000x128xf32, #tpu.memory_space<vmem>>, vector<1x2000x128xf32>
    %get3A_8 = vector.shape_cast %get3A_7 : vector<1x2000x128xf32> to vector<2000x128xf32>
    %add3A = arith.addf %get3A_3, %get3A_8 : vector<2000x128xf32>
    %get3A_9 = arith.constant 0 : index
    %get3A_10 = arith.constant 0 : index
    %get3A_11 = arith.constant 0 : index
    %get3A_12 = vector.load %arg2[%get3A_9, %get3A_10, %get3A_11] : memref<2x2000x16xf32, #tpu.memory_space<vmem>>, vector<1x2000x16xf32>
    %get3A_13 = vector.shape_cast %get3A_12 : vector<1x2000x16xf32> to vector<2000x16xf32>
    %get3A_14 = arith.constant 1 : index
    %get3A_15 = arith.constant 0 : index
    %get3A_16 = arith.constant 0 : index
    %get3A_17 = vector.load %arg2[%get3A_14, %get3A_15, %get3A_16] : memref<2x2000x16xf32, #tpu.memory_space<vmem>>, vector<1x2000x16xf32>
    %get3A_18 = vector.shape_cast %get3A_17 : vector<1x2000x16xf32> to vector<2000x16xf32>
    %add3A_19 = arith.addf %get3A_13, %get3A_18 : vector<2000x16xf32>
    %slice3A = vector.extract_strided_slice %add3A_19 {offsets = [0, 0], sizes = [2000, 1], strides = [1, 1]} : vector<2000x16xf32> to vector<2000x1xf32>
    %max3A = arith.constant 1.000000e+00 : f32
    %max3A_20 = vector.broadcast %max3A : f32 to vector<2000x1xf32>
    %max3A_21 = arith.maximumf %slice3A, %max3A_20 : vector<2000x1xf32>
    %div3A = arith.constant 1.000000e+00 : f32
    %div3A_22 = vector.broadcast %div3A : f32 to vector<2000x1xf32>
    %div3A_23 = arith.divf %div3A_22, %max3A_21 : vector<2000x1xf32>
    %mul3A = vector.broadcast %div3A_23 : vector<2000x1xf32> to vector<2000x128xf32>
    %mul3A_24 = arith.mulf %add3A, %mul3A : vector<2000x128xf32>
    %get3A_25 = arith.constant 0 : index
    %get3A_26 = arith.constant 0 : index
    %get3A_27 = vector.load %arg3[%get3A_25, %get3A_26] : memref<2000x128xf32, #tpu.memory_space<vmem>>, vector<2000x128xf32>
    %add3A_28 = arith.addf %mul3A_24, %get3A_27 : vector<2000x128xf32>
    %swap3A = arith.constant 0 : index
    %swap3A_29 = arith.constant 0 : index
    %swap3A_30 = vector.load %arg4[%swap3A, %swap3A_29] : memref<2000x128xf32, #tpu.memory_space<vmem>>, vector<2000x128xf32>
    tpu.vector_store %arg4[%swap3A, %swap3A_29], %add3A_28 {strides = array<i32>} : memref<2000x128xf32, #tpu.memory_space<vmem>>, vector<2000x128xf32>,
    return
  }
  func.func @transform_0(%arg0: i32) -> (i32, i32, i32) {
    %c0_i32 = arith.constant 0 : i32
    %c0_i32_0 = arith.constant 0 : i32
    %c0_i32_1 = arith.constant 0 : i32
    return %c0_i32, %arg0, %c0_i32_0 : i32, i32, i32
  }
  func.func @transform_1(%arg0: i32) -> (i32, i32, i32) {
    %c0_i32 = arith.constant 0 : i32
    %c0_i32_0 = arith.constant 0 : i32
    %c0_i32_1 = arith.constant 0 : i32
    return %c0_i32, %arg0, %c0_i32_0 : i32, i32, i32
  }
  func.func @transform_2(%arg0: i32) -> (i32, i32) {
    %c0_i32 = arith.constant 0 : i32
    %c0_i32_0 = arith.constant 0 : i32
    return %arg0, %c0_i32 : i32, i32
  }
  func.func @transform_3(%arg0: i32) -> (i32, i32) {
    %c0_i32 = arith.constant 0 : i32
    %c0_i32_0 = arith.constant 0 : i32
    return %arg0, %c0_i32 : i32, i32
  }
}

module attributes {stable_mosaic.version = 14 : i64} {
  func.func @_prep_body(%arg0: i32, %arg1: memref<512x128xf32, #tpu.memory_space<vmem>>, %arg2: memref<8x128x128xf32, #tpu.memory_space<vmem>>, %arg3: memref<128x128xf32, #tpu.memory_space<vmem>>, %arg4: memref<512x8x128xf32, #tpu.memory_space<vmem>>, %arg5: memref<512x128xf32, #tpu.memory_space<vmem>>) attributes {dimension_semantics = [#tpu.dimension_semantics<arbitrary>], iteration_bounds = array<i64: 20>, scalar_prefetch = 0 : i64, scratch_operands = 0 : i64, tpu.core_type = #tpu.core_type<tc>, window_params = [{transform_indices = @transform_0, window_bounds = array<i64: 512, 128>}, {pipeline_mode = #tpu.pipeline_mode<synchronous>, transform_indices = @transform_1, window_bounds = array<i64: 8, 128, 128>}, {pipeline_mode = #tpu.pipeline_mode<synchronous>, transform_indices = @transform_2, window_bounds = array<i64: 128, 128>}, {transform_indices = @transform_3, window_bounds = array<i64: 512, 8, 128>}, {transform_indices = @transform_4, window_bounds = array<i64: 512, 128>}]} {
    %get3A = arith.constant 0 : index
    %get3A_0 = arith.constant 0 : index
    %get3A_1 = vector.load %arg1[%get3A, %get3A_0] : memref<512x128xf32, #tpu.memory_space<vmem>>, vector<512x128xf32>
    %get3A_2 = arith.constant 0 : index
    %get3A_3 = arith.constant 0 : index
    %get3A_4 = vector.load %arg3[%get3A_2, %get3A_3] : memref<128x128xf32, #tpu.memory_space<vmem>>, vector<128x128xf32>
    %dot_general3A = arith.constant dense<0.000000e+00> : vector<512x128xf32>
    %dot_general3A_5 = tpu.matmul %get3A_1, %get3A_4, %dot_general3A {dimension_numbers = #tpu.dot_dimension_numbers<[1], [0], [0], [1], [0, 0, 1, 1], [], []>, transpose_lhs_hint = false} : vector<512x128xf32>, vector<128x128xf32>, vector<512x128xf32> -> vector<512x128xf32>
    %swap3A = arith.constant 0 : index
    %swap3A_6 = arith.constant 0 : index
    %swap3A_7 = vector.load %arg5[%swap3A, %swap3A_6] : memref<512x128xf32, #tpu.memory_space<vmem>>, vector<512x128xf32>
    tpu.vector_store %arg5[%swap3A, %swap3A_6], %dot_general3A_5 {strides = array<i32>} : memref<512x128xf32, #tpu.memory_space<vmem>>, vector<512x128xf32>,
    %get3A_8 = arith.constant 0 : index
    %get3A_9 = arith.constant 0 : index
    %get3A_10 = arith.constant 0 : index
    %get3A_11 = vector.load %arg2[%get3A_8, %get3A_9, %get3A_10] : memref<8x128x128xf32, #tpu.memory_space<vmem>>, vector<1x128x128xf32>
    %get3A_12 = vector.shape_cast %get3A_11 : vector<1x128x128xf32> to vector<128x128xf32>
    %dot_general3A_13 = arith.constant dense<0.000000e+00> : vector<512x128xf32>
    %dot_general3A_14 = tpu.matmul %get3A_1, %get3A_12, %dot_general3A_13 {dimension_numbers = #tpu.dot_dimension_numbers<[1], [0], [0], [1], [0, 0, 1, 1], [], []>, transpose_lhs_hint = false} : vector<512x128xf32>, vector<128x128xf32>, vector<512x128xf32> -> vector<512x128xf32>
    %swap3A_15 = arith.constant 0 : index
    %swap3A_16 = arith.constant 0 : index
    %swap3A_17 = arith.constant 0 : index
    %swap3A_18 = vector.load %arg4[%swap3A_15, %swap3A_16, %swap3A_17] : memref<512x8x128xf32, #tpu.memory_space<vmem>>, vector<512x1x128xf32>
    %swap3A_19 = vector.shape_cast %swap3A_18 : vector<512x1x128xf32> to vector<512x128xf32>
    %swap3A_20 = vector.shape_cast %dot_general3A_14 : vector<512x128xf32> to vector<512x1x128xf32>
    tpu.vector_store %arg4[%swap3A_15, %swap3A_16, %swap3A_17], %swap3A_20 {strides = array<i32>} : memref<512x8x128xf32, #tpu.memory_space<vmem>>, vector<512x1x128xf32>,
    %get3A_21 = arith.constant 1 : index
    %get3A_22 = arith.constant 0 : index
    %get3A_23 = arith.constant 0 : index
    %get3A_24 = vector.load %arg2[%get3A_21, %get3A_22, %get3A_23] : memref<8x128x128xf32, #tpu.memory_space<vmem>>, vector<1x128x128xf32>
    %get3A_25 = vector.shape_cast %get3A_24 : vector<1x128x128xf32> to vector<128x128xf32>
    %dot_general3A_26 = arith.constant dense<0.000000e+00> : vector<512x128xf32>
    %dot_general3A_27 = tpu.matmul %get3A_1, %get3A_25, %dot_general3A_26 {dimension_numbers = #tpu.dot_dimension_numbers<[1], [0], [0], [1], [0, 0, 1, 1], [], []>, transpose_lhs_hint = false} : vector<512x128xf32>, vector<128x128xf32>, vector<512x128xf32> -> vector<512x128xf32>
    %swap3A_28 = arith.constant 0 : index
    %swap3A_29 = arith.constant 1 : index
    %swap3A_30 = arith.constant 0 : index
    %swap3A_31 = vector.load %arg4[%swap3A_28, %swap3A_29, %swap3A_30] : memref<512x8x128xf32, #tpu.memory_space<vmem>>, vector<512x1x128xf32>
    %swap3A_32 = vector.shape_cast %swap3A_31 : vector<512x1x128xf32> to vector<512x128xf32>
    %swap3A_33 = vector.shape_cast %dot_general3A_27 : vector<512x128xf32> to vector<512x1x128xf32>
    tpu.vector_store %arg4[%swap3A_28, %swap3A_29, %swap3A_30], %swap3A_33 {strides = array<i32>} : memref<512x8x128xf32, #tpu.memory_space<vmem>>, vector<512x1x128xf32>,
    %get3A_34 = arith.constant 2 : index
    %get3A_35 = arith.constant 0 : index
    %get3A_36 = arith.constant 0 : index
    %get3A_37 = vector.load %arg2[%get3A_34, %get3A_35, %get3A_36] : memref<8x128x128xf32, #tpu.memory_space<vmem>>, vector<1x128x128xf32>
    %get3A_38 = vector.shape_cast %get3A_37 : vector<1x128x128xf32> to vector<128x128xf32>
    %dot_general3A_39 = arith.constant dense<0.000000e+00> : vector<512x128xf32>
    %dot_general3A_40 = tpu.matmul %get3A_1, %get3A_38, %dot_general3A_39 {dimension_numbers = #tpu.dot_dimension_numbers<[1], [0], [0], [1], [0, 0, 1, 1], [], []>, transpose_lhs_hint = false} : vector<512x128xf32>, vector<128x128xf32>, vector<512x128xf32> -> vector<512x128xf32>
    %swap3A_41 = arith.constant 0 : index
    %swap3A_42 = arith.constant 2 : index
    %swap3A_43 = arith.constant 0 : index
    %swap3A_44 = vector.load %arg4[%swap3A_41, %swap3A_42, %swap3A_43] : memref<512x8x128xf32, #tpu.memory_space<vmem>>, vector<512x1x128xf32>
    %swap3A_45 = vector.shape_cast %swap3A_44 : vector<512x1x128xf32> to vector<512x128xf32>
    %swap3A_46 = vector.shape_cast %dot_general3A_40 : vector<512x128xf32> to vector<512x1x128xf32>
    tpu.vector_store %arg4[%swap3A_41, %swap3A_42, %swap3A_43], %swap3A_46 {strides = array<i32>} : memref<512x8x128xf32, #tpu.memory_space<vmem>>, vector<512x1x128xf32>,
    %get3A_47 = arith.constant 3 : index
    %get3A_48 = arith.constant 0 : index
    %get3A_49 = arith.constant 0 : index
    %get3A_50 = vector.load %arg2[%get3A_47, %get3A_48, %get3A_49] : memref<8x128x128xf32, #tpu.memory_space<vmem>>, vector<1x128x128xf32>
    %get3A_51 = vector.shape_cast %get3A_50 : vector<1x128x128xf32> to vector<128x128xf32>
    %dot_general3A_52 = arith.constant dense<0.000000e+00> : vector<512x128xf32>
    %dot_general3A_53 = tpu.matmul %get3A_1, %get3A_51, %dot_general3A_52 {dimension_numbers = #tpu.dot_dimension_numbers<[1], [0], [0], [1], [0, 0, 1, 1], [], []>, transpose_lhs_hint = false} : vector<512x128xf32>, vector<128x128xf32>, vector<512x128xf32> -> vector<512x128xf32>
    %swap3A_54 = arith.constant 0 : index
    %swap3A_55 = arith.constant 3 : index
    %swap3A_56 = arith.constant 0 : index
    %swap3A_57 = vector.load %arg4[%swap3A_54, %swap3A_55, %swap3A_56] : memref<512x8x128xf32, #tpu.memory_space<vmem>>, vector<512x1x128xf32>
    %swap3A_58 = vector.shape_cast %swap3A_57 : vector<512x1x128xf32> to vector<512x128xf32>
    %swap3A_59 = vector.shape_cast %dot_general3A_53 : vector<512x128xf32> to vector<512x1x128xf32>
    tpu.vector_store %arg4[%swap3A_54, %swap3A_55, %swap3A_56], %swap3A_59 {strides = array<i32>} : memref<512x8x128xf32, #tpu.memory_space<vmem>>, vector<512x1x128xf32>,
    %get3A_60 = arith.constant 4 : index
    %get3A_61 = arith.constant 0 : index
    %get3A_62 = arith.constant 0 : index
    %get3A_63 = vector.load %arg2[%get3A_60, %get3A_61, %get3A_62] : memref<8x128x128xf32, #tpu.memory_space<vmem>>, vector<1x128x128xf32>
    %get3A_64 = vector.shape_cast %get3A_63 : vector<1x128x128xf32> to vector<128x128xf32>
    %dot_general3A_65 = arith.constant dense<0.000000e+00> : vector<512x128xf32>
    %dot_general3A_66 = tpu.matmul %get3A_1, %get3A_64, %dot_general3A_65 {dimension_numbers = #tpu.dot_dimension_numbers<[1], [0], [0], [1], [0, 0, 1, 1], [], []>, transpose_lhs_hint = false} : vector<512x128xf32>, vector<128x128xf32>, vector<512x128xf32> -> vector<512x128xf32>
    %swap3A_67 = arith.constant 0 : index
    %swap3A_68 = arith.constant 4 : index
    %swap3A_69 = arith.constant 0 : index
    %swap3A_70 = vector.load %arg4[%swap3A_67, %swap3A_68, %swap3A_69] : memref<512x8x128xf32, #tpu.memory_space<vmem>>, vector<512x1x128xf32>
    %swap3A_71 = vector.shape_cast %swap3A_70 : vector<512x1x128xf32> to vector<512x128xf32>
    %swap3A_72 = vector.shape_cast %dot_general3A_66 : vector<512x128xf32> to vector<512x1x128xf32>
    tpu.vector_store %arg4[%swap3A_67, %swap3A_68, %swap3A_69], %swap3A_72 {strides = array<i32>} : memref<512x8x128xf32, #tpu.memory_space<vmem>>, vector<512x1x128xf32>,
    %get3A_73 = arith.constant 5 : index
    %get3A_74 = arith.constant 0 : index
    %get3A_75 = arith.constant 0 : index
    %get3A_76 = vector.load %arg2[%get3A_73, %get3A_74, %get3A_75] : memref<8x128x128xf32, #tpu.memory_space<vmem>>, vector<1x128x128xf32>
    %get3A_77 = vector.shape_cast %get3A_76 : vector<1x128x128xf32> to vector<128x128xf32>
    %dot_general3A_78 = arith.constant dense<0.000000e+00> : vector<512x128xf32>
    %dot_general3A_79 = tpu.matmul %get3A_1, %get3A_77, %dot_general3A_78 {dimension_numbers = #tpu.dot_dimension_numbers<[1], [0], [0], [1], [0, 0, 1, 1], [], []>, transpose_lhs_hint = false} : vector<512x128xf32>, vector<128x128xf32>, vector<512x128xf32> -> vector<512x128xf32>
    %swap3A_80 = arith.constant 0 : index
    %swap3A_81 = arith.constant 5 : index
    %swap3A_82 = arith.constant 0 : index
    %swap3A_83 = vector.load %arg4[%swap3A_80, %swap3A_81, %swap3A_82] : memref<512x8x128xf32, #tpu.memory_space<vmem>>, vector<512x1x128xf32>
    %swap3A_84 = vector.shape_cast %swap3A_83 : vector<512x1x128xf32> to vector<512x128xf32>
    %swap3A_85 = vector.shape_cast %dot_general3A_79 : vector<512x128xf32> to vector<512x1x128xf32>
    tpu.vector_store %arg4[%swap3A_80, %swap3A_81, %swap3A_82], %swap3A_85 {strides = array<i32>} : memref<512x8x128xf32, #tpu.memory_space<vmem>>, vector<512x1x128xf32>,
    %get3A_86 = arith.constant 6 : index
    %get3A_87 = arith.constant 0 : index
    %get3A_88 = arith.constant 0 : index
    %get3A_89 = vector.load %arg2[%get3A_86, %get3A_87, %get3A_88] : memref<8x128x128xf32, #tpu.memory_space<vmem>>, vector<1x128x128xf32>
    %get3A_90 = vector.shape_cast %get3A_89 : vector<1x128x128xf32> to vector<128x128xf32>
    %dot_general3A_91 = arith.constant dense<0.000000e+00> : vector<512x128xf32>
    %dot_general3A_92 = tpu.matmul %get3A_1, %get3A_90, %dot_general3A_91 {dimension_numbers = #tpu.dot_dimension_numbers<[1], [0], [0], [1], [0, 0, 1, 1], [], []>, transpose_lhs_hint = false} : vector<512x128xf32>, vector<128x128xf32>, vector<512x128xf32> -> vector<512x128xf32>
    %swap3A_93 = arith.constant 0 : index
    %swap3A_94 = arith.constant 6 : index
    %swap3A_95 = arith.constant 0 : index
    %swap3A_96 = vector.load %arg4[%swap3A_93, %swap3A_94, %swap3A_95] : memref<512x8x128xf32, #tpu.memory_space<vmem>>, vector<512x1x128xf32>
    %swap3A_97 = vector.shape_cast %swap3A_96 : vector<512x1x128xf32> to vector<512x128xf32>
    %swap3A_98 = vector.shape_cast %dot_general3A_92 : vector<512x128xf32> to vector<512x1x128xf32>
    tpu.vector_store %arg4[%swap3A_93, %swap3A_94, %swap3A_95], %swap3A_98 {strides = array<i32>} : memref<512x8x128xf32, #tpu.memory_space<vmem>>, vector<512x1x128xf32>,
    %get3A_99 = arith.constant 7 : index
    %get3A_100 = arith.constant 0 : index
    %get3A_101 = arith.constant 0 : index
    %get3A_102 = vector.load %arg2[%get3A_99, %get3A_100, %get3A_101] : memref<8x128x128xf32, #tpu.memory_space<vmem>>, vector<1x128x128xf32>
    %get3A_103 = vector.shape_cast %get3A_102 : vector<1x128x128xf32> to vector<128x128xf32>
    %dot_general3A_104 = arith.constant dense<0.000000e+00> : vector<512x128xf32>
    %dot_general3A_105 = tpu.matmul %get3A_1, %get3A_103, %dot_general3A_104 {dimension_numbers = #tpu.dot_dimension_numbers<[1], [0], [0], [1], [0, 0, 1, 1], [], []>, transpose_lhs_hint = false} : vector<512x128xf32>, vector<128x128xf32>, vector<512x128xf32> -> vector<512x128xf32>
    %swap3A_106 = arith.constant 0 : index
    %swap3A_107 = arith.constant 7 : index
    %swap3A_108 = arith.constant 0 : index
    %swap3A_109 = vector.load %arg4[%swap3A_106, %swap3A_107, %swap3A_108] : memref<512x8x128xf32, #tpu.memory_space<vmem>>, vector<512x1x128xf32>
    %swap3A_110 = vector.shape_cast %swap3A_109 : vector<512x1x128xf32> to vector<512x128xf32>
    %swap3A_111 = vector.shape_cast %dot_general3A_105 : vector<512x128xf32> to vector<512x1x128xf32>
    tpu.vector_store %arg4[%swap3A_106, %swap3A_107, %swap3A_108], %swap3A_111 {strides = array<i32>} : memref<512x8x128xf32, #tpu.memory_space<vmem>>, vector<512x1x128xf32>,
    return
  }
  func.func @transform_0(%arg0: i32) -> (i32, i32) {
    %c0_i32 = arith.constant 0 : i32
    %c0_i32_0 = arith.constant 0 : i32
    return %arg0, %c0_i32 : i32, i32
  }
  func.func @transform_1(%arg0: i32) -> (i32, i32, i32) {
    %c0_i32 = arith.constant 0 : i32
    %c0_i32_0 = arith.constant 0 : i32
    %c0_i32_1 = arith.constant 0 : i32
    %c0_i32_2 = arith.constant 0 : i32
    return %c0_i32, %c0_i32_0, %c0_i32_1 : i32, i32, i32
  }
  func.func @transform_2(%arg0: i32) -> (i32, i32) {
    %c0_i32 = arith.constant 0 : i32
    %c0_i32_0 = arith.constant 0 : i32
    %c0_i32_1 = arith.constant 0 : i32
    return %c0_i32, %c0_i32_0 : i32, i32
  }
  func.func @transform_3(%arg0: i32) -> (i32, i32, i32) {
    %c0_i32 = arith.constant 0 : i32
    %c0_i32_0 = arith.constant 0 : i32
    %c0_i32_1 = arith.constant 0 : i32
    return %arg0, %c0_i32, %c0_i32_0 : i32, i32, i32
  }
  func.func @transform_4(%arg0: i32) -> (i32, i32) {
    %c0_i32 = arith.constant 0 : i32
    %c0_i32_0 = arith.constant 0 : i32
    return %arg0, %c0_i32 : i32, i32
  }
}

module attributes {stable_mosaic.version = 14 : i64} {
  func.func @_dst_body(%arg0: memref<2x320000xi32, #tpu.memory_space<vmem>>, %arg1: memref<2500x128xi32, #tpu.memory_space<vmem>>) attributes {dimension_semantics = [], scalar_prefetch = 0 : i64, scratch_operands = 0 : i64, tpu.core_type = #tpu.core_type<tc>} {
    %get3A = arith.constant 1 : index
    %get3A_0 = arith.constant 0 : index
    %get3A_1 = vector.load %arg0[%get3A, %get3A_0] : memref<2x320000xi32, #tpu.memory_space<vmem>>, vector<1x320000xi32>
    %get3A_2 = vector.shape_cast %get3A_1 : vector<1x320000xi32> to vector<320000xi32>
    %reshape3A = vector.shape_cast %get3A_2 : vector<320000xi32> to vector<2500x128xi32>
    %swap3A = arith.constant 0 : index
    %swap3A_3 = arith.constant 0 : index
    %swap3A_4 = vector.load %arg1[%swap3A, %swap3A_3] : memref<2500x128xi32, #tpu.memory_space<vmem>>, vector<2500x128xi32>
    tpu.vector_store %arg1[%swap3A, %swap3A_3], %reshape3A {strides = array<i32>} : memref<2500x128xi32, #tpu.memory_space<vmem>>, vector<2500x128xi32>,
    return
  }
}

</mosaic_0001>

<sc_bundles>
// kernel: kernel.10.cloned.1.call-start
scs
__scs_entry_jumppad:
0x0: {  	(pc) =	sbr.rel $0x88, $3  }
0x1: {  	(tag) =	ssettag $0x0;
	lr =	simm.s32 $0x1  }
0x2: {  	[smem:$0x3F9C] =	sst lr;
	_ =	strace $0xD0000000  }
0x3: {  	_ = 	snop  }
0x4: {  	_ = 	snop  }
0x5: {  	_ = 	snop  }
0x6: {  	_ = 	snop  }
0x7: {  	_ = 	snop  }
__scs_overlays_trampoline_lowered:
0x8: {  	[smem:$0x3FAB] =	sst s0  }
0x9: {  	[smem:$0x3FAC] =	sst s1  }
0xa: {  	[smem:$0x3FAD] =	sst s2  }
0xb: {  	[smem:$0x3FAE] =	sst s3  }
0xc: {  	[smem:$0x3FAF] =	sst s4  }
0xd: {  	[smem:$0x3FB0] =	sst s5  }
0xe: {  	[smem:$0x3FB1] =	sst s6  }
0xf: {  	[smem:$0x3FB2] =	sst s7  }
0x10: {  	[smem:$0x3FB3] =	sst s8  }
0x11: {  	[smem:$0x3FB4] =	sst s9;
	s0 =	simm.s32 @!p0 $0x0  }
0x12: {  	s1 =	sld [smem:$0x3F9A];
	s0 =	simm.s32 @p0 $0x1  }
0x13: {  	[smem:$0x3FB5] =	sst s0;
	s0 =	simm.s32 @!p1 $0x0  }
0x14: {  	s2 =	sld [smem:$0x3F99];
	s0 =	simm.s32 @p1 $0x1  }
0x15: {  	[smem:$0x3FB6] =	sst s0;
	s0 =	simm.s32 @!p2 $0x0  }
0x16: {  	s3 =	sld [smem:$0x3FDB];
	s0 =	simm.s32 @p2 $0x1  }
0x17: {  	s4 =	simm.s32 $0x1BF5;
	[smem:$0x3FB8] =	sst s0  }
0x18: {  	s0 =	sld [smem:$0x3F9B];
	_ =	swait.ge [sflag:s4], $0x0  }
0x19: {  	s7 =	sld [smem:$0x3F9C]  }
0x1a: {  	s8 =	sadd.s32 $0xFFFFE003, lr  }
0x1b: {  	s9 =	sadd.s32 $0xFFFFFEF7, lr;
	s5 =	simm.s32 $0xFFFFFFFF;
	p2 =	slt.u32 s8, $0xFFFFF086  }
0x1c: {  	p1 =	slt.u32 s9, $0xF7A;
	s5 =	simm.s32 @!p2 $0x0  }
0x1d: {  	s5 =	simm.s32 @p1 $0x1;
	p0 =	seq.s32 s7, s2  }
0x1e: {  	s7 =	smul.u32 @!p0 $0xF7A, s2;
	p2 =	seq.s32 @!p0 s5, $0x0  }
0x1f: {  	s9 =	smul.u32 $0xF7A, s1;
	s8 =	simm.s32 @!p0 $0x1BF5;
	p2 =	por !p2, p0  }
0x20: {  	[sflag:s8] =	ssyncset.s32 @!p0 $0xFFFFF086;
	s6 =	sadd.s32 @!p0 s3, s7;
	s7 =	simm.s32 @!p0 $0x108  }
0x21: {  	s3 =	sadd.s32 s3, s9;
	s6 =	sadd.s32 @!p0 $0x88, s6;
	s7 =	simm.s32 @p2 $0x1082  }
0x22: {  	[simem:s7], [sflag:s8] =	dma.local @!p0 [hbm:s6], $0xF7A  }
0x23: {  	s9 =	sor.u32 $0xD0000000, s2;
	s6 =	simm.s32 $0x108;
	_ =	swait.ge @!p0 [sflag:s8], $0x0  }
0x24: {  	s3 =	sadd.s32 $0x88, s3;
	s6 =	simm.s32 @!p1 $0x1082;
	[sflag:s4] =	ssyncset.s32 $0xFFFFF086  }
0x25: {  	[simem:s6], [sflag:s4] =	dma.local [hbm:s3], $0xF7A  }
0x26: {  	[smem:$0x3F9C] =	sst s1;
	(tag) =	ssettag s2;
	_ =	strace s9  }
0x27: {  	s1 =	sld [smem:$0x3FAC]  }
0x28: {  	s2 =	sld [smem:$0x3FAD]  }
0x29: {  	s4 =	sld [smem:$0x3FAF]  }
0x2a: {  	p0 =	seq.s32 s5, $0x0;
	s5 =	sld [smem:$0x3FB0]  }
0x2b: {  	s6 =	sld [smem:$0x3FB1]  }
0x2c: {  	s7 =	sld [smem:$0x3FB2]  }
0x2d: {  	s3 =	simm.s32 $0x108;
	s8 =	sld [smem:$0x3FB3]  }
0x2e: {  	s3 =	simm.s32 @!p0 $0x1082;
	s9 =	sld [smem:$0x3FB4]  }
0x2f: {  	lr =	sadd.s32 s0, s3;
	s0 =	sld [smem:$0x3FAB]  }
0x30: {  	s3 =	sld [smem:$0x3FAE]  }
0x31: {  	[smem:$0x3FB7] =	sst s10  }
0x32: {  	s10 =	sld [smem:$0x3FB5];
	_ =	sdelay $0x3  }
0x33: {  	p0 =	seq.s32 s10, $0x1;
	s10 =	sld [smem:$0x3FB7];
	_ =	sdelay $0x3  }
0x34: {  	[smem:$0x3FB7] =	sst s10  }
0x35: {  	s10 =	sld [smem:$0x3FB6];
	_ =	sdelay $0x3  }
0x36: {  	p1 =	seq.s32 s10, $0x1;
	s10 =	sld [smem:$0x3FB7];
	_ =	sdelay $0x3  }
0x37: {  	[smem:$0x3FB7] =	sst s10  }
0x38: {  	s10 =	sld [smem:$0x3FB8]  }
0x39: {  	_ = 	snop;
	(pc) =	sbr.ind lr, $3  }
0x3a: {  	_ = 	snop  }
0x3b: {  	_ = 	snop  }
0x3c: {  	p2 =	seq.s32 s10, $0x1;
	s10 =	sld [smem:$0x3FB7]  }
0x3d: {  	_ =	shalt  }
0x3e: {  	_ =	shalt  }
0x3f: {  	_ =	shalt  }
0x40: {  	_ =	shalt  }
0x41: {  	_ =	shalt  }
0x42: {  	_ =	shalt  }
0x43: {  	_ =	shalt  }
0x44: {  	_ =	shalt  }
0x45: {  	_ =	shalt  }
0x46: {  	_ =	shalt  }
0x47: {  	_ =	shalt  }
0x48: {  	_ =	shalt  }
0x49: {  	_ =	shalt  }
0x4a: {  	_ =	shalt  }
0x4b: {  	_ =	shalt  }
0x4c: {  	_ =	shalt  }
0x4d: {  	_ =	shalt  }
0x4e: {  	_ =	shalt  }
0x4f: {  	_ =	shalt  }
0x50: {  	_ =	shalt  }
0x51: {  	_ =	shalt  }
0x52: {  	_ =	shalt  }
0x53: {  	_ =	shalt  }
0x54: {  	_ =	shalt  }
0x55: {  	_ =	shalt  }
0x56: {  	_ =	shalt  }
0x57: {  	_ =	shalt  }
0x58: {  	_ =	shalt  }
0x59: {  	_ =	shalt  }
0x5a: {  	_ =	shalt  }
0x5b: {  	_ =	shalt  }
0x5c: {  	_ =	shalt  }
0x5d: {  	_ =	shalt  }
0x5e: {  	_ =	shalt  }
0x5f: {  	_ =	shalt  }
0x60: {  	_ =	shalt  }
0x61: {  	_ =	shalt  }
0x62: {  	_ =	shalt  }
0x63: {  	_ =	shalt  }
0x64: {  	_ =	shalt  }
0x65: {  	_ =	shalt  }
0x66: {  	_ =	shalt  }
0x67: {  	_ =	shalt  }
0x68: {  	_ =	shalt  }
0x69: {  	_ =	shalt  }
0x6a: {  	_ =	shalt  }
0x6b: {  	_ =	shalt  }
0x6c: {  	_ =	shalt  }
0x6d: {  	_ =	shalt  }
0x6e: {  	_ =	shalt  }
0x6f: {  	_ =	shalt  }
0x70: {  	_ =	shalt  }
0x71: {  	_ =	shalt  }
0x72: {  	_ =	shalt  }
0x73: {  	_ =	shalt  }
0x74: {  	_ =	shalt  }
0x75: {  	_ =	shalt  }
0x76: {  	_ =	shalt  }
0x77: {  	_ =	shalt  }
0x78: {  	_ =	shalt  }
0x79: {  	_ =	shalt  }
0x7a: {  	_ =	shalt  }
0x7b: {  	_ =	shalt  }
0x7c: {  	_ =	shalt  }
0x7d: {  	_ =	shalt  }
0x7e: {  	_ =	shalt  }
0x7f: {  	_ =	shalt  }
0x80: {  	_ =	shalt  }
0x81: {  	_ =	shalt  }
0x82: {  	_ =	shalt  }
0x83: {  	_ =	shalt  }
0x84: {  	_ =	shalt  }
0x85: {  	_ =	shalt  }
0x86: {  	_ =	shalt  }
0x87: {  	_ =	shalt  }
.Lfunc_end0:
.L_simem_size_0:
called_computation.1_lowered:
.L_overlay_start_0:
0x88: {  	s2 =	sld [smem:$0x3FD9]  }
0x89: {  	s3 =	sld [smem:$0x3FFE];
	_ =	sdelay $0x1  }
0x8a: {  	s1 =	srdreg.scid  }
0x8b: {  	s0 =	sand.u32 $0x1, s1  }
0x8c: {  	s17 =	sshll.u32 s0, $0xA;
	s2 =	sadd.s32 s3, s2  }
0x8d: {  	s2 =	sadd.s32 s2, s17  }
0x8e: {  	[smem:$0x3FC3] =	sst s2  }
0x8f: {  	_ = 	snop  }
0x90: {  	s18 =	sld [smem:$0x3FC8]  }
0x91: {  	s4 =	sld [smem:$0x3FC7];
	(tm) =	ssettm $0x1  }
0x92: {  	s19 =	sld [smem:$0x3FFB];
	_ =	sdelay $0x3  }
0x93: {  	_ =	strace s19  }
0x94: {  	s2 =	sld [smem:$0x3FFC];
	_ =	sdelay $0x3  }
0x95: {  	_ =	strace s2  }
0x96: {  	s2 =	sld [smem:$0x3FFD];
	_ =	sdelay $0x3  }
0x97: {  	_ =	strace s2  }
0x98: {  	_ =	strace $0x8FFFFFFF  }
0x99: {  	s20 =	sld [smem:$0x3FDB];
	_ =	sdelay $0x1  }
0x9a: {  	s5 =	simm.s32 $_scs_section_size  }
0x9b: {  	s6 =	simm.s32 $_size__tile_overlayer_lowered;
	s7 =	simm.s32 $_tile_overlayer_lowered  }
0x9c: {  	s8 =	simm.s32 $0x1BFF;
	s21 =	sshll.u32 s7, $0x1;
	s5 =	sadd.s32 s5, s20  }
0x9d: {  	s22 =	simm.s32 $0x0;
	s6 =	sshll.u32 s6, $0x1;
	s7 =	sadd.s32 s21, s5  }
0x9e: {  	[timem:s22], [sflag:s8] =	dma.local [hbm:s7], s6  }
0x9f: {  	_ =	swait.ge [sflag:s8], s6  }
0xa0: {  	s6 =	ssub.s32 $0x0, s6;
	[sflag:s8] =	ssyncset.done $0x0  }
0xa1: {  	[sflag:s8] =	ssyncadd.s32 s6;
	_ =	sdelay $0x1  }
0xa2: {  	s23 =	simm.s32 $0x1B8B  }
0xa3: {  	_ =	swait.ge [sflag:s23], $0x1  }
0xa4: {  	[sflag:s23] =	ssyncset.done $0x0  }
0xa5: {  	[sflag:s23] =	ssyncadd.s32 $0xFFFFFFFF  }
0xa6: {  	s6 =	sld [smem:$0x0]  }
0xa7: {  	s7 =	sand.u32 $0xFFFFFFFE, s1  }
0xa8: {  	p0 =	sne.s32 s1, s7  }
0xa9: {  	s7 =	sshll.u32 @p0 s7, $0xE  }
0xaa: {  	s7 =	sadd.s32 @p0 $0x11B8D, s7;
	s8 =	sshll.u32 @p0 s6, $0x11  }
0xab: {  	s7 =	sor.u32 @p0 s8, s7  }
0xac: {  	[sflag:s7] =	ssyncadd.remote.s32 @p0 $0x1;
	_ =	sdelay $0x1  }
0xad: {  	s7 =	simm.s32 @p0 $0x1B8D  }
0xae: {  	_ =	swait.eq @p0 [sflag:s7], $0x1  }
0xaf: {  	[sflag:s7] =	ssyncadd.s32 @p0 $0xFFFFFFFF  }
0xb0: {  	s8 =	sshll.u32 @!p0 s1, $0xE  }
0xb1: {  	s8 =	sor.u32 @!p0 $0x4000, s8;
	s7 =	simm.s32 @!p0 $0x1B8D  }
0xb2: {  	s6 =	sshll.u32 @!p0 s6, $0x11;
	s8 =	sadd.s32 @!p0 $0x11B8D, s8;
	_ =	swait.eq @!p0 [sflag:s7], $0x1  }
0xb3: {  	s6 =	sor.u32 @!p0 s6, s8;
	[sflag:s7] =	ssyncadd.s32 @!p0 $0xFFFFFFFF  }
0xb4: {  	s25 =	simm.s32 $0x1B8E;
	s24 =	sld [smem:$0x3FFE];
	[sflag:s6] =	ssyncadd.remote.s32 @!p0 $0x1  }
0xb5: {  	s26 =	simm.s32 $execute0_lowered;
	[smem:$0x3FD2] =	sst s25  }
0xb6: {  	s7 =	sshll.u32 s26, $0x1;
	_ =	strace $0x80000049;
	[dreg:$0x1] =	wrdreg $0xFFFFFFFF  }
0xb7: {  	s28 =	simm.s32 $_size_execute0_lowered;
	s5 =	sadd.s32 s5, s7;
	[dreg:$0x0] =	wrdreg $0x0  }
0xb8: {  	s7 =	sshll.u32 s28, $0x1;
	[dreg:$0x2] =	wrdreg s5  }
0xb9: {  	[dreg:$0x3] =	wrdreg s7  }
0xba: {  	[dreg:$0x4] =	wrdreg $0xC0  }
0xbb: {  	_ =	task [dreg:s22], $0x5FFFF  }
0xbc: {  	[dreg:$0x1] =	wrdreg $0xFFFFFFFF  }
0xbd: {  	[dreg:$0x0] =	wrdreg $0x60  }
0xbe: {  	[dreg:$0x2] =	wrdreg s18  }
0xbf: {  	[dreg:$0x3] =	wrdreg s4  }
0xc0: {  	[dreg:$0x4] =	wrdreg s24  }
0xc1: {  	[dreg:$0x5] =	wrdreg $0x8D000  }
0xc2: {  	[dreg:$0x6] =	wrdreg $0xA  }
0xc3: {  	_ =	task.clear_ibuf [dreg:s22], $0x7FFFF;
	_ =	strace $0x90000049  }
0xc4: {  	s29 =	simm.s32 $0xA;
	_ =	strace $0x8000004B  }
0xc5: {  	_ =	swait.ge [sflag:s29], $0x1  }
0xc6: {  	[sflag:s29] =	ssyncadd.s32 $0xFFFFFFFF  }
0xc7: {  	_ =	strace $0x9000004B  }
0xc8: {  	_ =	sfence  }
0xc9: {  	s30 =	sld [smem:$0x0];
	_ =	sdelay $0x2  }
0xca: {  	s31 =	sshll.u32 s1, $0xD;
	s1 =	sshrl.u32 s1, $0x2  }
0xcb: {  	s4 =	sand.u32 $0x4000, s31;
	s1 =	sadd.s32 s1, s30  }
0xcc: {  	s0 =	sor.u32 s4, s0;
	s1 =	sshll.u32 s1, $0x11  }
0xcd: {  	s0 =	sor.u32 s1, s0  }
0xce: {  	s0 =	sadd.s32 $0x8F2B, s0  }
0xcf: {  	[sflag:s0] =	ssyncadd.remote.s32 $0x1  }
0xd0: {  	_ =	sfence.sel $0xFFFF  }
0xd1: {  	[dreg:$0x0] =	wrdreg $0xFFFFFFFF;
	(pc) =	sbr.abs _section_cstart, $3  }
0xd2: {  	[dreg:$0x1] =	wrdreg $0xFFFFFFFF  }
0xd3: {  	_ =	task.clear_ibuf [dreg:s22], $0x2FFFF;
	_ =	strace $0x9FFFFFFF  }
0xd4: {  	(tm) =	ssettm $0x7FFFFFFF  }
0xd5: {  	_ =	shalt  }
tec
execute0_lowered:
.L_overlay_start_1:
0x0: {  	(tag) =	ssettag $0x1  }
0x1: {  	s0 =	rddreg [dreg:$0x0];
	s15 =	stileid.u32  }
0x2: {  	s2 =	srdreg.scid;
	s7 =	smul.u32 $0x14000, s15  }
0x3: {  	s1 =	rddreg [dreg:$0x1];
	s5 =	sand.u32 $0x1, s2;
	s25 =	smul.u32 $0x4E, s15  }
0x4: {  	s4 =	rddreg [dreg:$0x2];
	s28 =	simm.s32 $0x100;
	s6 =	smul.u32 $0x140000, s5  }
0x5: {  	s29 =	simm.s32 $0x200;
	s3 =	sshll.u32 s5, $0x4;
	s24 =	smul.u32 $0x4E0, s5  }
0x6: {  	s9 =	ssub.s32 $0x2, s5;
	s5 =	smul.u32 $0x9C00, s5;
	s8 =	sor.u32 s15, s3  }
0x7: {  	s30 =	simm.s32 $0x5;
	s31 =	simm.s32 $0x80;
	s10 =	smul.u32 $0x4E, s8  }
0x8: {  	s2 =	rddreg [dreg:$0x3];
	s3 =	simm.s32 $0x0;
	s12 =	smul.u32 $0x9C0, s8  }
0x9: {  	s11 =	sshrl.u32 s9, $0x1;
	s6 =	sadd.s32 s7, s6;
	s17 =	smul.u32 $0x4E0, s8  }
0xa: {  	s7 =	ssub.s32 s9, s11;
	s11 =	sadd.s32 $0x10, s0;
	s13 =	smul.u32 $0x2700, s8  }
0xb: {  	[smem:$0x7FF] =	sst s3;
	p0 =	sgt.u32 s8, $0x3;
	s8 =	simm.s32 $0x2  }
0xc: {  	s6 =	sshrl.u32 s6, $0x3;
	s18 =	sadd.s32 s0, s12;
	s9 =	sadd.s32 s1, s17  }
0xd: {  	s19 =	sadd.s32 s12, s11;
	s20 =	sor.u32 $0x1, s10;
	[dreg:$0x6] =	wrdreg s18  }
0xe: {  	s21 =	sadd.s32 $0x100, s13;
	s13 =	sadd.s32 $0x2680, s13;
	[dreg:$0x7] =	wrdreg s9  }
0xf: {  	s17 =	sor.u32 $0x9C0, s15;
	s6 =	sadd.s32 s6, s4;
	[dreg:$0x8] =	wrdreg s19  }
0x10: {  	s10 =	sshll.u32 s20, $0x5;
	s9 =	sshll.u32 s20, $0x4;
	s22 =	sshrl.u32 s21, $0x2  }
0x11: {  	s12 =	sshrl.u32 s21, $0x3;
	s26 =	sshrl.u32 s13, $0x2;
	s14 =	sadd.s32 s0, s10  }
0x12: {  	s16 =	sshrl.u32 s13, $0x3;
	s9 =	sadd.s32 s1, s9;
	[dreg:$0x9] =	wrdreg s14  }
0x13: {  	s18 =	sshll.u32 s17, $0x4;
	s10 =	sadd.s32 s10, s11;
	[dreg:$0xa] =	wrdreg s9  }
0x14: {  	s20 =	sshll.u32 s17, $0x5;
	s23 =	sadd.s32 s0, s22;
	[dreg:$0xb] =	wrdreg s10  }
0x15: {  	s17 =	simm.s32 $0x180;
	s12 =	sadd.s32 s1, s12;
	[dreg:$0xc] =	wrdreg s23  }
0x16: {  	s19 =	sadd.s32 s0, s26;
	s21 =	sadd.s32 s20, s11;
	[dreg:$0xd] =	wrdreg s12  }
0x17: {  	s9 =	sadd.s32 s22, s11;
	s10 =	sadd.s32 s25, s24;
	[dreg:$0x11] =	wrdreg s19  }
0x18: {  	s12 =	sadd.s32 s1, s16;
	[dreg:$0x13] =	wrdreg s21;
	s22 =	smul.u32 $0x9C0, s15  }
0x19: {  	s23 =	smul.u32 $0x50000, s15;
	s19 =	sadd.s32 $0xBA00, s4;
	s25 =	sadd.s32 $0x14BA00, s6  }
0x1a: {  	s14 =	simm.s32 $0x500;
	s4 =	simm.s32 $0x480;
	[dreg:$0xe] =	wrdreg s9  }
0x1b: {  	s6 =	simm.s32 $0x1;
	[dreg:$0xf] =	wrdreg s12;
	s10 =	sshll.u32 s10, $0x4  }
0x1c: {  	s12 =	sadd.s32 s1, s18;
	s9 =	sadd.s32 s26, s11;
	s26 =	smax.u32 s7, $0x1  }
0x1d: {  	s18 =	simm.s32 $0x280;
	s7 =	simm.s32 $0x300;
	[dreg:$0x10] =	wrdreg s12  }
0x1e: {  	s11 =	simm.s32 $0x4;
	s1 =	sadd.s32 s1, s10;
	[dreg:$0x12] =	wrdreg s9  }
0x1f: {  	s9 =	sadd.s32 s0, s20;
	s0 =	sadd.s32 s5, s0;
	s24 =	sshrl.u32 s23, $0x2  }
0x20: {  	s5 =	simm.s32 $0x4500;
	s10 =	simm.s32 $0x380;
	s12 =	simm.s32 $0x0  }
.Ltmp0:
0x21: {  	[dreg:$0x14] =	wrdreg s9;
	s0 =	sadd.s32 s22, s0;
	(pc) =	sbr.rel .LBB2_1-.Ltmp0, $4  }
0x22: {  	s20 =	sadd.s32 s24, s2;
	_ =	strace $0x8000004A;
	[dreg:$0x15] =	wrdreg s25  }
0x23: {  	s16 =	sadd.s32 $0x40, s1;
	s15 =	sadd.s32 $0x30, s1;
	[dreg:$0x16] =	wrdreg s26  }
0x24: {  	s1 =	simm.s32 $0x400;
	s9 =	simm.s32 $0x3;
	[dreg:$0x5] =	wrdreg s0  }
0x25: {  	v0 =	vimm.f32 $0.0e+00;
	s25 =	simm.s32 $0x8500;
	s26 =	simm.s32 $0x7;
	s0 =	simm.s32 $0x6  }
.LBB2_9:
0x26: {  	s13 =	stileid.u32  }
0x27: {  	[bflag:$0x0] =	sbarrier.arrive $0xFFFF;
	s13 =	sshll.u32 s13, $0x6  }
0x28: {  	s21 =	sshrl.u32 s20, $0x3;
	s22 =	rddreg [dreg:$0x15];
	s13 =	sor.u32 $0x1C07, s13  }
0x29: {  	[hbm:s22], [sflag:s13] =	dma.local [spmem:s21], $0x2800  }
0x2a: {  	_ =	swait.ge [sflag:s26], $0x2800  }
0x2b: {  	s12 =	sadd.s32 $0x1, s12;
	s24 =	rddreg [dreg:$0x16]  }
0x2c: {  	p1 =	sne.s32 s12, s24  }
.Ltmp1:
0x2d: {  	_ = 	snop;
	(pc) =	sbr.rel @!p1 .LBB2_10-.Ltmp1, $3  }
0x2e: {  	_ =	sdelay $0x1  }
0x2f: {  	[sflag:s26] =	ssyncset.done $0x0  }
0x30: {  	[sflag:s26] =	ssyncadd.s32 $0xFFFFD800  }
.LBB2_1:
0x31: {  	s13 =	simm.s32 $0x0;
	s21 =	simm.s32 $0x200  }
.LBB2_2:
0x32: {  	p1 =	sne.s32 s21, $0x1E00;
	[tilespmem:s13+$0x8570] =	vst v0  }
0x33: {  	[tilespmem:s13+$0x8500] =	vst v0  }
0x34: {  	[tilespmem:s13+$0x8510] =	vst v0  }
.Ltmp2:
0x35: {  	[tilespmem:s13+$0x8520] =	vst v0;
	(pc) =	sbr.rel @p1 .LBB2_2-.Ltmp2, $4  }
0x36: {  	[tilespmem:s13+$0x8530] =	vst v0  }
0x37: {  	[tilespmem:s13+$0x8540] =	vst v0  }
0x38: {  	[tilespmem:s13+$0x8550] =	vst v0  }
0x39: {  	[tilespmem:s13+$0x8560] =	vst v0;
	s13 =	sshra.s32 s21, $0x2;
	s21 =	sadd.s32 $0x200, s21  }
0x3a: {  	[tilespmem:s13+$0x8570] =	vst v0  }
0x3b: {  	[tilespmem:s13+$0x8500] =	vst v0  }
0x3c: {  	[tilespmem:s13+$0x8510] =	vst v0  }
0x3d: {  	[tilespmem:s13+$0x8520] =	vst v0  }
0x3e: {  	[tilespmem:s13+$0x8530] =	vst v0  }
0x3f: {  	[tilespmem:s13+$0x8540] =	vst v0  }
0x40: {  	[tilespmem:s13+$0x8550] =	vst v0  }
0x41: {  	[tilespmem:s13+$0x8560] =	vst v0;
	s24 =	sadd.s32 $0x0, s20  }
0x42: {  	[spmem:s24] =	stream.linear.scatter [tilespmem:s25], [sflag:$0x7], $0x800, $0x38;
	[tilespmem:$0x1CD00] =	vst v63  }
0x43: {  	s13 =	simm.s32 $0x2000;
	_ =	swait.ge [sflag:s26], $0x800  }
.LBB2_4:
0x44: {  	s21 =	sshra.s32 s13, $0x2;
	[sflag:s26] =	ssyncset.done $0x0;
	p1 =	sne.s32 s13, $0x4E000  }
.Ltmp3:
0x45: {  	s21 =	sadd.s32 s21, s20;
	[sflag:s26] =	ssyncadd.s32 $0xFFFFF800;
	(pc) =	sbr.rel @p1 .LBB2_4-.Ltmp3, $3  }
0x46: {  	[spmem:s21] =	stream.linear.scatter [tilespmem:s25], [sflag:$0x7], $0x800, $0x38;
	[tilespmem:$0x1CD00] =	vst v63  }
0x47: {  	s13 =	sadd.s32 $0x2000, s13;
	_ =	sdelay $0x1  }
0x48: {  	_ =	swait.ge [sflag:s26], $0x800  }
0x49: {  	[sflag:s26] =	ssyncset.done $0x0  }
0x4a: {  	[sflag:s26] =	ssyncadd.s32 $0xFFFFF800  }
0x4b: {  	[bflag:$0x0] =	sbarrier.arrive $0xFFFF  }
0x4c: {  	s13 =	simm.s32 $0x0;
	s21 =	rddreg [dreg:$0x6]  }
0x4d: {  	[tilespmem:s13], [sflag:$0x5] =	stream.linear.gather [hbm4b:s21+s13], $0x80, $0x38;
	[tilespmem:$0x1CD00] =	vst v63  }
0x4e: {  	s23 =	rddreg [dreg:$0x7]  }
0x4f: {  	[tilespmem:s28], [sflag:$0x5] =	stream.linear.gather [hbm4b:s23+s13], $0x80, $0x38;
	[tilespmem:$0x1CD00] =	vst v63  }
0x50: {  	s24 =	rddreg [dreg:$0x8]  }
0x51: {  	[tilespmem:s29], [sflag:$0x5] =	stream.linear.gather [hbm4b:s24+s13], $0x80, $0x38;
	[tilespmem:$0x1CD00] =	vst v63  }
0x52: {  	_ =	swait.ge [sflag:s30], $0x80  }
0x53: {  	[sflag:s30] =	ssyncset.done $0x0  }
0x54: {  	[sflag:s30] =	ssyncadd.s32 $0xFFFFFF80  }
0x55: {  	_ =	swait.ge [sflag:s30], $0x80  }
0x56: {  	[sflag:s30] =	ssyncset.done $0x0  }
0x57: {  	[sflag:s30] =	ssyncadd.s32 $0xFFFFFF80  }
0x58: {  	_ =	swait.ge [sflag:s30], $0x80  }
0x59: {  	[sflag:s30] =	ssyncset.done $0x0  }
0x5a: {  	[sflag:s30] =	ssyncadd.s32 $0xFFFFFF80  }
0x5b: {  	v1 =	vld [tilespmem:$0x0]  }
0x5c: {  	v2 =	vld [tilespmem:$0x100]  }
0x5d: {  	v3 =	vld [tilespmem:$0x200]  }
0x5e: {  	v4 =	vld [tilespmem:$0x10]  }
0x5f: {  	v5 =	vld [tilespmem:$0x110]  }
0x60: {  	v6 =	vld [tilespmem:$0x210]  }
0x61: {  	v7 =	vld [tilespmem:$0x20]  }
0x62: {  	v8 =	vld [tilespmem:$0x120]  }
0x63: {  	v9 =	vld [tilespmem:$0x220]  }
0x64: {  	v10 =	vld [tilespmem:$0x30]  }
0x65: {  	v11 =	vld [tilespmem:$0x130]  }
0x66: {  	v12 =	vld [tilespmem:$0x230]  }
0x67: {  	v13 =	vld [tilespmem:$0x40]  }
0x68: {  	v40 =	vld [tilespmem:$0x240];
	v1 =	vshll.u32 v1, $0x3  }
0x69: {  	v41 =	vld [tilespmem:$0x150];
	[tilespmem:$0x300] =	vst v3;
	v1 =	vadd.s32 v2, v1  }
0x6a: {  	v42 =	vld [tilespmem:$0x250];
	[tilespmem:$0x400] =	vst v1;
	v1 =	vshll.u32 v4, $0x3  }
0x6b: {  	v43 =	vld [tilespmem:$0x60];
	[tilespmem:$0x310] =	vst v6;
	v1 =	vadd.s32 v5, v1  }
0x6c: {  	v2 =	vld [tilespmem:$0x140];
	[tilespmem:$0x410] =	vst v1;
	v1 =	vshll.u32 v7, $0x3  }
0x6d: {  	v3 =	vld [tilespmem:$0x50];
	[tilespmem:$0x320] =	vst v9;
	v1 =	vadd.s32 v8, v1  }
0x6e: {  	v44 =	vld [tilespmem:$0x160];
	[tilespmem:$0x420] =	vst v1;
	v1 =	vshll.u32 v10, $0x3  }
0x6f: {  	v45 =	vld [tilespmem:$0x260];
	[tilespmem:$0x330] =	vst v12;
	v1 =	vadd.s32 v11, v1  }
0x70: {  	v46 =	vld [tilespmem:$0x270];
	[tilespmem:$0x430] =	vst v1;
	v1 =	vshll.u32 v13, $0x3  }
0x71: {  	[tilespmem:$0x340] =	vst v40;
	v1 =	vadd.s32 v2, v1;
	v2 =	vld [tilespmem:$0x70]  }
0x72: {  	[tilespmem:$0x440] =	vst v1;
	v1 =	vshll.u32 v3, $0x3;
	v3 =	vld [tilespmem:$0x170]  }
0x73: {  	[tilespmem:$0x350] =	vst v42;
	v1 =	vadd.s32 v41, v1  }
0x74: {  	[tilespmem:$0x450] =	vst v1;
	v1 =	vshll.u32 v43, $0x3  }
0x75: {  	[tilespmem:$0x360] =	vst v45;
	v1 =	vadd.s32 v44, v1  }
0x76: {  	[tilespmem:$0x460] =	vst v1;
	v1 =	vshll.u32 v2, $0x3  }
0x77: {  	[tilespmem:$0x370] =	vst v46;
	v1 =	vadd.s32 v3, v1  }
0x78: {  	[tilespmem:$0x470] =	vst v1  }
0x79: {  	[tilespmem:s14], [sflag:$0x1] =	stream.indirect.gather [hbm4b:s19+s31], $0x80, s1, s31, $0xb8;
	[tilespmem:$0x1CD00] =	vst v63  }
0x7a: {  	s22 =	rddreg [dreg:$0x9]  }
0x7b: {  	[tilespmem:s31], [sflag:$0x6] =	stream.linear.gather [hbm4b:s22+s13], $0x80, $0x38;
	[tilespmem:$0x1CD00] =	vst v63  }
0x7c: {  	s23 =	rddreg [dreg:$0xa]  }
0x7d: {  	[tilespmem:s17], [sflag:$0x6] =	stream.linear.gather [hbm4b:s23+s13], $0x80, $0x38;
	[tilespmem:$0x1CD00] =	vst v63  }
0x7e: {  	s24 =	rddreg [dreg:$0xb]  }
0x7f: {  	[tilespmem:s18], [sflag:$0x6] =	stream.linear.gather [hbm4b:s24+s13], $0x80, $0x38;
	[tilespmem:$0x1CD00] =	vst v63  }
0x80: {  	_ =	swait.ge [sflag:s0], $0x80  }
0x81: {  	[sflag:s0] =	ssyncset.done $0x0  }
0x82: {  	[sflag:s0] =	ssyncadd.s32 $0xFFFFFF80  }
0x83: {  	_ =	swait.ge [sflag:s0], $0x80  }
0x84: {  	[sflag:s0] =	ssyncset.done $0x0  }
0x85: {  	[sflag:s0] =	ssyncadd.s32 $0xFFFFFF80  }
0x86: {  	_ =	swait.ge [sflag:s0], $0x80  }
0x87: {  	[sflag:s0] =	ssyncset.done $0x0  }
0x88: {  	[sflag:s0] =	ssyncadd.s32 $0xFFFFFF80  }
0x89: {  	v1 =	vld [tilespmem:$0x80]  }
0x8a: {  	v2 =	vld [tilespmem:$0x180]  }
0x8b: {  	v3 =	vld [tilespmem:$0x280]  }
0x8c: {  	v47 =	vld [tilespmem:$0x90]  }
0x8d: {  	v48 =	vld [tilespmem:$0x190]  }
0x8e: {  	v49 =	vld [tilespmem:$0x290]  }
0x8f: {  	v50 =	vld [tilespmem:$0xA0]  }
0x90: {  	v51 =	vld [tilespmem:$0x1A0]  }
0x91: {  	v52 =	vld [tilespmem:$0x2A0]  }
0x92: {  	v53 =	vld [tilespmem:$0xB0]  }
0x93: {  	v54 =	vld [tilespmem:$0x1B0]  }
0x94: {  	v55 =	vld [tilespmem:$0x2B0]  }
0x95: {  	v56 =	vld [tilespmem:$0xC0]  }
0x96: {  	v57 =	vld [tilespmem:$0x2C0];
	v1 =	vshll.u32 v1, $0x3  }
0x97: {  	v58 =	vld [tilespmem:$0x1D0];
	[tilespmem:$0x380] =	vst v3;
	v1 =	vadd.s32 v2, v1  }
0x98: {  	v59 =	vld [tilespmem:$0x2D0];
	[tilespmem:$0x480] =	vst v1;
	v1 =	vshll.u32 v47, $0x3  }
0x99: {  	v60 =	vld [tilespmem:$0xE0];
	[tilespmem:$0x390] =	vst v49;
	v1 =	vadd.s32 v48, v1  }
0x9a: {  	v2 =	vld [tilespmem:$0x1C0];
	[tilespmem:$0x490] =	vst v1;
	v1 =	vshll.u32 v50, $0x3  }
0x9b: {  	v3 =	vld [tilespmem:$0xD0];
	[tilespmem:$0x3A0] =	vst v52;
	v1 =	vadd.s32 v51, v1  }
0x9c: {  	v61 =	vld [tilespmem:$0x1E0];
	[tilespmem:$0x4A0] =	vst v1;
	v1 =	vshll.u32 v53, $0x3  }
0x9d: {  	v62 =	vld [tilespmem:$0x2E0];
	[tilespmem:$0x3B0] =	vst v55;
	v1 =	vadd.s32 v54, v1  }
0x9e: {  	v63 =	vld [tilespmem:$0x2F0];
	[tilespmem:$0x4B0] =	vst v1;
	v1 =	vshll.u32 v56, $0x3  }
0x9f: {  	[tilespmem:$0x3C0] =	vst v57;
	v1 =	vadd.s32 v2, v1;
	v2 =	vld [tilespmem:$0xF0]  }
0xa0: {  	[tilespmem:$0x4C0] =	vst v1;
	v1 =	vshll.u32 v3, $0x3;
	v3 =	vld [tilespmem:$0x1F0]  }
0xa1: {  	[tilespmem:$0x3D0] =	vst v59;
	v1 =	vadd.s32 v58, v1  }
0xa2: {  	[tilespmem:$0x4D0] =	vst v1;
	v1 =	vshll.u32 v60, $0x3  }
0xa3: {  	[tilespmem:$0x3E0] =	vst v62;
	v1 =	vadd.s32 v61, v1  }
0xa4: {  	[tilespmem:$0x4E0] =	vst v1;
	v1 =	vshll.u32 v2, $0x3  }
0xa5: {  	[tilespmem:$0x3F0] =	vst v63;
	v1 =	vadd.s32 v3, v1  }
0xa6: {  	s22 =	rddreg [dreg:$0xc];
	[tilespmem:$0x4F0] =	vst v1  }
0xa7: {  	[tilespmem:s13], [sflag:$0x5] =	stream.linear.gather [hbm4b:s22+s13], $0x80, $0x38;
	[tilespmem:$0x1CD00] =	vst v63  }
0xa8: {  	s23 =	rddreg [dreg:$0xd]  }
0xa9: {  	[tilespmem:s28], [sflag:$0x5] =	stream.linear.gather [hbm4b:s23+s13], $0x80, $0x38;
	[tilespmem:$0x1CD00] =	vst v63  }
0xaa: {  	s24 =	rddreg [dreg:$0xe]  }
0xab: {  	[tilespmem:s29], [sflag:$0x5] =	stream.linear.gather [hbm4b:s24+s13], $0x80, $0x38;
	[tilespmem:$0x1CD00] =	vst v63  }
0xac: {  	_ = 	snop  }
0xad: {  	[tilespmem:s5], [sflag:$0x3] =	stream.indirect.gather [hbm4b:s19+s31], $0x80, s4, s31, $0xb8;
	[tilespmem:$0x1CD00] =	vst v63  }
0xae: {  	_ =	swait.ge [sflag:s6], $0x4000  }
0xaf: {  	[sflag:s6] =	ssyncset.done $0x0  }
0xb0: {  	s23 =	smov.u32 s16;
	s24 =	smov.u32 s15;
	[sflag:s6] =	ssyncadd.s32 $0xFFFFC000  }
0xb1: {  	[spmem:s2] =	stream.indirect.scatter.add.f32 [tilespmem:s14], [sflag:$0x2], $0x80, s7, s31, $0xb8;
	[tilespmem:$0x1CD00] =	vst v63  }
.LBB2_6:
0xb2: {  	_ =	swait.ge [sflag:s8], $0x4000  }
0xb3: {  	[sflag:s8] =	ssyncset.done $0x0  }
0xb4: {  	[sflag:s8] =	ssyncadd.s32 $0xFFFFC000  }
0xb5: {  	_ =	swait.ge [sflag:s30], $0x80  }
0xb6: {  	[sflag:s30] =	ssyncset.done $0x0  }
0xb7: {  	[sflag:s30] =	ssyncadd.s32 $0xFFFFFF80  }
0xb8: {  	_ =	swait.ge [sflag:s30], $0x80  }
0xb9: {  	[sflag:s30] =	ssyncset.done $0x0  }
0xba: {  	[sflag:s30] =	ssyncadd.s32 $0xFFFFFF80  }
0xbb: {  	_ =	swait.ge [sflag:s30], $0x80  }
0xbc: {  	[sflag:s30] =	ssyncset.done $0x0  }
0xbd: {  	[sflag:s30] =	ssyncadd.s32 $0xFFFFFF80  }
0xbe: {  	v1 =	vld [tilespmem:$0x0]  }
0xbf: {  	v2 =	vld [tilespmem:$0x100]  }
0xc0: {  	v3 =	vld [tilespmem:$0x200]  }
0xc1: {  	v4 =	vld [tilespmem:$0x10]  }
0xc2: {  	v5 =	vld [tilespmem:$0x110]  }
0xc3: {  	v6 =	vld [tilespmem:$0x210]  }
0xc4: {  	v7 =	vld [tilespmem:$0x20]  }
0xc5: {  	v8 =	vld [tilespmem:$0x120]  }
0xc6: {  	v9 =	vld [tilespmem:$0x220]  }
0xc7: {  	v10 =	vld [tilespmem:$0x30]  }
0xc8: {  	v11 =	vld [tilespmem:$0x130]  }
0xc9: {  	v12 =	vld [tilespmem:$0x230]  }
0xca: {  	v13 =	vld [tilespmem:$0x40]  }
0xcb: {  	v40 =	vld [tilespmem:$0x240];
	v1 =	vshll.u32 v1, $0x3  }
0xcc: {  	v41 =	vld [tilespmem:$0x150];
	[tilespmem:$0x300] =	vst v3;
	v1 =	vadd.s32 v2, v1  }
0xcd: {  	v42 =	vld [tilespmem:$0x250];
	[tilespmem:$0x400] =	vst v1;
	v1 =	vshll.u32 v4, $0x3  }
0xce: {  	v43 =	vld [tilespmem:$0x60];
	[tilespmem:$0x310] =	vst v6;
	v1 =	vadd.s32 v5, v1  }
0xcf: {  	v2 =	vld [tilespmem:$0x140];
	[tilespmem:$0x410] =	vst v1;
	v1 =	vshll.u32 v7, $0x3  }
0xd0: {  	v3 =	vld [tilespmem:$0x50];
	[tilespmem:$0x320] =	vst v9;
	v1 =	vadd.s32 v8, v1  }
0xd1: {  	v44 =	vld [tilespmem:$0x160];
	[tilespmem:$0x420] =	vst v1;
	v1 =	vshll.u32 v10, $0x3  }
0xd2: {  	v45 =	vld [tilespmem:$0x260];
	[tilespmem:$0x330] =	vst v12;
	v1 =	vadd.s32 v11, v1  }
0xd3: {  	v46 =	vld [tilespmem:$0x270];
	[tilespmem:$0x430] =	vst v1;
	v1 =	vshll.u32 v13, $0x3  }
0xd4: {  	[tilespmem:$0x340] =	vst v40;
	v1 =	vadd.s32 v2, v1;
	v2 =	vld [tilespmem:$0x70]  }
0xd5: {  	[tilespmem:$0x440] =	vst v1;
	v1 =	vshll.u32 v3, $0x3;
	v3 =	vld [tilespmem:$0x170]  }
0xd6: {  	[tilespmem:$0x350] =	vst v42;
	v1 =	vadd.s32 v41, v1  }
0xd7: {  	[tilespmem:$0x450] =	vst v1;
	v1 =	vshll.u32 v43, $0x3  }
0xd8: {  	[tilespmem:$0x360] =	vst v45;
	v1 =	vadd.s32 v44, v1  }
0xd9: {  	s21 =	rddreg [dreg:$0x5];
	[tilespmem:$0x460] =	vst v1;
	v1 =	vshll.u32 v2, $0x3  }
0xda: {  	s21 =	sadd.s32 s13, s21;
	[tilespmem:$0x370] =	vst v46;
	v1 =	vadd.s32 v3, v1  }
0xdb: {  	s22 =	sadd.s32 $0x60, s21;
	[tilespmem:$0x470] =	vst v1  }
0xdc: {  	[tilespmem:s31], [sflag:$0x6] =	stream.linear.gather [hbm4b:s22+s3], $0x80, $0x38;
	[tilespmem:$0x1CD00] =	vst v63  }
0xdd: {  	_ = 	snop  }
0xde: {  	[tilespmem:s17], [sflag:$0x6] =	stream.linear.gather [hbm4b:s24+s3], $0x80, $0x38;
	[tilespmem:$0x1CD00] =	vst v63  }
0xdf: {  	s22 =	sadd.s32 $0x70, s21  }
0xe0: {  	[tilespmem:s18], [sflag:$0x6] =	stream.linear.gather [hbm4b:s22+s3], $0x80, $0x38;
	[tilespmem:$0x1CD00] =	vst v63  }
0xe1: {  	_ = 	snop  }
0xe2: {  	[tilespmem:s14], [sflag:$0x1] =	stream.indirect.gather [hbm4b:s19+s31], $0x80, s1, s31, $0xb8;
	[tilespmem:$0x1CD00] =	vst v63  }
0xe3: {  	_ =	swait.ge [sflag:s9], $0x4000  }
0xe4: {  	[sflag:s9] =	ssyncset.done $0x0  }
0xe5: {  	[sflag:s9] =	ssyncadd.s32 $0xFFFFC000  }
0xe6: {  	[spmem:s2] =	stream.indirect.scatter.add.f32 [tilespmem:s5], [sflag:$0x4], $0x80, s10, s31, $0xb8;
	[tilespmem:$0x1CD00] =	vst v63  }
0xe7: {  	_ =	swait.ge [sflag:s11], $0x4000  }
0xe8: {  	[sflag:s11] =	ssyncset.done $0x0  }
0xe9: {  	[sflag:s11] =	ssyncadd.s32 $0xFFFFC000  }
0xea: {  	_ =	swait.ge [sflag:s0], $0x80  }
0xeb: {  	[sflag:s0] =	ssyncset.done $0x0  }
0xec: {  	[sflag:s0] =	ssyncadd.s32 $0xFFFFFF80  }
0xed: {  	_ =	swait.ge [sflag:s0], $0x80  }
0xee: {  	[sflag:s0] =	ssyncset.done $0x0  }
0xef: {  	[sflag:s0] =	ssyncadd.s32 $0xFFFFFF80  }
0xf0: {  	_ =	swait.ge [sflag:s0], $0x80  }
0xf1: {  	[sflag:s0] =	ssyncset.done $0x0  }
0xf2: {  	[sflag:s0] =	ssyncadd.s32 $0xFFFFFF80  }
0xf3: {  	v1 =	vld [tilespmem:$0x80]  }
0xf4: {  	v2 =	vld [tilespmem:$0x180]  }
0xf5: {  	v3 =	vld [tilespmem:$0x280]  }
0xf6: {  	v47 =	vld [tilespmem:$0x90]  }
0xf7: {  	v48 =	vld [tilespmem:$0x190]  }
0xf8: {  	v49 =	vld [tilespmem:$0x290]  }
0xf9: {  	v50 =	vld [tilespmem:$0xA0]  }
0xfa: {  	v51 =	vld [tilespmem:$0x1A0]  }
0xfb: {  	v52 =	vld [tilespmem:$0x2A0]  }
0xfc: {  	v53 =	vld [tilespmem:$0xB0]  }
0xfd: {  	v54 =	vld [tilespmem:$0x1B0]  }
0xfe: {  	v55 =	vld [tilespmem:$0x2B0]  }
0xff: {  	v56 =	vld [tilespmem:$0xC0]  }
0x100: {  	v57 =	vld [tilespmem:$0x2C0];
	v1 =	vshll.u32 v1, $0x3  }
0x101: {  	v58 =	vld [tilespmem:$0x1D0];
	[tilespmem:$0x380] =	vst v3;
	v1 =	vadd.s32 v2, v1  }
0x102: {  	v59 =	vld [tilespmem:$0x2D0];
	[tilespmem:$0x480] =	vst v1;
	v1 =	vshll.u32 v47, $0x3  }
0x103: {  	v60 =	vld [tilespmem:$0xE0];
	[tilespmem:$0x390] =	vst v49;
	v1 =	vadd.s32 v48, v1  }
0x104: {  	v2 =	vld [tilespmem:$0x1C0];
	[tilespmem:$0x490] =	vst v1;
	v1 =	vshll.u32 v50, $0x3  }
0x105: {  	v3 =	vld [tilespmem:$0xD0];
	[tilespmem:$0x3A0] =	vst v52;
	v1 =	vadd.s32 v51, v1  }
0x106: {  	v61 =	vld [tilespmem:$0x1E0];
	[tilespmem:$0x4A0] =	vst v1;
	v1 =	vshll.u32 v53, $0x3  }
0x107: {  	v62 =	vld [tilespmem:$0x2E0];
	[tilespmem:$0x3B0] =	vst v55;
	v1 =	vadd.s32 v54, v1  }
0x108: {  	v63 =	vld [tilespmem:$0x2F0];
	[tilespmem:$0x4B0] =	vst v1;
	v1 =	vshll.u32 v56, $0x3  }
0x109: {  	[tilespmem:$0x3C0] =	vst v57;
	v1 =	vadd.s32 v2, v1;
	v2 =	vld [tilespmem:$0xF0]  }
0x10a: {  	[tilespmem:$0x4C0] =	vst v1;
	v1 =	vshll.u32 v3, $0x3;
	v3 =	vld [tilespmem:$0x1F0]  }
0x10b: {  	[tilespmem:$0x3D0] =	vst v59;
	v1 =	vadd.s32 v58, v1  }
0x10c: {  	[tilespmem:$0x4D0] =	vst v1;
	v1 =	vshll.u32 v60, $0x3  }
0x10d: {  	[tilespmem:$0x3E0] =	vst v62;
	v1 =	vadd.s32 v61, v1  }
0x10e: {  	[tilespmem:$0x4E0] =	vst v1;
	v1 =	vshll.u32 v2, $0x3  }
0x10f: {  	[tilespmem:$0x3F0] =	vst v63;
	v1 =	vadd.s32 v3, v1  }
0x110: {  	s22 =	sadd.s32 $0x80, s21;
	[tilespmem:$0x4F0] =	vst v1  }
0x111: {  	[tilespmem:s3], [sflag:$0x5] =	stream.linear.gather [hbm4b:s22+s3], $0x80, $0x38;
	[tilespmem:$0x1CD00] =	vst v63  }
0x112: {  	_ = 	snop  }
0x113: {  	[tilespmem:s28], [sflag:$0x5] =	stream.linear.gather [hbm4b:s23+s3], $0x80, $0x38;
	[tilespmem:$0x1CD00] =	vst v63  }
0x114: {  	s21 =	sadd.s32 $0x90, s21  }
0x115: {  	[tilespmem:s29], [sflag:$0x5] =	stream.linear.gather [hbm4b:s21+s3], $0x80, $0x38;
	[tilespmem:$0x1CD00] =	vst v63  }
0x116: {  	p1 =	sne.s32 s13, $0x900  }
0x117: {  	[tilespmem:s5], [sflag:$0x3] =	stream.indirect.gather [hbm4b:s19+s31], $0x80, s4, s31, $0xb8;
	[tilespmem:$0x1CD00] =	vst v63  }
.Ltmp4:
0x118: {  	_ = 	snop;
	(pc) =	sbr.rel @p1 .LBB2_6-.Ltmp4, $4  }
0x119: {  	_ =	swait.ge [sflag:s6], $0x4000  }
0x11a: {  	s13 =	sadd.s32 $0x40, s13;
	[sflag:s6] =	ssyncset.done $0x0  }
0x11b: {  	s24 =	sadd.s32 $0x20, s24;
	s23 =	sadd.s32 $0x20, s23;
	[sflag:s6] =	ssyncadd.s32 $0xFFFFC000  }
0x11c: {  	[spmem:s2] =	stream.indirect.scatter.add.f32 [tilespmem:s14], [sflag:$0x2], $0x80, s7, s31, $0xb8;
	[tilespmem:$0x1CD00] =	vst v63  }
0x11d: {  	_ =	swait.ge [sflag:s8], $0x4000  }
0x11e: {  	[sflag:s8] =	ssyncset.done $0x0  }
0x11f: {  	[sflag:s8] =	ssyncadd.s32 $0xFFFFC000  }
0x120: {  	_ =	swait.ge [sflag:s30], $0x80  }
0x121: {  	[sflag:s30] =	ssyncset.done $0x0  }
0x122: {  	[sflag:s30] =	ssyncadd.s32 $0xFFFFFF80  }
0x123: {  	_ =	swait.ge [sflag:s30], $0x80  }
0x124: {  	[sflag:s30] =	ssyncset.done $0x0  }
0x125: {  	[sflag:s30] =	ssyncadd.s32 $0xFFFFFF80  }
0x126: {  	_ =	swait.ge [sflag:s30], $0x80  }
0x127: {  	[sflag:s30] =	ssyncset.done $0x0  }
0x128: {  	[sflag:s30] =	ssyncadd.s32 $0xFFFFFF80  }
0x129: {  	v1 =	vld [tilespmem:$0x0]  }
0x12a: {  	v2 =	vld [tilespmem:$0x100]  }
0x12b: {  	v3 =	vld [tilespmem:$0x200]  }
0x12c: {  	v4 =	vld [tilespmem:$0x10]  }
0x12d: {  	v5 =	vld [tilespmem:$0x110]  }
0x12e: {  	v6 =	vld [tilespmem:$0x210]  }
0x12f: {  	v7 =	vld [tilespmem:$0x20]  }
0x130: {  	v8 =	vld [tilespmem:$0x120]  }
0x131: {  	v9 =	vld [tilespmem:$0x220]  }
0x132: {  	v10 =	vld [tilespmem:$0x30]  }
0x133: {  	v11 =	vld [tilespmem:$0x130]  }
0x134: {  	v12 =	vld [tilespmem:$0x230]  }
0x135: {  	v13 =	vld [tilespmem:$0x40]  }
0x136: {  	v40 =	vld [tilespmem:$0x240];
	v1 =	vshll.u32 v1, $0x3  }
0x137: {  	v41 =	vld [tilespmem:$0x150];
	[tilespmem:$0x300] =	vst v3;
	v1 =	vadd.s32 v2, v1  }
0x138: {  	v42 =	vld [tilespmem:$0x250];
	[tilespmem:$0x400] =	vst v1;
	v1 =	vshll.u32 v4, $0x3  }
0x139: {  	v43 =	vld [tilespmem:$0x60];
	[tilespmem:$0x310] =	vst v6;
	v1 =	vadd.s32 v5, v1  }
0x13a: {  	v2 =	vld [tilespmem:$0x140];
	[tilespmem:$0x410] =	vst v1;
	v1 =	vshll.u32 v7, $0x3  }
0x13b: {  	v3 =	vld [tilespmem:$0x50];
	[tilespmem:$0x320] =	vst v9;
	v1 =	vadd.s32 v8, v1  }
0x13c: {  	v44 =	vld [tilespmem:$0x160];
	[tilespmem:$0x420] =	vst v1;
	v1 =	vshll.u32 v10, $0x3  }
0x13d: {  	v45 =	vld [tilespmem:$0x260];
	[tilespmem:$0x330] =	vst v12;
	v1 =	vadd.s32 v11, v1  }
0x13e: {  	v46 =	vld [tilespmem:$0x270];
	[tilespmem:$0x430] =	vst v1;
	v1 =	vshll.u32 v13, $0x3  }
0x13f: {  	[tilespmem:$0x340] =	vst v40;
	v1 =	vadd.s32 v2, v1;
	v2 =	vld [tilespmem:$0x70]  }
0x140: {  	[tilespmem:$0x440] =	vst v1;
	v1 =	vshll.u32 v3, $0x3;
	v3 =	vld [tilespmem:$0x170]  }
0x141: {  	[tilespmem:$0x350] =	vst v42;
	v1 =	vadd.s32 v41, v1  }
0x142: {  	[tilespmem:$0x450] =	vst v1;
	v1 =	vshll.u32 v43, $0x3  }
0x143: {  	[tilespmem:$0x360] =	vst v45;
	v1 =	vadd.s32 v44, v1  }
0x144: {  	[tilespmem:$0x460] =	vst v1;
	v1 =	vshll.u32 v2, $0x3  }
0x145: {  	[tilespmem:$0x370] =	vst v46;
	v1 =	vadd.s32 v3, v1  }
0x146: {  	s13 =	rddreg [dreg:$0x11];
	[tilespmem:$0x470] =	vst v1  }
0x147: {  	[tilespmem:s31], [sflag:$0x6] =	stream.linear.gather [hbm4b:s13+s3], $0x80, $0x38;
	[tilespmem:$0x1CD00] =	vst v63  }
0x148: {  	s23 =	rddreg [dreg:$0xf]  }
0x149: {  	[tilespmem:s17], [sflag:$0x6] =	stream.linear.gather [hbm4b:s23+s3], $0x80, $0x38;
	[tilespmem:$0x1CD00] =	vst v63  }
0x14a: {  	s24 =	rddreg [dreg:$0x12]  }
0x14b: {  	[tilespmem:s18], [sflag:$0x6] =	stream.linear.gather [hbm4b:s24+s3], $0x80, $0x38;
	[tilespmem:$0x1CD00] =	vst v63  }
0x14c: {  	_ = 	snop  }
0x14d: {  	[tilespmem:s14], [sflag:$0x1] =	stream.indirect.gather [hbm4b:s19+s31], $0x80, s1, s31, $0xb8;
	[tilespmem:$0x1CD00] =	vst v63  }
0x14e: {  	_ =	swait.ge [sflag:s9], $0x4000  }
0x14f: {  	[sflag:s9] =	ssyncset.done $0x0  }
0x150: {  	[sflag:s9] =	ssyncadd.s32 $0xFFFFC000  }
0x151: {  	[spmem:s2] =	stream.indirect.scatter.add.f32 [tilespmem:s5], [sflag:$0x4], $0x80, s10, s31, $0xb8;
	[tilespmem:$0x1CD00] =	vst v63  }
0x152: {  	_ =	swait.ge [sflag:s11], $0x4000  }
0x153: {  	[sflag:s11] =	ssyncset.done $0x0  }
0x154: {  	[sflag:s11] =	ssyncadd.s32 $0xFFFFC000  }
0x155: {  	_ =	swait.ge [sflag:s0], $0x80  }
0x156: {  	[sflag:s0] =	ssyncset.done $0x0  }
0x157: {  	[sflag:s0] =	ssyncadd.s32 $0xFFFFFF80  }
0x158: {  	_ =	swait.ge [sflag:s0], $0x80  }
0x159: {  	[sflag:s0] =	ssyncset.done $0x0  }
0x15a: {  	[sflag:s0] =	ssyncadd.s32 $0xFFFFFF80  }
0x15b: {  	_ =	swait.ge [sflag:s0], $0x80  }
0x15c: {  	[sflag:s0] =	ssyncset.done $0x0  }
0x15d: {  	[sflag:s0] =	ssyncadd.s32 $0xFFFFFF80  }
0x15e: {  	v1 =	vld [tilespmem:$0x80]  }
0x15f: {  	v2 =	vld [tilespmem:$0x180]  }
0x160: {  	v3 =	vld [tilespmem:$0x280]  }
0x161: {  	v47 =	vld [tilespmem:$0x90]  }
0x162: {  	v48 =	vld [tilespmem:$0x190]  }
0x163: {  	v49 =	vld [tilespmem:$0x290]  }
0x164: {  	v50 =	vld [tilespmem:$0xA0]  }
0x165: {  	v51 =	vld [tilespmem:$0x1A0]  }
0x166: {  	v52 =	vld [tilespmem:$0x2A0]  }
0x167: {  	v53 =	vld [tilespmem:$0xB0]  }
0x168: {  	v54 =	vld [tilespmem:$0x1B0]  }
0x169: {  	v55 =	vld [tilespmem:$0x2B0]  }
0x16a: {  	v56 =	vld [tilespmem:$0xC0]  }
0x16b: {  	v57 =	vld [tilespmem:$0x2C0];
	v1 =	vshll.u32 v1, $0x3  }
0x16c: {  	v58 =	vld [tilespmem:$0x1D0];
	[tilespmem:$0x380] =	vst v3;
	v1 =	vadd.s32 v2, v1  }
0x16d: {  	v59 =	vld [tilespmem:$0x2D0];
	[tilespmem:$0x480] =	vst v1;
	v1 =	vshll.u32 v47, $0x3  }
0x16e: {  	v60 =	vld [tilespmem:$0xE0];
	[tilespmem:$0x390] =	vst v49;
	v1 =	vadd.s32 v48, v1  }
0x16f: {  	v2 =	vld [tilespmem:$0x1C0];
	[tilespmem:$0x490] =	vst v1;
	v1 =	vshll.u32 v50, $0x3  }
0x170: {  	v3 =	vld [tilespmem:$0xD0];
	[tilespmem:$0x3A0] =	vst v52;
	v1 =	vadd.s32 v51, v1  }
0x171: {  	v61 =	vld [tilespmem:$0x1E0];
	[tilespmem:$0x4A0] =	vst v1;
	v1 =	vshll.u32 v53, $0x3  }
0x172: {  	v62 =	vld [tilespmem:$0x2E0];
	[tilespmem:$0x3B0] =	vst v55;
	v1 =	vadd.s32 v54, v1  }
0x173: {  	v63 =	vld [tilespmem:$0x2F0];
	[tilespmem:$0x4B0] =	vst v1;
	v1 =	vshll.u32 v56, $0x3  }
0x174: {  	[tilespmem:$0x3C0] =	vst v57;
	v1 =	vadd.s32 v2, v1;
	v2 =	vld [tilespmem:$0xF0]  }
0x175: {  	[tilespmem:$0x4C0] =	vst v1;
	v1 =	vshll.u32 v3, $0x3;
	v3 =	vld [tilespmem:$0x1F0]  }
0x176: {  	[tilespmem:$0x3D0] =	vst v59;
	v1 =	vadd.s32 v58, v1  }
0x177: {  	[tilespmem:$0x4D0] =	vst v1;
	v1 =	vshll.u32 v60, $0x3  }
0x178: {  	[tilespmem:$0x3E0] =	vst v62;
	v1 =	vadd.s32 v61, v1  }
0x179: {  	[tilespmem:$0x4E0] =	vst v1;
	v1 =	vshll.u32 v2, $0x3  }
0x17a: {  	[tilespmem:$0x3F0] =	vst v63;
	v1 =	vadd.s32 v3, v1  }
0x17b: {  	[tilespmem:$0x4F0] =	vst v1  }
0x17c: {  	[tilespmem:s5], [sflag:$0x3] =	stream.indirect.gather [hbm4b:s19+s31], $0x80, s4, s31, $0xb8;
	[tilespmem:$0x1CD00] =	vst v63  }
0x17d: {  	_ =	swait.ge [sflag:s6], $0x4000  }
0x17e: {  	[sflag:s6] =	ssyncset.done $0x0  }
0x17f: {  	[sflag:s6] =	ssyncadd.s32 $0xFFFFC000  }
0x180: {  	[spmem:s2] =	stream.indirect.scatter.add.f32 [tilespmem:s14], [sflag:$0x2], $0x80, s7, s31, $0xb8;
	[tilespmem:$0x1CD00] =	vst v63  }
0x181: {  	_ =	swait.ge [sflag:s8], $0x4000  }
0x182: {  	[sflag:s8] =	ssyncset.done $0x0  }
0x183: {  	[sflag:s8] =	ssyncadd.s32 $0xFFFFC000  }
0x184: {  	_ =	swait.ge [sflag:s9], $0x4000  }
0x185: {  	[sflag:s9] =	ssyncset.done $0x0  }
.Ltmp5:
0x186: {  	[sflag:s9] =	ssyncadd.s32 $0xFFFFC000;
	(pc) =	sbr.rel @p0 .LBB2_9-.Ltmp5, $4  }
0x187: {  	[spmem:s2] =	stream.indirect.scatter.add.f32 [tilespmem:s5], [sflag:$0x4], $0x80, s10, s31, $0xb8;
	[tilespmem:$0x1CD00] =	vst v63  }
0x188: {  	_ =	swait.ge [sflag:s11], $0x4000  }
0x189: {  	[sflag:s11] =	ssyncset.done $0x0  }
0x18a: {  	[sflag:s11] =	ssyncadd.s32 $0xFFFFC000  }
0x18b: {  	s13 =	rddreg [dreg:$0x14]  }
0x18c: {  	[tilespmem:s3], [sflag:$0x7] =	stream.linear.gather [hbm4b:s13+s3], $0x80, $0x38;
	[tilespmem:$0x1CD00] =	vst v63  }
0x18d: {  	_ =	swait.ge [sflag:s26], $0x80  }
0x18e: {  	[sflag:s26] =	ssyncset.done $0x0  }
0x18f: {  	s23 =	rddreg [dreg:$0x10];
	[sflag:s26] =	ssyncadd.s32 $0xFFFFFF80  }
0x190: {  	[tilespmem:s28], [sflag:$0x7] =	stream.linear.gather [hbm4b:s23+s3], $0x80, $0x38;
	[tilespmem:$0x1CD00] =	vst v63  }
0x191: {  	_ =	swait.ge [sflag:s26], $0x80  }
0x192: {  	[sflag:s26] =	ssyncset.done $0x0  }
0x193: {  	s24 =	rddreg [dreg:$0x13];
	[sflag:s26] =	ssyncadd.s32 $0xFFFFFF80  }
0x194: {  	[tilespmem:s29], [sflag:$0x7] =	stream.linear.gather [hbm4b:s24+s3], $0x80, $0x38;
	[tilespmem:$0x1CD00] =	vst v63  }
0x195: {  	_ =	swait.ge [sflag:s26], $0x80  }
0x196: {  	[sflag:s26] =	ssyncset.done $0x0  }
0x197: {  	[sflag:s26] =	ssyncadd.s32 $0xFFFFFF80  }
0x198: {  	v1 =	vld [tilespmem:$0x0]  }
0x199: {  	v2 =	vld [tilespmem:$0x100]  }
0x19a: {  	v3 =	vld [tilespmem:$0x200]  }
0x19b: {  	v4 =	vld [tilespmem:$0x10]  }
0x19c: {  	v5 =	vld [tilespmem:$0x110]  }
0x19d: {  	v6 =	vld [tilespmem:$0x210]  }
0x19e: {  	v7 =	vld [tilespmem:$0x20]  }
0x19f: {  	v8 =	vld [tilespmem:$0x120]  }
0x1a0: {  	v9 =	vld [tilespmem:$0x220]  }
0x1a1: {  	v10 =	vld [tilespmem:$0x30]  }
0x1a2: {  	v11 =	vld [tilespmem:$0x130]  }
0x1a3: {  	v12 =	vld [tilespmem:$0x230]  }
0x1a4: {  	v13 =	vld [tilespmem:$0x40]  }
0x1a5: {  	v57 =	vld [tilespmem:$0x240];
	v1 =	vshll.u32 v1, $0x3  }
0x1a6: {  	v58 =	vld [tilespmem:$0x150];
	[tilespmem:$0x300] =	vst v3;
	v1 =	vadd.s32 v2, v1  }
0x1a7: {  	v59 =	vld [tilespmem:$0x250];
	[tilespmem:$0x400] =	vst v1;
	v1 =	vshll.u32 v4, $0x3  }
0x1a8: {  	v60 =	vld [tilespmem:$0x60];
	[tilespmem:$0x310] =	vst v6;
	v1 =	vadd.s32 v5, v1  }
0x1a9: {  	v2 =	vld [tilespmem:$0x140];
	[tilespmem:$0x410] =	vst v1;
	v1 =	vshll.u32 v7, $0x3  }
0x1aa: {  	v3 =	vld [tilespmem:$0x50];
	[tilespmem:$0x320] =	vst v9;
	v1 =	vadd.s32 v8, v1  }
0x1ab: {  	v61 =	vld [tilespmem:$0x160];
	[tilespmem:$0x420] =	vst v1;
	v1 =	vshll.u32 v10, $0x3  }
0x1ac: {  	v62 =	vld [tilespmem:$0x260];
	[tilespmem:$0x330] =	vst v12;
	v1 =	vadd.s32 v11, v1  }
0x1ad: {  	v63 =	vld [tilespmem:$0x270];
	[tilespmem:$0x430] =	vst v1;
	v1 =	vshll.u32 v13, $0x3  }
0x1ae: {  	[tilespmem:$0x340] =	vst v57;
	v1 =	vadd.s32 v2, v1;
	v2 =	vld [tilespmem:$0x70]  }
0x1af: {  	[tilespmem:$0x440] =	vst v1;
	v1 =	vshll.u32 v3, $0x3;
	v3 =	vld [tilespmem:$0x170]  }
0x1b0: {  	[tilespmem:$0x350] =	vst v59;
	v1 =	vadd.s32 v58, v1  }
0x1b1: {  	[tilespmem:$0x450] =	vst v1;
	v1 =	vshll.u32 v60, $0x3  }
0x1b2: {  	[tilespmem:$0x360] =	vst v62;
	v1 =	vadd.s32 v61, v1  }
0x1b3: {  	[tilespmem:$0x460] =	vst v1;
	v1 =	vshll.u32 v2, $0x3  }
0x1b4: {  	[tilespmem:$0x370] =	vst v63;
	v1 =	vadd.s32 v3, v1  }
0x1b5: {  	[tilespmem:$0x470] =	vst v1  }
0x1b6: {  	[tilespmem:s14], [sflag:$0x1] =	stream.indirect.gather [hbm4b:s19+s31], $0x80, s1, s31, $0xb8;
	[tilespmem:$0x1CD00] =	vst v63  }
0x1b7: {  	_ =	swait.ge [sflag:s6], $0x4000  }
0x1b8: {  	[sflag:s6] =	ssyncset.done $0x0  }
.Ltmp6:
0x1b9: {  	[sflag:s6] =	ssyncadd.s32 $0xFFFFC000;
	(pc) =	sbr.rel .LBB2_9-.Ltmp6, $4  }
0x1ba: {  	[spmem:s2] =	stream.indirect.scatter.add.f32 [tilespmem:s14], [sflag:$0x2], $0x80, s7, s31, $0xb8;
	[tilespmem:$0x1CD00] =	vst v63  }
0x1bb: {  	_ =	swait.ge [sflag:s8], $0x4000  }
0x1bc: {  	[sflag:s8] =	ssyncset.done $0x0  }
0x1bd: {  	[sflag:s8] =	ssyncadd.s32 $0xFFFFC000  }
.LBB2_10:
0x1be: {  	_ =	sfence.sel $0x180000  }
0x1bf: {  	[bflag:$0x0] =	sbarrier.arrive $0xFFFF  }
0x1c0: {  	_ =	strace $0x9000004A  }
0x1c1: {  	s0 =	stileid.u32;
	[bflag:$0x2] =	sbarrier.arrive $0xFFFF  }
0x1c2: {  	p0 =	sne.s32 s0, $0x0;
	s0 =	rddreg [dreg:$0x4]  }
0x1c3: {  	s0 =	sadd.s32 @!p0 $0x100000, s0  }
0x1c4: {  	[sflag:s0] =	ssyncadd.tile.s32 @!p0 $0x1;
	_ =	shalt  }
.Lfunc_end2:
_tile_overlayer_lowered:
.L_overlay_start_2:
0x1c5: {  	(tag) =	ssettag $0x2  }
0x1c6: {  	s0 =	rddreg [dreg:$0x0];
	s2 =	stileid.u32  }
0x1c7: {  	s1 =	rddreg [dreg:$0x1];
	p0 =	sne.s32 s2, $0x0  }
0x1c8: {  	s3 =	rddreg [dreg:$0x2];
	[bflag:$0x3] =	sbarrier.arrive $0xFFFF;
	s2 =	simm.s32 @!p0 $0x1C07  }
0x1c9: {  	[timem:s3], [sflag:s2] =	dma.local @!p0 [hbm:s0], s1  }
0x1ca: {  	s0 =	simm.s32 @!p0 $0x7  }
0x1cb: {  	_ =	swait.ge @!p0 [sflag:s0], s1  }
0x1cc: {  	s1 =	ssub.s32 @!p0 $0x0, s1;
	[sflag:s0] =	ssyncset.done @!p0 $0x0  }
0x1cd: {  	[sflag:s0] =	ssyncadd.s32 @!p0 s1  }
0x1ce: {  	[bflag:$0x3] =	sbarrier.arrive $0xFFFF  }
0x1cf: {  	_ =	shalt  }

// kernel: kernel.7.cloned.1.call-start
scs
__scs_entry_jumppad:
0x0: {  	(pc) =	sbr.rel $0x88, $3  }
0x1: {  	(tag) =	ssettag $0x0;
	lr =	simm.s32 $0x1  }
0x2: {  	[smem:$0x3F9C] =	sst lr;
	_ =	strace $0xD0000000  }
0x3: {  	_ = 	snop  }
0x4: {  	_ = 	snop  }
0x5: {  	_ = 	snop  }
0x6: {  	_ = 	snop  }
0x7: {  	_ = 	snop  }
__scs_overlays_trampoline_lowered:
0x8: {  	[smem:$0x3FAB] =	sst s0  }
0x9: {  	[smem:$0x3FAC] =	sst s1  }
0xa: {  	[smem:$0x3FAD] =	sst s2  }
0xb: {  	[smem:$0x3FAE] =	sst s3  }
0xc: {  	[smem:$0x3FAF] =	sst s4  }
0xd: {  	[smem:$0x3FB0] =	sst s5  }
0xe: {  	[smem:$0x3FB1] =	sst s6  }
0xf: {  	[smem:$0x3FB2] =	sst s7  }
0x10: {  	[smem:$0x3FB3] =	sst s8  }
0x11: {  	[smem:$0x3FB4] =	sst s9;
	s0 =	simm.s32 @!p0 $0x0  }
0x12: {  	s1 =	sld [smem:$0x3F9A];
	s0 =	simm.s32 @p0 $0x1  }
0x13: {  	[smem:$0x3FB5] =	sst s0;
	s0 =	simm.s32 @!p1 $0x0  }
0x14: {  	s2 =	sld [smem:$0x3F99];
	s0 =	simm.s32 @p1 $0x1  }
0x15: {  	[smem:$0x3FB6] =	sst s0;
	s0 =	simm.s32 @!p2 $0x0  }
0x16: {  	s3 =	sld [smem:$0x3FDB];
	s0 =	simm.s32 @p2 $0x1  }
0x17: {  	s4 =	simm.s32 $0x1BF5;
	[smem:$0x3FB8] =	sst s0  }
0x18: {  	s0 =	sld [smem:$0x3F9B];
	_ =	swait.ge [sflag:s4], $0x0  }
0x19: {  	s7 =	sld [smem:$0x3F9C]  }
0x1a: {  	s8 =	sadd.s32 $0xFFFFE003, lr  }
0x1b: {  	s9 =	sadd.s32 $0xFFFFFEF7, lr;
	s5 =	simm.s32 $0xFFFFFFFF;
	p2 =	slt.u32 s8, $0xFFFFF086  }
0x1c: {  	p1 =	slt.u32 s9, $0xF7A;
	s5 =	simm.s32 @!p2 $0x0  }
0x1d: {  	s5 =	simm.s32 @p1 $0x1;
	p0 =	seq.s32 s7, s2  }
0x1e: {  	s7 =	smul.u32 @!p0 $0xF7A, s2;
	p2 =	seq.s32 @!p0 s5, $0x0  }
0x1f: {  	s9 =	smul.u32 $0xF7A, s1;
	s8 =	simm.s32 @!p0 $0x1BF5;
	p2 =	por !p2, p0  }
0x20: {  	[sflag:s8] =	ssyncset.s32 @!p0 $0xFFFFF086;
	s6 =	sadd.s32 @!p0 s3, s7;
	s7 =	simm.s32 @!p0 $0x108  }
0x21: {  	s3 =	sadd.s32 s3, s9;
	s6 =	sadd.s32 @!p0 $0x88, s6;
	s7 =	simm.s32 @p2 $0x1082  }
0x22: {  	[simem:s7], [sflag:s8] =	dma.local @!p0 [hbm:s6], $0xF7A  }
0x23: {  	s9 =	sor.u32 $0xD0000000, s2;
	s6 =	simm.s32 $0x108;
	_ =	swait.ge @!p0 [sflag:s8], $0x0  }
0x24: {  	s3 =	sadd.s32 $0x88, s3;
	s6 =	simm.s32 @!p1 $0x1082;
	[sflag:s4] =	ssyncset.s32 $0xFFFFF086  }
0x25: {  	[simem:s6], [sflag:s4] =	dma.local [hbm:s3], $0xF7A  }
0x26: {  	[smem:$0x3F9C] =	sst s1;
	(tag) =	ssettag s2;
	_ =	strace s9  }
0x27: {  	s1 =	sld [smem:$0x3FAC]  }
0x28: {  	s2 =	sld [smem:$0x3FAD]  }
0x29: {  	s4 =	sld [smem:$0x3FAF]  }
0x2a: {  	p0 =	seq.s32 s5, $0x0;
	s5 =	sld [smem:$0x3FB0]  }
0x2b: {  	s6 =	sld [smem:$0x3FB1]  }
0x2c: {  	s7 =	sld [smem:$0x3FB2]  }
0x2d: {  	s3 =	simm.s32 $0x108;
	s8 =	sld [smem:$0x3FB3]  }
0x2e: {  	s3 =	simm.s32 @!p0 $0x1082;
	s9 =	sld [smem:$0x3FB4]  }
0x2f: {  	lr =	sadd.s32 s0, s3;
	s0 =	sld [smem:$0x3FAB]  }
0x30: {  	s3 =	sld [smem:$0x3FAE]  }
0x31: {  	[smem:$0x3FB7] =	sst s10  }
0x32: {  	s10 =	sld [smem:$0x3FB5];
	_ =	sdelay $0x3  }
0x33: {  	p0 =	seq.s32 s10, $0x1;
	s10 =	sld [smem:$0x3FB7];
	_ =	sdelay $0x3  }
0x34: {  	[smem:$0x3FB7] =	sst s10  }
0x35: {  	s10 =	sld [smem:$0x3FB6];
	_ =	sdelay $0x3  }
0x36: {  	p1 =	seq.s32 s10, $0x1;
	s10 =	sld [smem:$0x3FB7];
	_ =	sdelay $0x3  }
0x37: {  	[smem:$0x3FB7] =	sst s10  }
0x38: {  	s10 =	sld [smem:$0x3FB8]  }
0x39: {  	_ = 	snop;
	(pc) =	sbr.ind lr, $3  }
0x3a: {  	_ = 	snop  }
0x3b: {  	_ = 	snop  }
0x3c: {  	p2 =	seq.s32 s10, $0x1;
	s10 =	sld [smem:$0x3FB7]  }
0x3d: {  	_ =	shalt  }
0x3e: {  	_ =	shalt  }
0x3f: {  	_ =	shalt  }
0x40: {  	_ =	shalt  }
0x41: {  	_ =	shalt  }
0x42: {  	_ =	shalt  }
0x43: {  	_ =	shalt  }
0x44: {  	_ =	shalt  }
0x45: {  	_ =	shalt  }
0x46: {  	_ =	shalt  }
0x47: {  	_ =	shalt  }
0x48: {  	_ =	shalt  }
0x49: {  	_ =	shalt  }
0x4a: {  	_ =	shalt  }
0x4b: {  	_ =	shalt  }
0x4c: {  	_ =	shalt  }
0x4d: {  	_ =	shalt  }
0x4e: {  	_ =	shalt  }
0x4f: {  	_ =	shalt  }
0x50: {  	_ =	shalt  }
0x51: {  	_ =	shalt  }
0x52: {  	_ =	shalt  }
0x53: {  	_ =	shalt  }
0x54: {  	_ =	shalt  }
0x55: {  	_ =	shalt  }
0x56: {  	_ =	shalt  }
0x57: {  	_ =	shalt  }
0x58: {  	_ =	shalt  }
0x59: {  	_ =	shalt  }
0x5a: {  	_ =	shalt  }
0x5b: {  	_ =	shalt  }
0x5c: {  	_ =	shalt  }
0x5d: {  	_ =	shalt  }
0x5e: {  	_ =	shalt  }
0x5f: {  	_ =	shalt  }
0x60: {  	_ =	shalt  }
0x61: {  	_ =	shalt  }
0x62: {  	_ =	shalt  }
0x63: {  	_ =	shalt  }
0x64: {  	_ =	shalt  }
0x65: {  	_ =	shalt  }
0x66: {  	_ =	shalt  }
0x67: {  	_ =	shalt  }
0x68: {  	_ =	shalt  }
0x69: {  	_ =	shalt  }
0x6a: {  	_ =	shalt  }
0x6b: {  	_ =	shalt  }
0x6c: {  	_ =	shalt  }
0x6d: {  	_ =	shalt  }
0x6e: {  	_ =	shalt  }
0x6f: {  	_ =	shalt  }
0x70: {  	_ =	shalt  }
0x71: {  	_ =	shalt  }
0x72: {  	_ =	shalt  }
0x73: {  	_ =	shalt  }
0x74: {  	_ =	shalt  }
0x75: {  	_ =	shalt  }
0x76: {  	_ =	shalt  }
0x77: {  	_ =	shalt  }
0x78: {  	_ =	shalt  }
0x79: {  	_ =	shalt  }
0x7a: {  	_ =	shalt  }
0x7b: {  	_ =	shalt  }
0x7c: {  	_ =	shalt  }
0x7d: {  	_ =	shalt  }
0x7e: {  	_ =	shalt  }
0x7f: {  	_ =	shalt  }
0x80: {  	_ =	shalt  }
0x81: {  	_ =	shalt  }
0x82: {  	_ =	shalt  }
0x83: {  	_ =	shalt  }
0x84: {  	_ =	shalt  }
0x85: {  	_ =	shalt  }
0x86: {  	_ =	shalt  }
0x87: {  	_ =	shalt  }
.Lfunc_end0:
.L_simem_size_0:
called_computation_lowered:
.L_overlay_start_0:
0x88: {  	s2 =	sld [smem:$0x3FD9]  }
0x89: {  	s3 =	sld [smem:$0x3FFE];
	_ =	sdelay $0x1  }
0x8a: {  	s1 =	srdreg.scid  }
0x8b: {  	s0 =	sand.u32 $0x1, s1  }
0x8c: {  	s17 =	sshll.u32 s0, $0xA;
	s2 =	sadd.s32 s3, s2  }
0x8d: {  	s2 =	sadd.s32 s2, s17  }
0x8e: {  	[smem:$0x3FC3] =	sst s2  }
0x8f: {  	_ = 	snop  }
0x90: {  	s2 =	sld [smem:$0x3FD0];
	(tm) =	ssettm $0x1  }
0x91: {  	s18 =	sld [smem:$0x3FFB];
	_ =	sdelay $0x3  }
0x92: {  	_ =	strace s18  }
0x93: {  	s3 =	sld [smem:$0x3FFC];
	_ =	sdelay $0x3  }
0x94: {  	_ =	strace s3  }
0x95: {  	s3 =	sld [smem:$0x3FFD];
	_ =	sdelay $0x3  }
0x96: {  	_ =	strace s3  }
0x97: {  	_ =	strace $0x8FFFFFFF  }
0x98: {  	s19 =	sld [smem:$0x3FDB];
	_ =	sdelay $0x1  }
0x99: {  	s4 =	simm.s32 $_scs_section_size  }
0x9a: {  	s5 =	simm.s32 $_size__tile_overlayer_lowered;
	s6 =	simm.s32 $_tile_overlayer_lowered  }
0x9b: {  	s22 =	simm.s32 $0x1BFF;
	s21 =	sshll.u32 s6, $0x1;
	s3 =	sadd.s32 s4, s19  }
0x9c: {  	s7 =	simm.s32 $0x0;
	s20 =	sshll.u32 s5, $0x1;
	s5 =	sadd.s32 s21, s3  }
0x9d: {  	[timem:s7], [sflag:s22] =	dma.local [hbm:s5], s20  }
0x9e: {  	_ =	swait.ge [sflag:s22], s20  }
0x9f: {  	s4 =	ssub.s32 $0x0, s20;
	[sflag:s22] =	ssyncset.done $0x0  }
0xa0: {  	[sflag:s22] =	ssyncadd.s32 s4;
	_ =	sdelay $0x1  }
0xa1: {  	s23 =	simm.s32 $0x1B8B  }
0xa2: {  	_ =	swait.ge [sflag:s23], $0x1  }
0xa3: {  	[sflag:s23] =	ssyncset.done $0x0  }
0xa4: {  	s25 =	simm.s32 $0x1B8E;
	s24 =	sld [smem:$0x3FFE];
	[sflag:s23] =	ssyncadd.s32 $0xFFFFFFFF  }
0xa5: {  	s26 =	simm.s32 $execute0_lowered;
	[smem:$0x3FD2] =	sst s25  }
0xa6: {  	s5 =	sshll.u32 s26, $0x1;
	_ =	strace $0x80000046;
	[dreg:$0x1] =	wrdreg $0xFFFFFFFF  }
0xa7: {  	s28 =	simm.s32 $_size_execute0_lowered;
	s3 =	sadd.s32 s3, s5;
	[dreg:$0x0] =	wrdreg $0x0  }
0xa8: {  	s5 =	sshll.u32 s28, $0x1;
	[dreg:$0x2] =	wrdreg s3  }
0xa9: {  	[dreg:$0x3] =	wrdreg s5  }
0xaa: {  	[dreg:$0x4] =	wrdreg $0xC0  }
0xab: {  	_ =	task [dreg:s7], $0x5FFFF  }
0xac: {  	[dreg:$0x1] =	wrdreg $0xFFFFFFFF  }
0xad: {  	[dreg:$0x0] =	wrdreg $0x60  }
0xae: {  	[dreg:$0x2] =	wrdreg s24  }
0xaf: {  	[dreg:$0x3] =	wrdreg s2  }
0xb0: {  	[dreg:$0x4] =	wrdreg $0xC000  }
0xb1: {  	[dreg:$0x5] =	wrdreg $0x9  }
0xb2: {  	_ =	task.clear_ibuf [dreg:s7], $0x6FFFF;
	_ =	strace $0x90000046  }
0xb3: {  	s29 =	simm.s32 $0x9;
	_ =	strace $0x80000048  }
0xb4: {  	_ =	swait.ge [sflag:s29], $0x1  }
0xb5: {  	[sflag:s29] =	ssyncadd.s32 $0xFFFFFFFF  }
0xb6: {  	_ =	strace $0x90000048  }
0xb7: {  	_ =	sfence  }
0xb8: {  	s30 =	sld [smem:$0x0];
	_ =	sdelay $0x2  }
0xb9: {  	s31 =	sshll.u32 s1, $0xD;
	s1 =	sshrl.u32 s1, $0x2  }
0xba: {  	s3 =	sand.u32 $0x4000, s31;
	s1 =	sadd.s32 s1, s30  }
0xbb: {  	s0 =	sor.u32 s3, s0;
	s1 =	sshll.u32 s1, $0x11  }
0xbc: {  	s0 =	sor.u32 s1, s0  }
0xbd: {  	s0 =	sadd.s32 $0x8F2B, s0  }
0xbe: {  	[sflag:s0] =	ssyncadd.remote.s32 $0x1  }
0xbf: {  	_ =	sfence.sel $0xFFFF  }
0xc0: {  	[dreg:$0x0] =	wrdreg $0xFFFFFFFF;
	(pc) =	sbr.abs _section_cstart, $3  }
0xc1: {  	[dreg:$0x1] =	wrdreg $0xFFFFFFFF  }
0xc2: {  	_ =	task.clear_ibuf [dreg:s7], $0x2FFFF;
	_ =	strace $0x9FFFFFFF  }
0xc3: {  	(tm) =	ssettm $0x7FFFFFFF  }
tec
execute0_lowered:
.L_overlay_start_1:
0x0: {  	(tag) =	ssettag $0x1  }
0x1: {  	s4 =	rddreg [dreg:$0x0]  }
0x2: {  	s6 =	rddreg [dreg:$0x1]  }
0x3: {  	s1 =	rddreg [dreg:$0x2]  }
0x4: {  	s0 =	rddreg [dreg:$0x3];
	s3 =	simm.s32 $0x0  }
0x5: {  	s5 =	srdreg.scid;
	s2 =	stileid.u32;
	s13 =	simm.s32 $0x100  }
0x6: {  	s14 =	simm.s32 $0x180;
	s15 =	simm.s32 $0x200;
	s16 =	simm.s32 $0x280  }
0x7: {  	s17 =	simm.s32 $0x1;
	s20 =	simm.s32 $0x0;
	s7 =	smul.u32 $0xA000, s2  }
0x8: {  	[smem:$0x7FF] =	sst s3;
	s5 =	sand.u32 $0x1, s5;
	s12 =	smul.u32 $0x2800, s2  }
0x9: {  	s8 =	sadd.s32 $0x1C00, s4;
	s28 =	sshll.u32 s2, $0x4;
	s30 =	smul.u32 $0x4E0, s2  }
0xa: {  	s31 =	sshll.u32 s2, $0x6;
	_ =	strace $0x80000047;
	s9 =	smul.u32 $0x28000, s5  }
0xb: {  	s25 =	ssub.s32 $0x2, s5;
	s11 =	sshll.u32 s5, $0x4;
	s29 =	smul.u32 $0x4E00, s5  }
0xc: {  	s10 =	sshrl.u32 s25, $0x1;
	s18 =	sor.u32 s2, s11;
	s26 =	sshrl.u32 s7, $0x2  }
0xd: {  	s7 =	sadd.s32 s28, s8;
	s19 =	sadd.s32 s12, s1;
	s11 =	simm.s32 $0x80  }
0xe: {  	s10 =	ssub.s32 s25, s10;
	s4 =	sadd.s32 s26, s1;
	s9 =	sadd.s32 s12, s9  }
0xf: {  	s5 =	sadd.s32 $0x9C00, s7;
	s8 =	sadd.s32 s29, s8;
	s12 =	simm.s32 $0x300  }
0x10: {  	p0 =	sgt.u32 s18, $0x3;
	s18 =	sor.u32 $0x1C02, s31;
	s19 =	sshrl.u32 s19, $0x3  }
0x11: {  	s9 =	sshrl.u32 s9, $0x3;
	s7 =	smax.u32 s10, $0x1;
	s8 =	sadd.s32 s30, s8  }
0x12: {  	v0 =	vimm.f32 $0.0e+00;
	v1 =	vimm.f32 $1.000000000e+00;
	s10 =	simm.s32 $0x2;
	s6 =	sadd.s32 s6, s9;
	s9 =	simm.s32 $0xB00  }
.LBB2_1:
0x13: {  	[tilespmem:$0xB00] =	vst v0  }
0x14: {  	[tilespmem:$0x300] =	vst v1  }
0x15: {  	[tilespmem:$0xB10] =	vst v0  }
0x16: {  	[tilespmem:$0x310] =	vst v1  }
0x17: {  	[tilespmem:$0xB20] =	vst v0  }
0x18: {  	[tilespmem:$0x320] =	vst v1  }
0x19: {  	[tilespmem:$0xB30] =	vst v0  }
0x1a: {  	[tilespmem:$0x330] =	vst v1  }
0x1b: {  	[tilespmem:$0xB40] =	vst v0  }
0x1c: {  	[tilespmem:$0x340] =	vst v1  }
0x1d: {  	[tilespmem:$0xB50] =	vst v0  }
0x1e: {  	[tilespmem:$0x350] =	vst v1  }
0x1f: {  	[tilespmem:$0xB60] =	vst v0  }
0x20: {  	[tilespmem:$0x360] =	vst v1  }
0x21: {  	[tilespmem:$0xB70] =	vst v0  }
0x22: {  	[tilespmem:$0x370] =	vst v1  }
0x23: {  	[tilespmem:$0xB80] =	vst v0  }
0x24: {  	[tilespmem:$0x380] =	vst v1  }
0x25: {  	[tilespmem:$0xB90] =	vst v0  }
0x26: {  	[tilespmem:$0x390] =	vst v1  }
0x27: {  	[tilespmem:$0xBA0] =	vst v0  }
0x28: {  	[tilespmem:$0x3A0] =	vst v1  }
0x29: {  	[tilespmem:$0xBB0] =	vst v0  }
0x2a: {  	[tilespmem:$0x3B0] =	vst v1  }
0x2b: {  	[tilespmem:$0xBC0] =	vst v0  }
0x2c: {  	[tilespmem:$0x3C0] =	vst v1  }
0x2d: {  	[tilespmem:$0xBD0] =	vst v0  }
0x2e: {  	[tilespmem:$0x3D0] =	vst v1  }
0x2f: {  	[tilespmem:$0xBE0] =	vst v0  }
0x30: {  	[tilespmem:$0x3E0] =	vst v1  }
0x31: {  	[tilespmem:$0xBF0] =	vst v0  }
0x32: {  	[tilespmem:$0x3F0] =	vst v1;
	s21 =	simm.s32 $0x400  }
.LBB2_2:
0x33: {  	p1 =	sne.s32 s21, $0x1FC0  }
.Ltmp0:
0x34: {  	_ = 	snop;
	(pc) =	sbr.rel @p1 .LBB2_2-.Ltmp0, $3  }
0x35: {  	_ =	sdelay $0x1  }
0x36: {  	s22 =	sshra.s32 s21, $0x2  }
0x37: {  	s21 =	sadd.s32 $0x40, s21;
	[tilespmem:s22+$0x300] =	vst v1  }
0x38: {  	s21 =	sadd.s32 $0x0, s4  }
0x39: {  	[spmem:s21] =	stream.linear.scatter [tilespmem:s9], [sflag:$0x2], $0x100, $0x38;
	[tilespmem:$0x3400] =	vst v63  }
0x3a: {  	s21 =	simm.s32 $0x400;
	_ =	swait.ge [sflag:s10], $0x100  }
.LBB2_4:
0x3b: {  	s22 =	sshra.s32 s21, $0x2;
	[sflag:s10] =	ssyncset.done $0x0;
	p1 =	sne.s32 s21, $0x9C00  }
.Ltmp1:
0x3c: {  	s22 =	sadd.s32 s22, s4;
	[sflag:s10] =	ssyncadd.s32 $0xFFFFFF00;
	(pc) =	sbr.rel @p1 .LBB2_4-.Ltmp1, $3  }
0x3d: {  	[spmem:s22] =	stream.linear.scatter [tilespmem:s9], [sflag:$0x2], $0x100, $0x38;
	[tilespmem:$0x3400] =	vst v63  }
0x3e: {  	s21 =	sadd.s32 $0x400, s21;
	_ =	sdelay $0x1  }
0x3f: {  	_ =	swait.ge [sflag:s10], $0x100  }
0x40: {  	[sflag:s10] =	ssyncset.done $0x0  }
0x41: {  	[sflag:s10] =	ssyncadd.s32 $0xFFFFFF00  }
0x42: {  	s21 =	sadd.s32 $0x0, s8;
	[bflag:$0x0] =	sbarrier.arrive $0xFFFF  }
0x43: {  	[tilespmem:s3], [sflag:$0x2] =	stream.linear.gather [hbm4b:s21+s3], $0x300, $0x38;
	[tilespmem:$0x3400] =	vst v63  }
0x44: {  	_ =	swait.ge [sflag:s10], $0x300  }
0x45: {  	[sflag:s10] =	ssyncset.done $0x0  }
0x46: {  	[sflag:s10] =	ssyncadd.s32 $0xFFFFFD00  }
0x47: {  	[spmem:s1] =	stream.indirect.scatter.add.f32 [tilespmem:s12], [sflag:$0x1], $0x10, s3, s11, $0xb8;
	[tilespmem:$0x3400] =	vst v63  }
0x48: {  	_ = 	snop  }
0x49: {  	[spmem:s1] =	stream.indirect.scatter.add.f32 [tilespmem:s12], [sflag:$0x1], $0x10, s11, s11, $0xb8;
	[tilespmem:$0x3400] =	vst v63  }
0x4a: {  	_ = 	snop  }
0x4b: {  	[spmem:s1] =	stream.indirect.scatter.add.f32 [tilespmem:s12], [sflag:$0x1], $0x10, s13, s11, $0xb8;
	[tilespmem:$0x3400] =	vst v63  }
0x4c: {  	_ = 	snop  }
0x4d: {  	[spmem:s1] =	stream.indirect.scatter.add.f32 [tilespmem:s12], [sflag:$0x1], $0x10, s14, s11, $0xb8;
	[tilespmem:$0x3400] =	vst v63  }
0x4e: {  	_ = 	snop  }
0x4f: {  	[spmem:s1] =	stream.indirect.scatter.add.f32 [tilespmem:s12], [sflag:$0x1], $0x10, s15, s11, $0xb8;
	[tilespmem:$0x3400] =	vst v63  }
0x50: {  	_ = 	snop  }
0x51: {  	[spmem:s1] =	stream.indirect.scatter.add.f32 [tilespmem:s12], [sflag:$0x1], $0x10, s16, s11, $0xb8;
	[tilespmem:$0x3400] =	vst v63  }
0x52: {  	_ =	swait.ge [sflag:s17], $0x800  }
0x53: {  	[sflag:s17] =	ssyncset.done $0x0  }
0x54: {  	[sflag:s17] =	ssyncadd.s32 $0xFFFFF800  }
0x55: {  	_ =	swait.ge [sflag:s17], $0x800  }
0x56: {  	[sflag:s17] =	ssyncset.done $0x0  }
0x57: {  	[sflag:s17] =	ssyncadd.s32 $0xFFFFF800  }
0x58: {  	_ =	swait.ge [sflag:s17], $0x800  }
0x59: {  	[sflag:s17] =	ssyncset.done $0x0  }
0x5a: {  	[sflag:s17] =	ssyncadd.s32 $0xFFFFF800  }
0x5b: {  	_ =	swait.ge [sflag:s17], $0x800  }
0x5c: {  	[sflag:s17] =	ssyncset.done $0x0  }
0x5d: {  	[sflag:s17] =	ssyncadd.s32 $0xFFFFF800  }
0x5e: {  	_ =	swait.ge [sflag:s17], $0x800  }
0x5f: {  	[sflag:s17] =	ssyncset.done $0x0  }
0x60: {  	[sflag:s17] =	ssyncadd.s32 $0xFFFFF800  }
0x61: {  	_ =	swait.ge [sflag:s17], $0x800  }
0x62: {  	s22 =	simm.s32 $0xC0;
	s21 =	simm.s32 $0x60;
	[sflag:s17] =	ssyncset.done $0x0  }
.LBB2_6:
0x63: {  	s23 =	sadd.s32 s21, s8  }
0x64: {  	[sflag:s17] =	ssyncadd.s32 $0xFFFFF800;
	s21 =	smov.u32 s22;
	s24 =	sadd.s32 $0x60, s22  }
0x65: {  	[tilespmem:s3], [sflag:$0x2] =	stream.linear.gather [hbm4b:s23+s3], $0x300, $0x38;
	[tilespmem:$0x3400] =	vst v63  }
0x66: {  	p1 =	sne.s32 s22, $0x480;
	_ =	swait.ge [sflag:s10], $0x300  }
0x67: {  	[sflag:s10] =	ssyncset.done $0x0  }
0x68: {  	[sflag:s10] =	ssyncadd.s32 $0xFFFFFD00  }
0x69: {  	[spmem:s1] =	stream.indirect.scatter.add.f32 [tilespmem:s12], [sflag:$0x1], $0x10, s3, s11, $0xb8;
	[tilespmem:$0x3400] =	vst v63  }
0x6a: {  	_ = 	snop  }
0x6b: {  	[spmem:s1] =	stream.indirect.scatter.add.f32 [tilespmem:s12], [sflag:$0x1], $0x10, s11, s11, $0xb8;
	[tilespmem:$0x3400] =	vst v63  }
0x6c: {  	_ = 	snop  }
0x6d: {  	[spmem:s1] =	stream.indirect.scatter.add.f32 [tilespmem:s12], [sflag:$0x1], $0x10, s13, s11, $0xb8;
	[tilespmem:$0x3400] =	vst v63  }
0x6e: {  	_ = 	snop  }
0x6f: {  	[spmem:s1] =	stream.indirect.scatter.add.f32 [tilespmem:s12], [sflag:$0x1], $0x10, s14, s11, $0xb8;
	[tilespmem:$0x3400] =	vst v63  }
0x70: {  	_ = 	snop  }
0x71: {  	[spmem:s1] =	stream.indirect.scatter.add.f32 [tilespmem:s12], [sflag:$0x1], $0x10, s15, s11, $0xb8;
	[tilespmem:$0x3400] =	vst v63  }
0x72: {  	_ = 	snop  }
0x73: {  	[spmem:s1] =	stream.indirect.scatter.add.f32 [tilespmem:s12], [sflag:$0x1], $0x10, s16, s11, $0xb8;
	[tilespmem:$0x3400] =	vst v63  }
0x74: {  	_ =	swait.ge [sflag:s17], $0x800  }
0x75: {  	[sflag:s17] =	ssyncset.done $0x0  }
0x76: {  	[sflag:s17] =	ssyncadd.s32 $0xFFFFF800  }
0x77: {  	_ =	swait.ge [sflag:s17], $0x800  }
0x78: {  	[sflag:s17] =	ssyncset.done $0x0  }
0x79: {  	[sflag:s17] =	ssyncadd.s32 $0xFFFFF800  }
0x7a: {  	_ =	swait.ge [sflag:s17], $0x800  }
0x7b: {  	[sflag:s17] =	ssyncset.done $0x0  }
0x7c: {  	[sflag:s17] =	ssyncadd.s32 $0xFFFFF800  }
0x7d: {  	_ =	swait.ge [sflag:s17], $0x800  }
0x7e: {  	[sflag:s17] =	ssyncset.done $0x0  }
0x7f: {  	[sflag:s17] =	ssyncadd.s32 $0xFFFFF800  }
.Ltmp2:
0x80: {  	_ =	swait.ge [sflag:s17], $0x800;
	(pc) =	sbr.rel @p1 .LBB2_6-.Ltmp2, $4  }
0x81: {  	[sflag:s17] =	ssyncset.done $0x0  }
0x82: {  	[sflag:s17] =	ssyncadd.s32 $0xFFFFF800  }
0x83: {  	_ =	swait.ge [sflag:s17], $0x800  }
0x84: {  	s22 =	smov.u32 s24;
	[sflag:s17] =	ssyncset.done $0x0  }
0x85: {  	s21 =	sadd.s32 s21, s8;
	[sflag:s17] =	ssyncadd.s32 $0xFFFFF800  }
0x86: {  	[tilespmem:s3], [sflag:$0x2] =	stream.linear.gather [hbm4b:s21+s3], $0x300, $0x38;
	[tilespmem:$0x3400] =	vst v63  }
0x87: {  	_ =	swait.ge [sflag:s10], $0x300  }
0x88: {  	[sflag:s10] =	ssyncset.done $0x0  }
0x89: {  	[sflag:s10] =	ssyncadd.s32 $0xFFFFFD00  }
0x8a: {  	[spmem:s1] =	stream.indirect.scatter.add.f32 [tilespmem:s12], [sflag:$0x1], $0x10, s3, s11, $0xb8;
	[tilespmem:$0x3400] =	vst v63  }
0x8b: {  	_ = 	snop  }
0x8c: {  	[spmem:s1] =	stream.indirect.scatter.add.f32 [tilespmem:s12], [sflag:$0x1], $0x10, s11, s11, $0xb8;
	[tilespmem:$0x3400] =	vst v63  }
0x8d: {  	_ = 	snop  }
0x8e: {  	[spmem:s1] =	stream.indirect.scatter.add.f32 [tilespmem:s12], [sflag:$0x1], $0x10, s13, s11, $0xb8;
	[tilespmem:$0x3400] =	vst v63  }
0x8f: {  	_ = 	snop  }
0x90: {  	[spmem:s1] =	stream.indirect.scatter.add.f32 [tilespmem:s12], [sflag:$0x1], $0x10, s14, s11, $0xb8;
	[tilespmem:$0x3400] =	vst v63  }
0x91: {  	_ = 	snop  }
0x92: {  	[spmem:s1] =	stream.indirect.scatter.add.f32 [tilespmem:s12], [sflag:$0x1], $0x10, s15, s11, $0xb8;
	[tilespmem:$0x3400] =	vst v63  }
0x93: {  	_ = 	snop  }
0x94: {  	[spmem:s1] =	stream.indirect.scatter.add.f32 [tilespmem:s12], [sflag:$0x1], $0x10, s16, s11, $0xb8;
	[tilespmem:$0x3400] =	vst v63  }
0x95: {  	_ =	swait.ge [sflag:s17], $0x800  }
0x96: {  	[sflag:s17] =	ssyncset.done $0x0  }
0x97: {  	[sflag:s17] =	ssyncadd.s32 $0xFFFFF800  }
0x98: {  	_ =	swait.ge [sflag:s17], $0x800  }
0x99: {  	[sflag:s17] =	ssyncset.done $0x0  }
0x9a: {  	[sflag:s17] =	ssyncadd.s32 $0xFFFFF800  }
0x9b: {  	_ =	swait.ge [sflag:s17], $0x800  }
0x9c: {  	[sflag:s17] =	ssyncset.done $0x0  }
0x9d: {  	[sflag:s17] =	ssyncadd.s32 $0xFFFFF800  }
0x9e: {  	_ =	swait.ge [sflag:s17], $0x800  }
0x9f: {  	[sflag:s17] =	ssyncset.done $0x0  }
0xa0: {  	[sflag:s17] =	ssyncadd.s32 $0xFFFFF800  }
0xa1: {  	_ =	swait.ge [sflag:s17], $0x800  }
0xa2: {  	[sflag:s17] =	ssyncset.done $0x0  }
0xa3: {  	[sflag:s17] =	ssyncadd.s32 $0xFFFFF800  }
0xa4: {  	_ =	swait.ge [sflag:s17], $0x800  }
0xa5: {  	[sflag:s17] =	ssyncset.done $0x0  }
0xa6: {  	s22 =	simm.s32 @!p0 $0x2;
	s21 =	simm.s32 @!p0 $0x0;
	[sflag:s17] =	ssyncadd.s32 $0xFFFFF800  }
0xa7: {  	[tilespmem:s21], [sflag:$0x2] =	stream.linear.gather @!p0 [hbm4b:s5+s21], $0x80, $0x38;
	[tilespmem:$0x3400] =	vst v63  }
0xa8: {  	_ =	swait.ge @!p0 [sflag:s22], $0x80  }
0xa9: {  	[sflag:s22] =	ssyncset.done @!p0 $0x0  }
0xaa: {  	s23 =	simm.s32 @!p0 $0x80;
	s24 =	simm.s32 @!p0 $0x300;
	[sflag:s22] =	ssyncadd.s32 @!p0 $0xFFFFFF80  }
0xab: {  	[spmem:s1] =	stream.indirect.scatter.add.f32 @!p0 [tilespmem:s24], [sflag:$0x2], $0x10, s21, s23, $0xb8;
	[tilespmem:$0x3400] =	vst v63  }
0xac: {  	_ =	swait.ge @!p0 [sflag:s22], $0x800  }
0xad: {  	s20 =	sadd.s32 $0x1, s20;
	[sflag:s22] =	ssyncset.done @!p0 $0x0  }
0xae: {  	p1 =	sne.s32 s20, s7;
	[sflag:s22] =	ssyncadd.s32 @!p0 $0xFFFFF800  }
.Ltmp3:
0xaf: {  	[bflag:$0x0] =	sbarrier.arrive $0xFFFF;
	(pc) =	sbr.rel @p1 .LBB2_1-.Ltmp3, $4  }
0xb0: {  	[hbm:s6], [sflag:s18] =	dma.local [spmem:s19], $0x500  }
0xb1: {  	_ =	swait.ge [sflag:s10], $0x500  }
0xb2: {  	[sflag:s10] =	ssyncset.done $0x0  }
0xb3: {  	[sflag:s10] =	ssyncadd.s32 $0xFFFFFB00  }
0xb4: {  	_ =	sfence.sel $0x180000  }
0xb5: {  	[bflag:$0x0] =	sbarrier.arrive $0xFFFF  }
0xb6: {  	p0 =	sne.s32 s2, $0x0;
	_ =	strace $0x90000047  }
0xb7: {  	s0 =	sadd.s32 @!p0 $0x100000, s0;
	[bflag:$0x2] =	sbarrier.arrive $0xFFFF  }
0xb8: {  	[sflag:s0] =	ssyncadd.tile.s32 @!p0 $0x1;
	_ =	shalt  }
.Lfunc_end2:
_tile_overlayer_lowered:
.L_overlay_start_2:
0xb9: {  	(tag) =	ssettag $0x2  }
0xba: {  	s0 =	rddreg [dreg:$0x0];
	s2 =	stileid.u32  }
0xbb: {  	s1 =	rddreg [dreg:$0x1];
	p0 =	sne.s32 s2, $0x0  }
0xbc: {  	s3 =	rddreg [dreg:$0x2];
	[bflag:$0x3] =	sbarrier.arrive $0xFFFF;
	s2 =	simm.s32 @!p0 $0x1C02  }
0xbd: {  	[timem:s3], [sflag:s2] =	dma.local @!p0 [hbm:s0], s1  }
0xbe: {  	s0 =	simm.s32 @!p0 $0x2  }
0xbf: {  	_ =	swait.ge @!p0 [sflag:s0], s1  }
0xc0: {  	s1 =	ssub.s32 @!p0 $0x0, s1;
	[sflag:s0] =	ssyncset.done @!p0 $0x0  }
0xc1: {  	[sflag:s0] =	ssyncadd.s32 @!p0 s1  }
0xc2: {  	[bflag:$0x3] =	sbarrier.arrive $0xFFFF  }
0xc3: {  	_ =	shalt  }

</sc_bundles>
